<compile_context>
chip_gen: v7x
topology: tpu7x:2x2x1
jax: 0.10.2.dev20260603
libtpu: 0.0.44.dev20260713+nightly
codegen_flags: <defaults>
</compile_context>

<pallas_src>
import functools

import jax
import jax.numpy as jnp
from jax import lax
from jax.experimental import pallas as pl
from jax.experimental.pallas import tpu as pltpu
from jax.experimental.pallas import tpu_sc as plsc

B, S, D = 8, 2048, 256
N = 2048
PD = 20
PDP = 32
DOUT = D + D + PD + D + PD + PD
BINS = (0, 1, 2, 3, 4, 5, 7, 8, 9, 10, 15, 16, 31, 32, 63, 64)

NC, NS, L = 2, 16, 16
NW = NC * NS
NBLK = NW // B
SPW = N // NBLK
C = 32
NCHUNK = SPW // C

R = 256


def _cs_body(x_ref, o_ref, carry_ref):
    k = pl.program_id(1)

    @pl.when(k == 0)
    def _():
        carry_ref[...] = jnp.zeros_like(carry_ref)

    xb = x_ref[0]
    ri = lax.broadcasted_iota(jnp.int32, (R, R), 0)
    ci = lax.broadcasted_iota(jnp.int32, (R, R), 1)
    tril = (ri > ci).astype(jnp.float32)
    cs = lax.dot(tril, xb, precision=lax.Precision.HIGHEST)
    cs = cs + carry_ref[...]
    o_ref[0] = cs
    carry_ref[...] = cs[R - 1:R, :] + xb[R - 1:R, :]


_cumsum = pl.pallas_call(
    _cs_body,
    grid=(B, S // R),
    in_specs=[pl.BlockSpec((1, R, D), lambda b, k: (b, k, 0))],
    out_specs=pl.BlockSpec((1, R, D), lambda b, k: (b, k, 0)),
    out_shape=jax.ShapeDtypeStruct((B, S, D), jnp.float32),
    scratch_shapes=[pltpu.VMEM((1, D), jnp.float32)],
)


def _sc_body(cs_hbm, x_hbm, s0_hbm, s1_hbm, pt_hbm, pos_hbm, wid_hbm,
             out_hbm,
             s0a, s1a, pt_v, g0_v, g1_v, p0i, p1i, emi, invw_v,
             cs0_b, cs1_b, x0_b, x1_b, pos_v, wid_v, out_b,
             gsem0, gsem1, osem0, osem1):
    gsems = (gsem0, gsem1)
    osems = (osem0, osem1)
    cid = lax.axis_index("c")
    sid = lax.axis_index("s")
    wid = sid * NC + cid
    b = wid // NBLK
    n0 = (wid % NBLK) * SPW
    row0 = b * N + n0

    pltpu.sync_copy(pt_hbm, pt_v)
    pltpu.sync_copy(s0_hbm.at[pl.ds(n0, SPW)], s0a)
    pltpu.sync_copy(s1_hbm.at[pl.ds(n0, SPW)], s1a)
    pltpu.sync_copy(pos_hbm, pos_v)
    pltpu.sync_copy(wid_hbm, wid_v)

    def prep(i, sl):
        for g in range(C // L):
            off = i * C + g * L
            s0 = s0a[pl.ds(off, L)]
            s1 = s1a[pl.ds(off, L)]
            w = s1 - s0 + 1
            invw_v[sl, pl.ds(g * L, L)] = 1.0 / w.astype(jnp.float32)
            g0_v[sl, pl.ds(g * L, L)] = s0 + b * S
            g1_v[sl, pl.ds(g * L, L)] = s1 + b * S
            p0i[sl, pl.ds(g * L, L)] = plsc.load_gather(pt_v, [s0])
            p1i[sl, pl.ds(g * L, L)] = plsc.load_gather(pt_v, [s1])
            acc = jnp.zeros((L,), jnp.int32)
            for bv in BINS[1:]:
                acc += (w >= bv).astype(jnp.int32)
            emi[sl, pl.ds(g * L, L)] = acc

    def gather_copies(sl):
        sem = gsems[sl]
        return (
            pltpu.make_async_copy(cs_hbm.at[g1_v.at[sl]], cs1_b.at[sl], sem),
            pltpu.make_async_copy(cs_hbm.at[g0_v.at[sl]], cs0_b.at[sl], sem),
            pltpu.make_async_copy(x_hbm.at[g0_v.at[sl]], x0_b.at[sl], sem),
            pltpu.make_async_copy(x_hbm.at[g1_v.at[sl]], x1_b.at[sl], sem),

        )

    def issue_gathers(sl):
        for c in gather_copies(sl):
            c.start()

    def drain_gathers(sl):
        for c in gather_copies(sl):
            c.wait()

    def out_copy(i, sl):
        return pltpu.make_async_copy(
            out_b.at[sl], out_hbm.at[pl.ds(row0 + i * C, C)], osems[sl])

    def compute(sl):
        i16 = lax.iota(jnp.int32, L)

        def emb(r, idx_ref, table_v, col):
            rr = jnp.zeros((L,), jnp.int32) + r
            t = plsc.load_gather(idx_ref, [rr])
            ea = plsc.load_gather(table_v, [t, i16])
            eb = plsc.load_gather(table_v, [t, i16 + (PD - L)])
            out_b[sl, r, pl.ds(col, L)] = ea
            out_b[sl, r, pl.ds(col + PD - L, L)] = eb

        def row(r, _):
            iw = plsc.load_gather(invw_v.at[sl],
                                  [jnp.zeros((L,), jnp.int32) + r])
            for k in range(D // L):
                sl16 = pl.ds(k * L, L)
                x1v = x1_b[sl, r, sl16]
                seg = cs1_b[sl, r, sl16] - cs0_b[sl, r, sl16] + x1v
                out_b[sl, r, pl.ds(k * L, L)] = seg * iw
                out_b[sl, r, pl.ds(D + k * L, L)] = x0_b[sl, r, sl16]
                out_b[sl, r, pl.ds(2 * D + PD + k * L, L)] = x1v
            emb(r, p0i.at[sl], pos_v, 2 * D)
            emb(r, p1i.at[sl], pos_v, 3 * D + PD)
            emb(r, emi.at[sl], wid_v, 3 * D + 2 * PD)
            return 0

        lax.fori_loop(0, C, row, 0)

    prep(0, 0)
    issue_gathers(0)

    def pair(kk, _):
        for sl in (0, 1):
            i = 2 * kk + sl

            @pl.when(i + 1 < NCHUNK)
            def _():
                prep(i + 1, 1 - sl)
                issue_gathers(1 - sl)

            drain_gathers(sl)

            @pl.when(i >= 2)
            def _():
                out_copy(i - 2, sl).wait()

            compute(sl)
            out_copy(i, sl).start()
        return 0

    lax.fori_loop(0, NCHUNK // 2, pair, 0)
    out_copy(NCHUNK - 2, 0).wait()
    out_copy(NCHUNK - 1, 1).wait()


_SC_SCRATCH = [
    pltpu.VMEM((SPW,), jnp.int32),
    pltpu.VMEM((SPW,), jnp.int32),
    pltpu.VMEM((S,), jnp.int32),
    pltpu.VMEM((2, C), jnp.int32),
    pltpu.VMEM((2, C), jnp.int32),
    pltpu.VMEM((2, C), jnp.int32),
    pltpu.VMEM((2, C), jnp.int32),
    pltpu.VMEM((2, C), jnp.int32),
    pltpu.VMEM((2, C), jnp.float32),
    pltpu.VMEM((2, C, D), jnp.float32),
    pltpu.VMEM((2, C, D), jnp.float32),
    pltpu.VMEM((2, C, D), jnp.float32),
    pltpu.VMEM((2, C, D), jnp.float32),
    pltpu.VMEM((31, PD), jnp.float32),
    pltpu.VMEM((16, PD), jnp.float32),
    pltpu.VMEM((2, C, DOUT), jnp.float32),
    pltpu.SemaphoreType.DMA,
    pltpu.SemaphoreType.DMA,
    pltpu.SemaphoreType.DMA,
    pltpu.SemaphoreType.DMA,
]

_sc_kernel = functools.partial(
    pl.kernel,
    out_type=jax.ShapeDtypeStruct((B * N, DOUT), jnp.float32),
    mesh=plsc.VectorSubcoreMesh(core_axis_name="c", subcore_axis_name="s",
                                num_cores=NC, num_subcores=NS),
    compiler_params=pltpu.CompilerParams(use_tc_tiling_on_sc=False,
                                         needs_layout_passes=False),
    scratch_types=_SC_SCRATCH,
)(_sc_body)


@jax.jit
def kernel(x, spans_indices, span_pt_labels, width_table, pos_table):
    cs = _cumsum(x)
    xf = x.reshape(B * S, D)
    csf = cs.reshape(B * S, D)
    s0 = spans_indices[0, :, 0].astype(jnp.int32)
    s1 = spans_indices[0, :, 1].astype(jnp.int32)
    pt = span_pt_labels[0].astype(jnp.int32)
    out = _sc_kernel(csf, xf, s0, s1, pt, pos_table, width_table)
    return out.reshape(B, N, DOUT)

# --- scband reference (transcript-rebuilt; emitter-appended) ---
"""Pipeline reference for scband-span-representation-32487132627590 (READ-ONLY COPY).

The authoritative reference and input builder live on the scoring server;
editing this copy changes nothing except your own understanding.
"""

import jax, jax.numpy as jnp
import numpy as np

B, S, D = 8, 2048, 256
N_SPANS = 2048
WIDTH_DIM = 20
POS_DIM = 20
POS_VOCAB = 31  # ZHPosTaging.pos_num + 1, assumed pos_num=30
BUCKET_BINS = jnp.array([0, 1, 2, 3, 4, 5, 7, 8, 9, 10, 15, 16, 31, 32, 63, 64], dtype=jnp.int64)


def setup_inputs(seed: int = 0) -> dict:
    key = jax.random.key(seed)
    ks = jax.random.split(key, 5)
    x = jax.random.normal(ks[0], (B, S, D), dtype=jnp.float32)
    spans_indices = jnp.sort(jax.random.randint(ks[1], (1, N_SPANS, 2), 0, S), axis=-1)
    span_pt_labels = jax.random.randint(ks[2], (1, S), 0, POS_VOCAB)
    width_table = jax.random.normal(ks[3], (len(BUCKET_BINS), WIDTH_DIM), dtype=jnp.float32) * 0.02
    pos_table = jax.random.normal(ks[4], (POS_VOCAB, POS_DIM), dtype=jnp.float32) * 0.02
    return {"x": x, "spans_indices": spans_indices, "span_pt_labels": span_pt_labels,
            "width_table": width_table, "pos_table": pos_table}


def reference(x, spans_indices, span_pt_labels, width_table, pos_table):
    batch_size = x.shape[0]
    s = spans_indices[0]              # [N, 2], s0 <= s1
    s0 = s[:, 0]
    s1 = s[:, 1]
    # POS tag embeddings for span endpoints (same for every batch element, repeated)
    pt0 = jnp.take(span_pt_labels[0], s0)
    pt1 = jnp.take(span_pt_labels[0], s1)
    postag_emb0 = jnp.take(pos_table, pt0, axis=0)   # [N, POS_DIM]
    postag_emb1 = jnp.take(pos_table, pt1, axis=0)   # [N, POS_DIM]
    # width bucket embedding: last index ix with width >= bucket_bins[ix]
    width = jnp.abs(s1 - s0 + 1)
    em = jnp.searchsorted(BUCKET_BINS, width, side='right') - 1
    width_emb = jnp.take(width_table, em, axis=0)    # [N, WIDTH_DIM]
    # mean over x[:, s0:s1+1, :] via prefix sums (ragged segment mean)
    cs = jnp.concatenate([jnp.zeros((batch_size, 1, x.shape[2]), dtype=x.dtype),
                          jnp.cumsum(x, axis=1)], axis=1)   # [B, S+1, D]
    seg_sum = jnp.take(cs, s1 + 1, axis=1) - jnp.take(cs, s0, axis=1)  # [B, N, D]
    mean_vec = seg_sum / width.astype(x.dtype)[None, :, None]
    # endpoint token features
    x0 = jnp.take(x, s0, axis=1)   # [B, N, D]
    x1 = jnp.take(x, s1, axis=1)   # [B, N, D]
    def tile(e):
        return jnp.broadcast_to(e[None, :, :], (batch_size,) + e.shape)
    x_spans = jnp.concatenate(
        [mean_vec, x0, tile(postag_emb0), x1, tile(postag_emb1), tile(width_emb)], axis=-1)
    return x_spans

if __name__ == "__main__":
    import jax
    _d = setup_inputs()
    print(jax.jit(kernel)(*tuple(_d.values())))

</pallas_src>

<mosaic_0001>
#map = affine_map<(d0, d1) -> (0, 0)>
#map1 = affine_map<(d0, d1) -> (0)>
module attributes {stable_mosaic.version = 14 : i64} {
  func.func @_sc_body(%arg0: i32, %arg1: i32, %arg2: memref<16384x256xf32, #tpu.memory_space<hbm>>, %arg3: memref<16384x256xf32, #tpu.memory_space<hbm>>, %arg4: memref<2048xi32, #tpu.memory_space<hbm>>, %arg5: memref<2048xi32, #tpu.memory_space<hbm>>, %arg6: memref<2048xi32, #tpu.memory_space<hbm>>, %arg7: memref<31x20xf32, #tpu.memory_space<hbm>>, %arg8: memref<16x20xf32, #tpu.memory_space<hbm>>, %arg9: memref<16384x828xf32, #tpu.memory_space<hbm>>, %arg10: memref<512xi32, #tpu.memory_space<vmem>>, %arg11: memref<512xi32, #tpu.memory_space<vmem>>, %arg12: memref<2048xi32, #tpu.memory_space<vmem>>, %arg13: memref<2x32xi32, #tpu.memory_space<vmem>>, %arg14: memref<2x32xi32, #tpu.memory_space<vmem>>, %arg15: memref<2x32xi32, #tpu.memory_space<vmem>>, %arg16: memref<2x32xi32, #tpu.memory_space<vmem>>, %arg17: memref<2x32xi32, #tpu.memory_space<vmem>>, %arg18: memref<2x32xf32, #tpu.memory_space<vmem>>, %arg19: memref<2x32x256xf32, #tpu.memory_space<vmem>>, %arg20: memref<2x32x256xf32, #tpu.memory_space<vmem>>, %arg21: memref<2x32x256xf32, #tpu.memory_space<vmem>>, %arg22: memref<2x32x256xf32, #tpu.memory_space<vmem>>, %arg23: memref<31x20xf32, #tpu.memory_space<vmem>>, %arg24: memref<16x20xf32, #tpu.memory_space<vmem>>, %arg25: memref<2x32x828xf32, #tpu.memory_space<vmem>>, %arg26: memref<!tpu.dma_semaphore, #tpu.memory_space<semaphore_mem>>, %arg27: memref<!tpu.dma_semaphore, #tpu.memory_space<semaphore_mem>>, %arg28: memref<!tpu.dma_semaphore, #tpu.memory_space<semaphore_mem>>, %arg29: memref<!tpu.dma_semaphore, #tpu.memory_space<semaphore_mem>>) attributes {dimension_semantics = [#tpu.dimension_semantics<core_parallel>, #tpu.dimension_semantics<subcore_parallel>], iteration_bounds = array<i64: 2, 16>, scalar_prefetch = 0 : i64, scratch_operands = 20 : i64, tpu.core_type = #tpu.core_type<sc_vector_subcore>, window_params = [{transform_indices = #map}, {transform_indices = #map}, {transform_indices = #map1}, {transform_indices = #map1}, {transform_indices = #map1}, {transform_indices = #map}, {transform_indices = #map}, {transform_indices = #map}]} {
    %mul3A = arith.constant 2 : i32
    %mul3A_0 = arith.muli %arg1, %mul3A : i32
    %add3A = arith.addi %mul3A_0, %arg0 : i32
    %jit3A = arith.constant 4 : i32
    %div3A = arith.divsi %add3A, %jit3A : i32
    %sign3A = arith.constant 0 : i32
    %sign3A_1 = arith.cmpi sgt, %add3A, %sign3A : i32
    %sign3A_2 = arith.extui %sign3A_1 : i1 to i32
    %sign3A_3 = arith.constant 0 : i32
    %sign3A_4 = arith.cmpi slt, %add3A, %sign3A_3 : i32
    %sign3A_5 = arith.extui %sign3A_4 : i1 to i32
    %sign3A_6 = arith.subi %sign3A_2, %sign3A_5 : i32
    %sign3A_7 = arith.constant 0 : i32
    %sign3A_8 = arith.cmpi sgt, %jit3A, %sign3A_7 : i32
    %sign3A_9 = arith.extui %sign3A_8 : i1 to i32
    %sign3A_10 = arith.constant 0 : i32
    %sign3A_11 = arith.cmpi slt, %jit3A, %sign3A_10 : i32
    %sign3A_12 = arith.extui %sign3A_11 : i1 to i32
    %sign3A_13 = arith.subi %sign3A_9, %sign3A_12 : i32
    %ne3A = arith.cmpi ne, %sign3A_6, %sign3A_13 : i32
    %rem3A = arith.remsi %add3A, %jit3A : i32
    %ne3A_14 = arith.constant 0 : i32
    %ne3A_15 = arith.cmpi ne, %rem3A, %ne3A_14 : i32
    %and3A = arith.andi %ne3A, %ne3A_15 : i1
    %sub3A = arith.constant 1 : i32
    %sub3A_16 = arith.subi %div3A, %sub3A : i32
    %select_n3A = arith.select %and3A, %sub3A_16, %div3A : i32
    %jit3A_17 = arith.constant 4 : i32
    %eq3A = arith.constant 0 : i32
    %eq3A_18 = arith.cmpi eq, %jit3A_17, %eq3A : i32
    %jit3A_19 = arith.constant 1 : i32
    %select_n3A_20 = arith.select %eq3A_18, %jit3A_19, %jit3A_17 : i32
    %rem3A_21 = arith.remsi %add3A, %select_n3A_20 : i32
    %ne3A_22 = arith.constant 0 : i32
    %ne3A_23 = arith.cmpi ne, %rem3A_21, %ne3A_22 : i32
    %lt3A = arith.constant 0 : i32
    %lt3A_24 = arith.cmpi slt, %rem3A_21, %lt3A : i32
    %lt3A_25 = arith.constant 0 : i32
    %lt3A_26 = arith.cmpi slt, %select_n3A_20, %lt3A_25 : i32
    %ne3A_27 = arith.xori %lt3A_24, %lt3A_26 : i1
    %and3A_28 = arith.andi %ne3A_27, %ne3A_23 : i1
    %add3A_29 = arith.addi %rem3A_21, %select_n3A_20 : i32
    %select_n3A_30 = arith.select %and3A_28, %add3A_29, %rem3A_21 : i32
    %mul3A_31 = arith.constant 512 : i32
    %mul3A_32 = arith.muli %select_n3A_30, %mul3A_31 : i32
    %mul3A_33 = arith.constant 2048 : i32
    %mul3A_34 = arith.muli %select_n3A, %mul3A_33 : i32
    %add3A_35 = arith.addi %mul3A_34, %mul3A_32 : i32
    "tpu.region"() ({
      %run_scoped3A = tpu.sem_alloc : memref<!tpu.dma_semaphore, #tpu.memory_space<semaphore_mem>>
      tpu.enqueue_dma source(%arg6 : memref<2048xi32, #tpu.memory_space<hbm>>) target(%arg12 : memref<2048xi32, #tpu.memory_space<vmem>>) target_semaphore(%run_scoped3A : memref<!tpu.dma_semaphore, #tpu.memory_space<semaphore_mem>>)
      tpu.wait_dma2 semaphore(%run_scoped3A : memref<!tpu.dma_semaphore, #tpu.memory_space<semaphore_mem>>) src(%arg6 : memref<2048xi32, #tpu.memory_space<hbm>>) dst(%arg12 : memref<2048xi32, #tpu.memory_space<vmem>>)
      tpu.yield
    }) : () -> ()
    "tpu.region"() ({
      %run_scoped3A = tpu.sem_alloc : memref<!tpu.dma_semaphore, #tpu.memory_space<semaphore_mem>>
      %dma_start3A_358 = tpu.memref_slice %arg4[%mul3A_32] : memref<2048xi32, #tpu.memory_space<hbm>> -> memref<512xi32, #tpu.memory_space<hbm>>
      %dma_start3A_359 = tpu.memref_slice %arg4[%mul3A_32] : memref<2048xi32, #tpu.memory_space<hbm>> -> memref<512xi32, #tpu.memory_space<hbm>>
      tpu.enqueue_dma source(%dma_start3A_359 : memref<512xi32, #tpu.memory_space<hbm>>) target(%arg10 : memref<512xi32, #tpu.memory_space<vmem>>) target_semaphore(%run_scoped3A : memref<!tpu.dma_semaphore, #tpu.memory_space<semaphore_mem>>)
      %dma_wait3A_360 = tpu.memref_slice %arg4[%mul3A_32] : memref<2048xi32, #tpu.memory_space<hbm>> -> memref<512xi32, #tpu.memory_space<hbm>>
      %dma_wait3A_361 = tpu.memref_slice %arg4[%mul3A_32] : memref<2048xi32, #tpu.memory_space<hbm>> -> memref<512xi32, #tpu.memory_space<hbm>>
      tpu.wait_dma2 semaphore(%run_scoped3A : memref<!tpu.dma_semaphore, #tpu.memory_space<semaphore_mem>>) src(%dma_wait3A_361 : memref<512xi32, #tpu.memory_space<hbm>>) dst(%arg10 : memref<512xi32, #tpu.memory_space<vmem>>)
      tpu.yield
    }) : () -> ()
    "tpu.region"() ({
      %run_scoped3A = tpu.sem_alloc : memref<!tpu.dma_semaphore, #tpu.memory_space<semaphore_mem>>
      %dma_start3A_358 = tpu.memref_slice %arg5[%mul3A_32] : memref<2048xi32, #tpu.memory_space<hbm>> -> memref<512xi32, #tpu.memory_space<hbm>>
      %dma_start3A_359 = tpu.memref_slice %arg5[%mul3A_32] : memref<2048xi32, #tpu.memory_space<hbm>> -> memref<512xi32, #tpu.memory_space<hbm>>
      tpu.enqueue_dma source(%dma_start3A_359 : memref<512xi32, #tpu.memory_space<hbm>>) target(%arg11 : memref<512xi32, #tpu.memory_space<vmem>>) target_semaphore(%run_scoped3A : memref<!tpu.dma_semaphore, #tpu.memory_space<semaphore_mem>>)
      %dma_wait3A_360 = tpu.memref_slice %arg5[%mul3A_32] : memref<2048xi32, #tpu.memory_space<hbm>> -> memref<512xi32, #tpu.memory_space<hbm>>
      %dma_wait3A_361 = tpu.memref_slice %arg5[%mul3A_32] : memref<2048xi32, #tpu.memory_space<hbm>> -> memref<512xi32, #tpu.memory_space<hbm>>
      tpu.wait_dma2 semaphore(%run_scoped3A : memref<!tpu.dma_semaphore, #tpu.memory_space<semaphore_mem>>) src(%dma_wait3A_361 : memref<512xi32, #tpu.memory_space<hbm>>) dst(%arg11 : memref<512xi32, #tpu.memory_space<vmem>>)
      tpu.yield
    }) : () -> ()
    "tpu.region"() ({
      %run_scoped3A = tpu.sem_alloc : memref<!tpu.dma_semaphore, #tpu.memory_space<semaphore_mem>>
      tpu.enqueue_dma source(%arg7 : memref<31x20xf32, #tpu.memory_space<hbm>>) target(%arg23 : memref<31x20xf32, #tpu.memory_space<vmem>>) target_semaphore(%run_scoped3A : memref<!tpu.dma_semaphore, #tpu.memory_space<semaphore_mem>>)
      tpu.wait_dma2 semaphore(%run_scoped3A : memref<!tpu.dma_semaphore, #tpu.memory_space<semaphore_mem>>) src(%arg7 : memref<31x20xf32, #tpu.memory_space<hbm>>) dst(%arg23 : memref<31x20xf32, #tpu.memory_space<vmem>>)
      tpu.yield
    }) : () -> ()
    "tpu.region"() ({
      %run_scoped3A = tpu.sem_alloc : memref<!tpu.dma_semaphore, #tpu.memory_space<semaphore_mem>>
      tpu.enqueue_dma source(%arg8 : memref<16x20xf32, #tpu.memory_space<hbm>>) target(%arg24 : memref<16x20xf32, #tpu.memory_space<vmem>>) target_semaphore(%run_scoped3A : memref<!tpu.dma_semaphore, #tpu.memory_space<semaphore_mem>>)
      tpu.wait_dma2 semaphore(%run_scoped3A : memref<!tpu.dma_semaphore, #tpu.memory_space<semaphore_mem>>) src(%arg8 : memref<16x20xf32, #tpu.memory_space<hbm>>) dst(%arg24 : memref<16x20xf32, #tpu.memory_space<vmem>>)
      tpu.yield
    }) : () -> ()
    %get3A = arith.constant 0 : index
    %get3A_36 = tpu.vector_load %arg10[%get3A] {strides = array<i32>} : memref<512xi32, #tpu.memory_space<vmem>>, vector<16xi32>,
    %get3A_37 = arith.constant 0 : index
    %get3A_38 = tpu.vector_load %arg11[%get3A_37] {strides = array<i32>} : memref<512xi32, #tpu.memory_space<vmem>>, vector<16xi32>,
    %sub3A_39 = arith.subi %get3A_38, %get3A_36 : vector<16xi32>
    %add3A_40 = arith.constant 1 : i32
    %add3A_41 = vector.broadcast %add3A_40 : i32 to vector<16xi32>
    %add3A_42 = arith.addi %sub3A_39, %add3A_41 : vector<16xi32>
    %convert_element_type3A = arith.sitofp %add3A_42 : vector<16xi32> to vector<16xf32>
    %div3A_43 = arith.constant 1.000000e+00 : f32
    %div3A_44 = vector.broadcast %div3A_43 : f32 to vector<16xf32>
    %div3A_45 = arith.divf %div3A_44, %convert_element_type3A : vector<16xf32>
    %swap3A = arith.constant 0 : i32
    %swap3A_46 = arith.index_cast %swap3A : i32 to index
    %swap3A_47 = arith.constant 0 : index
    %swap3A_48 = tpu.vector_load %arg18[%swap3A_46, %swap3A_47] {strides = array<i32>} : memref<2x32xf32, #tpu.memory_space<vmem>>, vector<16xf32>,
    tpu.vector_store %arg18[%swap3A_46, %swap3A_47], %div3A_45 {strides = array<i32>} : memref<2x32xf32, #tpu.memory_space<vmem>>, vector<16xf32>,
    %mul3A_49 = arith.constant 2048 : i32
    %mul3A_50 = arith.muli %select_n3A, %mul3A_49 : i32
    %add3A_51 = vector.broadcast %mul3A_50 : i32 to vector<16xi32>
    %add3A_52 = arith.addi %get3A_36, %add3A_51 : vector<16xi32>
    %swap3A_53 = arith.constant 0 : i32
    %swap3A_54 = arith.index_cast %swap3A_53 : i32 to index
    %swap3A_55 = arith.constant 0 : index
    %swap3A_56 = tpu.vector_load %arg13[%swap3A_54, %swap3A_55] {strides = array<i32>} : memref<2x32xi32, #tpu.memory_space<vmem>>, vector<16xi32>,
    tpu.vector_store %arg13[%swap3A_54, %swap3A_55], %add3A_52 {strides = array<i32>} : memref<2x32xi32, #tpu.memory_space<vmem>>, vector<16xi32>,
    %mul3A_57 = arith.constant 2048 : i32
    %mul3A_58 = arith.muli %select_n3A, %mul3A_57 : i32
    %add3A_59 = vector.broadcast %mul3A_58 : i32 to vector<16xi32>
    %add3A_60 = arith.addi %get3A_38, %add3A_59 : vector<16xi32>
    %swap3A_61 = arith.constant 0 : i32
    %swap3A_62 = arith.index_cast %swap3A_61 : i32 to index
    %swap3A_63 = arith.constant 0 : index
    %swap3A_64 = tpu.vector_load %arg14[%swap3A_62, %swap3A_63] {strides = array<i32>} : memref<2x32xi32, #tpu.memory_space<vmem>>, vector<16xi32>,
    tpu.vector_store %arg14[%swap3A_62, %swap3A_63], %add3A_60 {strides = array<i32>} : memref<2x32xi32, #tpu.memory_space<vmem>>, vector<16xi32>,
    %gather3A = tpu.vector_load_idx %arg12[%get3A_36] : memref<2048xi32, #tpu.memory_space<vmem>>[vector<16xi32>], vector<16xi32>,
    %swap3A_65 = arith.constant 0 : i32
    %swap3A_66 = arith.index_cast %swap3A_65 : i32 to index
    %swap3A_67 = arith.constant 0 : index
    %swap3A_68 = tpu.vector_load %arg15[%swap3A_66, %swap3A_67] {strides = array<i32>} : memref<2x32xi32, #tpu.memory_space<vmem>>, vector<16xi32>,
    tpu.vector_store %arg15[%swap3A_66, %swap3A_67], %gather3A {strides = array<i32>} : memref<2x32xi32, #tpu.memory_space<vmem>>, vector<16xi32>,
    %gather3A_69 = tpu.vector_load_idx %arg12[%get3A_38] : memref<2048xi32, #tpu.memory_space<vmem>>[vector<16xi32>], vector<16xi32>,
    %swap3A_70 = arith.constant 0 : i32
    %swap3A_71 = arith.index_cast %swap3A_70 : i32 to index
    %swap3A_72 = arith.constant 0 : index
    %swap3A_73 = tpu.vector_load %arg16[%swap3A_71, %swap3A_72] {strides = array<i32>} : memref<2x32xi32, #tpu.memory_space<vmem>>, vector<16xi32>,
    tpu.vector_store %arg16[%swap3A_71, %swap3A_72], %gather3A_69 {strides = array<i32>} : memref<2x32xi32, #tpu.memory_space<vmem>>, vector<16xi32>,
    %broadcast_in_dim3A = arith.constant 0 : i32
    %broadcast_in_dim3A_74 = vector.broadcast %broadcast_in_dim3A : i32 to vector<16xi32>
    %ge3A = arith.constant 1 : i32
    %ge3A_75 = vector.broadcast %ge3A : i32 to vector<16xi32>
    %ge3A_76 = arith.cmpi sge, %add3A_42, %ge3A_75 : vector<16xi32>
    %convert_element_type3A_77 = arith.extui %ge3A_76 : vector<16xi1> to vector<16xi32>
    %add3A_78 = arith.addi %broadcast_in_dim3A_74, %convert_element_type3A_77 : vector<16xi32>
    %ge3A_79 = arith.constant 2 : i32
    %ge3A_80 = vector.broadcast %ge3A_79 : i32 to vector<16xi32>
    %ge3A_81 = arith.cmpi sge, %add3A_42, %ge3A_80 : vector<16xi32>
    %convert_element_type3A_82 = arith.extui %ge3A_81 : vector<16xi1> to vector<16xi32>
    %add3A_83 = arith.addi %add3A_78, %convert_element_type3A_82 : vector<16xi32>
    %ge3A_84 = arith.constant 3 : i32
    %ge3A_85 = vector.broadcast %ge3A_84 : i32 to vector<16xi32>
    %ge3A_86 = arith.cmpi sge, %add3A_42, %ge3A_85 : vector<16xi32>
    %convert_element_type3A_87 = arith.extui %ge3A_86 : vector<16xi1> to vector<16xi32>
    %add3A_88 = arith.addi %add3A_83, %convert_element_type3A_87 : vector<16xi32>
    %ge3A_89 = arith.constant 4 : i32
    %ge3A_90 = vector.broadcast %ge3A_89 : i32 to vector<16xi32>
    %ge3A_91 = arith.cmpi sge, %add3A_42, %ge3A_90 : vector<16xi32>
    %convert_element_type3A_92 = arith.extui %ge3A_91 : vector<16xi1> to vector<16xi32>
    %add3A_93 = arith.addi %add3A_88, %convert_element_type3A_92 : vector<16xi32>
    %ge3A_94 = arith.constant 5 : i32
    %ge3A_95 = vector.broadcast %ge3A_94 : i32 to vector<16xi32>
    %ge3A_96 = arith.cmpi sge, %add3A_42, %ge3A_95 : vector<16xi32>
    %convert_element_type3A_97 = arith.extui %ge3A_96 : vector<16xi1> to vector<16xi32>
    %add3A_98 = arith.addi %add3A_93, %convert_element_type3A_97 : vector<16xi32>
    %ge3A_99 = arith.constant 7 : i32
    %ge3A_100 = vector.broadcast %ge3A_99 : i32 to vector<16xi32>
    %ge3A_101 = arith.cmpi sge, %add3A_42, %ge3A_100 : vector<16xi32>
    %convert_element_type3A_102 = arith.extui %ge3A_101 : vector<16xi1> to vector<16xi32>
    %add3A_103 = arith.addi %add3A_98, %convert_element_type3A_102 : vector<16xi32>
    %ge3A_104 = arith.constant 8 : i32
    %ge3A_105 = vector.broadcast %ge3A_104 : i32 to vector<16xi32>
    %ge3A_106 = arith.cmpi sge, %add3A_42, %ge3A_105 : vector<16xi32>
    %convert_element_type3A_107 = arith.extui %ge3A_106 : vector<16xi1> to vector<16xi32>
    %add3A_108 = arith.addi %add3A_103, %convert_element_type3A_107 : vector<16xi32>
    %ge3A_109 = arith.constant 9 : i32
    %ge3A_110 = vector.broadcast %ge3A_109 : i32 to vector<16xi32>
    %ge3A_111 = arith.cmpi sge, %add3A_42, %ge3A_110 : vector<16xi32>
    %convert_element_type3A_112 = arith.extui %ge3A_111 : vector<16xi1> to vector<16xi32>
    %add3A_113 = arith.addi %add3A_108, %convert_element_type3A_112 : vector<16xi32>
    %ge3A_114 = arith.constant 10 : i32
    %ge3A_115 = vector.broadcast %ge3A_114 : i32 to vector<16xi32>
    %ge3A_116 = arith.cmpi sge, %add3A_42, %ge3A_115 : vector<16xi32>
    %convert_element_type3A_117 = arith.extui %ge3A_116 : vector<16xi1> to vector<16xi32>
    %add3A_118 = arith.addi %add3A_113, %convert_element_type3A_117 : vector<16xi32>
    %ge3A_119 = arith.constant 15 : i32
    %ge3A_120 = vector.broadcast %ge3A_119 : i32 to vector<16xi32>
    %ge3A_121 = arith.cmpi sge, %add3A_42, %ge3A_120 : vector<16xi32>
    %convert_element_type3A_122 = arith.extui %ge3A_121 : vector<16xi1> to vector<16xi32>
    %add3A_123 = arith.addi %add3A_118, %convert_element_type3A_122 : vector<16xi32>
    %ge3A_124 = arith.constant 16 : i32
    %ge3A_125 = vector.broadcast %ge3A_124 : i32 to vector<16xi32>
    %ge3A_126 = arith.cmpi sge, %add3A_42, %ge3A_125 : vector<16xi32>
    %convert_element_type3A_127 = arith.extui %ge3A_126 : vector<16xi1> to vector<16xi32>
    %add3A_128 = arith.addi %add3A_123, %convert_element_type3A_127 : vector<16xi32>
    %ge3A_129 = arith.constant 31 : i32
    %ge3A_130 = vector.broadcast %ge3A_129 : i32 to vector<16xi32>
    %ge3A_131 = arith.cmpi sge, %add3A_42, %ge3A_130 : vector<16xi32>
    %convert_element_type3A_132 = arith.extui %ge3A_131 : vector<16xi1> to vector<16xi32>
    %add3A_133 = arith.addi %add3A_128, %convert_element_type3A_132 : vector<16xi32>
    %ge3A_134 = arith.constant 32 : i32
    %ge3A_135 = vector.broadcast %ge3A_134 : i32 to vector<16xi32>
    %ge3A_136 = arith.cmpi sge, %add3A_42, %ge3A_135 : vector<16xi32>
    %convert_element_type3A_137 = arith.extui %ge3A_136 : vector<16xi1> to vector<16xi32>
    %add3A_138 = arith.addi %add3A_133, %convert_element_type3A_137 : vector<16xi32>
    %ge3A_139 = arith.constant 63 : i32
    %ge3A_140 = vector.broadcast %ge3A_139 : i32 to vector<16xi32>
    %ge3A_141 = arith.cmpi sge, %add3A_42, %ge3A_140 : vector<16xi32>
    %convert_element_type3A_142 = arith.extui %ge3A_141 : vector<16xi1> to vector<16xi32>
    %add3A_143 = arith.addi %add3A_138, %convert_element_type3A_142 : vector<16xi32>
    %ge3A_144 = arith.constant 64 : i32
    %ge3A_145 = vector.broadcast %ge3A_144 : i32 to vector<16xi32>
    %ge3A_146 = arith.cmpi sge, %add3A_42, %ge3A_145 : vector<16xi32>
    %convert_element_type3A_147 = arith.extui %ge3A_146 : vector<16xi1> to vector<16xi32>
    %add3A_148 = arith.addi %add3A_143, %convert_element_type3A_147 : vector<16xi32>
    %swap3A_149 = arith.constant 0 : i32
    %swap3A_150 = arith.index_cast %swap3A_149 : i32 to index
    %swap3A_151 = arith.constant 0 : index
    %swap3A_152 = tpu.vector_load %arg17[%swap3A_150, %swap3A_151] {strides = array<i32>} : memref<2x32xi32, #tpu.memory_space<vmem>>, vector<16xi32>,
    tpu.vector_store %arg17[%swap3A_150, %swap3A_151], %add3A_148 {strides = array<i32>} : memref<2x32xi32, #tpu.memory_space<vmem>>, vector<16xi32>,
    %get3A_153 = arith.constant 16 : index
    %get3A_154 = tpu.vector_load %arg10[%get3A_153] {strides = array<i32>} : memref<512xi32, #tpu.memory_space<vmem>>, vector<16xi32>,
    %get3A_155 = arith.constant 16 : index
    %get3A_156 = tpu.vector_load %arg11[%get3A_155] {strides = array<i32>} : memref<512xi32, #tpu.memory_space<vmem>>, vector<16xi32>,
    %sub3A_157 = arith.subi %get3A_156, %get3A_154 : vector<16xi32>
    %add3A_158 = arith.constant 1 : i32
    %add3A_159 = vector.broadcast %add3A_158 : i32 to vector<16xi32>
    %add3A_160 = arith.addi %sub3A_157, %add3A_159 : vector<16xi32>
    %convert_element_type3A_161 = arith.sitofp %add3A_160 : vector<16xi32> to vector<16xf32>
    %div3A_162 = arith.constant 1.000000e+00 : f32
    %div3A_163 = vector.broadcast %div3A_162 : f32 to vector<16xf32>
    %div3A_164 = arith.divf %div3A_163, %convert_element_type3A_161 : vector<16xf32>
    %swap3A_165 = arith.constant 0 : i32
    %swap3A_166 = arith.index_cast %swap3A_165 : i32 to index
    %swap3A_167 = arith.constant 16 : index
    %swap3A_168 = tpu.vector_load %arg18[%swap3A_166, %swap3A_167] {strides = array<i32>} : memref<2x32xf32, #tpu.memory_space<vmem>>, vector<16xf32>,
    tpu.vector_store %arg18[%swap3A_166, %swap3A_167], %div3A_164 {strides = array<i32>} : memref<2x32xf32, #tpu.memory_space<vmem>>, vector<16xf32>,
    %mul3A_169 = arith.constant 2048 : i32
    %mul3A_170 = arith.muli %select_n3A, %mul3A_169 : i32
    %add3A_171 = vector.broadcast %mul3A_170 : i32 to vector<16xi32>
    %add3A_172 = arith.addi %get3A_154, %add3A_171 : vector<16xi32>
    %swap3A_173 = arith.constant 0 : i32
    %swap3A_174 = arith.index_cast %swap3A_173 : i32 to index
    %swap3A_175 = arith.constant 16 : index
    %swap3A_176 = tpu.vector_load %arg13[%swap3A_174, %swap3A_175] {strides = array<i32>} : memref<2x32xi32, #tpu.memory_space<vmem>>, vector<16xi32>,
    tpu.vector_store %arg13[%swap3A_174, %swap3A_175], %add3A_172 {strides = array<i32>} : memref<2x32xi32, #tpu.memory_space<vmem>>, vector<16xi32>,
    %mul3A_177 = arith.constant 2048 : i32
    %mul3A_178 = arith.muli %select_n3A, %mul3A_177 : i32
    %add3A_179 = vector.broadcast %mul3A_178 : i32 to vector<16xi32>
    %add3A_180 = arith.addi %get3A_156, %add3A_179 : vector<16xi32>
    %swap3A_181 = arith.constant 0 : i32
    %swap3A_182 = arith.index_cast %swap3A_181 : i32 to index
    %swap3A_183 = arith.constant 16 : index
    %swap3A_184 = tpu.vector_load %arg14[%swap3A_182, %swap3A_183] {strides = array<i32>} : memref<2x32xi32, #tpu.memory_space<vmem>>, vector<16xi32>,
    tpu.vector_store %arg14[%swap3A_182, %swap3A_183], %add3A_180 {strides = array<i32>} : memref<2x32xi32, #tpu.memory_space<vmem>>, vector<16xi32>,
    %gather3A_185 = tpu.vector_load_idx %arg12[%get3A_154] : memref<2048xi32, #tpu.memory_space<vmem>>[vector<16xi32>], vector<16xi32>,
    %swap3A_186 = arith.constant 0 : i32
    %swap3A_187 = arith.index_cast %swap3A_186 : i32 to index
    %swap3A_188 = arith.constant 16 : index
    %swap3A_189 = tpu.vector_load %arg15[%swap3A_187, %swap3A_188] {strides = array<i32>} : memref<2x32xi32, #tpu.memory_space<vmem>>, vector<16xi32>,
    tpu.vector_store %arg15[%swap3A_187, %swap3A_188], %gather3A_185 {strides = array<i32>} : memref<2x32xi32, #tpu.memory_space<vmem>>, vector<16xi32>,
    %gather3A_190 = tpu.vector_load_idx %arg12[%get3A_156] : memref<2048xi32, #tpu.memory_space<vmem>>[vector<16xi32>], vector<16xi32>,
    %swap3A_191 = arith.constant 0 : i32
    %swap3A_192 = arith.index_cast %swap3A_191 : i32 to index
    %swap3A_193 = arith.constant 16 : index
    %swap3A_194 = tpu.vector_load %arg16[%swap3A_192, %swap3A_193] {strides = array<i32>} : memref<2x32xi32, #tpu.memory_space<vmem>>, vector<16xi32>,
    tpu.vector_store %arg16[%swap3A_192, %swap3A_193], %gather3A_190 {strides = array<i32>} : memref<2x32xi32, #tpu.memory_space<vmem>>, vector<16xi32>,
    %broadcast_in_dim3A_195 = arith.constant 0 : i32
    %broadcast_in_dim3A_196 = vector.broadcast %broadcast_in_dim3A_195 : i32 to vector<16xi32>
    %ge3A_197 = arith.constant 1 : i32
    %ge3A_198 = vector.broadcast %ge3A_197 : i32 to vector<16xi32>
    %ge3A_199 = arith.cmpi sge, %add3A_160, %ge3A_198 : vector<16xi32>
    %convert_element_type3A_200 = arith.extui %ge3A_199 : vector<16xi1> to vector<16xi32>
    %add3A_201 = arith.addi %broadcast_in_dim3A_196, %convert_element_type3A_200 : vector<16xi32>
    %ge3A_202 = arith.constant 2 : i32
    %ge3A_203 = vector.broadcast %ge3A_202 : i32 to vector<16xi32>
    %ge3A_204 = arith.cmpi sge, %add3A_160, %ge3A_203 : vector<16xi32>
    %convert_element_type3A_205 = arith.extui %ge3A_204 : vector<16xi1> to vector<16xi32>
    %add3A_206 = arith.addi %add3A_201, %convert_element_type3A_205 : vector<16xi32>
    %ge3A_207 = arith.constant 3 : i32
    %ge3A_208 = vector.broadcast %ge3A_207 : i32 to vector<16xi32>
    %ge3A_209 = arith.cmpi sge, %add3A_160, %ge3A_208 : vector<16xi32>
    %convert_element_type3A_210 = arith.extui %ge3A_209 : vector<16xi1> to vector<16xi32>
    %add3A_211 = arith.addi %add3A_206, %convert_element_type3A_210 : vector<16xi32>
    %ge3A_212 = arith.constant 4 : i32
    %ge3A_213 = vector.broadcast %ge3A_212 : i32 to vector<16xi32>
    %ge3A_214 = arith.cmpi sge, %add3A_160, %ge3A_213 : vector<16xi32>
    %convert_element_type3A_215 = arith.extui %ge3A_214 : vector<16xi1> to vector<16xi32>
    %add3A_216 = arith.addi %add3A_211, %convert_element_type3A_215 : vector<16xi32>
    %ge3A_217 = arith.constant 5 : i32
    %ge3A_218 = vector.broadcast %ge3A_217 : i32 to vector<16xi32>
    %ge3A_219 = arith.cmpi sge, %add3A_160, %ge3A_218 : vector<16xi32>
    %convert_element_type3A_220 = arith.extui %ge3A_219 : vector<16xi1> to vector<16xi32>
    %add3A_221 = arith.addi %add3A_216, %convert_element_type3A_220 : vector<16xi32>
    %ge3A_222 = arith.constant 7 : i32
    %ge3A_223 = vector.broadcast %ge3A_222 : i32 to vector<16xi32>
    %ge3A_224 = arith.cmpi sge, %add3A_160, %ge3A_223 : vector<16xi32>
    %convert_element_type3A_225 = arith.extui %ge3A_224 : vector<16xi1> to vector<16xi32>
    %add3A_226 = arith.addi %add3A_221, %convert_element_type3A_225 : vector<16xi32>
    %ge3A_227 = arith.constant 8 : i32
    %ge3A_228 = vector.broadcast %ge3A_227 : i32 to vector<16xi32>
    %ge3A_229 = arith.cmpi sge, %add3A_160, %ge3A_228 : vector<16xi32>
    %convert_element_type3A_230 = arith.extui %ge3A_229 : vector<16xi1> to vector<16xi32>
    %add3A_231 = arith.addi %add3A_226, %convert_element_type3A_230 : vector<16xi32>
    %ge3A_232 = arith.constant 9 : i32
    %ge3A_233 = vector.broadcast %ge3A_232 : i32 to vector<16xi32>
    %ge3A_234 = arith.cmpi sge, %add3A_160, %ge3A_233 : vector<16xi32>
    %convert_element_type3A_235 = arith.extui %ge3A_234 : vector<16xi1> to vector<16xi32>
    %add3A_236 = arith.addi %add3A_231, %convert_element_type3A_235 : vector<16xi32>
    %ge3A_237 = arith.constant 10 : i32
    %ge3A_238 = vector.broadcast %ge3A_237 : i32 to vector<16xi32>
    %ge3A_239 = arith.cmpi sge, %add3A_160, %ge3A_238 : vector<16xi32>
    %convert_element_type3A_240 = arith.extui %ge3A_239 : vector<16xi1> to vector<16xi32>
    %add3A_241 = arith.addi %add3A_236, %convert_element_type3A_240 : vector<16xi32>
    %ge3A_242 = arith.constant 15 : i32
    %ge3A_243 = vector.broadcast %ge3A_242 : i32 to vector<16xi32>
    %ge3A_244 = arith.cmpi sge, %add3A_160, %ge3A_243 : vector<16xi32>
    %convert_element_type3A_245 = arith.extui %ge3A_244 : vector<16xi1> to vector<16xi32>
    %add3A_246 = arith.addi %add3A_241, %convert_element_type3A_245 : vector<16xi32>
    %ge3A_247 = arith.constant 16 : i32
    %ge3A_248 = vector.broadcast %ge3A_247 : i32 to vector<16xi32>
    %ge3A_249 = arith.cmpi sge, %add3A_160, %ge3A_248 : vector<16xi32>
    %convert_element_type3A_250 = arith.extui %ge3A_249 : vector<16xi1> to vector<16xi32>
    %add3A_251 = arith.addi %add3A_246, %convert_element_type3A_250 : vector<16xi32>
    %ge3A_252 = arith.constant 31 : i32
    %ge3A_253 = vector.broadcast %ge3A_252 : i32 to vector<16xi32>
    %ge3A_254 = arith.cmpi sge, %add3A_160, %ge3A_253 : vector<16xi32>
    %convert_element_type3A_255 = arith.extui %ge3A_254 : vector<16xi1> to vector<16xi32>
    %add3A_256 = arith.addi %add3A_251, %convert_element_type3A_255 : vector<16xi32>
    %ge3A_257 = arith.constant 32 : i32
    %ge3A_258 = vector.broadcast %ge3A_257 : i32 to vector<16xi32>
    %ge3A_259 = arith.cmpi sge, %add3A_160, %ge3A_258 : vector<16xi32>
    %convert_element_type3A_260 = arith.extui %ge3A_259 : vector<16xi1> to vector<16xi32>
    %add3A_261 = arith.addi %add3A_256, %convert_element_type3A_260 : vector<16xi32>
    %ge3A_262 = arith.constant 63 : i32
    %ge3A_263 = vector.broadcast %ge3A_262 : i32 to vector<16xi32>
    %ge3A_264 = arith.cmpi sge, %add3A_160, %ge3A_263 : vector<16xi32>
    %convert_element_type3A_265 = arith.extui %ge3A_264 : vector<16xi1> to vector<16xi32>
    %add3A_266 = arith.addi %add3A_261, %convert_element_type3A_265 : vector<16xi32>
    %ge3A_267 = arith.constant 64 : i32
    %ge3A_268 = vector.broadcast %ge3A_267 : i32 to vector<16xi32>
    %ge3A_269 = arith.cmpi sge, %add3A_160, %ge3A_268 : vector<16xi32>
    %convert_element_type3A_270 = arith.extui %ge3A_269 : vector<16xi1> to vector<16xi32>
    %add3A_271 = arith.addi %add3A_266, %convert_element_type3A_270 : vector<16xi32>
    %swap3A_272 = arith.constant 0 : i32
    %swap3A_273 = arith.index_cast %swap3A_272 : i32 to index
    %swap3A_274 = arith.constant 16 : index
    %swap3A_275 = tpu.vector_load %arg17[%swap3A_273, %swap3A_274] {strides = array<i32>} : memref<2x32xi32, #tpu.memory_space<vmem>>, vector<16xi32>,
    tpu.vector_store %arg17[%swap3A_273, %swap3A_274], %add3A_271 {strides = array<i32>} : memref<2x32xi32, #tpu.memory_space<vmem>>, vector<16xi32>,
    %dma_start3A = arith.constant 0 : i32
    %dma_start3A_276 = arith.constant 0 : i32
    %dma_start3A_277 = arith.constant 0 : i32
    %dma_start3A_278 = arith.constant 0 : i32
    %dma_start3A_279 = tpu.memref_slice %arg20[%dma_start3A_276, %dma_start3A_277, %dma_start3A_278] : memref<2x32x256xf32, #tpu.memory_space<vmem>> -> memref<1x32x256xf32, #tpu.memory_space<vmem>>
    %dma_start3A_280 = tpu.memref_squeeze %dma_start3A_279 : memref<1x32x256xf32, #tpu.memory_space<vmem>> -> memref<32x256xf32, #tpu.memory_space<vmem>>
    %dma_start3A_281 = arith.constant 0 : i32
    %dma_start3A_282 = tpu.memref_slice %arg14[%dma_start3A, %dma_start3A_281] : memref<2x32xi32, #tpu.memory_space<vmem>> -> memref<1x32xi32, #tpu.memory_space<vmem>>
    %dma_start3A_283 = tpu.memref_squeeze %dma_start3A_282 : memref<1x32xi32, #tpu.memory_space<vmem>> -> memref<32xi32, #tpu.memory_space<vmem>>
    %dma_start3A_284 = arith.constant 0 : i32
    %dma_start3A_285 = arith.constant 0 : i32
    %dma_start3A_286 = tpu.memref_slice %arg2[%dma_start3A_284, %dma_start3A_285] : memref<16384x256xf32, #tpu.memory_space<hbm>> -> memref<16384x256xf32, #tpu.memory_space<hbm>>
    tpu.enqueue_indirect_dma source(%dma_start3A_286 : memref<16384x256xf32, #tpu.memory_space<hbm>>) target(%dma_start3A_280 : memref<32x256xf32, #tpu.memory_space<vmem>>) offsets(%dma_start3A_283 : memref<32xi32, #tpu.memory_space<vmem>>) semaphore(%arg26 : memref<!tpu.dma_semaphore, #tpu.memory_space<semaphore_mem>>)
    %dma_start3A_287 = arith.constant 0 : i32
    %dma_start3A_288 = arith.constant 0 : i32
    %dma_start3A_289 = arith.constant 0 : i32
    %dma_start3A_290 = arith.constant 0 : i32
    %dma_start3A_291 = tpu.memref_slice %arg19[%dma_start3A_288, %dma_start3A_289, %dma_start3A_290] : memref<2x32x256xf32, #tpu.memory_space<vmem>> -> memref<1x32x256xf32, #tpu.memory_space<vmem>>
    %dma_start3A_292 = tpu.memref_squeeze %dma_start3A_291 : memref<1x32x256xf32, #tpu.memory_space<vmem>> -> memref<32x256xf32, #tpu.memory_space<vmem>>
    %dma_start3A_293 = arith.constant 0 : i32
    %dma_start3A_294 = tpu.memref_slice %arg13[%dma_start3A_287, %dma_start3A_293] : memref<2x32xi32, #tpu.memory_space<vmem>> -> memref<1x32xi32, #tpu.memory_space<vmem>>
    %dma_start3A_295 = tpu.memref_squeeze %dma_start3A_294 : memref<1x32xi32, #tpu.memory_space<vmem>> -> memref<32xi32, #tpu.memory_space<vmem>>
    %dma_start3A_296 = arith.constant 0 : i32
    %dma_start3A_297 = arith.constant 0 : i32
    %dma_start3A_298 = tpu.memref_slice %arg2[%dma_start3A_296, %dma_start3A_297] : memref<16384x256xf32, #tpu.memory_space<hbm>> -> memref<16384x256xf32, #tpu.memory_space<hbm>>
    tpu.enqueue_indirect_dma source(%dma_start3A_298 : memref<16384x256xf32, #tpu.memory_space<hbm>>) target(%dma_start3A_292 : memref<32x256xf32, #tpu.memory_space<vmem>>) offsets(%dma_start3A_295 : memref<32xi32, #tpu.memory_space<vmem>>) semaphore(%arg26 : memref<!tpu.dma_semaphore, #tpu.memory_space<semaphore_mem>>)
    %dma_start3A_299 = arith.constant 0 : i32
    %dma_start3A_300 = arith.constant 0 : i32
    %dma_start3A_301 = arith.constant 0 : i32
    %dma_start3A_302 = arith.constant 0 : i32
    %dma_start3A_303 = tpu.memref_slice %arg21[%dma_start3A_300, %dma_start3A_301, %dma_start3A_302] : memref<2x32x256xf32, #tpu.memory_space<vmem>> -> memref<1x32x256xf32, #tpu.memory_space<vmem>>
    %dma_start3A_304 = tpu.memref_squeeze %dma_start3A_303 : memref<1x32x256xf32, #tpu.memory_space<vmem>> -> memref<32x256xf32, #tpu.memory_space<vmem>>
    %dma_start3A_305 = arith.constant 0 : i32
    %dma_start3A_306 = tpu.memref_slice %arg13[%dma_start3A_299, %dma_start3A_305] : memref<2x32xi32, #tpu.memory_space<vmem>> -> memref<1x32xi32, #tpu.memory_space<vmem>>
    %dma_start3A_307 = tpu.memref_squeeze %dma_start3A_306 : memref<1x32xi32, #tpu.memory_space<vmem>> -> memref<32xi32, #tpu.memory_space<vmem>>
    %dma_start3A_308 = arith.constant 0 : i32
    %dma_start3A_309 = arith.constant 0 : i32
    %dma_start3A_310 = tpu.memref_slice %arg3[%dma_start3A_308, %dma_start3A_309] : memref<16384x256xf32, #tpu.memory_space<hbm>> -> memref<16384x256xf32, #tpu.memory_space<hbm>>
    tpu.enqueue_indirect_dma source(%dma_start3A_310 : memref<16384x256xf32, #tpu.memory_space<hbm>>) target(%dma_start3A_304 : memref<32x256xf32, #tpu.memory_space<vmem>>) offsets(%dma_start3A_307 : memref<32xi32, #tpu.memory_space<vmem>>) semaphore(%arg26 : memref<!tpu.dma_semaphore, #tpu.memory_space<semaphore_mem>>)
    %dma_start3A_311 = arith.constant 0 : i32
    %dma_start3A_312 = arith.constant 0 : i32
    %dma_start3A_313 = arith.constant 0 : i32
    %dma_start3A_314 = arith.constant 0 : i32
    %dma_start3A_315 = tpu.memref_slice %arg22[%dma_start3A_312, %dma_start3A_313, %dma_start3A_314] : memref<2x32x256xf32, #tpu.memory_space<vmem>> -> memref<1x32x256xf32, #tpu.memory_space<vmem>>
    %dma_start3A_316 = tpu.memref_squeeze %dma_start3A_315 : memref<1x32x256xf32, #tpu.memory_space<vmem>> -> memref<32x256xf32, #tpu.memory_space<vmem>>
    %dma_start3A_317 = arith.constant 0 : i32
    %dma_start3A_318 = tpu.memref_slice %arg14[%dma_start3A_311, %dma_start3A_317] : memref<2x32xi32, #tpu.memory_space<vmem>> -> memref<1x32xi32, #tpu.memory_space<vmem>>
    %dma_start3A_319 = tpu.memref_squeeze %dma_start3A_318 : memref<1x32xi32, #tpu.memory_space<vmem>> -> memref<32xi32, #tpu.memory_space<vmem>>
    %dma_start3A_320 = arith.constant 0 : i32
    %dma_start3A_321 = arith.constant 0 : i32
    %dma_start3A_322 = tpu.memref_slice %arg3[%dma_start3A_320, %dma_start3A_321] : memref<16384x256xf32, #tpu.memory_space<hbm>> -> memref<16384x256xf32, #tpu.memory_space<hbm>>
    tpu.enqueue_indirect_dma source(%dma_start3A_322 : memref<16384x256xf32, #tpu.memory_space<hbm>>) target(%dma_start3A_316 : memref<32x256xf32, #tpu.memory_space<vmem>>) offsets(%dma_start3A_319 : memref<32xi32, #tpu.memory_space<vmem>>) semaphore(%arg26 : memref<!tpu.dma_semaphore, #tpu.memory_space<semaphore_mem>>)
    %scan3A = arith.constant 0 : i32
    %scan3A_323 = arith.constant 0 : i32
    %scan3A_324 = arith.constant 8 : i32
    %scan3A_325 = arith.addi %scan3A_323, %scan3A_324 : i32
    %scan3A_326 = arith.constant 1 : i32
    %scan3A_327 = scf.for %scan3A_358 = %scan3A_323 to %scan3A_325 step %scan3A_326 iter_args(%scan3A_359 = %scan3A) -> (i32)  : i32 {
      %mul3A_360 = arith.constant 2 : i32
      %mul3A_361 = arith.muli %mul3A_360, %scan3A_358 : i32
      %add3A_362 = arith.constant 0 : i32
      %add3A_363 = arith.addi %mul3A_361, %add3A_362 : i32
      %add3A_364 = arith.constant 1 : i32
      %add3A_365 = arith.addi %add3A_363, %add3A_364 : i32
      %lt3A_366 = arith.constant 16 : i32
      %lt3A_367 = arith.cmpi slt, %add3A_365, %lt3A_366 : i32
      %convert_element_type3A_368 = arith.extui %lt3A_367 : i1 to i32
      %cond3A = arith.constant 0 : i32
      %cond3A_369 = arith.cmpi ne, %convert_element_type3A_368, %cond3A : i32
      scf.if %cond3A_369 {
        %add3A_535 = arith.constant 1 : i32
        %add3A_536 = arith.addi %add3A_363, %add3A_535 : i32
        %mul3A_537 = arith.constant 32 : i32
        %mul3A_538 = arith.muli %add3A_536, %mul3A_537 : i32
        %add3A_539 = arith.constant 0 : i32
        %add3A_540 = arith.addi %mul3A_538, %add3A_539 : i32
        %get3A_541 = arith.index_cast %add3A_540 : i32 to index
        %get3A_542 = tpu.vector_load %arg10[%get3A_541] {strides = array<i32>} : memref<512xi32, #tpu.memory_space<vmem>>, vector<16xi32>,
        %get3A_543 = arith.index_cast %add3A_540 : i32 to index
        %get3A_544 = tpu.vector_load %arg11[%get3A_543] {strides = array<i32>} : memref<512xi32, #tpu.memory_space<vmem>>, vector<16xi32>,
        %sub3A_545 = arith.subi %get3A_544, %get3A_542 : vector<16xi32>
        %add3A_546 = arith.constant 1 : i32
        %add3A_547 = vector.broadcast %add3A_546 : i32 to vector<16xi32>
        %add3A_548 = arith.addi %sub3A_545, %add3A_547 : vector<16xi32>
        %convert_element_type3A_549 = arith.sitofp %add3A_548 : vector<16xi32> to vector<16xf32>
        %div3A_550 = arith.constant 1.000000e+00 : f32
        %div3A_551 = vector.broadcast %div3A_550 : f32 to vector<16xf32>
        %div3A_552 = arith.divf %div3A_551, %convert_element_type3A_549 : vector<16xf32>
        %swap3A_553 = arith.constant 1 : i32
        %swap3A_554 = arith.index_cast %swap3A_553 : i32 to index
        %swap3A_555 = arith.constant 0 : index
        %swap3A_556 = tpu.vector_load %arg18[%swap3A_554, %swap3A_555] {strides = array<i32>} : memref<2x32xf32, #tpu.memory_space<vmem>>, vector<16xf32>,
        tpu.vector_store %arg18[%swap3A_554, %swap3A_555], %div3A_552 {strides = array<i32>} : memref<2x32xf32, #tpu.memory_space<vmem>>, vector<16xf32>,
        %mul3A_557 = arith.constant 2048 : i32
        %mul3A_558 = arith.muli %select_n3A, %mul3A_557 : i32
        %add3A_559 = vector.broadcast %mul3A_558 : i32 to vector<16xi32>
        %add3A_560 = arith.addi %get3A_542, %add3A_559 : vector<16xi32>
        %swap3A_561 = arith.constant 1 : i32
        %swap3A_562 = arith.index_cast %swap3A_561 : i32 to index
        %swap3A_563 = arith.constant 0 : index
        %swap3A_564 = tpu.vector_load %arg13[%swap3A_562, %swap3A_563] {strides = array<i32>} : memref<2x32xi32, #tpu.memory_space<vmem>>, vector<16xi32>,
        tpu.vector_store %arg13[%swap3A_562, %swap3A_563], %add3A_560 {strides = array<i32>} : memref<2x32xi32, #tpu.memory_space<vmem>>, vector<16xi32>,
        %mul3A_565 = arith.constant 2048 : i32
        %mul3A_566 = arith.muli %select_n3A, %mul3A_565 : i32
        %add3A_567 = vector.broadcast %mul3A_566 : i32 to vector<16xi32>
        %add3A_568 = arith.addi %get3A_544, %add3A_567 : vector<16xi32>
        %swap3A_569 = arith.constant 1 : i32
        %swap3A_570 = arith.index_cast %swap3A_569 : i32 to index
        %swap3A_571 = arith.constant 0 : index
        %swap3A_572 = tpu.vector_load %arg14[%swap3A_570, %swap3A_571] {strides = array<i32>} : memref<2x32xi32, #tpu.memory_space<vmem>>, vector<16xi32>,
        tpu.vector_store %arg14[%swap3A_570, %swap3A_571], %add3A_568 {strides = array<i32>} : memref<2x32xi32, #tpu.memory_space<vmem>>, vector<16xi32>,
        %gather3A_573 = tpu.vector_load_idx %arg12[%get3A_542] : memref<2048xi32, #tpu.memory_space<vmem>>[vector<16xi32>], vector<16xi32>,
        %swap3A_574 = arith.constant 1 : i32
        %swap3A_575 = arith.index_cast %swap3A_574 : i32 to index
        %swap3A_576 = arith.constant 0 : index
        %swap3A_577 = tpu.vector_load %arg15[%swap3A_575, %swap3A_576] {strides = array<i32>} : memref<2x32xi32, #tpu.memory_space<vmem>>, vector<16xi32>,
        tpu.vector_store %arg15[%swap3A_575, %swap3A_576], %gather3A_573 {strides = array<i32>} : memref<2x32xi32, #tpu.memory_space<vmem>>, vector<16xi32>,
        %gather3A_578 = tpu.vector_load_idx %arg12[%get3A_544] : memref<2048xi32, #tpu.memory_space<vmem>>[vector<16xi32>], vector<16xi32>,
        %swap3A_579 = arith.constant 1 : i32
        %swap3A_580 = arith.index_cast %swap3A_579 : i32 to index
        %swap3A_581 = arith.constant 0 : index
        %swap3A_582 = tpu.vector_load %arg16[%swap3A_580, %swap3A_581] {strides = array<i32>} : memref<2x32xi32, #tpu.memory_space<vmem>>, vector<16xi32>,
        tpu.vector_store %arg16[%swap3A_580, %swap3A_581], %gather3A_578 {strides = array<i32>} : memref<2x32xi32, #tpu.memory_space<vmem>>, vector<16xi32>,
        %broadcast_in_dim3A_583 = arith.constant 0 : i32
        %broadcast_in_dim3A_584 = vector.broadcast %broadcast_in_dim3A_583 : i32 to vector<16xi32>
        %ge3A_585 = arith.constant 1 : i32
        %ge3A_586 = vector.broadcast %ge3A_585 : i32 to vector<16xi32>
        %ge3A_587 = arith.cmpi sge, %add3A_548, %ge3A_586 : vector<16xi32>
        %convert_element_type3A_588 = arith.extui %ge3A_587 : vector<16xi1> to vector<16xi32>
        %add3A_589 = arith.addi %broadcast_in_dim3A_584, %convert_element_type3A_588 : vector<16xi32>
        %ge3A_590 = arith.constant 2 : i32
        %ge3A_591 = vector.broadcast %ge3A_590 : i32 to vector<16xi32>
        %ge3A_592 = arith.cmpi sge, %add3A_548, %ge3A_591 : vector<16xi32>
        %convert_element_type3A_593 = arith.extui %ge3A_592 : vector<16xi1> to vector<16xi32>
        %add3A_594 = arith.addi %add3A_589, %convert_element_type3A_593 : vector<16xi32>
        %ge3A_595 = arith.constant 3 : i32
        %ge3A_596 = vector.broadcast %ge3A_595 : i32 to vector<16xi32>
        %ge3A_597 = arith.cmpi sge, %add3A_548, %ge3A_596 : vector<16xi32>
        %convert_element_type3A_598 = arith.extui %ge3A_597 : vector<16xi1> to vector<16xi32>
        %add3A_599 = arith.addi %add3A_594, %convert_element_type3A_598 : vector<16xi32>
        %ge3A_600 = arith.constant 4 : i32
        %ge3A_601 = vector.broadcast %ge3A_600 : i32 to vector<16xi32>
        %ge3A_602 = arith.cmpi sge, %add3A_548, %ge3A_601 : vector<16xi32>
        %convert_element_type3A_603 = arith.extui %ge3A_602 : vector<16xi1> to vector<16xi32>
        %add3A_604 = arith.addi %add3A_599, %convert_element_type3A_603 : vector<16xi32>
        %ge3A_605 = arith.constant 5 : i32
        %ge3A_606 = vector.broadcast %ge3A_605 : i32 to vector<16xi32>
        %ge3A_607 = arith.cmpi sge, %add3A_548, %ge3A_606 : vector<16xi32>
        %convert_element_type3A_608 = arith.extui %ge3A_607 : vector<16xi1> to vector<16xi32>
        %add3A_609 = arith.addi %add3A_604, %convert_element_type3A_608 : vector<16xi32>
        %ge3A_610 = arith.constant 7 : i32
        %ge3A_611 = vector.broadcast %ge3A_610 : i32 to vector<16xi32>
        %ge3A_612 = arith.cmpi sge, %add3A_548, %ge3A_611 : vector<16xi32>
        %convert_element_type3A_613 = arith.extui %ge3A_612 : vector<16xi1> to vector<16xi32>
        %add3A_614 = arith.addi %add3A_609, %convert_element_type3A_613 : vector<16xi32>
        %ge3A_615 = arith.constant 8 : i32
        %ge3A_616 = vector.broadcast %ge3A_615 : i32 to vector<16xi32>
        %ge3A_617 = arith.cmpi sge, %add3A_548, %ge3A_616 : vector<16xi32>
        %convert_element_type3A_618 = arith.extui %ge3A_617 : vector<16xi1> to vector<16xi32>
        %add3A_619 = arith.addi %add3A_614, %convert_element_type3A_618 : vector<16xi32>
        %ge3A_620 = arith.constant 9 : i32
        %ge3A_621 = vector.broadcast %ge3A_620 : i32 to vector<16xi32>
        %ge3A_622 = arith.cmpi sge, %add3A_548, %ge3A_621 : vector<16xi32>
        %convert_element_type3A_623 = arith.extui %ge3A_622 : vector<16xi1> to vector<16xi32>
        %add3A_624 = arith.addi %add3A_619, %convert_element_type3A_623 : vector<16xi32>
        %ge3A_625 = arith.constant 10 : i32
        %ge3A_626 = vector.broadcast %ge3A_625 : i32 to vector<16xi32>
        %ge3A_627 = arith.cmpi sge, %add3A_548, %ge3A_626 : vector<16xi32>
        %convert_element_type3A_628 = arith.extui %ge3A_627 : vector<16xi1> to vector<16xi32>
        %add3A_629 = arith.addi %add3A_624, %convert_element_type3A_628 : vector<16xi32>
        %ge3A_630 = arith.constant 15 : i32
        %ge3A_631 = vector.broadcast %ge3A_630 : i32 to vector<16xi32>
        %ge3A_632 = arith.cmpi sge, %add3A_548, %ge3A_631 : vector<16xi32>
        %convert_element_type3A_633 = arith.extui %ge3A_632 : vector<16xi1> to vector<16xi32>
        %add3A_634 = arith.addi %add3A_629, %convert_element_type3A_633 : vector<16xi32>
        %ge3A_635 = arith.constant 16 : i32
        %ge3A_636 = vector.broadcast %ge3A_635 : i32 to vector<16xi32>
        %ge3A_637 = arith.cmpi sge, %add3A_548, %ge3A_636 : vector<16xi32>
        %convert_element_type3A_638 = arith.extui %ge3A_637 : vector<16xi1> to vector<16xi32>
        %add3A_639 = arith.addi %add3A_634, %convert_element_type3A_638 : vector<16xi32>
        %ge3A_640 = arith.constant 31 : i32
        %ge3A_641 = vector.broadcast %ge3A_640 : i32 to vector<16xi32>
        %ge3A_642 = arith.cmpi sge, %add3A_548, %ge3A_641 : vector<16xi32>
        %convert_element_type3A_643 = arith.extui %ge3A_642 : vector<16xi1> to vector<16xi32>
        %add3A_644 = arith.addi %add3A_639, %convert_element_type3A_643 : vector<16xi32>
        %ge3A_645 = arith.constant 32 : i32
        %ge3A_646 = vector.broadcast %ge3A_645 : i32 to vector<16xi32>
        %ge3A_647 = arith.cmpi sge, %add3A_548, %ge3A_646 : vector<16xi32>
        %convert_element_type3A_648 = arith.extui %ge3A_647 : vector<16xi1> to vector<16xi32>
        %add3A_649 = arith.addi %add3A_644, %convert_element_type3A_648 : vector<16xi32>
        %ge3A_650 = arith.constant 63 : i32
        %ge3A_651 = vector.broadcast %ge3A_650 : i32 to vector<16xi32>
        %ge3A_652 = arith.cmpi sge, %add3A_548, %ge3A_651 : vector<16xi32>
        %convert_element_type3A_653 = arith.extui %ge3A_652 : vector<16xi1> to vector<16xi32>
        %add3A_654 = arith.addi %add3A_649, %convert_element_type3A_653 : vector<16xi32>
        %ge3A_655 = arith.constant 64 : i32
        %ge3A_656 = vector.broadcast %ge3A_655 : i32 to vector<16xi32>
        %ge3A_657 = arith.cmpi sge, %add3A_548, %ge3A_656 : vector<16xi32>
        %convert_element_type3A_658 = arith.extui %ge3A_657 : vector<16xi1> to vector<16xi32>
        %add3A_659 = arith.addi %add3A_654, %convert_element_type3A_658 : vector<16xi32>
        %swap3A_660 = arith.constant 1 : i32
        %swap3A_661 = arith.index_cast %swap3A_660 : i32 to index
        %swap3A_662 = arith.constant 0 : index
        %swap3A_663 = tpu.vector_load %arg17[%swap3A_661, %swap3A_662] {strides = array<i32>} : memref<2x32xi32, #tpu.memory_space<vmem>>, vector<16xi32>,
        tpu.vector_store %arg17[%swap3A_661, %swap3A_662], %add3A_659 {strides = array<i32>} : memref<2x32xi32, #tpu.memory_space<vmem>>, vector<16xi32>,
        %mul3A_664 = arith.constant 32 : i32
        %mul3A_665 = arith.muli %add3A_536, %mul3A_664 : i32
        %add3A_666 = arith.constant 16 : i32
        %add3A_667 = arith.addi %mul3A_665, %add3A_666 : i32
        %get3A_668 = arith.index_cast %add3A_667 : i32 to index
        %get3A_669 = tpu.vector_load %arg10[%get3A_668] {strides = array<i32>} : memref<512xi32, #tpu.memory_space<vmem>>, vector<16xi32>,
        %get3A_670 = arith.index_cast %add3A_667 : i32 to index
        %get3A_671 = tpu.vector_load %arg11[%get3A_670] {strides = array<i32>} : memref<512xi32, #tpu.memory_space<vmem>>, vector<16xi32>,
        %sub3A_672 = arith.subi %get3A_671, %get3A_669 : vector<16xi32>
        %add3A_673 = arith.constant 1 : i32
        %add3A_674 = vector.broadcast %add3A_673 : i32 to vector<16xi32>
        %add3A_675 = arith.addi %sub3A_672, %add3A_674 : vector<16xi32>
        %convert_element_type3A_676 = arith.sitofp %add3A_675 : vector<16xi32> to vector<16xf32>
        %div3A_677 = arith.constant 1.000000e+00 : f32
        %div3A_678 = vector.broadcast %div3A_677 : f32 to vector<16xf32>
        %div3A_679 = arith.divf %div3A_678, %convert_element_type3A_676 : vector<16xf32>
        %swap3A_680 = arith.constant 1 : i32
        %swap3A_681 = arith.index_cast %swap3A_680 : i32 to index
        %swap3A_682 = arith.constant 16 : index
        %swap3A_683 = tpu.vector_load %arg18[%swap3A_681, %swap3A_682] {strides = array<i32>} : memref<2x32xf32, #tpu.memory_space<vmem>>, vector<16xf32>,
        tpu.vector_store %arg18[%swap3A_681, %swap3A_682], %div3A_679 {strides = array<i32>} : memref<2x32xf32, #tpu.memory_space<vmem>>, vector<16xf32>,
        %mul3A_684 = arith.constant 2048 : i32
        %mul3A_685 = arith.muli %select_n3A, %mul3A_684 : i32
        %add3A_686 = vector.broadcast %mul3A_685 : i32 to vector<16xi32>
        %add3A_687 = arith.addi %get3A_669, %add3A_686 : vector<16xi32>
        %swap3A_688 = arith.constant 1 : i32
        %swap3A_689 = arith.index_cast %swap3A_688 : i32 to index
        %swap3A_690 = arith.constant 16 : index
        %swap3A_691 = tpu.vector_load %arg13[%swap3A_689, %swap3A_690] {strides = array<i32>} : memref<2x32xi32, #tpu.memory_space<vmem>>, vector<16xi32>,
        tpu.vector_store %arg13[%swap3A_689, %swap3A_690], %add3A_687 {strides = array<i32>} : memref<2x32xi32, #tpu.memory_space<vmem>>, vector<16xi32>,
        %mul3A_692 = arith.constant 2048 : i32
        %mul3A_693 = arith.muli %select_n3A, %mul3A_692 : i32
        %add3A_694 = vector.broadcast %mul3A_693 : i32 to vector<16xi32>
        %add3A_695 = arith.addi %get3A_671, %add3A_694 : vector<16xi32>
        %swap3A_696 = arith.constant 1 : i32
        %swap3A_697 = arith.index_cast %swap3A_696 : i32 to index
        %swap3A_698 = arith.constant 16 : index
        %swap3A_699 = tpu.vector_load %arg14[%swap3A_697, %swap3A_698] {strides = array<i32>} : memref<2x32xi32, #tpu.memory_space<vmem>>, vector<16xi32>,
        tpu.vector_store %arg14[%swap3A_697, %swap3A_698], %add3A_695 {strides = array<i32>} : memref<2x32xi32, #tpu.memory_space<vmem>>, vector<16xi32>,
        %gather3A_700 = tpu.vector_load_idx %arg12[%get3A_669] : memref<2048xi32, #tpu.memory_space<vmem>>[vector<16xi32>], vector<16xi32>,
        %swap3A_701 = arith.constant 1 : i32
        %swap3A_702 = arith.index_cast %swap3A_701 : i32 to index
        %swap3A_703 = arith.constant 16 : index
        %swap3A_704 = tpu.vector_load %arg15[%swap3A_702, %swap3A_703] {strides = array<i32>} : memref<2x32xi32, #tpu.memory_space<vmem>>, vector<16xi32>,
        tpu.vector_store %arg15[%swap3A_702, %swap3A_703], %gather3A_700 {strides = array<i32>} : memref<2x32xi32, #tpu.memory_space<vmem>>, vector<16xi32>,
        %gather3A_705 = tpu.vector_load_idx %arg12[%get3A_671] : memref<2048xi32, #tpu.memory_space<vmem>>[vector<16xi32>], vector<16xi32>,
        %swap3A_706 = arith.constant 1 : i32
        %swap3A_707 = arith.index_cast %swap3A_706 : i32 to index
        %swap3A_708 = arith.constant 16 : index
        %swap3A_709 = tpu.vector_load %arg16[%swap3A_707, %swap3A_708] {strides = array<i32>} : memref<2x32xi32, #tpu.memory_space<vmem>>, vector<16xi32>,
        tpu.vector_store %arg16[%swap3A_707, %swap3A_708], %gather3A_705 {strides = array<i32>} : memref<2x32xi32, #tpu.memory_space<vmem>>, vector<16xi32>,
        %broadcast_in_dim3A_710 = arith.constant 0 : i32
        %broadcast_in_dim3A_711 = vector.broadcast %broadcast_in_dim3A_710 : i32 to vector<16xi32>
        %ge3A_712 = arith.constant 1 : i32
        %ge3A_713 = vector.broadcast %ge3A_712 : i32 to vector<16xi32>
        %ge3A_714 = arith.cmpi sge, %add3A_675, %ge3A_713 : vector<16xi32>
        %convert_element_type3A_715 = arith.extui %ge3A_714 : vector<16xi1> to vector<16xi32>
        %add3A_716 = arith.addi %broadcast_in_dim3A_711, %convert_element_type3A_715 : vector<16xi32>
        %ge3A_717 = arith.constant 2 : i32
        %ge3A_718 = vector.broadcast %ge3A_717 : i32 to vector<16xi32>
        %ge3A_719 = arith.cmpi sge, %add3A_675, %ge3A_718 : vector<16xi32>
        %convert_element_type3A_720 = arith.extui %ge3A_719 : vector<16xi1> to vector<16xi32>
        %add3A_721 = arith.addi %add3A_716, %convert_element_type3A_720 : vector<16xi32>
        %ge3A_722 = arith.constant 3 : i32
        %ge3A_723 = vector.broadcast %ge3A_722 : i32 to vector<16xi32>
        %ge3A_724 = arith.cmpi sge, %add3A_675, %ge3A_723 : vector<16xi32>
        %convert_element_type3A_725 = arith.extui %ge3A_724 : vector<16xi1> to vector<16xi32>
        %add3A_726 = arith.addi %add3A_721, %convert_element_type3A_725 : vector<16xi32>
        %ge3A_727 = arith.constant 4 : i32
        %ge3A_728 = vector.broadcast %ge3A_727 : i32 to vector<16xi32>
        %ge3A_729 = arith.cmpi sge, %add3A_675, %ge3A_728 : vector<16xi32>
        %convert_element_type3A_730 = arith.extui %ge3A_729 : vector<16xi1> to vector<16xi32>
        %add3A_731 = arith.addi %add3A_726, %convert_element_type3A_730 : vector<16xi32>
        %ge3A_732 = arith.constant 5 : i32
        %ge3A_733 = vector.broadcast %ge3A_732 : i32 to vector<16xi32>
        %ge3A_734 = arith.cmpi sge, %add3A_675, %ge3A_733 : vector<16xi32>
        %convert_element_type3A_735 = arith.extui %ge3A_734 : vector<16xi1> to vector<16xi32>
        %add3A_736 = arith.addi %add3A_731, %convert_element_type3A_735 : vector<16xi32>
        %ge3A_737 = arith.constant 7 : i32
        %ge3A_738 = vector.broadcast %ge3A_737 : i32 to vector<16xi32>
        %ge3A_739 = arith.cmpi sge, %add3A_675, %ge3A_738 : vector<16xi32>
        %convert_element_type3A_740 = arith.extui %ge3A_739 : vector<16xi1> to vector<16xi32>
        %add3A_741 = arith.addi %add3A_736, %convert_element_type3A_740 : vector<16xi32>
        %ge3A_742 = arith.constant 8 : i32
        %ge3A_743 = vector.broadcast %ge3A_742 : i32 to vector<16xi32>
        %ge3A_744 = arith.cmpi sge, %add3A_675, %ge3A_743 : vector<16xi32>
        %convert_element_type3A_745 = arith.extui %ge3A_744 : vector<16xi1> to vector<16xi32>
        %add3A_746 = arith.addi %add3A_741, %convert_element_type3A_745 : vector<16xi32>
        %ge3A_747 = arith.constant 9 : i32
        %ge3A_748 = vector.broadcast %ge3A_747 : i32 to vector<16xi32>
        %ge3A_749 = arith.cmpi sge, %add3A_675, %ge3A_748 : vector<16xi32>
        %convert_element_type3A_750 = arith.extui %ge3A_749 : vector<16xi1> to vector<16xi32>
        %add3A_751 = arith.addi %add3A_746, %convert_element_type3A_750 : vector<16xi32>
        %ge3A_752 = arith.constant 10 : i32
        %ge3A_753 = vector.broadcast %ge3A_752 : i32 to vector<16xi32>
        %ge3A_754 = arith.cmpi sge, %add3A_675, %ge3A_753 : vector<16xi32>
        %convert_element_type3A_755 = arith.extui %ge3A_754 : vector<16xi1> to vector<16xi32>
        %add3A_756 = arith.addi %add3A_751, %convert_element_type3A_755 : vector<16xi32>
        %ge3A_757 = arith.constant 15 : i32
        %ge3A_758 = vector.broadcast %ge3A_757 : i32 to vector<16xi32>
        %ge3A_759 = arith.cmpi sge, %add3A_675, %ge3A_758 : vector<16xi32>
        %convert_element_type3A_760 = arith.extui %ge3A_759 : vector<16xi1> to vector<16xi32>
        %add3A_761 = arith.addi %add3A_756, %convert_element_type3A_760 : vector<16xi32>
        %ge3A_762 = arith.constant 16 : i32
        %ge3A_763 = vector.broadcast %ge3A_762 : i32 to vector<16xi32>
        %ge3A_764 = arith.cmpi sge, %add3A_675, %ge3A_763 : vector<16xi32>
        %convert_element_type3A_765 = arith.extui %ge3A_764 : vector<16xi1> to vector<16xi32>
        %add3A_766 = arith.addi %add3A_761, %convert_element_type3A_765 : vector<16xi32>
        %ge3A_767 = arith.constant 31 : i32
        %ge3A_768 = vector.broadcast %ge3A_767 : i32 to vector<16xi32>
        %ge3A_769 = arith.cmpi sge, %add3A_675, %ge3A_768 : vector<16xi32>
        %convert_element_type3A_770 = arith.extui %ge3A_769 : vector<16xi1> to vector<16xi32>
        %add3A_771 = arith.addi %add3A_766, %convert_element_type3A_770 : vector<16xi32>
        %ge3A_772 = arith.constant 32 : i32
        %ge3A_773 = vector.broadcast %ge3A_772 : i32 to vector<16xi32>
        %ge3A_774 = arith.cmpi sge, %add3A_675, %ge3A_773 : vector<16xi32>
        %convert_element_type3A_775 = arith.extui %ge3A_774 : vector<16xi1> to vector<16xi32>
        %add3A_776 = arith.addi %add3A_771, %convert_element_type3A_775 : vector<16xi32>
        %ge3A_777 = arith.constant 63 : i32
        %ge3A_778 = vector.broadcast %ge3A_777 : i32 to vector<16xi32>
        %ge3A_779 = arith.cmpi sge, %add3A_675, %ge3A_778 : vector<16xi32>
        %convert_element_type3A_780 = arith.extui %ge3A_779 : vector<16xi1> to vector<16xi32>
        %add3A_781 = arith.addi %add3A_776, %convert_element_type3A_780 : vector<16xi32>
        %ge3A_782 = arith.constant 64 : i32
        %ge3A_783 = vector.broadcast %ge3A_782 : i32 to vector<16xi32>
        %ge3A_784 = arith.cmpi sge, %add3A_675, %ge3A_783 : vector<16xi32>
        %convert_element_type3A_785 = arith.extui %ge3A_784 : vector<16xi1> to vector<16xi32>
        %add3A_786 = arith.addi %add3A_781, %convert_element_type3A_785 : vector<16xi32>
        %swap3A_787 = arith.constant 1 : i32
        %swap3A_788 = arith.index_cast %swap3A_787 : i32 to index
        %swap3A_789 = arith.constant 16 : index
        %swap3A_790 = tpu.vector_load %arg17[%swap3A_788, %swap3A_789] {strides = array<i32>} : memref<2x32xi32, #tpu.memory_space<vmem>>, vector<16xi32>,
        tpu.vector_store %arg17[%swap3A_788, %swap3A_789], %add3A_786 {strides = array<i32>} : memref<2x32xi32, #tpu.memory_space<vmem>>, vector<16xi32>,
        %dma_start3A_791 = arith.constant 1 : i32
        %dma_start3A_792 = arith.constant 1 : i32
        %dma_start3A_793 = arith.constant 0 : i32
        %dma_start3A_794 = arith.constant 0 : i32
        %dma_start3A_795 = tpu.memref_slice %arg20[%dma_start3A_792, %dma_start3A_793, %dma_start3A_794] : memref<2x32x256xf32, #tpu.memory_space<vmem>> -> memref<1x32x256xf32, #tpu.memory_space<vmem>>
        %dma_start3A_796 = tpu.memref_squeeze %dma_start3A_795 : memref<1x32x256xf32, #tpu.memory_space<vmem>> -> memref<32x256xf32, #tpu.memory_space<vmem>>
        %dma_start3A_797 = arith.constant 0 : i32
        %dma_start3A_798 = tpu.memref_slice %arg14[%dma_start3A_791, %dma_start3A_797] : memref<2x32xi32, #tpu.memory_space<vmem>> -> memref<1x32xi32, #tpu.memory_space<vmem>>
        %dma_start3A_799 = tpu.memref_squeeze %dma_start3A_798 : memref<1x32xi32, #tpu.memory_space<vmem>> -> memref<32xi32, #tpu.memory_space<vmem>>
        %dma_start3A_800 = arith.constant 0 : i32
        %dma_start3A_801 = arith.constant 0 : i32
        %dma_start3A_802 = tpu.memref_slice %arg2[%dma_start3A_800, %dma_start3A_801] : memref<16384x256xf32, #tpu.memory_space<hbm>> -> memref<16384x256xf32, #tpu.memory_space<hbm>>
        tpu.enqueue_indirect_dma source(%dma_start3A_802 : memref<16384x256xf32, #tpu.memory_space<hbm>>) target(%dma_start3A_796 : memref<32x256xf32, #tpu.memory_space<vmem>>) offsets(%dma_start3A_799 : memref<32xi32, #tpu.memory_space<vmem>>) semaphore(%arg27 : memref<!tpu.dma_semaphore, #tpu.memory_space<semaphore_mem>>)
        %dma_start3A_803 = arith.constant 1 : i32
        %dma_start3A_804 = arith.constant 1 : i32
        %dma_start3A_805 = arith.constant 0 : i32
        %dma_start3A_806 = arith.constant 0 : i32
        %dma_start3A_807 = tpu.memref_slice %arg19[%dma_start3A_804, %dma_start3A_805, %dma_start3A_806] : memref<2x32x256xf32, #tpu.memory_space<vmem>> -> memref<1x32x256xf32, #tpu.memory_space<vmem>>
        %dma_start3A_808 = tpu.memref_squeeze %dma_start3A_807 : memref<1x32x256xf32, #tpu.memory_space<vmem>> -> memref<32x256xf32, #tpu.memory_space<vmem>>
        %dma_start3A_809 = arith.constant 0 : i32
        %dma_start3A_810 = tpu.memref_slice %arg13[%dma_start3A_803, %dma_start3A_809] : memref<2x32xi32, #tpu.memory_space<vmem>> -> memref<1x32xi32, #tpu.memory_space<vmem>>
        %dma_start3A_811 = tpu.memref_squeeze %dma_start3A_810 : memref<1x32xi32, #tpu.memory_space<vmem>> -> memref<32xi32, #tpu.memory_space<vmem>>
        %dma_start3A_812 = arith.constant 0 : i32
        %dma_start3A_813 = arith.constant 0 : i32
        %dma_start3A_814 = tpu.memref_slice %arg2[%dma_start3A_812, %dma_start3A_813] : memref<16384x256xf32, #tpu.memory_space<hbm>> -> memref<16384x256xf32, #tpu.memory_space<hbm>>
        tpu.enqueue_indirect_dma source(%dma_start3A_814 : memref<16384x256xf32, #tpu.memory_space<hbm>>) target(%dma_start3A_808 : memref<32x256xf32, #tpu.memory_space<vmem>>) offsets(%dma_start3A_811 : memref<32xi32, #tpu.memory_space<vmem>>) semaphore(%arg27 : memref<!tpu.dma_semaphore, #tpu.memory_space<semaphore_mem>>)
        %dma_start3A_815 = arith.constant 1 : i32
        %dma_start3A_816 = arith.constant 1 : i32
        %dma_start3A_817 = arith.constant 0 : i32
        %dma_start3A_818 = arith.constant 0 : i32
        %dma_start3A_819 = tpu.memref_slice %arg21[%dma_start3A_816, %dma_start3A_817, %dma_start3A_818] : memref<2x32x256xf32, #tpu.memory_space<vmem>> -> memref<1x32x256xf32, #tpu.memory_space<vmem>>
        %dma_start3A_820 = tpu.memref_squeeze %dma_start3A_819 : memref<1x32x256xf32, #tpu.memory_space<vmem>> -> memref<32x256xf32, #tpu.memory_space<vmem>>
        %dma_start3A_821 = arith.constant 0 : i32
        %dma_start3A_822 = tpu.memref_slice %arg13[%dma_start3A_815, %dma_start3A_821] : memref<2x32xi32, #tpu.memory_space<vmem>> -> memref<1x32xi32, #tpu.memory_space<vmem>>
        %dma_start3A_823 = tpu.memref_squeeze %dma_start3A_822 : memref<1x32xi32, #tpu.memory_space<vmem>> -> memref<32xi32, #tpu.memory_space<vmem>>
        %dma_start3A_824 = arith.constant 0 : i32
        %dma_start3A_825 = arith.constant 0 : i32
        %dma_start3A_826 = tpu.memref_slice %arg3[%dma_start3A_824, %dma_start3A_825] : memref<16384x256xf32, #tpu.memory_space<hbm>> -> memref<16384x256xf32, #tpu.memory_space<hbm>>
        tpu.enqueue_indirect_dma source(%dma_start3A_826 : memref<16384x256xf32, #tpu.memory_space<hbm>>) target(%dma_start3A_820 : memref<32x256xf32, #tpu.memory_space<vmem>>) offsets(%dma_start3A_823 : memref<32xi32, #tpu.memory_space<vmem>>) semaphore(%arg27 : memref<!tpu.dma_semaphore, #tpu.memory_space<semaphore_mem>>)
        %dma_start3A_827 = arith.constant 1 : i32
        %dma_start3A_828 = arith.constant 1 : i32
        %dma_start3A_829 = arith.constant 0 : i32
        %dma_start3A_830 = arith.constant 0 : i32
        %dma_start3A_831 = tpu.memref_slice %arg22[%dma_start3A_828, %dma_start3A_829, %dma_start3A_830] : memref<2x32x256xf32, #tpu.memory_space<vmem>> -> memref<1x32x256xf32, #tpu.memory_space<vmem>>
        %dma_start3A_832 = tpu.memref_squeeze %dma_start3A_831 : memref<1x32x256xf32, #tpu.memory_space<vmem>> -> memref<32x256xf32, #tpu.memory_space<vmem>>
        %dma_start3A_833 = arith.constant 0 : i32
        %dma_start3A_834 = tpu.memref_slice %arg14[%dma_start3A_827, %dma_start3A_833] : memref<2x32xi32, #tpu.memory_space<vmem>> -> memref<1x32xi32, #tpu.memory_space<vmem>>
        %dma_start3A_835 = tpu.memref_squeeze %dma_start3A_834 : memref<1x32xi32, #tpu.memory_space<vmem>> -> memref<32xi32, #tpu.memory_space<vmem>>
        %dma_start3A_836 = arith.constant 0 : i32
        %dma_start3A_837 = arith.constant 0 : i32
        %dma_start3A_838 = tpu.memref_slice %arg3[%dma_start3A_836, %dma_start3A_837] : memref<16384x256xf32, #tpu.memory_space<hbm>> -> memref<16384x256xf32, #tpu.memory_space<hbm>>
        tpu.enqueue_indirect_dma source(%dma_start3A_838 : memref<16384x256xf32, #tpu.memory_space<hbm>>) target(%dma_start3A_832 : memref<32x256xf32, #tpu.memory_space<vmem>>) offsets(%dma_start3A_835 : memref<32xi32, #tpu.memory_space<vmem>>) semaphore(%arg27 : memref<!tpu.dma_semaphore, #tpu.memory_space<semaphore_mem>>)
      } else {
      }
      %dma_wait3A_370 = arith.constant 0 : i32
      %dma_wait3A_371 = arith.constant 0 : i32
      %dma_wait3A_372 = arith.constant 0 : i32
      %dma_wait3A_373 = arith.constant 0 : i32
      %dma_wait3A_374 = tpu.memref_slice %arg20[%dma_wait3A_371, %dma_wait3A_372, %dma_wait3A_373] : memref<2x32x256xf32, #tpu.memory_space<vmem>> -> memref<1x32x256xf32, #tpu.memory_space<vmem>>
      %dma_wait3A_375 = tpu.memref_squeeze %dma_wait3A_374 : memref<1x32x256xf32, #tpu.memory_space<vmem>> -> memref<32x256xf32, #tpu.memory_space<vmem>>
      %dma_wait3A_376 = arith.constant 0 : i32
      %dma_wait3A_377 = tpu.memref_slice %arg14[%dma_wait3A_370, %dma_wait3A_376] : memref<2x32xi32, #tpu.memory_space<vmem>> -> memref<1x32xi32, #tpu.memory_space<vmem>>
      %dma_wait3A_378 = tpu.memref_squeeze %dma_wait3A_377 : memref<1x32xi32, #tpu.memory_space<vmem>> -> memref<32xi32, #tpu.memory_space<vmem>>
      %dma_wait3A_379 = arith.constant 0 : i32
      %dma_wait3A_380 = arith.constant 0 : i32
      %dma_wait3A_381 = tpu.memref_slice %arg2[%dma_wait3A_379, %dma_wait3A_380] : memref<16384x256xf32, #tpu.memory_space<hbm>> -> memref<16384x256xf32, #tpu.memory_space<hbm>>
      tpu.wait_indirect_dma semaphore(%arg26 : memref<!tpu.dma_semaphore, #tpu.memory_space<semaphore_mem>>) src(%dma_wait3A_381 : memref<16384x256xf32, #tpu.memory_space<hbm>>) dst(%dma_wait3A_375 : memref<32x256xf32, #tpu.memory_space<vmem>>)
      %dma_wait3A_382 = arith.constant 0 : i32
      %dma_wait3A_383 = arith.constant 0 : i32
      %dma_wait3A_384 = arith.constant 0 : i32
      %dma_wait3A_385 = arith.constant 0 : i32
      %dma_wait3A_386 = tpu.memref_slice %arg19[%dma_wait3A_383, %dma_wait3A_384, %dma_wait3A_385] : memref<2x32x256xf32, #tpu.memory_space<vmem>> -> memref<1x32x256xf32, #tpu.memory_space<vmem>>
      %dma_wait3A_387 = tpu.memref_squeeze %dma_wait3A_386 : memref<1x32x256xf32, #tpu.memory_space<vmem>> -> memref<32x256xf32, #tpu.memory_space<vmem>>
      %dma_wait3A_388 = arith.constant 0 : i32
      %dma_wait3A_389 = tpu.memref_slice %arg13[%dma_wait3A_382, %dma_wait3A_388] : memref<2x32xi32, #tpu.memory_space<vmem>> -> memref<1x32xi32, #tpu.memory_space<vmem>>
      %dma_wait3A_390 = tpu.memref_squeeze %dma_wait3A_389 : memref<1x32xi32, #tpu.memory_space<vmem>> -> memref<32xi32, #tpu.memory_space<vmem>>
      %dma_wait3A_391 = arith.constant 0 : i32
      %dma_wait3A_392 = arith.constant 0 : i32
      %dma_wait3A_393 = tpu.memref_slice %arg2[%dma_wait3A_391, %dma_wait3A_392] : memref<16384x256xf32, #tpu.memory_space<hbm>> -> memref<16384x256xf32, #tpu.memory_space<hbm>>
      tpu.wait_indirect_dma semaphore(%arg26 : memref<!tpu.dma_semaphore, #tpu.memory_space<semaphore_mem>>) src(%dma_wait3A_393 : memref<16384x256xf32, #tpu.memory_space<hbm>>) dst(%dma_wait3A_387 : memref<32x256xf32, #tpu.memory_space<vmem>>)
      %dma_wait3A_394 = arith.constant 0 : i32
      %dma_wait3A_395 = arith.constant 0 : i32
      %dma_wait3A_396 = arith.constant 0 : i32
      %dma_wait3A_397 = arith.constant 0 : i32
      %dma_wait3A_398 = tpu.memref_slice %arg21[%dma_wait3A_395, %dma_wait3A_396, %dma_wait3A_397] : memref<2x32x256xf32, #tpu.memory_space<vmem>> -> memref<1x32x256xf32, #tpu.memory_space<vmem>>
      %dma_wait3A_399 = tpu.memref_squeeze %dma_wait3A_398 : memref<1x32x256xf32, #tpu.memory_space<vmem>> -> memref<32x256xf32, #tpu.memory_space<vmem>>
      %dma_wait3A_400 = arith.constant 0 : i32
      %dma_wait3A_401 = tpu.memref_slice %arg13[%dma_wait3A_394, %dma_wait3A_400] : memref<2x32xi32, #tpu.memory_space<vmem>> -> memref<1x32xi32, #tpu.memory_space<vmem>>
      %dma_wait3A_402 = tpu.memref_squeeze %dma_wait3A_401 : memref<1x32xi32, #tpu.memory_space<vmem>> -> memref<32xi32, #tpu.memory_space<vmem>>
      %dma_wait3A_403 = arith.constant 0 : i32
      %dma_wait3A_404 = arith.constant 0 : i32
      %dma_wait3A_405 = tpu.memref_slice %arg3[%dma_wait3A_403, %dma_wait3A_404] : memref<16384x256xf32, #tpu.memory_space<hbm>> -> memref<16384x256xf32, #tpu.memory_space<hbm>>
      tpu.wait_indirect_dma semaphore(%arg26 : memref<!tpu.dma_semaphore, #tpu.memory_space<semaphore_mem>>) src(%dma_wait3A_405 : memref<16384x256xf32, #tpu.memory_space<hbm>>) dst(%dma_wait3A_399 : memref<32x256xf32, #tpu.memory_space<vmem>>)
      %dma_wait3A_406 = arith.constant 0 : i32
      %dma_wait3A_407 = arith.constant 0 : i32
      %dma_wait3A_408 = arith.constant 0 : i32
      %dma_wait3A_409 = arith.constant 0 : i32
      %dma_wait3A_410 = tpu.memref_slice %arg22[%dma_wait3A_407, %dma_wait3A_408, %dma_wait3A_409] : memref<2x32x256xf32, #tpu.memory_space<vmem>> -> memref<1x32x256xf32, #tpu.memory_space<vmem>>
      %dma_wait3A_411 = tpu.memref_squeeze %dma_wait3A_410 : memref<1x32x256xf32, #tpu.memory_space<vmem>> -> memref<32x256xf32, #tpu.memory_space<vmem>>
      %dma_wait3A_412 = arith.constant 0 : i32
      %dma_wait3A_413 = tpu.memref_slice %arg14[%dma_wait3A_406, %dma_wait3A_412] : memref<2x32xi32, #tpu.memory_space<vmem>> -> memref<1x32xi32, #tpu.memory_space<vmem>>
      %dma_wait3A_414 = tpu.memref_squeeze %dma_wait3A_413 : memref<1x32xi32, #tpu.memory_space<vmem>> -> memref<32xi32, #tpu.memory_space<vmem>>
      %dma_wait3A_415 = arith.constant 0 : i32
      %dma_wait3A_416 = arith.constant 0 : i32
      %dma_wait3A_417 = tpu.memref_slice %arg3[%dma_wait3A_415, %dma_wait3A_416] : memref<16384x256xf32, #tpu.memory_space<hbm>> -> memref<16384x256xf32, #tpu.memory_space<hbm>>
      tpu.wait_indirect_dma semaphore(%arg26 : memref<!tpu.dma_semaphore, #tpu.memory_space<semaphore_mem>>) src(%dma_wait3A_417 : memref<16384x256xf32, #tpu.memory_space<hbm>>) dst(%dma_wait3A_411 : memref<32x256xf32, #tpu.memory_space<vmem>>)
      %ge3A_418 = arith.constant 2 : i32
      %ge3A_419 = arith.cmpi sge, %add3A_363, %ge3A_418 : i32
      %convert_element_type3A_420 = arith.extui %ge3A_419 : i1 to i32
      %cond3A_421 = arith.constant 0 : i32
      %cond3A_422 = arith.cmpi ne, %convert_element_type3A_420, %cond3A_421 : i32
      scf.if %cond3A_422 {
        %sub3A_535 = arith.constant 2 : i32
        %sub3A_536 = arith.subi %add3A_363, %sub3A_535 : i32
        %mul3A_537 = arith.constant 32 : i32
        %mul3A_538 = arith.muli %sub3A_536, %mul3A_537 : i32
        %add3A_539 = arith.addi %add3A_35, %mul3A_538 : i32
        %dma_wait3A_540 = arith.constant 0 : i32
        %dma_wait3A_541 = arith.constant 0 : i32
        %dma_wait3A_542 = arith.constant 0 : i32
        %dma_wait3A_543 = tpu.memref_slice %arg25[%dma_wait3A_540, %dma_wait3A_541, %dma_wait3A_542] : memref<2x32x828xf32, #tpu.memory_space<vmem>> -> memref<1x32x828xf32, #tpu.memory_space<vmem>>
        %dma_wait3A_544 = tpu.memref_squeeze %dma_wait3A_543 : memref<1x32x828xf32, #tpu.memory_space<vmem>> -> memref<32x828xf32, #tpu.memory_space<vmem>>
        %dma_wait3A_545 = arith.constant 0 : i32
        %dma_wait3A_546 = tpu.memref_slice %arg9[%add3A_539, %dma_wait3A_545] : memref<16384x828xf32, #tpu.memory_space<hbm>> -> memref<32x828xf32, #tpu.memory_space<hbm>>
        %dma_wait3A_547 = arith.constant 0 : i32
        %dma_wait3A_548 = tpu.memref_slice %arg9[%add3A_539, %dma_wait3A_547] : memref<16384x828xf32, #tpu.memory_space<hbm>> -> memref<32x828xf32, #tpu.memory_space<hbm>>
        %dma_wait3A_549 = arith.constant 0 : i32
        %dma_wait3A_550 = arith.constant 0 : i32
        %dma_wait3A_551 = tpu.memref_slice %arg25[%dma_wait3A_540, %dma_wait3A_549, %dma_wait3A_550] : memref<2x32x828xf32, #tpu.memory_space<vmem>> -> memref<1x32x828xf32, #tpu.memory_space<vmem>>
        %dma_wait3A_552 = tpu.memref_squeeze %dma_wait3A_551 : memref<1x32x828xf32, #tpu.memory_space<vmem>> -> memref<32x828xf32, #tpu.memory_space<vmem>>
        tpu.wait_dma2 semaphore(%arg28 : memref<!tpu.dma_semaphore, #tpu.memory_space<semaphore_mem>>) src(%dma_wait3A_552 : memref<32x828xf32, #tpu.memory_space<vmem>>) dst(%dma_wait3A_548 : memref<32x828xf32, #tpu.memory_space<hbm>>)
      } else {
      }
      %iota3A = tpu.iota {dimensions = array<i32: 0>} : vector<16xi32>
      %scan3A_423 = arith.constant 0 : i32
      %scan3A_424 = arith.constant 0 : i32
      %scan3A_425 = arith.constant 32 : i32
      %scan3A_426 = arith.addi %scan3A_424, %scan3A_425 : i32
      %scan3A_427 = arith.constant 1 : i32
      %scan3A_428 = scf.for %scan3A_535 = %scan3A_424 to %scan3A_426 step %scan3A_427 iter_args(%scan3A_536 = %scan3A_423) -> (i32)  : i32 {
        %broadcast_in_dim3A_537 = arith.constant 0 : i32
        %broadcast_in_dim3A_538 = vector.broadcast %broadcast_in_dim3A_537 : i32 to vector<16xi32>
        %add3A_539 = vector.broadcast %scan3A_535 : i32 to vector<16xi32>
        %add3A_540 = arith.addi %broadcast_in_dim3A_538, %add3A_539 : vector<16xi32>
        %gather3A_541 = arith.constant 0 : i32
        %gather3A_542 = arith.constant 0 : i32
        %gather3A_543 = tpu.memref_slice %arg18[%gather3A_541, %gather3A_542] : memref<2x32xf32, #tpu.memory_space<vmem>> -> memref<1x32xf32, #tpu.memory_space<vmem>>
        %gather3A_544 = tpu.memref_squeeze %gather3A_543 : memref<1x32xf32, #tpu.memory_space<vmem>> -> memref<32xf32, #tpu.memory_space<vmem>>
        %gather3A_545 = tpu.vector_load_idx %gather3A_544[%add3A_540] : memref<32xf32, #tpu.memory_space<vmem>>[vector<16xi32>], vector<16xf32>,
        %get3A_546 = arith.constant 0 : i32
        %get3A_547 = arith.index_cast %get3A_546 : i32 to index
        %get3A_548 = arith.index_cast %scan3A_535 : i32 to index
        %get3A_549 = arith.constant 0 : index
        %get3A_550 = tpu.vector_load %arg22[%get3A_547, %get3A_548, %get3A_549] {strides = array<i32>} : memref<2x32x256xf32, #tpu.memory_space<vmem>>, vector<16xf32>,
        %get3A_551 = arith.constant 0 : i32
        %get3A_552 = arith.index_cast %get3A_551 : i32 to index
        %get3A_553 = arith.index_cast %scan3A_535 : i32 to index
        %get3A_554 = arith.constant 0 : index
        %get3A_555 = tpu.vector_load %arg20[%get3A_552, %get3A_553, %get3A_554] {strides = array<i32>} : memref<2x32x256xf32, #tpu.memory_space<vmem>>, vector<16xf32>,
        %get3A_556 = arith.constant 0 : i32
        %get3A_557 = arith.index_cast %get3A_556 : i32 to index
        %get3A_558 = arith.index_cast %scan3A_535 : i32 to index
        %get3A_559 = arith.constant 0 : index
        %get3A_560 = tpu.vector_load %arg19[%get3A_557, %get3A_558, %get3A_559] {strides = array<i32>} : memref<2x32x256xf32, #tpu.memory_space<vmem>>, vector<16xf32>,
        %sub3A_561 = arith.subf %get3A_555, %get3A_560 : vector<16xf32>
        %add3A_562 = arith.addf %sub3A_561, %get3A_550 : vector<16xf32>
        %mul3A_563 = arith.mulf %add3A_562, %gather3A_545 : vector<16xf32>
        %swap3A_564 = arith.constant 0 : i32
        %swap3A_565 = arith.index_cast %swap3A_564 : i32 to index
        %swap3A_566 = arith.index_cast %scan3A_535 : i32 to index
        %swap3A_567 = arith.constant 0 : index
        %swap3A_568 = tpu.vector_load %arg25[%swap3A_565, %swap3A_566, %swap3A_567] {strides = array<i32>} : memref<2x32x828xf32, #tpu.memory_space<vmem>>, vector<16xf32>,
        tpu.vector_store %arg25[%swap3A_565, %swap3A_566, %swap3A_567], %mul3A_563 {strides = array<i32>} : memref<2x32x828xf32, #tpu.memory_space<vmem>>, vector<16xf32>,
        %get3A_569 = arith.constant 0 : i32
        %get3A_570 = arith.index_cast %get3A_569 : i32 to index
        %get3A_571 = arith.index_cast %scan3A_535 : i32 to index
        %get3A_572 = arith.constant 0 : index
        %get3A_573 = tpu.vector_load %arg21[%get3A_570, %get3A_571, %get3A_572] {strides = array<i32>} : memref<2x32x256xf32, #tpu.memory_space<vmem>>, vector<16xf32>,
        %swap3A_574 = arith.constant 0 : i32
        %swap3A_575 = arith.index_cast %swap3A_574 : i32 to index
        %swap3A_576 = arith.index_cast %scan3A_535 : i32 to index
        %swap3A_577 = arith.constant 256 : index
        %swap3A_578 = tpu.vector_load %arg25[%swap3A_575, %swap3A_576, %swap3A_577] {strides = array<i32>} : memref<2x32x828xf32, #tpu.memory_space<vmem>>, vector<16xf32>,
        tpu.vector_store %arg25[%swap3A_575, %swap3A_576, %swap3A_577], %get3A_573 {strides = array<i32>} : memref<2x32x828xf32, #tpu.memory_space<vmem>>, vector<16xf32>,
        %swap3A_579 = arith.constant 0 : i32
        %swap3A_580 = arith.index_cast %swap3A_579 : i32 to index
        %swap3A_581 = arith.index_cast %scan3A_535 : i32 to index
        %swap3A_582 = arith.constant 532 : index
        %swap3A_583 = tpu.vector_load %arg25[%swap3A_580, %swap3A_581, %swap3A_582] {strides = array<i32>} : memref<2x32x828xf32, #tpu.memory_space<vmem>>, vector<16xf32>,
        tpu.vector_store %arg25[%swap3A_580, %swap3A_581, %swap3A_582], %get3A_550 {strides = array<i32>} : memref<2x32x828xf32, #tpu.memory_space<vmem>>, vector<16xf32>,
        %get3A_584 = arith.constant 0 : i32
        %get3A_585 = arith.index_cast %get3A_584 : i32 to index
        %get3A_586 = arith.index_cast %scan3A_535 : i32 to index
        %get3A_587 = arith.constant 16 : index
        %get3A_588 = tpu.vector_load %arg22[%get3A_585, %get3A_586, %get3A_587] {strides = array<i32>} : memref<2x32x256xf32, #tpu.memory_space<vmem>>, vector<16xf32>,
        %get3A_589 = arith.constant 0 : i32
        %get3A_590 = arith.index_cast %get3A_589 : i32 to index
        %get3A_591 = arith.index_cast %scan3A_535 : i32 to index
        %get3A_592 = arith.constant 16 : index
        %get3A_593 = tpu.vector_load %arg20[%get3A_590, %get3A_591, %get3A_592] {strides = array<i32>} : memref<2x32x256xf32, #tpu.memory_space<vmem>>, vector<16xf32>,
        %get3A_594 = arith.constant 0 : i32
        %get3A_595 = arith.index_cast %get3A_594 : i32 to index
        %get3A_596 = arith.index_cast %scan3A_535 : i32 to index
        %get3A_597 = arith.constant 16 : index
        %get3A_598 = tpu.vector_load %arg19[%get3A_595, %get3A_596, %get3A_597] {strides = array<i32>} : memref<2x32x256xf32, #tpu.memory_space<vmem>>, vector<16xf32>,
        %sub3A_599 = arith.subf %get3A_593, %get3A_598 : vector<16xf32>
        %add3A_600 = arith.addf %sub3A_599, %get3A_588 : vector<16xf32>
        %mul3A_601 = arith.mulf %add3A_600, %gather3A_545 : vector<16xf32>
        %swap3A_602 = arith.constant 0 : i32
        %swap3A_603 = arith.index_cast %swap3A_602 : i32 to index
        %swap3A_604 = arith.index_cast %scan3A_535 : i32 to index
        %swap3A_605 = arith.constant 16 : index
        %swap3A_606 = tpu.vector_load %arg25[%swap3A_603, %swap3A_604, %swap3A_605] {strides = array<i32>} : memref<2x32x828xf32, #tpu.memory_space<vmem>>, vector<16xf32>,
        tpu.vector_store %arg25[%swap3A_603, %swap3A_604, %swap3A_605], %mul3A_601 {strides = array<i32>} : memref<2x32x828xf32, #tpu.memory_space<vmem>>, vector<16xf32>,
        %get3A_607 = arith.constant 0 : i32
        %get3A_608 = arith.index_cast %get3A_607 : i32 to index
        %get3A_609 = arith.index_cast %scan3A_535 : i32 to index
        %get3A_610 = arith.constant 16 : index
        %get3A_611 = tpu.vector_load %arg21[%get3A_608, %get3A_609, %get3A_610] {strides = array<i32>} : memref<2x32x256xf32, #tpu.memory_space<vmem>>, vector<16xf32>,
        %swap3A_612 = arith.constant 0 : i32
        %swap3A_613 = arith.index_cast %swap3A_612 : i32 to index
        %swap3A_614 = arith.index_cast %scan3A_535 : i32 to index
        %swap3A_615 = arith.constant 272 : index
        %swap3A_616 = tpu.vector_load %arg25[%swap3A_613, %swap3A_614, %swap3A_615] {strides = array<i32>} : memref<2x32x828xf32, #tpu.memory_space<vmem>>, vector<16xf32>,
        tpu.vector_store %arg25[%swap3A_613, %swap3A_614, %swap3A_615], %get3A_611 {strides = array<i32>} : memref<2x32x828xf32, #tpu.memory_space<vmem>>, vector<16xf32>,
        %swap3A_617 = arith.constant 0 : i32
        %swap3A_618 = arith.index_cast %swap3A_617 : i32 to index
        %swap3A_619 = arith.index_cast %scan3A_535 : i32 to index
        %swap3A_620 = arith.constant 548 : index
        %swap3A_621 = tpu.vector_load %arg25[%swap3A_618, %swap3A_619, %swap3A_620] {strides = array<i32>} : memref<2x32x828xf32, #tpu.memory_space<vmem>>, vector<16xf32>,
        tpu.vector_store %arg25[%swap3A_618, %swap3A_619, %swap3A_620], %get3A_588 {strides = array<i32>} : memref<2x32x828xf32, #tpu.memory_space<vmem>>, vector<16xf32>,
        %get3A_622 = arith.constant 0 : i32
        %get3A_623 = arith.index_cast %get3A_622 : i32 to index
        %get3A_624 = arith.index_cast %scan3A_535 : i32 to index
        %get3A_625 = arith.constant 32 : index
        %get3A_626 = tpu.vector_load %arg22[%get3A_623, %get3A_624, %get3A_625] {strides = array<i32>} : memref<2x32x256xf32, #tpu.memory_space<vmem>>, vector<16xf32>,
        %get3A_627 = arith.constant 0 : i32
        %get3A_628 = arith.index_cast %get3A_627 : i32 to index
        %get3A_629 = arith.index_cast %scan3A_535 : i32 to index
        %get3A_630 = arith.constant 32 : index
        %get3A_631 = tpu.vector_load %arg20[%get3A_628, %get3A_629, %get3A_630] {strides = array<i32>} : memref<2x32x256xf32, #tpu.memory_space<vmem>>, vector<16xf32>,
        %get3A_632 = arith.constant 0 : i32
        %get3A_633 = arith.index_cast %get3A_632 : i32 to index
        %get3A_634 = arith.index_cast %scan3A_535 : i32 to index
        %get3A_635 = arith.constant 32 : index
        %get3A_636 = tpu.vector_load %arg19[%get3A_633, %get3A_634, %get3A_635] {strides = array<i32>} : memref<2x32x256xf32, #tpu.memory_space<vmem>>, vector<16xf32>,
        %sub3A_637 = arith.subf %get3A_631, %get3A_636 : vector<16xf32>
        %add3A_638 = arith.addf %sub3A_637, %get3A_626 : vector<16xf32>
        %mul3A_639 = arith.mulf %add3A_638, %gather3A_545 : vector<16xf32>
        %swap3A_640 = arith.constant 0 : i32
        %swap3A_641 = arith.index_cast %swap3A_640 : i32 to index
        %swap3A_642 = arith.index_cast %scan3A_535 : i32 to index
        %swap3A_643 = arith.constant 32 : index
        %swap3A_644 = tpu.vector_load %arg25[%swap3A_641, %swap3A_642, %swap3A_643] {strides = array<i32>} : memref<2x32x828xf32, #tpu.memory_space<vmem>>, vector<16xf32>,
        tpu.vector_store %arg25[%swap3A_641, %swap3A_642, %swap3A_643], %mul3A_639 {strides = array<i32>} : memref<2x32x828xf32, #tpu.memory_space<vmem>>, vector<16xf32>,
        %get3A_645 = arith.constant 0 : i32
        %get3A_646 = arith.index_cast %get3A_645 : i32 to index
        %get3A_647 = arith.index_cast %scan3A_535 : i32 to index
        %get3A_648 = arith.constant 32 : index
        %get3A_649 = tpu.vector_load %arg21[%get3A_646, %get3A_647, %get3A_648] {strides = array<i32>} : memref<2x32x256xf32, #tpu.memory_space<vmem>>, vector<16xf32>,
        %swap3A_650 = arith.constant 0 : i32
        %swap3A_651 = arith.index_cast %swap3A_650 : i32 to index
        %swap3A_652 = arith.index_cast %scan3A_535 : i32 to index
        %swap3A_653 = arith.constant 288 : index
        %swap3A_654 = tpu.vector_load %arg25[%swap3A_651, %swap3A_652, %swap3A_653] {strides = array<i32>} : memref<2x32x828xf32, #tpu.memory_space<vmem>>, vector<16xf32>,
        tpu.vector_store %arg25[%swap3A_651, %swap3A_652, %swap3A_653], %get3A_649 {strides = array<i32>} : memref<2x32x828xf32, #tpu.memory_space<vmem>>, vector<16xf32>,
        %swap3A_655 = arith.constant 0 : i32
        %swap3A_656 = arith.index_cast %swap3A_655 : i32 to index
        %swap3A_657 = arith.index_cast %scan3A_535 : i32 to index
        %swap3A_658 = arith.constant 564 : index
        %swap3A_659 = tpu.vector_load %arg25[%swap3A_656, %swap3A_657, %swap3A_658] {strides = array<i32>} : memref<2x32x828xf32, #tpu.memory_space<vmem>>, vector<16xf32>,
        tpu.vector_store %arg25[%swap3A_656, %swap3A_657, %swap3A_658], %get3A_626 {strides = array<i32>} : memref<2x32x828xf32, #tpu.memory_space<vmem>>, vector<16xf32>,
        %get3A_660 = arith.constant 0 : i32
        %get3A_661 = arith.index_cast %get3A_660 : i32 to index
        %get3A_662 = arith.index_cast %scan3A_535 : i32 to index
        %get3A_663 = arith.constant 48 : index
        %get3A_664 = tpu.vector_load %arg22[%get3A_661, %get3A_662, %get3A_663] {strides = array<i32>} : memref<2x32x256xf32, #tpu.memory_space<vmem>>, vector<16xf32>,
        %get3A_665 = arith.constant 0 : i32
        %get3A_666 = arith.index_cast %get3A_665 : i32 to index
        %get3A_667 = arith.index_cast %scan3A_535 : i32 to index
        %get3A_668 = arith.constant 48 : index
        %get3A_669 = tpu.vector_load %arg20[%get3A_666, %get3A_667, %get3A_668] {strides = array<i32>} : memref<2x32x256xf32, #tpu.memory_space<vmem>>, vector<16xf32>,
        %get3A_670 = arith.constant 0 : i32
        %get3A_671 = arith.index_cast %get3A_670 : i32 to index
        %get3A_672 = arith.index_cast %scan3A_535 : i32 to index
        %get3A_673 = arith.constant 48 : index
        %get3A_674 = tpu.vector_load %arg19[%get3A_671, %get3A_672, %get3A_673] {strides = array<i32>} : memref<2x32x256xf32, #tpu.memory_space<vmem>>, vector<16xf32>,
        %sub3A_675 = arith.subf %get3A_669, %get3A_674 : vector<16xf32>
        %add3A_676 = arith.addf %sub3A_675, %get3A_664 : vector<16xf32>
        %mul3A_677 = arith.mulf %add3A_676, %gather3A_545 : vector<16xf32>
        %swap3A_678 = arith.constant 0 : i32
        %swap3A_679 = arith.index_cast %swap3A_678 : i32 to index
        %swap3A_680 = arith.index_cast %scan3A_535 : i32 to index
        %swap3A_681 = arith.constant 48 : index
        %swap3A_682 = tpu.vector_load %arg25[%swap3A_679, %swap3A_680, %swap3A_681] {strides = array<i32>} : memref<2x32x828xf32, #tpu.memory_space<vmem>>, vector<16xf32>,
        tpu.vector_store %arg25[%swap3A_679, %swap3A_680, %swap3A_681], %mul3A_677 {strides = array<i32>} : memref<2x32x828xf32, #tpu.memory_space<vmem>>, vector<16xf32>,
        %get3A_683 = arith.constant 0 : i32
        %get3A_684 = arith.index_cast %get3A_683 : i32 to index
        %get3A_685 = arith.index_cast %scan3A_535 : i32 to index
        %get3A_686 = arith.constant 48 : index
        %get3A_687 = tpu.vector_load %arg21[%get3A_684, %get3A_685, %get3A_686] {strides = array<i32>} : memref<2x32x256xf32, #tpu.memory_space<vmem>>, vector<16xf32>,
        %swap3A_688 = arith.constant 0 : i32
        %swap3A_689 = arith.index_cast %swap3A_688 : i32 to index
        %swap3A_690 = arith.index_cast %scan3A_535 : i32 to index
        %swap3A_691 = arith.constant 304 : index
        %swap3A_692 = tpu.vector_load %arg25[%swap3A_689, %swap3A_690, %swap3A_691] {strides = array<i32>} : memref<2x32x828xf32, #tpu.memory_space<vmem>>, vector<16xf32>,
        tpu.vector_store %arg25[%swap3A_689, %swap3A_690, %swap3A_691], %get3A_687 {strides = array<i32>} : memref<2x32x828xf32, #tpu.memory_space<vmem>>, vector<16xf32>,
        %swap3A_693 = arith.constant 0 : i32
        %swap3A_694 = arith.index_cast %swap3A_693 : i32 to index
        %swap3A_695 = arith.index_cast %scan3A_535 : i32 to index
        %swap3A_696 = arith.constant 580 : index
        %swap3A_697 = tpu.vector_load %arg25[%swap3A_694, %swap3A_695, %swap3A_696] {strides = array<i32>} : memref<2x32x828xf32, #tpu.memory_space<vmem>>, vector<16xf32>,
        tpu.vector_store %arg25[%swap3A_694, %swap3A_695, %swap3A_696], %get3A_664 {strides = array<i32>} : memref<2x32x828xf32, #tpu.memory_space<vmem>>, vector<16xf32>,
        %get3A_698 = arith.constant 0 : i32
        %get3A_699 = arith.index_cast %get3A_698 : i32 to index
        %get3A_700 = arith.index_cast %scan3A_535 : i32 to index
        %get3A_701 = arith.constant 64 : index
        %get3A_702 = tpu.vector_load %arg22[%get3A_699, %get3A_700, %get3A_701] {strides = array<i32>} : memref<2x32x256xf32, #tpu.memory_space<vmem>>, vector<16xf32>,
        %get3A_703 = arith.constant 0 : i32
        %get3A_704 = arith.index_cast %get3A_703 : i32 to index
        %get3A_705 = arith.index_cast %scan3A_535 : i32 to index
        %get3A_706 = arith.constant 64 : index
        %get3A_707 = tpu.vector_load %arg20[%get3A_704, %get3A_705, %get3A_706] {strides = array<i32>} : memref<2x32x256xf32, #tpu.memory_space<vmem>>, vector<16xf32>,
        %get3A_708 = arith.constant 0 : i32
        %get3A_709 = arith.index_cast %get3A_708 : i32 to index
        %get3A_710 = arith.index_cast %scan3A_535 : i32 to index
        %get3A_711 = arith.constant 64 : index
        %get3A_712 = tpu.vector_load %arg19[%get3A_709, %get3A_710, %get3A_711] {strides = array<i32>} : memref<2x32x256xf32, #tpu.memory_space<vmem>>, vector<16xf32>,
        %sub3A_713 = arith.subf %get3A_707, %get3A_712 : vector<16xf32>
        %add3A_714 = arith.addf %sub3A_713, %get3A_702 : vector<16xf32>
        %mul3A_715 = arith.mulf %add3A_714, %gather3A_545 : vector<16xf32>
        %swap3A_716 = arith.constant 0 : i32
        %swap3A_717 = arith.index_cast %swap3A_716 : i32 to index
        %swap3A_718 = arith.index_cast %scan3A_535 : i32 to index
        %swap3A_719 = arith.constant 64 : index
        %swap3A_720 = tpu.vector_load %arg25[%swap3A_717, %swap3A_718, %swap3A_719] {strides = array<i32>} : memref<2x32x828xf32, #tpu.memory_space<vmem>>, vector<16xf32>,
        tpu.vector_store %arg25[%swap3A_717, %swap3A_718, %swap3A_719], %mul3A_715 {strides = array<i32>} : memref<2x32x828xf32, #tpu.memory_space<vmem>>, vector<16xf32>,
        %get3A_721 = arith.constant 0 : i32
        %get3A_722 = arith.index_cast %get3A_721 : i32 to index
        %get3A_723 = arith.index_cast %scan3A_535 : i32 to index
        %get3A_724 = arith.constant 64 : index
        %get3A_725 = tpu.vector_load %arg21[%get3A_722, %get3A_723, %get3A_724] {strides = array<i32>} : memref<2x32x256xf32, #tpu.memory_space<vmem>>, vector<16xf32>,
        %swap3A_726 = arith.constant 0 : i32
        %swap3A_727 = arith.index_cast %swap3A_726 : i32 to index
        %swap3A_728 = arith.index_cast %scan3A_535 : i32 to index
        %swap3A_729 = arith.constant 320 : index
        %swap3A_730 = tpu.vector_load %arg25[%swap3A_727, %swap3A_728, %swap3A_729] {strides = array<i32>} : memref<2x32x828xf32, #tpu.memory_space<vmem>>, vector<16xf32>,
        tpu.vector_store %arg25[%swap3A_727, %swap3A_728, %swap3A_729], %get3A_725 {strides = array<i32>} : memref<2x32x828xf32, #tpu.memory_space<vmem>>, vector<16xf32>,
        %swap3A_731 = arith.constant 0 : i32
        %swap3A_732 = arith.index_cast %swap3A_731 : i32 to index
        %swap3A_733 = arith.index_cast %scan3A_535 : i32 to index
        %swap3A_734 = arith.constant 596 : index
        %swap3A_735 = tpu.vector_load %arg25[%swap3A_732, %swap3A_733, %swap3A_734] {strides = array<i32>} : memref<2x32x828xf32, #tpu.memory_space<vmem>>, vector<16xf32>,
        tpu.vector_store %arg25[%swap3A_732, %swap3A_733, %swap3A_734], %get3A_702 {strides = array<i32>} : memref<2x32x828xf32, #tpu.memory_space<vmem>>, vector<16xf32>,
        %get3A_736 = arith.constant 0 : i32
        %get3A_737 = arith.index_cast %get3A_736 : i32 to index
        %get3A_738 = arith.index_cast %scan3A_535 : i32 to index
        %get3A_739 = arith.constant 80 : index
        %get3A_740 = tpu.vector_load %arg22[%get3A_737, %get3A_738, %get3A_739] {strides = array<i32>} : memref<2x32x256xf32, #tpu.memory_space<vmem>>, vector<16xf32>,
        %get3A_741 = arith.constant 0 : i32
        %get3A_742 = arith.index_cast %get3A_741 : i32 to index
        %get3A_743 = arith.index_cast %scan3A_535 : i32 to index
        %get3A_744 = arith.constant 80 : index
        %get3A_745 = tpu.vector_load %arg20[%get3A_742, %get3A_743, %get3A_744] {strides = array<i32>} : memref<2x32x256xf32, #tpu.memory_space<vmem>>, vector<16xf32>,
        %get3A_746 = arith.constant 0 : i32
        %get3A_747 = arith.index_cast %get3A_746 : i32 to index
        %get3A_748 = arith.index_cast %scan3A_535 : i32 to index
        %get3A_749 = arith.constant 80 : index
        %get3A_750 = tpu.vector_load %arg19[%get3A_747, %get3A_748, %get3A_749] {strides = array<i32>} : memref<2x32x256xf32, #tpu.memory_space<vmem>>, vector<16xf32>,
        %sub3A_751 = arith.subf %get3A_745, %get3A_750 : vector<16xf32>
        %add3A_752 = arith.addf %sub3A_751, %get3A_740 : vector<16xf32>
        %mul3A_753 = arith.mulf %add3A_752, %gather3A_545 : vector<16xf32>
        %swap3A_754 = arith.constant 0 : i32
        %swap3A_755 = arith.index_cast %swap3A_754 : i32 to index
        %swap3A_756 = arith.index_cast %scan3A_535 : i32 to index
        %swap3A_757 = arith.constant 80 : index
        %swap3A_758 = tpu.vector_load %arg25[%swap3A_755, %swap3A_756, %swap3A_757] {strides = array<i32>} : memref<2x32x828xf32, #tpu.memory_space<vmem>>, vector<16xf32>,
        tpu.vector_store %arg25[%swap3A_755, %swap3A_756, %swap3A_757], %mul3A_753 {strides = array<i32>} : memref<2x32x828xf32, #tpu.memory_space<vmem>>, vector<16xf32>,
        %get3A_759 = arith.constant 0 : i32
        %get3A_760 = arith.index_cast %get3A_759 : i32 to index
        %get3A_761 = arith.index_cast %scan3A_535 : i32 to index
        %get3A_762 = arith.constant 80 : index
        %get3A_763 = tpu.vector_load %arg21[%get3A_760, %get3A_761, %get3A_762] {strides = array<i32>} : memref<2x32x256xf32, #tpu.memory_space<vmem>>, vector<16xf32>,
        %swap3A_764 = arith.constant 0 : i32
        %swap3A_765 = arith.index_cast %swap3A_764 : i32 to index
        %swap3A_766 = arith.index_cast %scan3A_535 : i32 to index
        %swap3A_767 = arith.constant 336 : index
        %swap3A_768 = tpu.vector_load %arg25[%swap3A_765, %swap3A_766, %swap3A_767] {strides = array<i32>} : memref<2x32x828xf32, #tpu.memory_space<vmem>>, vector<16xf32>,
        tpu.vector_store %arg25[%swap3A_765, %swap3A_766, %swap3A_767], %get3A_763 {strides = array<i32>} : memref<2x32x828xf32, #tpu.memory_space<vmem>>, vector<16xf32>,
        %swap3A_769 = arith.constant 0 : i32
        %swap3A_770 = arith.index_cast %swap3A_769 : i32 to index
        %swap3A_771 = arith.index_cast %scan3A_535 : i32 to index
        %swap3A_772 = arith.constant 612 : index
        %swap3A_773 = tpu.vector_load %arg25[%swap3A_770, %swap3A_771, %swap3A_772] {strides = array<i32>} : memref<2x32x828xf32, #tpu.memory_space<vmem>>, vector<16xf32>,
        tpu.vector_store %arg25[%swap3A_770, %swap3A_771, %swap3A_772], %get3A_740 {strides = array<i32>} : memref<2x32x828xf32, #tpu.memory_space<vmem>>, vector<16xf32>,
        %get3A_774 = arith.constant 0 : i32
        %get3A_775 = arith.index_cast %get3A_774 : i32 to index
        %get3A_776 = arith.index_cast %scan3A_535 : i32 to index
        %get3A_777 = arith.constant 96 : index
        %get3A_778 = tpu.vector_load %arg22[%get3A_775, %get3A_776, %get3A_777] {strides = array<i32>} : memref<2x32x256xf32, #tpu.memory_space<vmem>>, vector<16xf32>,
        %get3A_779 = arith.constant 0 : i32
        %get3A_780 = arith.index_cast %get3A_779 : i32 to index
        %get3A_781 = arith.index_cast %scan3A_535 : i32 to index
        %get3A_782 = arith.constant 96 : index
        %get3A_783 = tpu.vector_load %arg20[%get3A_780, %get3A_781, %get3A_782] {strides = array<i32>} : memref<2x32x256xf32, #tpu.memory_space<vmem>>, vector<16xf32>,
        %get3A_784 = arith.constant 0 : i32
        %get3A_785 = arith.index_cast %get3A_784 : i32 to index
        %get3A_786 = arith.index_cast %scan3A_535 : i32 to index
        %get3A_787 = arith.constant 96 : index
        %get3A_788 = tpu.vector_load %arg19[%get3A_785, %get3A_786, %get3A_787] {strides = array<i32>} : memref<2x32x256xf32, #tpu.memory_space<vmem>>, vector<16xf32>,
        %sub3A_789 = arith.subf %get3A_783, %get3A_788 : vector<16xf32>
        %add3A_790 = arith.addf %sub3A_789, %get3A_778 : vector<16xf32>
        %mul3A_791 = arith.mulf %add3A_790, %gather3A_545 : vector<16xf32>
        %swap3A_792 = arith.constant 0 : i32
        %swap3A_793 = arith.index_cast %swap3A_792 : i32 to index
        %swap3A_794 = arith.index_cast %scan3A_535 : i32 to index
        %swap3A_795 = arith.constant 96 : index
        %swap3A_796 = tpu.vector_load %arg25[%swap3A_793, %swap3A_794, %swap3A_795] {strides = array<i32>} : memref<2x32x828xf32, #tpu.memory_space<vmem>>, vector<16xf32>,
        tpu.vector_store %arg25[%swap3A_793, %swap3A_794, %swap3A_795], %mul3A_791 {strides = array<i32>} : memref<2x32x828xf32, #tpu.memory_space<vmem>>, vector<16xf32>,
        %get3A_797 = arith.constant 0 : i32
        %get3A_798 = arith.index_cast %get3A_797 : i32 to index
        %get3A_799 = arith.index_cast %scan3A_535 : i32 to index
        %get3A_800 = arith.constant 96 : index
        %get3A_801 = tpu.vector_load %arg21[%get3A_798, %get3A_799, %get3A_800] {strides = array<i32>} : memref<2x32x256xf32, #tpu.memory_space<vmem>>, vector<16xf32>,
        %swap3A_802 = arith.constant 0 : i32
        %swap3A_803 = arith.index_cast %swap3A_802 : i32 to index
        %swap3A_804 = arith.index_cast %scan3A_535 : i32 to index
        %swap3A_805 = arith.constant 352 : index
        %swap3A_806 = tpu.vector_load %arg25[%swap3A_803, %swap3A_804, %swap3A_805] {strides = array<i32>} : memref<2x32x828xf32, #tpu.memory_space<vmem>>, vector<16xf32>,
        tpu.vector_store %arg25[%swap3A_803, %swap3A_804, %swap3A_805], %get3A_801 {strides = array<i32>} : memref<2x32x828xf32, #tpu.memory_space<vmem>>, vector<16xf32>,
        %swap3A_807 = arith.constant 0 : i32
        %swap3A_808 = arith.index_cast %swap3A_807 : i32 to index
        %swap3A_809 = arith.index_cast %scan3A_535 : i32 to index
        %swap3A_810 = arith.constant 628 : index
        %swap3A_811 = tpu.vector_load %arg25[%swap3A_808, %swap3A_809, %swap3A_810] {strides = array<i32>} : memref<2x32x828xf32, #tpu.memory_space<vmem>>, vector<16xf32>,
        tpu.vector_store %arg25[%swap3A_808, %swap3A_809, %swap3A_810], %get3A_778 {strides = array<i32>} : memref<2x32x828xf32, #tpu.memory_space<vmem>>, vector<16xf32>,
        %get3A_812 = arith.constant 0 : i32
        %get3A_813 = arith.index_cast %get3A_812 : i32 to index
        %get3A_814 = arith.index_cast %scan3A_535 : i32 to index
        %get3A_815 = arith.constant 112 : index
        %get3A_816 = tpu.vector_load %arg22[%get3A_813, %get3A_814, %get3A_815] {strides = array<i32>} : memref<2x32x256xf32, #tpu.memory_space<vmem>>, vector<16xf32>,
        %get3A_817 = arith.constant 0 : i32
        %get3A_818 = arith.index_cast %get3A_817 : i32 to index
        %get3A_819 = arith.index_cast %scan3A_535 : i32 to index
        %get3A_820 = arith.constant 112 : index
        %get3A_821 = tpu.vector_load %arg20[%get3A_818, %get3A_819, %get3A_820] {strides = array<i32>} : memref<2x32x256xf32, #tpu.memory_space<vmem>>, vector<16xf32>,
        %get3A_822 = arith.constant 0 : i32
        %get3A_823 = arith.index_cast %get3A_822 : i32 to index
        %get3A_824 = arith.index_cast %scan3A_535 : i32 to index
        %get3A_825 = arith.constant 112 : index
        %get3A_826 = tpu.vector_load %arg19[%get3A_823, %get3A_824, %get3A_825] {strides = array<i32>} : memref<2x32x256xf32, #tpu.memory_space<vmem>>, vector<16xf32>,
        %sub3A_827 = arith.subf %get3A_821, %get3A_826 : vector<16xf32>
        %add3A_828 = arith.addf %sub3A_827, %get3A_816 : vector<16xf32>
        %mul3A_829 = arith.mulf %add3A_828, %gather3A_545 : vector<16xf32>
        %swap3A_830 = arith.constant 0 : i32
        %swap3A_831 = arith.index_cast %swap3A_830 : i32 to index
        %swap3A_832 = arith.index_cast %scan3A_535 : i32 to index
        %swap3A_833 = arith.constant 112 : index
        %swap3A_834 = tpu.vector_load %arg25[%swap3A_831, %swap3A_832, %swap3A_833] {strides = array<i32>} : memref<2x32x828xf32, #tpu.memory_space<vmem>>, vector<16xf32>,
        tpu.vector_store %arg25[%swap3A_831, %swap3A_832, %swap3A_833], %mul3A_829 {strides = array<i32>} : memref<2x32x828xf32, #tpu.memory_space<vmem>>, vector<16xf32>,
        %get3A_835 = arith.constant 0 : i32
        %get3A_836 = arith.index_cast %get3A_835 : i32 to index
        %get3A_837 = arith.index_cast %scan3A_535 : i32 to index
        %get3A_838 = arith.constant 112 : index
        %get3A_839 = tpu.vector_load %arg21[%get3A_836, %get3A_837, %get3A_838] {strides = array<i32>} : memref<2x32x256xf32, #tpu.memory_space<vmem>>, vector<16xf32>,
        %swap3A_840 = arith.constant 0 : i32
        %swap3A_841 = arith.index_cast %swap3A_840 : i32 to index
        %swap3A_842 = arith.index_cast %scan3A_535 : i32 to index
        %swap3A_843 = arith.constant 368 : index
        %swap3A_844 = tpu.vector_load %arg25[%swap3A_841, %swap3A_842, %swap3A_843] {strides = array<i32>} : memref<2x32x828xf32, #tpu.memory_space<vmem>>, vector<16xf32>,
        tpu.vector_store %arg25[%swap3A_841, %swap3A_842, %swap3A_843], %get3A_839 {strides = array<i32>} : memref<2x32x828xf32, #tpu.memory_space<vmem>>, vector<16xf32>,
        %swap3A_845 = arith.constant 0 : i32
        %swap3A_846 = arith.index_cast %swap3A_845 : i32 to index
        %swap3A_847 = arith.index_cast %scan3A_535 : i32 to index
        %swap3A_848 = arith.constant 644 : index
        %swap3A_849 = tpu.vector_load %arg25[%swap3A_846, %swap3A_847, %swap3A_848] {strides = array<i32>} : memref<2x32x828xf32, #tpu.memory_space<vmem>>, vector<16xf32>,
        tpu.vector_store %arg25[%swap3A_846, %swap3A_847, %swap3A_848], %get3A_816 {strides = array<i32>} : memref<2x32x828xf32, #tpu.memory_space<vmem>>, vector<16xf32>,
        %get3A_850 = arith.constant 0 : i32
        %get3A_851 = arith.index_cast %get3A_850 : i32 to index
        %get3A_852 = arith.index_cast %scan3A_535 : i32 to index
        %get3A_853 = arith.constant 128 : index
        %get3A_854 = tpu.vector_load %arg22[%get3A_851, %get3A_852, %get3A_853] {strides = array<i32>} : memref<2x32x256xf32, #tpu.memory_space<vmem>>, vector<16xf32>,
        %get3A_855 = arith.constant 0 : i32
        %get3A_856 = arith.index_cast %get3A_855 : i32 to index
        %get3A_857 = arith.index_cast %scan3A_535 : i32 to index
        %get3A_858 = arith.constant 128 : index
        %get3A_859 = tpu.vector_load %arg20[%get3A_856, %get3A_857, %get3A_858] {strides = array<i32>} : memref<2x32x256xf32, #tpu.memory_space<vmem>>, vector<16xf32>,
        %get3A_860 = arith.constant 0 : i32
        %get3A_861 = arith.index_cast %get3A_860 : i32 to index
        %get3A_862 = arith.index_cast %scan3A_535 : i32 to index
        %get3A_863 = arith.constant 128 : index
        %get3A_864 = tpu.vector_load %arg19[%get3A_861, %get3A_862, %get3A_863] {strides = array<i32>} : memref<2x32x256xf32, #tpu.memory_space<vmem>>, vector<16xf32>,
        %sub3A_865 = arith.subf %get3A_859, %get3A_864 : vector<16xf32>
        %add3A_866 = arith.addf %sub3A_865, %get3A_854 : vector<16xf32>
        %mul3A_867 = arith.mulf %add3A_866, %gather3A_545 : vector<16xf32>
        %swap3A_868 = arith.constant 0 : i32
        %swap3A_869 = arith.index_cast %swap3A_868 : i32 to index
        %swap3A_870 = arith.index_cast %scan3A_535 : i32 to index
        %swap3A_871 = arith.constant 128 : index
        %swap3A_872 = tpu.vector_load %arg25[%swap3A_869, %swap3A_870, %swap3A_871] {strides = array<i32>} : memref<2x32x828xf32, #tpu.memory_space<vmem>>, vector<16xf32>,
        tpu.vector_store %arg25[%swap3A_869, %swap3A_870, %swap3A_871], %mul3A_867 {strides = array<i32>} : memref<2x32x828xf32, #tpu.memory_space<vmem>>, vector<16xf32>,
        %get3A_873 = arith.constant 0 : i32
        %get3A_874 = arith.index_cast %get3A_873 : i32 to index
        %get3A_875 = arith.index_cast %scan3A_535 : i32 to index
        %get3A_876 = arith.constant 128 : index
        %get3A_877 = tpu.vector_load %arg21[%get3A_874, %get3A_875, %get3A_876] {strides = array<i32>} : memref<2x32x256xf32, #tpu.memory_space<vmem>>, vector<16xf32>,
        %swap3A_878 = arith.constant 0 : i32
        %swap3A_879 = arith.index_cast %swap3A_878 : i32 to index
        %swap3A_880 = arith.index_cast %scan3A_535 : i32 to index
        %swap3A_881 = arith.constant 384 : index
        %swap3A_882 = tpu.vector_load %arg25[%swap3A_879, %swap3A_880, %swap3A_881] {strides = array<i32>} : memref<2x32x828xf32, #tpu.memory_space<vmem>>, vector<16xf32>,
        tpu.vector_store %arg25[%swap3A_879, %swap3A_880, %swap3A_881], %get3A_877 {strides = array<i32>} : memref<2x32x828xf32, #tpu.memory_space<vmem>>, vector<16xf32>,
        %swap3A_883 = arith.constant 0 : i32
        %swap3A_884 = arith.index_cast %swap3A_883 : i32 to index
        %swap3A_885 = arith.index_cast %scan3A_535 : i32 to index
        %swap3A_886 = arith.constant 660 : index
        %swap3A_887 = tpu.vector_load %arg25[%swap3A_884, %swap3A_885, %swap3A_886] {strides = array<i32>} : memref<2x32x828xf32, #tpu.memory_space<vmem>>, vector<16xf32>,
        tpu.vector_store %arg25[%swap3A_884, %swap3A_885, %swap3A_886], %get3A_854 {strides = array<i32>} : memref<2x32x828xf32, #tpu.memory_space<vmem>>, vector<16xf32>,
        %get3A_888 = arith.constant 0 : i32
        %get3A_889 = arith.index_cast %get3A_888 : i32 to index
        %get3A_890 = arith.index_cast %scan3A_535 : i32 to index
        %get3A_891 = arith.constant 144 : index
        %get3A_892 = tpu.vector_load %arg22[%get3A_889, %get3A_890, %get3A_891] {strides = array<i32>} : memref<2x32x256xf32, #tpu.memory_space<vmem>>, vector<16xf32>,
        %get3A_893 = arith.constant 0 : i32
        %get3A_894 = arith.index_cast %get3A_893 : i32 to index
        %get3A_895 = arith.index_cast %scan3A_535 : i32 to index
        %get3A_896 = arith.constant 144 : index
        %get3A_897 = tpu.vector_load %arg20[%get3A_894, %get3A_895, %get3A_896] {strides = array<i32>} : memref<2x32x256xf32, #tpu.memory_space<vmem>>, vector<16xf32>,
        %get3A_898 = arith.constant 0 : i32
        %get3A_899 = arith.index_cast %get3A_898 : i32 to index
        %get3A_900 = arith.index_cast %scan3A_535 : i32 to index
        %get3A_901 = arith.constant 144 : index
        %get3A_902 = tpu.vector_load %arg19[%get3A_899, %get3A_900, %get3A_901] {strides = array<i32>} : memref<2x32x256xf32, #tpu.memory_space<vmem>>, vector<16xf32>,
        %sub3A_903 = arith.subf %get3A_897, %get3A_902 : vector<16xf32>
        %add3A_904 = arith.addf %sub3A_903, %get3A_892 : vector<16xf32>
        %mul3A_905 = arith.mulf %add3A_904, %gather3A_545 : vector<16xf32>
        %swap3A_906 = arith.constant 0 : i32
        %swap3A_907 = arith.index_cast %swap3A_906 : i32 to index
        %swap3A_908 = arith.index_cast %scan3A_535 : i32 to index
        %swap3A_909 = arith.constant 144 : index
        %swap3A_910 = tpu.vector_load %arg25[%swap3A_907, %swap3A_908, %swap3A_909] {strides = array<i32>} : memref<2x32x828xf32, #tpu.memory_space<vmem>>, vector<16xf32>,
        tpu.vector_store %arg25[%swap3A_907, %swap3A_908, %swap3A_909], %mul3A_905 {strides = array<i32>} : memref<2x32x828xf32, #tpu.memory_space<vmem>>, vector<16xf32>,
        %get3A_911 = arith.constant 0 : i32
        %get3A_912 = arith.index_cast %get3A_911 : i32 to index
        %get3A_913 = arith.index_cast %scan3A_535 : i32 to index
        %get3A_914 = arith.constant 144 : index
        %get3A_915 = tpu.vector_load %arg21[%get3A_912, %get3A_913, %get3A_914] {strides = array<i32>} : memref<2x32x256xf32, #tpu.memory_space<vmem>>, vector<16xf32>,
        %swap3A_916 = arith.constant 0 : i32
        %swap3A_917 = arith.index_cast %swap3A_916 : i32 to index
        %swap3A_918 = arith.index_cast %scan3A_535 : i32 to index
        %swap3A_919 = arith.constant 400 : index
        %swap3A_920 = tpu.vector_load %arg25[%swap3A_917, %swap3A_918, %swap3A_919] {strides = array<i32>} : memref<2x32x828xf32, #tpu.memory_space<vmem>>, vector<16xf32>,
        tpu.vector_store %arg25[%swap3A_917, %swap3A_918, %swap3A_919], %get3A_915 {strides = array<i32>} : memref<2x32x828xf32, #tpu.memory_space<vmem>>, vector<16xf32>,
        %swap3A_921 = arith.constant 0 : i32
        %swap3A_922 = arith.index_cast %swap3A_921 : i32 to index
        %swap3A_923 = arith.index_cast %scan3A_535 : i32 to index
        %swap3A_924 = arith.constant 676 : index
        %swap3A_925 = tpu.vector_load %arg25[%swap3A_922, %swap3A_923, %swap3A_924] {strides = array<i32>} : memref<2x32x828xf32, #tpu.memory_space<vmem>>, vector<16xf32>,
        tpu.vector_store %arg25[%swap3A_922, %swap3A_923, %swap3A_924], %get3A_892 {strides = array<i32>} : memref<2x32x828xf32, #tpu.memory_space<vmem>>, vector<16xf32>,
        %get3A_926 = arith.constant 0 : i32
        %get3A_927 = arith.index_cast %get3A_926 : i32 to index
        %get3A_928 = arith.index_cast %scan3A_535 : i32 to index
        %get3A_929 = arith.constant 160 : index
        %get3A_930 = tpu.vector_load %arg22[%get3A_927, %get3A_928, %get3A_929] {strides = array<i32>} : memref<2x32x256xf32, #tpu.memory_space<vmem>>, vector<16xf32>,
        %get3A_931 = arith.constant 0 : i32
        %get3A_932 = arith.index_cast %get3A_931 : i32 to index
        %get3A_933 = arith.index_cast %scan3A_535 : i32 to index
        %get3A_934 = arith.constant 160 : index
        %get3A_935 = tpu.vector_load %arg20[%get3A_932, %get3A_933, %get3A_934] {strides = array<i32>} : memref<2x32x256xf32, #tpu.memory_space<vmem>>, vector<16xf32>,
        %get3A_936 = arith.constant 0 : i32
        %get3A_937 = arith.index_cast %get3A_936 : i32 to index
        %get3A_938 = arith.index_cast %scan3A_535 : i32 to index
        %get3A_939 = arith.constant 160 : index
        %get3A_940 = tpu.vector_load %arg19[%get3A_937, %get3A_938, %get3A_939] {strides = array<i32>} : memref<2x32x256xf32, #tpu.memory_space<vmem>>, vector<16xf32>,
        %sub3A_941 = arith.subf %get3A_935, %get3A_940 : vector<16xf32>
        %add3A_942 = arith.addf %sub3A_941, %get3A_930 : vector<16xf32>
        %mul3A_943 = arith.mulf %add3A_942, %gather3A_545 : vector<16xf32>
        %swap3A_944 = arith.constant 0 : i32
        %swap3A_945 = arith.index_cast %swap3A_944 : i32 to index
        %swap3A_946 = arith.index_cast %scan3A_535 : i32 to index
        %swap3A_947 = arith.constant 160 : index
        %swap3A_948 = tpu.vector_load %arg25[%swap3A_945, %swap3A_946, %swap3A_947] {strides = array<i32>} : memref<2x32x828xf32, #tpu.memory_space<vmem>>, vector<16xf32>,
        tpu.vector_store %arg25[%swap3A_945, %swap3A_946, %swap3A_947], %mul3A_943 {strides = array<i32>} : memref<2x32x828xf32, #tpu.memory_space<vmem>>, vector<16xf32>,
        %get3A_949 = arith.constant 0 : i32
        %get3A_950 = arith.index_cast %get3A_949 : i32 to index
        %get3A_951 = arith.index_cast %scan3A_535 : i32 to index
        %get3A_952 = arith.constant 160 : index
        %get3A_953 = tpu.vector_load %arg21[%get3A_950, %get3A_951, %get3A_952] {strides = array<i32>} : memref<2x32x256xf32, #tpu.memory_space<vmem>>, vector<16xf32>,
        %swap3A_954 = arith.constant 0 : i32
        %swap3A_955 = arith.index_cast %swap3A_954 : i32 to index
        %swap3A_956 = arith.index_cast %scan3A_535 : i32 to index
        %swap3A_957 = arith.constant 416 : index
        %swap3A_958 = tpu.vector_load %arg25[%swap3A_955, %swap3A_956, %swap3A_957] {strides = array<i32>} : memref<2x32x828xf32, #tpu.memory_space<vmem>>, vector<16xf32>,
        tpu.vector_store %arg25[%swap3A_955, %swap3A_956, %swap3A_957], %get3A_953 {strides = array<i32>} : memref<2x32x828xf32, #tpu.memory_space<vmem>>, vector<16xf32>,
        %swap3A_959 = arith.constant 0 : i32
        %swap3A_960 = arith.index_cast %swap3A_959 : i32 to index
        %swap3A_961 = arith.index_cast %scan3A_535 : i32 to index
        %swap3A_962 = arith.constant 692 : index
        %swap3A_963 = tpu.vector_load %arg25[%swap3A_960, %swap3A_961, %swap3A_962] {strides = array<i32>} : memref<2x32x828xf32, #tpu.memory_space<vmem>>, vector<16xf32>,
        tpu.vector_store %arg25[%swap3A_960, %swap3A_961, %swap3A_962], %get3A_930 {strides = array<i32>} : memref<2x32x828xf32, #tpu.memory_space<vmem>>, vector<16xf32>,
        %get3A_964 = arith.constant 0 : i32
        %get3A_965 = arith.index_cast %get3A_964 : i32 to index
        %get3A_966 = arith.index_cast %scan3A_535 : i32 to index
        %get3A_967 = arith.constant 176 : index
        %get3A_968 = tpu.vector_load %arg22[%get3A_965, %get3A_966, %get3A_967] {strides = array<i32>} : memref<2x32x256xf32, #tpu.memory_space<vmem>>, vector<16xf32>,
        %get3A_969 = arith.constant 0 : i32
        %get3A_970 = arith.index_cast %get3A_969 : i32 to index
        %get3A_971 = arith.index_cast %scan3A_535 : i32 to index
        %get3A_972 = arith.constant 176 : index
        %get3A_973 = tpu.vector_load %arg20[%get3A_970, %get3A_971, %get3A_972] {strides = array<i32>} : memref<2x32x256xf32, #tpu.memory_space<vmem>>, vector<16xf32>,
        %get3A_974 = arith.constant 0 : i32
        %get3A_975 = arith.index_cast %get3A_974 : i32 to index
        %get3A_976 = arith.index_cast %scan3A_535 : i32 to index
        %get3A_977 = arith.constant 176 : index
        %get3A_978 = tpu.vector_load %arg19[%get3A_975, %get3A_976, %get3A_977] {strides = array<i32>} : memref<2x32x256xf32, #tpu.memory_space<vmem>>, vector<16xf32>,
        %sub3A_979 = arith.subf %get3A_973, %get3A_978 : vector<16xf32>
        %add3A_980 = arith.addf %sub3A_979, %get3A_968 : vector<16xf32>
        %mul3A_981 = arith.mulf %add3A_980, %gather3A_545 : vector<16xf32>
        %swap3A_982 = arith.constant 0 : i32
        %swap3A_983 = arith.index_cast %swap3A_982 : i32 to index
        %swap3A_984 = arith.index_cast %scan3A_535 : i32 to index
        %swap3A_985 = arith.constant 176 : index
        %swap3A_986 = tpu.vector_load %arg25[%swap3A_983, %swap3A_984, %swap3A_985] {strides = array<i32>} : memref<2x32x828xf32, #tpu.memory_space<vmem>>, vector<16xf32>,
        tpu.vector_store %arg25[%swap3A_983, %swap3A_984, %swap3A_985], %mul3A_981 {strides = array<i32>} : memref<2x32x828xf32, #tpu.memory_space<vmem>>, vector<16xf32>,
        %get3A_987 = arith.constant 0 : i32
        %get3A_988 = arith.index_cast %get3A_987 : i32 to index
        %get3A_989 = arith.index_cast %scan3A_535 : i32 to index
        %get3A_990 = arith.constant 176 : index
        %get3A_991 = tpu.vector_load %arg21[%get3A_988, %get3A_989, %get3A_990] {strides = array<i32>} : memref<2x32x256xf32, #tpu.memory_space<vmem>>, vector<16xf32>,
        %swap3A_992 = arith.constant 0 : i32
        %swap3A_993 = arith.index_cast %swap3A_992 : i32 to index
        %swap3A_994 = arith.index_cast %scan3A_535 : i32 to index
        %swap3A_995 = arith.constant 432 : index
        %swap3A_996 = tpu.vector_load %arg25[%swap3A_993, %swap3A_994, %swap3A_995] {strides = array<i32>} : memref<2x32x828xf32, #tpu.memory_space<vmem>>, vector<16xf32>,
        tpu.vector_store %arg25[%swap3A_993, %swap3A_994, %swap3A_995], %get3A_991 {strides = array<i32>} : memref<2x32x828xf32, #tpu.memory_space<vmem>>, vector<16xf32>,
        %swap3A_997 = arith.constant 0 : i32
        %swap3A_998 = arith.index_cast %swap3A_997 : i32 to index
        %swap3A_999 = arith.index_cast %scan3A_535 : i32 to index
        %swap3A_1000 = arith.constant 708 : index
        %swap3A_1001 = tpu.vector_load %arg25[%swap3A_998, %swap3A_999, %swap3A_1000] {strides = array<i32>} : memref<2x32x828xf32, #tpu.memory_space<vmem>>, vector<16xf32>,
        tpu.vector_store %arg25[%swap3A_998, %swap3A_999, %swap3A_1000], %get3A_968 {strides = array<i32>} : memref<2x32x828xf32, #tpu.memory_space<vmem>>, vector<16xf32>,
        %get3A_1002 = arith.constant 0 : i32
        %get3A_1003 = arith.index_cast %get3A_1002 : i32 to index
        %get3A_1004 = arith.index_cast %scan3A_535 : i32 to index
        %get3A_1005 = arith.constant 192 : index
        %get3A_1006 = tpu.vector_load %arg22[%get3A_1003, %get3A_1004, %get3A_1005] {strides = array<i32>} : memref<2x32x256xf32, #tpu.memory_space<vmem>>, vector<16xf32>,
        %get3A_1007 = arith.constant 0 : i32
        %get3A_1008 = arith.index_cast %get3A_1007 : i32 to index
        %get3A_1009 = arith.index_cast %scan3A_535 : i32 to index
        %get3A_1010 = arith.constant 192 : index
        %get3A_1011 = tpu.vector_load %arg20[%get3A_1008, %get3A_1009, %get3A_1010] {strides = array<i32>} : memref<2x32x256xf32, #tpu.memory_space<vmem>>, vector<16xf32>,
        %get3A_1012 = arith.constant 0 : i32
        %get3A_1013 = arith.index_cast %get3A_1012 : i32 to index
        %get3A_1014 = arith.index_cast %scan3A_535 : i32 to index
        %get3A_1015 = arith.constant 192 : index
        %get3A_1016 = tpu.vector_load %arg19[%get3A_1013, %get3A_1014, %get3A_1015] {strides = array<i32>} : memref<2x32x256xf32, #tpu.memory_space<vmem>>, vector<16xf32>,
        %sub3A_1017 = arith.subf %get3A_1011, %get3A_1016 : vector<16xf32>
        %add3A_1018 = arith.addf %sub3A_1017, %get3A_1006 : vector<16xf32>
        %mul3A_1019 = arith.mulf %add3A_1018, %gather3A_545 : vector<16xf32>
        %swap3A_1020 = arith.constant 0 : i32
        %swap3A_1021 = arith.index_cast %swap3A_1020 : i32 to index
        %swap3A_1022 = arith.index_cast %scan3A_535 : i32 to index
        %swap3A_1023 = arith.constant 192 : index
        %swap3A_1024 = tpu.vector_load %arg25[%swap3A_1021, %swap3A_1022, %swap3A_1023] {strides = array<i32>} : memref<2x32x828xf32, #tpu.memory_space<vmem>>, vector<16xf32>,
        tpu.vector_store %arg25[%swap3A_1021, %swap3A_1022, %swap3A_1023], %mul3A_1019 {strides = array<i32>} : memref<2x32x828xf32, #tpu.memory_space<vmem>>, vector<16xf32>,
        %get3A_1025 = arith.constant 0 : i32
        %get3A_1026 = arith.index_cast %get3A_1025 : i32 to index
        %get3A_1027 = arith.index_cast %scan3A_535 : i32 to index
        %get3A_1028 = arith.constant 192 : index
        %get3A_1029 = tpu.vector_load %arg21[%get3A_1026, %get3A_1027, %get3A_1028] {strides = array<i32>} : memref<2x32x256xf32, #tpu.memory_space<vmem>>, vector<16xf32>,
        %swap3A_1030 = arith.constant 0 : i32
        %swap3A_1031 = arith.index_cast %swap3A_1030 : i32 to index
        %swap3A_1032 = arith.index_cast %scan3A_535 : i32 to index
        %swap3A_1033 = arith.constant 448 : index
        %swap3A_1034 = tpu.vector_load %arg25[%swap3A_1031, %swap3A_1032, %swap3A_1033] {strides = array<i32>} : memref<2x32x828xf32, #tpu.memory_space<vmem>>, vector<16xf32>,
        tpu.vector_store %arg25[%swap3A_1031, %swap3A_1032, %swap3A_1033], %get3A_1029 {strides = array<i32>} : memref<2x32x828xf32, #tpu.memory_space<vmem>>, vector<16xf32>,
        %swap3A_1035 = arith.constant 0 : i32
        %swap3A_1036 = arith.index_cast %swap3A_1035 : i32 to index
        %swap3A_1037 = arith.index_cast %scan3A_535 : i32 to index
        %swap3A_1038 = arith.constant 724 : index
        %swap3A_1039 = tpu.vector_load %arg25[%swap3A_1036, %swap3A_1037, %swap3A_1038] {strides = array<i32>} : memref<2x32x828xf32, #tpu.memory_space<vmem>>, vector<16xf32>,
        tpu.vector_store %arg25[%swap3A_1036, %swap3A_1037, %swap3A_1038], %get3A_1006 {strides = array<i32>} : memref<2x32x828xf32, #tpu.memory_space<vmem>>, vector<16xf32>,
        %get3A_1040 = arith.constant 0 : i32
        %get3A_1041 = arith.index_cast %get3A_1040 : i32 to index
        %get3A_1042 = arith.index_cast %scan3A_535 : i32 to index
        %get3A_1043 = arith.constant 208 : index
        %get3A_1044 = tpu.vector_load %arg22[%get3A_1041, %get3A_1042, %get3A_1043] {strides = array<i32>} : memref<2x32x256xf32, #tpu.memory_space<vmem>>, vector<16xf32>,
        %get3A_1045 = arith.constant 0 : i32
        %get3A_1046 = arith.index_cast %get3A_1045 : i32 to index
        %get3A_1047 = arith.index_cast %scan3A_535 : i32 to index
        %get3A_1048 = arith.constant 208 : index
        %get3A_1049 = tpu.vector_load %arg20[%get3A_1046, %get3A_1047, %get3A_1048] {strides = array<i32>} : memref<2x32x256xf32, #tpu.memory_space<vmem>>, vector<16xf32>,
        %get3A_1050 = arith.constant 0 : i32
        %get3A_1051 = arith.index_cast %get3A_1050 : i32 to index
        %get3A_1052 = arith.index_cast %scan3A_535 : i32 to index
        %get3A_1053 = arith.constant 208 : index
        %get3A_1054 = tpu.vector_load %arg19[%get3A_1051, %get3A_1052, %get3A_1053] {strides = array<i32>} : memref<2x32x256xf32, #tpu.memory_space<vmem>>, vector<16xf32>,
        %sub3A_1055 = arith.subf %get3A_1049, %get3A_1054 : vector<16xf32>
        %add3A_1056 = arith.addf %sub3A_1055, %get3A_1044 : vector<16xf32>
        %mul3A_1057 = arith.mulf %add3A_1056, %gather3A_545 : vector<16xf32>
        %swap3A_1058 = arith.constant 0 : i32
        %swap3A_1059 = arith.index_cast %swap3A_1058 : i32 to index
        %swap3A_1060 = arith.index_cast %scan3A_535 : i32 to index
        %swap3A_1061 = arith.constant 208 : index
        %swap3A_1062 = tpu.vector_load %arg25[%swap3A_1059, %swap3A_1060, %swap3A_1061] {strides = array<i32>} : memref<2x32x828xf32, #tpu.memory_space<vmem>>, vector<16xf32>,
        tpu.vector_store %arg25[%swap3A_1059, %swap3A_1060, %swap3A_1061], %mul3A_1057 {strides = array<i32>} : memref<2x32x828xf32, #tpu.memory_space<vmem>>, vector<16xf32>,
        %get3A_1063 = arith.constant 0 : i32
        %get3A_1064 = arith.index_cast %get3A_1063 : i32 to index
        %get3A_1065 = arith.index_cast %scan3A_535 : i32 to index
        %get3A_1066 = arith.constant 208 : index
        %get3A_1067 = tpu.vector_load %arg21[%get3A_1064, %get3A_1065, %get3A_1066] {strides = array<i32>} : memref<2x32x256xf32, #tpu.memory_space<vmem>>, vector<16xf32>,
        %swap3A_1068 = arith.constant 0 : i32
        %swap3A_1069 = arith.index_cast %swap3A_1068 : i32 to index
        %swap3A_1070 = arith.index_cast %scan3A_535 : i32 to index
        %swap3A_1071 = arith.constant 464 : index
        %swap3A_1072 = tpu.vector_load %arg25[%swap3A_1069, %swap3A_1070, %swap3A_1071] {strides = array<i32>} : memref<2x32x828xf32, #tpu.memory_space<vmem>>, vector<16xf32>,
        tpu.vector_store %arg25[%swap3A_1069, %swap3A_1070, %swap3A_1071], %get3A_1067 {strides = array<i32>} : memref<2x32x828xf32, #tpu.memory_space<vmem>>, vector<16xf32>,
        %swap3A_1073 = arith.constant 0 : i32
        %swap3A_1074 = arith.index_cast %swap3A_1073 : i32 to index
        %swap3A_1075 = arith.index_cast %scan3A_535 : i32 to index
        %swap3A_1076 = arith.constant 740 : index
        %swap3A_1077 = tpu.vector_load %arg25[%swap3A_1074, %swap3A_1075, %swap3A_1076] {strides = array<i32>} : memref<2x32x828xf32, #tpu.memory_space<vmem>>, vector<16xf32>,
        tpu.vector_store %arg25[%swap3A_1074, %swap3A_1075, %swap3A_1076], %get3A_1044 {strides = array<i32>} : memref<2x32x828xf32, #tpu.memory_space<vmem>>, vector<16xf32>,
        %get3A_1078 = arith.constant 0 : i32
        %get3A_1079 = arith.index_cast %get3A_1078 : i32 to index
        %get3A_1080 = arith.index_cast %scan3A_535 : i32 to index
        %get3A_1081 = arith.constant 224 : index
        %get3A_1082 = tpu.vector_load %arg22[%get3A_1079, %get3A_1080, %get3A_1081] {strides = array<i32>} : memref<2x32x256xf32, #tpu.memory_space<vmem>>, vector<16xf32>,
        %get3A_1083 = arith.constant 0 : i32
        %get3A_1084 = arith.index_cast %get3A_1083 : i32 to index
        %get3A_1085 = arith.index_cast %scan3A_535 : i32 to index
        %get3A_1086 = arith.constant 224 : index
        %get3A_1087 = tpu.vector_load %arg20[%get3A_1084, %get3A_1085, %get3A_1086] {strides = array<i32>} : memref<2x32x256xf32, #tpu.memory_space<vmem>>, vector<16xf32>,
        %get3A_1088 = arith.constant 0 : i32
        %get3A_1089 = arith.index_cast %get3A_1088 : i32 to index
        %get3A_1090 = arith.index_cast %scan3A_535 : i32 to index
        %get3A_1091 = arith.constant 224 : index
        %get3A_1092 = tpu.vector_load %arg19[%get3A_1089, %get3A_1090, %get3A_1091] {strides = array<i32>} : memref<2x32x256xf32, #tpu.memory_space<vmem>>, vector<16xf32>,
        %sub3A_1093 = arith.subf %get3A_1087, %get3A_1092 : vector<16xf32>
        %add3A_1094 = arith.addf %sub3A_1093, %get3A_1082 : vector<16xf32>
        %mul3A_1095 = arith.mulf %add3A_1094, %gather3A_545 : vector<16xf32>
        %swap3A_1096 = arith.constant 0 : i32
        %swap3A_1097 = arith.index_cast %swap3A_1096 : i32 to index
        %swap3A_1098 = arith.index_cast %scan3A_535 : i32 to index
        %swap3A_1099 = arith.constant 224 : index
        %swap3A_1100 = tpu.vector_load %arg25[%swap3A_1097, %swap3A_1098, %swap3A_1099] {strides = array<i32>} : memref<2x32x828xf32, #tpu.memory_space<vmem>>, vector<16xf32>,
        tpu.vector_store %arg25[%swap3A_1097, %swap3A_1098, %swap3A_1099], %mul3A_1095 {strides = array<i32>} : memref<2x32x828xf32, #tpu.memory_space<vmem>>, vector<16xf32>,
        %get3A_1101 = arith.constant 0 : i32
        %get3A_1102 = arith.index_cast %get3A_1101 : i32 to index
        %get3A_1103 = arith.index_cast %scan3A_535 : i32 to index
        %get3A_1104 = arith.constant 224 : index
        %get3A_1105 = tpu.vector_load %arg21[%get3A_1102, %get3A_1103, %get3A_1104] {strides = array<i32>} : memref<2x32x256xf32, #tpu.memory_space<vmem>>, vector<16xf32>,
        %swap3A_1106 = arith.constant 0 : i32
        %swap3A_1107 = arith.index_cast %swap3A_1106 : i32 to index
        %swap3A_1108 = arith.index_cast %scan3A_535 : i32 to index
        %swap3A_1109 = arith.constant 480 : index
        %swap3A_1110 = tpu.vector_load %arg25[%swap3A_1107, %swap3A_1108, %swap3A_1109] {strides = array<i32>} : memref<2x32x828xf32, #tpu.memory_space<vmem>>, vector<16xf32>,
        tpu.vector_store %arg25[%swap3A_1107, %swap3A_1108, %swap3A_1109], %get3A_1105 {strides = array<i32>} : memref<2x32x828xf32, #tpu.memory_space<vmem>>, vector<16xf32>,
        %swap3A_1111 = arith.constant 0 : i32
        %swap3A_1112 = arith.index_cast %swap3A_1111 : i32 to index
        %swap3A_1113 = arith.index_cast %scan3A_535 : i32 to index
        %swap3A_1114 = arith.constant 756 : index
        %swap3A_1115 = tpu.vector_load %arg25[%swap3A_1112, %swap3A_1113, %swap3A_1114] {strides = array<i32>} : memref<2x32x828xf32, #tpu.memory_space<vmem>>, vector<16xf32>,
        tpu.vector_store %arg25[%swap3A_1112, %swap3A_1113, %swap3A_1114], %get3A_1082 {strides = array<i32>} : memref<2x32x828xf32, #tpu.memory_space<vmem>>, vector<16xf32>,
        %get3A_1116 = arith.constant 0 : i32
        %get3A_1117 = arith.index_cast %get3A_1116 : i32 to index
        %get3A_1118 = arith.index_cast %scan3A_535 : i32 to index
        %get3A_1119 = arith.constant 240 : index
        %get3A_1120 = tpu.vector_load %arg22[%get3A_1117, %get3A_1118, %get3A_1119] {strides = array<i32>} : memref<2x32x256xf32, #tpu.memory_space<vmem>>, vector<16xf32>,
        %get3A_1121 = arith.constant 0 : i32
        %get3A_1122 = arith.index_cast %get3A_1121 : i32 to index
        %get3A_1123 = arith.index_cast %scan3A_535 : i32 to index
        %get3A_1124 = arith.constant 240 : index
        %get3A_1125 = tpu.vector_load %arg20[%get3A_1122, %get3A_1123, %get3A_1124] {strides = array<i32>} : memref<2x32x256xf32, #tpu.memory_space<vmem>>, vector<16xf32>,
        %get3A_1126 = arith.constant 0 : i32
        %get3A_1127 = arith.index_cast %get3A_1126 : i32 to index
        %get3A_1128 = arith.index_cast %scan3A_535 : i32 to index
        %get3A_1129 = arith.constant 240 : index
        %get3A_1130 = tpu.vector_load %arg19[%get3A_1127, %get3A_1128, %get3A_1129] {strides = array<i32>} : memref<2x32x256xf32, #tpu.memory_space<vmem>>, vector<16xf32>,
        %sub3A_1131 = arith.subf %get3A_1125, %get3A_1130 : vector<16xf32>
        %add3A_1132 = arith.addf %sub3A_1131, %get3A_1120 : vector<16xf32>
        %mul3A_1133 = arith.mulf %add3A_1132, %gather3A_545 : vector<16xf32>
        %swap3A_1134 = arith.constant 0 : i32
        %swap3A_1135 = arith.index_cast %swap3A_1134 : i32 to index
        %swap3A_1136 = arith.index_cast %scan3A_535 : i32 to index
        %swap3A_1137 = arith.constant 240 : index
        %swap3A_1138 = tpu.vector_load %arg25[%swap3A_1135, %swap3A_1136, %swap3A_1137] {strides = array<i32>} : memref<2x32x828xf32, #tpu.memory_space<vmem>>, vector<16xf32>,
        tpu.vector_store %arg25[%swap3A_1135, %swap3A_1136, %swap3A_1137], %mul3A_1133 {strides = array<i32>} : memref<2x32x828xf32, #tpu.memory_space<vmem>>, vector<16xf32>,
        %get3A_1139 = arith.constant 0 : i32
        %get3A_1140 = arith.index_cast %get3A_1139 : i32 to index
        %get3A_1141 = arith.index_cast %scan3A_535 : i32 to index
        %get3A_1142 = arith.constant 240 : index
        %get3A_1143 = tpu.vector_load %arg21[%get3A_1140, %get3A_1141, %get3A_1142] {strides = array<i32>} : memref<2x32x256xf32, #tpu.memory_space<vmem>>, vector<16xf32>,
        %swap3A_1144 = arith.constant 0 : i32
        %swap3A_1145 = arith.index_cast %swap3A_1144 : i32 to index
        %swap3A_1146 = arith.index_cast %scan3A_535 : i32 to index
        %swap3A_1147 = arith.constant 496 : index
        %swap3A_1148 = tpu.vector_load %arg25[%swap3A_1145, %swap3A_1146, %swap3A_1147] {strides = array<i32>} : memref<2x32x828xf32, #tpu.memory_space<vmem>>, vector<16xf32>,
        tpu.vector_store %arg25[%swap3A_1145, %swap3A_1146, %swap3A_1147], %get3A_1143 {strides = array<i32>} : memref<2x32x828xf32, #tpu.memory_space<vmem>>, vector<16xf32>,
        %swap3A_1149 = arith.constant 0 : i32
        %swap3A_1150 = arith.index_cast %swap3A_1149 : i32 to index
        %swap3A_1151 = arith.index_cast %scan3A_535 : i32 to index
        %swap3A_1152 = arith.constant 772 : index
        %swap3A_1153 = tpu.vector_load %arg25[%swap3A_1150, %swap3A_1151, %swap3A_1152] {strides = array<i32>} : memref<2x32x828xf32, #tpu.memory_space<vmem>>, vector<16xf32>,
        tpu.vector_store %arg25[%swap3A_1150, %swap3A_1151, %swap3A_1152], %get3A_1120 {strides = array<i32>} : memref<2x32x828xf32, #tpu.memory_space<vmem>>, vector<16xf32>,
        %broadcast_in_dim3A_1154 = arith.constant 0 : i32
        %broadcast_in_dim3A_1155 = vector.broadcast %broadcast_in_dim3A_1154 : i32 to vector<16xi32>
        %add3A_1156 = vector.broadcast %scan3A_535 : i32 to vector<16xi32>
        %add3A_1157 = arith.addi %broadcast_in_dim3A_1155, %add3A_1156 : vector<16xi32>
        %gather3A_1158 = arith.constant 0 : i32
        %gather3A_1159 = arith.constant 0 : i32
        %gather3A_1160 = tpu.memref_slice %arg15[%gather3A_1158, %gather3A_1159] : memref<2x32xi32, #tpu.memory_space<vmem>> -> memref<1x32xi32, #tpu.memory_space<vmem>>
        %gather3A_1161 = tpu.memref_squeeze %gather3A_1160 : memref<1x32xi32, #tpu.memory_space<vmem>> -> memref<32xi32, #tpu.memory_space<vmem>>
        %gather3A_1162 = tpu.vector_load_idx %gather3A_1161[%add3A_1157] : memref<32xi32, #tpu.memory_space<vmem>>[vector<16xi32>], vector<16xi32>,
        %gather3A_1163 = tpu.vector_load_idx %arg23[%gather3A_1162, %iota3A] : memref<31x20xf32, #tpu.memory_space<vmem>>[vector<16xi32>, vector<16xi32>], vector<16xf32>,
        %add3A_1164 = arith.constant 4 : i32
        %add3A_1165 = vector.broadcast %add3A_1164 : i32 to vector<16xi32>
        %add3A_1166 = arith.addi %iota3A, %add3A_1165 : vector<16xi32>
        %gather3A_1167 = tpu.vector_load_idx %arg23[%gather3A_1162, %add3A_1166] : memref<31x20xf32, #tpu.memory_space<vmem>>[vector<16xi32>, vector<16xi32>], vector<16xf32>,
        %swap3A_1168 = arith.constant 0 : i32
        %swap3A_1169 = arith.index_cast %swap3A_1168 : i32 to index
        %swap3A_1170 = arith.index_cast %scan3A_535 : i32 to index
        %swap3A_1171 = arith.constant 512 : index
        %swap3A_1172 = tpu.vector_load %arg25[%swap3A_1169, %swap3A_1170, %swap3A_1171] {strides = array<i32>} : memref<2x32x828xf32, #tpu.memory_space<vmem>>, vector<16xf32>,
        tpu.vector_store %arg25[%swap3A_1169, %swap3A_1170, %swap3A_1171], %gather3A_1163 {strides = array<i32>} : memref<2x32x828xf32, #tpu.memory_space<vmem>>, vector<16xf32>,
        %swap3A_1173 = arith.constant 0 : i32
        %swap3A_1174 = arith.index_cast %swap3A_1173 : i32 to index
        %swap3A_1175 = arith.index_cast %scan3A_535 : i32 to index
        %swap3A_1176 = arith.constant 516 : index
        %swap3A_1177 = tpu.vector_load %arg25[%swap3A_1174, %swap3A_1175, %swap3A_1176] {strides = array<i32>} : memref<2x32x828xf32, #tpu.memory_space<vmem>>, vector<16xf32>,
        tpu.vector_store %arg25[%swap3A_1174, %swap3A_1175, %swap3A_1176], %gather3A_1167 {strides = array<i32>} : memref<2x32x828xf32, #tpu.memory_space<vmem>>, vector<16xf32>,
        %broadcast_in_dim3A_1178 = arith.constant 0 : i32
        %broadcast_in_dim3A_1179 = vector.broadcast %broadcast_in_dim3A_1178 : i32 to vector<16xi32>
        %add3A_1180 = vector.broadcast %scan3A_535 : i32 to vector<16xi32>
        %add3A_1181 = arith.addi %broadcast_in_dim3A_1179, %add3A_1180 : vector<16xi32>
        %gather3A_1182 = arith.constant 0 : i32
        %gather3A_1183 = arith.constant 0 : i32
        %gather3A_1184 = tpu.memref_slice %arg16[%gather3A_1182, %gather3A_1183] : memref<2x32xi32, #tpu.memory_space<vmem>> -> memref<1x32xi32, #tpu.memory_space<vmem>>
        %gather3A_1185 = tpu.memref_squeeze %gather3A_1184 : memref<1x32xi32, #tpu.memory_space<vmem>> -> memref<32xi32, #tpu.memory_space<vmem>>
        %gather3A_1186 = tpu.vector_load_idx %gather3A_1185[%add3A_1181] : memref<32xi32, #tpu.memory_space<vmem>>[vector<16xi32>], vector<16xi32>,
        %gather3A_1187 = tpu.vector_load_idx %arg23[%gather3A_1186, %iota3A] : memref<31x20xf32, #tpu.memory_space<vmem>>[vector<16xi32>, vector<16xi32>], vector<16xf32>,
        %add3A_1188 = arith.constant 4 : i32
        %add3A_1189 = vector.broadcast %add3A_1188 : i32 to vector<16xi32>
        %add3A_1190 = arith.addi %iota3A, %add3A_1189 : vector<16xi32>
        %gather3A_1191 = tpu.vector_load_idx %arg23[%gather3A_1186, %add3A_1190] : memref<31x20xf32, #tpu.memory_space<vmem>>[vector<16xi32>, vector<16xi32>], vector<16xf32>,
        %swap3A_1192 = arith.constant 0 : i32
        %swap3A_1193 = arith.index_cast %swap3A_1192 : i32 to index
        %swap3A_1194 = arith.index_cast %scan3A_535 : i32 to index
        %swap3A_1195 = arith.constant 788 : index
        %swap3A_1196 = tpu.vector_load %arg25[%swap3A_1193, %swap3A_1194, %swap3A_1195] {strides = array<i32>} : memref<2x32x828xf32, #tpu.memory_space<vmem>>, vector<16xf32>,
        tpu.vector_store %arg25[%swap3A_1193, %swap3A_1194, %swap3A_1195], %gather3A_1187 {strides = array<i32>} : memref<2x32x828xf32, #tpu.memory_space<vmem>>, vector<16xf32>,
        %swap3A_1197 = arith.constant 0 : i32
        %swap3A_1198 = arith.index_cast %swap3A_1197 : i32 to index
        %swap3A_1199 = arith.index_cast %scan3A_535 : i32 to index
        %swap3A_1200 = arith.constant 792 : index
        %swap3A_1201 = tpu.vector_load %arg25[%swap3A_1198, %swap3A_1199, %swap3A_1200] {strides = array<i32>} : memref<2x32x828xf32, #tpu.memory_space<vmem>>, vector<16xf32>,
        tpu.vector_store %arg25[%swap3A_1198, %swap3A_1199, %swap3A_1200], %gather3A_1191 {strides = array<i32>} : memref<2x32x828xf32, #tpu.memory_space<vmem>>, vector<16xf32>,
        %broadcast_in_dim3A_1202 = arith.constant 0 : i32
        %broadcast_in_dim3A_1203 = vector.broadcast %broadcast_in_dim3A_1202 : i32 to vector<16xi32>
        %add3A_1204 = vector.broadcast %scan3A_535 : i32 to vector<16xi32>
        %add3A_1205 = arith.addi %broadcast_in_dim3A_1203, %add3A_1204 : vector<16xi32>
        %gather3A_1206 = arith.constant 0 : i32
        %gather3A_1207 = arith.constant 0 : i32
        %gather3A_1208 = tpu.memref_slice %arg17[%gather3A_1206, %gather3A_1207] : memref<2x32xi32, #tpu.memory_space<vmem>> -> memref<1x32xi32, #tpu.memory_space<vmem>>
        %gather3A_1209 = tpu.memref_squeeze %gather3A_1208 : memref<1x32xi32, #tpu.memory_space<vmem>> -> memref<32xi32, #tpu.memory_space<vmem>>
        %gather3A_1210 = tpu.vector_load_idx %gather3A_1209[%add3A_1205] : memref<32xi32, #tpu.memory_space<vmem>>[vector<16xi32>], vector<16xi32>,
        %gather3A_1211 = tpu.vector_load_idx %arg24[%gather3A_1210, %iota3A] : memref<16x20xf32, #tpu.memory_space<vmem>>[vector<16xi32>, vector<16xi32>], vector<16xf32>,
        %add3A_1212 = arith.constant 4 : i32
        %add3A_1213 = vector.broadcast %add3A_1212 : i32 to vector<16xi32>
        %add3A_1214 = arith.addi %iota3A, %add3A_1213 : vector<16xi32>
        %gather3A_1215 = tpu.vector_load_idx %arg24[%gather3A_1210, %add3A_1214] : memref<16x20xf32, #tpu.memory_space<vmem>>[vector<16xi32>, vector<16xi32>], vector<16xf32>,
        %swap3A_1216 = arith.constant 0 : i32
        %swap3A_1217 = arith.index_cast %swap3A_1216 : i32 to index
        %swap3A_1218 = arith.index_cast %scan3A_535 : i32 to index
        %swap3A_1219 = arith.constant 808 : index
        %swap3A_1220 = tpu.vector_load %arg25[%swap3A_1217, %swap3A_1218, %swap3A_1219] {strides = array<i32>} : memref<2x32x828xf32, #tpu.memory_space<vmem>>, vector<16xf32>,
        tpu.vector_store %arg25[%swap3A_1217, %swap3A_1218, %swap3A_1219], %gather3A_1211 {strides = array<i32>} : memref<2x32x828xf32, #tpu.memory_space<vmem>>, vector<16xf32>,
        %swap3A_1221 = arith.constant 0 : i32
        %swap3A_1222 = arith.index_cast %swap3A_1221 : i32 to index
        %swap3A_1223 = arith.index_cast %scan3A_535 : i32 to index
        %swap3A_1224 = arith.constant 812 : index
        %swap3A_1225 = tpu.vector_load %arg25[%swap3A_1222, %swap3A_1223, %swap3A_1224] {strides = array<i32>} : memref<2x32x828xf32, #tpu.memory_space<vmem>>, vector<16xf32>,
        tpu.vector_store %arg25[%swap3A_1222, %swap3A_1223, %swap3A_1224], %gather3A_1215 {strides = array<i32>} : memref<2x32x828xf32, #tpu.memory_space<vmem>>, vector<16xf32>,
        %scan3A_1226 = arith.constant 0 : i32
        scf.yield %scan3A_1226 : i32
      }
      %scan3A_429 = arith.constant 32 : i32
      %mul3A_430 = arith.constant 32 : i32
      %mul3A_431 = arith.muli %add3A_363, %mul3A_430 : i32
      %add3A_432 = arith.addi %add3A_35, %mul3A_431 : i32
      %dma_start3A_433 = arith.constant 0 : i32
      %dma_start3A_434 = arith.constant 0 : i32
      %dma_start3A_435 = arith.constant 0 : i32
      %dma_start3A_436 = tpu.memref_slice %arg25[%dma_start3A_433, %dma_start3A_434, %dma_start3A_435] : memref<2x32x828xf32, #tpu.memory_space<vmem>> -> memref<1x32x828xf32, #tpu.memory_space<vmem>>
      %dma_start3A_437 = tpu.memref_squeeze %dma_start3A_436 : memref<1x32x828xf32, #tpu.memory_space<vmem>> -> memref<32x828xf32, #tpu.memory_space<vmem>>
      %dma_start3A_438 = arith.constant 0 : i32
      %dma_start3A_439 = tpu.memref_slice %arg9[%add3A_432, %dma_start3A_438] : memref<16384x828xf32, #tpu.memory_space<hbm>> -> memref<32x828xf32, #tpu.memory_space<hbm>>
      %dma_start3A_440 = arith.constant 0 : i32
      %dma_start3A_441 = tpu.memref_slice %arg9[%add3A_432, %dma_start3A_440] : memref<16384x828xf32, #tpu.memory_space<hbm>> -> memref<32x828xf32, #tpu.memory_space<hbm>>
      %dma_start3A_442 = arith.constant 0 : i32
      %dma_start3A_443 = arith.constant 0 : i32
      %dma_start3A_444 = tpu.memref_slice %arg25[%dma_start3A_433, %dma_start3A_442, %dma_start3A_443] : memref<2x32x828xf32, #tpu.memory_space<vmem>> -> memref<1x32x828xf32, #tpu.memory_space<vmem>>
      %dma_start3A_445 = tpu.memref_squeeze %dma_start3A_444 : memref<1x32x828xf32, #tpu.memory_space<vmem>> -> memref<32x828xf32, #tpu.memory_space<vmem>>
      tpu.enqueue_dma source(%dma_start3A_445 : memref<32x828xf32, #tpu.memory_space<vmem>>) target(%dma_start3A_441 : memref<32x828xf32, #tpu.memory_space<hbm>>) target_semaphore(%arg28 : memref<!tpu.dma_semaphore, #tpu.memory_space<semaphore_mem>>)
      %mul3A_446 = arith.constant 2 : i32
      %mul3A_447 = arith.muli %mul3A_446, %scan3A_358 : i32
      %add3A_448 = arith.constant 1 : i32
      %add3A_449 = arith.addi %mul3A_447, %add3A_448 : i32
      %add3A_450 = arith.constant 1 : i32
      %add3A_451 = arith.addi %add3A_449, %add3A_450 : i32
      %lt3A_452 = arith.constant 16 : i32
      %lt3A_453 = arith.cmpi slt, %add3A_451, %lt3A_452 : i32
      %convert_element_type3A_454 = arith.extui %lt3A_453 : i1 to i32
      %cond3A_455 = arith.constant 0 : i32
      %cond3A_456 = arith.cmpi ne, %convert_element_type3A_454, %cond3A_455 : i32
      scf.if %cond3A_456 {
        %add3A_535 = arith.constant 1 : i32
        %add3A_536 = arith.addi %add3A_449, %add3A_535 : i32
        %mul3A_537 = arith.constant 32 : i32
        %mul3A_538 = arith.muli %add3A_536, %mul3A_537 : i32
        %add3A_539 = arith.constant 0 : i32
        %add3A_540 = arith.addi %mul3A_538, %add3A_539 : i32
        %get3A_541 = arith.index_cast %add3A_540 : i32 to index
        %get3A_542 = tpu.vector_load %arg10[%get3A_541] {strides = array<i32>} : memref<512xi32, #tpu.memory_space<vmem>>, vector<16xi32>,
        %get3A_543 = arith.index_cast %add3A_540 : i32 to index
        %get3A_544 = tpu.vector_load %arg11[%get3A_543] {strides = array<i32>} : memref<512xi32, #tpu.memory_space<vmem>>, vector<16xi32>,
        %sub3A_545 = arith.subi %get3A_544, %get3A_542 : vector<16xi32>
        %add3A_546 = arith.constant 1 : i32
        %add3A_547 = vector.broadcast %add3A_546 : i32 to vector<16xi32>
        %add3A_548 = arith.addi %sub3A_545, %add3A_547 : vector<16xi32>
        %convert_element_type3A_549 = arith.sitofp %add3A_548 : vector<16xi32> to vector<16xf32>
        %div3A_550 = arith.constant 1.000000e+00 : f32
        %div3A_551 = vector.broadcast %div3A_550 : f32 to vector<16xf32>
        %div3A_552 = arith.divf %div3A_551, %convert_element_type3A_549 : vector<16xf32>
        %swap3A_553 = arith.constant 0 : i32
        %swap3A_554 = arith.index_cast %swap3A_553 : i32 to index
        %swap3A_555 = arith.constant 0 : index
        %swap3A_556 = tpu.vector_load %arg18[%swap3A_554, %swap3A_555] {strides = array<i32>} : memref<2x32xf32, #tpu.memory_space<vmem>>, vector<16xf32>,
        tpu.vector_store %arg18[%swap3A_554, %swap3A_555], %div3A_552 {strides = array<i32>} : memref<2x32xf32, #tpu.memory_space<vmem>>, vector<16xf32>,
        %mul3A_557 = arith.constant 2048 : i32
        %mul3A_558 = arith.muli %select_n3A, %mul3A_557 : i32
        %add3A_559 = vector.broadcast %mul3A_558 : i32 to vector<16xi32>
        %add3A_560 = arith.addi %get3A_542, %add3A_559 : vector<16xi32>
        %swap3A_561 = arith.constant 0 : i32
        %swap3A_562 = arith.index_cast %swap3A_561 : i32 to index
        %swap3A_563 = arith.constant 0 : index
        %swap3A_564 = tpu.vector_load %arg13[%swap3A_562, %swap3A_563] {strides = array<i32>} : memref<2x32xi32, #tpu.memory_space<vmem>>, vector<16xi32>,
        tpu.vector_store %arg13[%swap3A_562, %swap3A_563], %add3A_560 {strides = array<i32>} : memref<2x32xi32, #tpu.memory_space<vmem>>, vector<16xi32>,
        %mul3A_565 = arith.constant 2048 : i32
        %mul3A_566 = arith.muli %select_n3A, %mul3A_565 : i32
        %add3A_567 = vector.broadcast %mul3A_566 : i32 to vector<16xi32>
        %add3A_568 = arith.addi %get3A_544, %add3A_567 : vector<16xi32>
        %swap3A_569 = arith.constant 0 : i32
        %swap3A_570 = arith.index_cast %swap3A_569 : i32 to index
        %swap3A_571 = arith.constant 0 : index
        %swap3A_572 = tpu.vector_load %arg14[%swap3A_570, %swap3A_571] {strides = array<i32>} : memref<2x32xi32, #tpu.memory_space<vmem>>, vector<16xi32>,
        tpu.vector_store %arg14[%swap3A_570, %swap3A_571], %add3A_568 {strides = array<i32>} : memref<2x32xi32, #tpu.memory_space<vmem>>, vector<16xi32>,
        %gather3A_573 = tpu.vector_load_idx %arg12[%get3A_542] : memref<2048xi32, #tpu.memory_space<vmem>>[vector<16xi32>], vector<16xi32>,
        %swap3A_574 = arith.constant 0 : i32
        %swap3A_575 = arith.index_cast %swap3A_574 : i32 to index
        %swap3A_576 = arith.constant 0 : index
        %swap3A_577 = tpu.vector_load %arg15[%swap3A_575, %swap3A_576] {strides = array<i32>} : memref<2x32xi32, #tpu.memory_space<vmem>>, vector<16xi32>,
        tpu.vector_store %arg15[%swap3A_575, %swap3A_576], %gather3A_573 {strides = array<i32>} : memref<2x32xi32, #tpu.memory_space<vmem>>, vector<16xi32>,
        %gather3A_578 = tpu.vector_load_idx %arg12[%get3A_544] : memref<2048xi32, #tpu.memory_space<vmem>>[vector<16xi32>], vector<16xi32>,
        %swap3A_579 = arith.constant 0 : i32
        %swap3A_580 = arith.index_cast %swap3A_579 : i32 to index
        %swap3A_581 = arith.constant 0 : index
        %swap3A_582 = tpu.vector_load %arg16[%swap3A_580, %swap3A_581] {strides = array<i32>} : memref<2x32xi32, #tpu.memory_space<vmem>>, vector<16xi32>,
        tpu.vector_store %arg16[%swap3A_580, %swap3A_581], %gather3A_578 {strides = array<i32>} : memref<2x32xi32, #tpu.memory_space<vmem>>, vector<16xi32>,
        %broadcast_in_dim3A_583 = arith.constant 0 : i32
        %broadcast_in_dim3A_584 = vector.broadcast %broadcast_in_dim3A_583 : i32 to vector<16xi32>
        %ge3A_585 = arith.constant 1 : i32
        %ge3A_586 = vector.broadcast %ge3A_585 : i32 to vector<16xi32>
        %ge3A_587 = arith.cmpi sge, %add3A_548, %ge3A_586 : vector<16xi32>
        %convert_element_type3A_588 = arith.extui %ge3A_587 : vector<16xi1> to vector<16xi32>
        %add3A_589 = arith.addi %broadcast_in_dim3A_584, %convert_element_type3A_588 : vector<16xi32>
        %ge3A_590 = arith.constant 2 : i32
        %ge3A_591 = vector.broadcast %ge3A_590 : i32 to vector<16xi32>
        %ge3A_592 = arith.cmpi sge, %add3A_548, %ge3A_591 : vector<16xi32>
        %convert_element_type3A_593 = arith.extui %ge3A_592 : vector<16xi1> to vector<16xi32>
        %add3A_594 = arith.addi %add3A_589, %convert_element_type3A_593 : vector<16xi32>
        %ge3A_595 = arith.constant 3 : i32
        %ge3A_596 = vector.broadcast %ge3A_595 : i32 to vector<16xi32>
        %ge3A_597 = arith.cmpi sge, %add3A_548, %ge3A_596 : vector<16xi32>
        %convert_element_type3A_598 = arith.extui %ge3A_597 : vector<16xi1> to vector<16xi32>
        %add3A_599 = arith.addi %add3A_594, %convert_element_type3A_598 : vector<16xi32>
        %ge3A_600 = arith.constant 4 : i32
        %ge3A_601 = vector.broadcast %ge3A_600 : i32 to vector<16xi32>
        %ge3A_602 = arith.cmpi sge, %add3A_548, %ge3A_601 : vector<16xi32>
        %convert_element_type3A_603 = arith.extui %ge3A_602 : vector<16xi1> to vector<16xi32>
        %add3A_604 = arith.addi %add3A_599, %convert_element_type3A_603 : vector<16xi32>
        %ge3A_605 = arith.constant 5 : i32
        %ge3A_606 = vector.broadcast %ge3A_605 : i32 to vector<16xi32>
        %ge3A_607 = arith.cmpi sge, %add3A_548, %ge3A_606 : vector<16xi32>
        %convert_element_type3A_608 = arith.extui %ge3A_607 : vector<16xi1> to vector<16xi32>
        %add3A_609 = arith.addi %add3A_604, %convert_element_type3A_608 : vector<16xi32>
        %ge3A_610 = arith.constant 7 : i32
        %ge3A_611 = vector.broadcast %ge3A_610 : i32 to vector<16xi32>
        %ge3A_612 = arith.cmpi sge, %add3A_548, %ge3A_611 : vector<16xi32>
        %convert_element_type3A_613 = arith.extui %ge3A_612 : vector<16xi1> to vector<16xi32>
        %add3A_614 = arith.addi %add3A_609, %convert_element_type3A_613 : vector<16xi32>
        %ge3A_615 = arith.constant 8 : i32
        %ge3A_616 = vector.broadcast %ge3A_615 : i32 to vector<16xi32>
        %ge3A_617 = arith.cmpi sge, %add3A_548, %ge3A_616 : vector<16xi32>
        %convert_element_type3A_618 = arith.extui %ge3A_617 : vector<16xi1> to vector<16xi32>
        %add3A_619 = arith.addi %add3A_614, %convert_element_type3A_618 : vector<16xi32>
        %ge3A_620 = arith.constant 9 : i32
        %ge3A_621 = vector.broadcast %ge3A_620 : i32 to vector<16xi32>
        %ge3A_622 = arith.cmpi sge, %add3A_548, %ge3A_621 : vector<16xi32>
        %convert_element_type3A_623 = arith.extui %ge3A_622 : vector<16xi1> to vector<16xi32>
        %add3A_624 = arith.addi %add3A_619, %convert_element_type3A_623 : vector<16xi32>
        %ge3A_625 = arith.constant 10 : i32
        %ge3A_626 = vector.broadcast %ge3A_625 : i32 to vector<16xi32>
        %ge3A_627 = arith.cmpi sge, %add3A_548, %ge3A_626 : vector<16xi32>
        %convert_element_type3A_628 = arith.extui %ge3A_627 : vector<16xi1> to vector<16xi32>
        %add3A_629 = arith.addi %add3A_624, %convert_element_type3A_628 : vector<16xi32>
        %ge3A_630 = arith.constant 15 : i32
        %ge3A_631 = vector.broadcast %ge3A_630 : i32 to vector<16xi32>
        %ge3A_632 = arith.cmpi sge, %add3A_548, %ge3A_631 : vector<16xi32>
        %convert_element_type3A_633 = arith.extui %ge3A_632 : vector<16xi1> to vector<16xi32>
        %add3A_634 = arith.addi %add3A_629, %convert_element_type3A_633 : vector<16xi32>
        %ge3A_635 = arith.constant 16 : i32
        %ge3A_636 = vector.broadcast %ge3A_635 : i32 to vector<16xi32>
        %ge3A_637 = arith.cmpi sge, %add3A_548, %ge3A_636 : vector<16xi32>
        %convert_element_type3A_638 = arith.extui %ge3A_637 : vector<16xi1> to vector<16xi32>
        %add3A_639 = arith.addi %add3A_634, %convert_element_type3A_638 : vector<16xi32>
        %ge3A_640 = arith.constant 31 : i32
        %ge3A_641 = vector.broadcast %ge3A_640 : i32 to vector<16xi32>
        %ge3A_642 = arith.cmpi sge, %add3A_548, %ge3A_641 : vector<16xi32>
        %convert_element_type3A_643 = arith.extui %ge3A_642 : vector<16xi1> to vector<16xi32>
        %add3A_644 = arith.addi %add3A_639, %convert_element_type3A_643 : vector<16xi32>
        %ge3A_645 = arith.constant 32 : i32
        %ge3A_646 = vector.broadcast %ge3A_645 : i32 to vector<16xi32>
        %ge3A_647 = arith.cmpi sge, %add3A_548, %ge3A_646 : vector<16xi32>
        %convert_element_type3A_648 = arith.extui %ge3A_647 : vector<16xi1> to vector<16xi32>
        %add3A_649 = arith.addi %add3A_644, %convert_element_type3A_648 : vector<16xi32>
        %ge3A_650 = arith.constant 63 : i32
        %ge3A_651 = vector.broadcast %ge3A_650 : i32 to vector<16xi32>
        %ge3A_652 = arith.cmpi sge, %add3A_548, %ge3A_651 : vector<16xi32>
        %convert_element_type3A_653 = arith.extui %ge3A_652 : vector<16xi1> to vector<16xi32>
        %add3A_654 = arith.addi %add3A_649, %convert_element_type3A_653 : vector<16xi32>
        %ge3A_655 = arith.constant 64 : i32
        %ge3A_656 = vector.broadcast %ge3A_655 : i32 to vector<16xi32>
        %ge3A_657 = arith.cmpi sge, %add3A_548, %ge3A_656 : vector<16xi32>
        %convert_element_type3A_658 = arith.extui %ge3A_657 : vector<16xi1> to vector<16xi32>
        %add3A_659 = arith.addi %add3A_654, %convert_element_type3A_658 : vector<16xi32>
        %swap3A_660 = arith.constant 0 : i32
        %swap3A_661 = arith.index_cast %swap3A_660 : i32 to index
        %swap3A_662 = arith.constant 0 : index
        %swap3A_663 = tpu.vector_load %arg17[%swap3A_661, %swap3A_662] {strides = array<i32>} : memref<2x32xi32, #tpu.memory_space<vmem>>, vector<16xi32>,
        tpu.vector_store %arg17[%swap3A_661, %swap3A_662], %add3A_659 {strides = array<i32>} : memref<2x32xi32, #tpu.memory_space<vmem>>, vector<16xi32>,
        %mul3A_664 = arith.constant 32 : i32
        %mul3A_665 = arith.muli %add3A_536, %mul3A_664 : i32
        %add3A_666 = arith.constant 16 : i32
        %add3A_667 = arith.addi %mul3A_665, %add3A_666 : i32
        %get3A_668 = arith.index_cast %add3A_667 : i32 to index
        %get3A_669 = tpu.vector_load %arg10[%get3A_668] {strides = array<i32>} : memref<512xi32, #tpu.memory_space<vmem>>, vector<16xi32>,
        %get3A_670 = arith.index_cast %add3A_667 : i32 to index
        %get3A_671 = tpu.vector_load %arg11[%get3A_670] {strides = array<i32>} : memref<512xi32, #tpu.memory_space<vmem>>, vector<16xi32>,
        %sub3A_672 = arith.subi %get3A_671, %get3A_669 : vector<16xi32>
        %add3A_673 = arith.constant 1 : i32
        %add3A_674 = vector.broadcast %add3A_673 : i32 to vector<16xi32>
        %add3A_675 = arith.addi %sub3A_672, %add3A_674 : vector<16xi32>
        %convert_element_type3A_676 = arith.sitofp %add3A_675 : vector<16xi32> to vector<16xf32>
        %div3A_677 = arith.constant 1.000000e+00 : f32
        %div3A_678 = vector.broadcast %div3A_677 : f32 to vector<16xf32>
        %div3A_679 = arith.divf %div3A_678, %convert_element_type3A_676 : vector<16xf32>
        %swap3A_680 = arith.constant 0 : i32
        %swap3A_681 = arith.index_cast %swap3A_680 : i32 to index
        %swap3A_682 = arith.constant 16 : index
        %swap3A_683 = tpu.vector_load %arg18[%swap3A_681, %swap3A_682] {strides = array<i32>} : memref<2x32xf32, #tpu.memory_space<vmem>>, vector<16xf32>,
        tpu.vector_store %arg18[%swap3A_681, %swap3A_682], %div3A_679 {strides = array<i32>} : memref<2x32xf32, #tpu.memory_space<vmem>>, vector<16xf32>,
        %mul3A_684 = arith.constant 2048 : i32
        %mul3A_685 = arith.muli %select_n3A, %mul3A_684 : i32
        %add3A_686 = vector.broadcast %mul3A_685 : i32 to vector<16xi32>
        %add3A_687 = arith.addi %get3A_669, %add3A_686 : vector<16xi32>
        %swap3A_688 = arith.constant 0 : i32
        %swap3A_689 = arith.index_cast %swap3A_688 : i32 to index
        %swap3A_690 = arith.constant 16 : index
        %swap3A_691 = tpu.vector_load %arg13[%swap3A_689, %swap3A_690] {strides = array<i32>} : memref<2x32xi32, #tpu.memory_space<vmem>>, vector<16xi32>,
        tpu.vector_store %arg13[%swap3A_689, %swap3A_690], %add3A_687 {strides = array<i32>} : memref<2x32xi32, #tpu.memory_space<vmem>>, vector<16xi32>,
        %mul3A_692 = arith.constant 2048 : i32
        %mul3A_693 = arith.muli %select_n3A, %mul3A_692 : i32
        %add3A_694 = vector.broadcast %mul3A_693 : i32 to vector<16xi32>
        %add3A_695 = arith.addi %get3A_671, %add3A_694 : vector<16xi32>
        %swap3A_696 = arith.constant 0 : i32
        %swap3A_697 = arith.index_cast %swap3A_696 : i32 to index
        %swap3A_698 = arith.constant 16 : index
        %swap3A_699 = tpu.vector_load %arg14[%swap3A_697, %swap3A_698] {strides = array<i32>} : memref<2x32xi32, #tpu.memory_space<vmem>>, vector<16xi32>,
        tpu.vector_store %arg14[%swap3A_697, %swap3A_698], %add3A_695 {strides = array<i32>} : memref<2x32xi32, #tpu.memory_space<vmem>>, vector<16xi32>,
        %gather3A_700 = tpu.vector_load_idx %arg12[%get3A_669] : memref<2048xi32, #tpu.memory_space<vmem>>[vector<16xi32>], vector<16xi32>,
        %swap3A_701 = arith.constant 0 : i32
        %swap3A_702 = arith.index_cast %swap3A_701 : i32 to index
        %swap3A_703 = arith.constant 16 : index
        %swap3A_704 = tpu.vector_load %arg15[%swap3A_702, %swap3A_703] {strides = array<i32>} : memref<2x32xi32, #tpu.memory_space<vmem>>, vector<16xi32>,
        tpu.vector_store %arg15[%swap3A_702, %swap3A_703], %gather3A_700 {strides = array<i32>} : memref<2x32xi32, #tpu.memory_space<vmem>>, vector<16xi32>,
        %gather3A_705 = tpu.vector_load_idx %arg12[%get3A_671] : memref<2048xi32, #tpu.memory_space<vmem>>[vector<16xi32>], vector<16xi32>,
        %swap3A_706 = arith.constant 0 : i32
        %swap3A_707 = arith.index_cast %swap3A_706 : i32 to index
        %swap3A_708 = arith.constant 16 : index
        %swap3A_709 = tpu.vector_load %arg16[%swap3A_707, %swap3A_708] {strides = array<i32>} : memref<2x32xi32, #tpu.memory_space<vmem>>, vector<16xi32>,
        tpu.vector_store %arg16[%swap3A_707, %swap3A_708], %gather3A_705 {strides = array<i32>} : memref<2x32xi32, #tpu.memory_space<vmem>>, vector<16xi32>,
        %broadcast_in_dim3A_710 = arith.constant 0 : i32
        %broadcast_in_dim3A_711 = vector.broadcast %broadcast_in_dim3A_710 : i32 to vector<16xi32>
        %ge3A_712 = arith.constant 1 : i32
        %ge3A_713 = vector.broadcast %ge3A_712 : i32 to vector<16xi32>
        %ge3A_714 = arith.cmpi sge, %add3A_675, %ge3A_713 : vector<16xi32>
        %convert_element_type3A_715 = arith.extui %ge3A_714 : vector<16xi1> to vector<16xi32>
        %add3A_716 = arith.addi %broadcast_in_dim3A_711, %convert_element_type3A_715 : vector<16xi32>
        %ge3A_717 = arith.constant 2 : i32
        %ge3A_718 = vector.broadcast %ge3A_717 : i32 to vector<16xi32>
        %ge3A_719 = arith.cmpi sge, %add3A_675, %ge3A_718 : vector<16xi32>
        %convert_element_type3A_720 = arith.extui %ge3A_719 : vector<16xi1> to vector<16xi32>
        %add3A_721 = arith.addi %add3A_716, %convert_element_type3A_720 : vector<16xi32>
        %ge3A_722 = arith.constant 3 : i32
        %ge3A_723 = vector.broadcast %ge3A_722 : i32 to vector<16xi32>
        %ge3A_724 = arith.cmpi sge, %add3A_675, %ge3A_723 : vector<16xi32>
        %convert_element_type3A_725 = arith.extui %ge3A_724 : vector<16xi1> to vector<16xi32>
        %add3A_726 = arith.addi %add3A_721, %convert_element_type3A_725 : vector<16xi32>
        %ge3A_727 = arith.constant 4 : i32
        %ge3A_728 = vector.broadcast %ge3A_727 : i32 to vector<16xi32>
        %ge3A_729 = arith.cmpi sge, %add3A_675, %ge3A_728 : vector<16xi32>
        %convert_element_type3A_730 = arith.extui %ge3A_729 : vector<16xi1> to vector<16xi32>
        %add3A_731 = arith.addi %add3A_726, %convert_element_type3A_730 : vector<16xi32>
        %ge3A_732 = arith.constant 5 : i32
        %ge3A_733 = vector.broadcast %ge3A_732 : i32 to vector<16xi32>
        %ge3A_734 = arith.cmpi sge, %add3A_675, %ge3A_733 : vector<16xi32>
        %convert_element_type3A_735 = arith.extui %ge3A_734 : vector<16xi1> to vector<16xi32>
        %add3A_736 = arith.addi %add3A_731, %convert_element_type3A_735 : vector<16xi32>
        %ge3A_737 = arith.constant 7 : i32
        %ge3A_738 = vector.broadcast %ge3A_737 : i32 to vector<16xi32>
        %ge3A_739 = arith.cmpi sge, %add3A_675, %ge3A_738 : vector<16xi32>
        %convert_element_type3A_740 = arith.extui %ge3A_739 : vector<16xi1> to vector<16xi32>
        %add3A_741 = arith.addi %add3A_736, %convert_element_type3A_740 : vector<16xi32>
        %ge3A_742 = arith.constant 8 : i32
        %ge3A_743 = vector.broadcast %ge3A_742 : i32 to vector<16xi32>
        %ge3A_744 = arith.cmpi sge, %add3A_675, %ge3A_743 : vector<16xi32>
        %convert_element_type3A_745 = arith.extui %ge3A_744 : vector<16xi1> to vector<16xi32>
        %add3A_746 = arith.addi %add3A_741, %convert_element_type3A_745 : vector<16xi32>
        %ge3A_747 = arith.constant 9 : i32
        %ge3A_748 = vector.broadcast %ge3A_747 : i32 to vector<16xi32>
        %ge3A_749 = arith.cmpi sge, %add3A_675, %ge3A_748 : vector<16xi32>
        %convert_element_type3A_750 = arith.extui %ge3A_749 : vector<16xi1> to vector<16xi32>
        %add3A_751 = arith.addi %add3A_746, %convert_element_type3A_750 : vector<16xi32>
        %ge3A_752 = arith.constant 10 : i32
        %ge3A_753 = vector.broadcast %ge3A_752 : i32 to vector<16xi32>
        %ge3A_754 = arith.cmpi sge, %add3A_675, %ge3A_753 : vector<16xi32>
        %convert_element_type3A_755 = arith.extui %ge3A_754 : vector<16xi1> to vector<16xi32>
        %add3A_756 = arith.addi %add3A_751, %convert_element_type3A_755 : vector<16xi32>
        %ge3A_757 = arith.constant 15 : i32
        %ge3A_758 = vector.broadcast %ge3A_757 : i32 to vector<16xi32>
        %ge3A_759 = arith.cmpi sge, %add3A_675, %ge3A_758 : vector<16xi32>
        %convert_element_type3A_760 = arith.extui %ge3A_759 : vector<16xi1> to vector<16xi32>
        %add3A_761 = arith.addi %add3A_756, %convert_element_type3A_760 : vector<16xi32>
        %ge3A_762 = arith.constant 16 : i32
        %ge3A_763 = vector.broadcast %ge3A_762 : i32 to vector<16xi32>
        %ge3A_764 = arith.cmpi sge, %add3A_675, %ge3A_763 : vector<16xi32>
        %convert_element_type3A_765 = arith.extui %ge3A_764 : vector<16xi1> to vector<16xi32>
        %add3A_766 = arith.addi %add3A_761, %convert_element_type3A_765 : vector<16xi32>
        %ge3A_767 = arith.constant 31 : i32
        %ge3A_768 = vector.broadcast %ge3A_767 : i32 to vector<16xi32>
        %ge3A_769 = arith.cmpi sge, %add3A_675, %ge3A_768 : vector<16xi32>
        %convert_element_type3A_770 = arith.extui %ge3A_769 : vector<16xi1> to vector<16xi32>
        %add3A_771 = arith.addi %add3A_766, %convert_element_type3A_770 : vector<16xi32>
        %ge3A_772 = arith.constant 32 : i32
        %ge3A_773 = vector.broadcast %ge3A_772 : i32 to vector<16xi32>
        %ge3A_774 = arith.cmpi sge, %add3A_675, %ge3A_773 : vector<16xi32>
        %convert_element_type3A_775 = arith.extui %ge3A_774 : vector<16xi1> to vector<16xi32>
        %add3A_776 = arith.addi %add3A_771, %convert_element_type3A_775 : vector<16xi32>
        %ge3A_777 = arith.constant 63 : i32
        %ge3A_778 = vector.broadcast %ge3A_777 : i32 to vector<16xi32>
        %ge3A_779 = arith.cmpi sge, %add3A_675, %ge3A_778 : vector<16xi32>
        %convert_element_type3A_780 = arith.extui %ge3A_779 : vector<16xi1> to vector<16xi32>
        %add3A_781 = arith.addi %add3A_776, %convert_element_type3A_780 : vector<16xi32>
        %ge3A_782 = arith.constant 64 : i32
        %ge3A_783 = vector.broadcast %ge3A_782 : i32 to vector<16xi32>
        %ge3A_784 = arith.cmpi sge, %add3A_675, %ge3A_783 : vector<16xi32>
        %convert_element_type3A_785 = arith.extui %ge3A_784 : vector<16xi1> to vector<16xi32>
        %add3A_786 = arith.addi %add3A_781, %convert_element_type3A_785 : vector<16xi32>
        %swap3A_787 = arith.constant 0 : i32
        %swap3A_788 = arith.index_cast %swap3A_787 : i32 to index
        %swap3A_789 = arith.constant 16 : index
        %swap3A_790 = tpu.vector_load %arg17[%swap3A_788, %swap3A_789] {strides = array<i32>} : memref<2x32xi32, #tpu.memory_space<vmem>>, vector<16xi32>,
        tpu.vector_store %arg17[%swap3A_788, %swap3A_789], %add3A_786 {strides = array<i32>} : memref<2x32xi32, #tpu.memory_space<vmem>>, vector<16xi32>,
        %dma_start3A_791 = arith.constant 0 : i32
        %dma_start3A_792 = arith.constant 0 : i32
        %dma_start3A_793 = arith.constant 0 : i32
        %dma_start3A_794 = arith.constant 0 : i32
        %dma_start3A_795 = tpu.memref_slice %arg20[%dma_start3A_792, %dma_start3A_793, %dma_start3A_794] : memref<2x32x256xf32, #tpu.memory_space<vmem>> -> memref<1x32x256xf32, #tpu.memory_space<vmem>>
        %dma_start3A_796 = tpu.memref_squeeze %dma_start3A_795 : memref<1x32x256xf32, #tpu.memory_space<vmem>> -> memref<32x256xf32, #tpu.memory_space<vmem>>
        %dma_start3A_797 = arith.constant 0 : i32
        %dma_start3A_798 = tpu.memref_slice %arg14[%dma_start3A_791, %dma_start3A_797] : memref<2x32xi32, #tpu.memory_space<vmem>> -> memref<1x32xi32, #tpu.memory_space<vmem>>
        %dma_start3A_799 = tpu.memref_squeeze %dma_start3A_798 : memref<1x32xi32, #tpu.memory_space<vmem>> -> memref<32xi32, #tpu.memory_space<vmem>>
        %dma_start3A_800 = arith.constant 0 : i32
        %dma_start3A_801 = arith.constant 0 : i32
        %dma_start3A_802 = tpu.memref_slice %arg2[%dma_start3A_800, %dma_start3A_801] : memref<16384x256xf32, #tpu.memory_space<hbm>> -> memref<16384x256xf32, #tpu.memory_space<hbm>>
        tpu.enqueue_indirect_dma source(%dma_start3A_802 : memref<16384x256xf32, #tpu.memory_space<hbm>>) target(%dma_start3A_796 : memref<32x256xf32, #tpu.memory_space<vmem>>) offsets(%dma_start3A_799 : memref<32xi32, #tpu.memory_space<vmem>>) semaphore(%arg26 : memref<!tpu.dma_semaphore, #tpu.memory_space<semaphore_mem>>)
        %dma_start3A_803 = arith.constant 0 : i32
        %dma_start3A_804 = arith.constant 0 : i32
        %dma_start3A_805 = arith.constant 0 : i32
        %dma_start3A_806 = arith.constant 0 : i32
        %dma_start3A_807 = tpu.memref_slice %arg19[%dma_start3A_804, %dma_start3A_805, %dma_start3A_806] : memref<2x32x256xf32, #tpu.memory_space<vmem>> -> memref<1x32x256xf32, #tpu.memory_space<vmem>>
        %dma_start3A_808 = tpu.memref_squeeze %dma_start3A_807 : memref<1x32x256xf32, #tpu.memory_space<vmem>> -> memref<32x256xf32, #tpu.memory_space<vmem>>
        %dma_start3A_809 = arith.constant 0 : i32
        %dma_start3A_810 = tpu.memref_slice %arg13[%dma_start3A_803, %dma_start3A_809] : memref<2x32xi32, #tpu.memory_space<vmem>> -> memref<1x32xi32, #tpu.memory_space<vmem>>
        %dma_start3A_811 = tpu.memref_squeeze %dma_start3A_810 : memref<1x32xi32, #tpu.memory_space<vmem>> -> memref<32xi32, #tpu.memory_space<vmem>>
        %dma_start3A_812 = arith.constant 0 : i32
        %dma_start3A_813 = arith.constant 0 : i32
        %dma_start3A_814 = tpu.memref_slice %arg2[%dma_start3A_812, %dma_start3A_813] : memref<16384x256xf32, #tpu.memory_space<hbm>> -> memref<16384x256xf32, #tpu.memory_space<hbm>>
        tpu.enqueue_indirect_dma source(%dma_start3A_814 : memref<16384x256xf32, #tpu.memory_space<hbm>>) target(%dma_start3A_808 : memref<32x256xf32, #tpu.memory_space<vmem>>) offsets(%dma_start3A_811 : memref<32xi32, #tpu.memory_space<vmem>>) semaphore(%arg26 : memref<!tpu.dma_semaphore, #tpu.memory_space<semaphore_mem>>)
        %dma_start3A_815 = arith.constant 0 : i32
        %dma_start3A_816 = arith.constant 0 : i32
        %dma_start3A_817 = arith.constant 0 : i32
        %dma_start3A_818 = arith.constant 0 : i32
        %dma_start3A_819 = tpu.memref_slice %arg21[%dma_start3A_816, %dma_start3A_817, %dma_start3A_818] : memref<2x32x256xf32, #tpu.memory_space<vmem>> -> memref<1x32x256xf32, #tpu.memory_space<vmem>>
        %dma_start3A_820 = tpu.memref_squeeze %dma_start3A_819 : memref<1x32x256xf32, #tpu.memory_space<vmem>> -> memref<32x256xf32, #tpu.memory_space<vmem>>
        %dma_start3A_821 = arith.constant 0 : i32
        %dma_start3A_822 = tpu.memref_slice %arg13[%dma_start3A_815, %dma_start3A_821] : memref<2x32xi32, #tpu.memory_space<vmem>> -> memref<1x32xi32, #tpu.memory_space<vmem>>
        %dma_start3A_823 = tpu.memref_squeeze %dma_start3A_822 : memref<1x32xi32, #tpu.memory_space<vmem>> -> memref<32xi32, #tpu.memory_space<vmem>>
        %dma_start3A_824 = arith.constant 0 : i32
        %dma_start3A_825 = arith.constant 0 : i32
        %dma_start3A_826 = tpu.memref_slice %arg3[%dma_start3A_824, %dma_start3A_825] : memref<16384x256xf32, #tpu.memory_space<hbm>> -> memref<16384x256xf32, #tpu.memory_space<hbm>>
        tpu.enqueue_indirect_dma source(%dma_start3A_826 : memref<16384x256xf32, #tpu.memory_space<hbm>>) target(%dma_start3A_820 : memref<32x256xf32, #tpu.memory_space<vmem>>) offsets(%dma_start3A_823 : memref<32xi32, #tpu.memory_space<vmem>>) semaphore(%arg26 : memref<!tpu.dma_semaphore, #tpu.memory_space<semaphore_mem>>)
        %dma_start3A_827 = arith.constant 0 : i32
        %dma_start3A_828 = arith.constant 0 : i32
        %dma_start3A_829 = arith.constant 0 : i32
        %dma_start3A_830 = arith.constant 0 : i32
        %dma_start3A_831 = tpu.memref_slice %arg22[%dma_start3A_828, %dma_start3A_829, %dma_start3A_830] : memref<2x32x256xf32, #tpu.memory_space<vmem>> -> memref<1x32x256xf32, #tpu.memory_space<vmem>>
        %dma_start3A_832 = tpu.memref_squeeze %dma_start3A_831 : memref<1x32x256xf32, #tpu.memory_space<vmem>> -> memref<32x256xf32, #tpu.memory_space<vmem>>
        %dma_start3A_833 = arith.constant 0 : i32
        %dma_start3A_834 = tpu.memref_slice %arg14[%dma_start3A_827, %dma_start3A_833] : memref<2x32xi32, #tpu.memory_space<vmem>> -> memref<1x32xi32, #tpu.memory_space<vmem>>
        %dma_start3A_835 = tpu.memref_squeeze %dma_start3A_834 : memref<1x32xi32, #tpu.memory_space<vmem>> -> memref<32xi32, #tpu.memory_space<vmem>>
        %dma_start3A_836 = arith.constant 0 : i32
        %dma_start3A_837 = arith.constant 0 : i32
        %dma_start3A_838 = tpu.memref_slice %arg3[%dma_start3A_836, %dma_start3A_837] : memref<16384x256xf32, #tpu.memory_space<hbm>> -> memref<16384x256xf32, #tpu.memory_space<hbm>>
        tpu.enqueue_indirect_dma source(%dma_start3A_838 : memref<16384x256xf32, #tpu.memory_space<hbm>>) target(%dma_start3A_832 : memref<32x256xf32, #tpu.memory_space<vmem>>) offsets(%dma_start3A_835 : memref<32xi32, #tpu.memory_space<vmem>>) semaphore(%arg26 : memref<!tpu.dma_semaphore, #tpu.memory_space<semaphore_mem>>)
      } else {
      }
      %dma_wait3A_457 = arith.constant 1 : i32
      %dma_wait3A_458 = arith.constant 1 : i32
      %dma_wait3A_459 = arith.constant 0 : i32
      %dma_wait3A_460 = arith.constant 0 : i32
      %dma_wait3A_461 = tpu.memref_slice %arg20[%dma_wait3A_458, %dma_wait3A_459, %dma_wait3A_460] : memref<2x32x256xf32, #tpu.memory_space<vmem>> -> memref<1x32x256xf32, #tpu.memory_space<vmem>>
      %dma_wait3A_462 = tpu.memref_squeeze %dma_wait3A_461 : memref<1x32x256xf32, #tpu.memory_space<vmem>> -> memref<32x256xf32, #tpu.memory_space<vmem>>
      %dma_wait3A_463 = arith.constant 0 : i32
      %dma_wait3A_464 = tpu.memref_slice %arg14[%dma_wait3A_457, %dma_wait3A_463] : memref<2x32xi32, #tpu.memory_space<vmem>> -> memref<1x32xi32, #tpu.memory_space<vmem>>
      %dma_wait3A_465 = tpu.memref_squeeze %dma_wait3A_464 : memref<1x32xi32, #tpu.memory_space<vmem>> -> memref<32xi32, #tpu.memory_space<vmem>>
      %dma_wait3A_466 = arith.constant 0 : i32
      %dma_wait3A_467 = arith.constant 0 : i32
      %dma_wait3A_468 = tpu.memref_slice %arg2[%dma_wait3A_466, %dma_wait3A_467] : memref<16384x256xf32, #tpu.memory_space<hbm>> -> memref<16384x256xf32, #tpu.memory_space<hbm>>
      tpu.wait_indirect_dma semaphore(%arg27 : memref<!tpu.dma_semaphore, #tpu.memory_space<semaphore_mem>>) src(%dma_wait3A_468 : memref<16384x256xf32, #tpu.memory_space<hbm>>) dst(%dma_wait3A_462 : memref<32x256xf32, #tpu.memory_space<vmem>>)
      %dma_wait3A_469 = arith.constant 1 : i32
      %dma_wait3A_470 = arith.constant 1 : i32
      %dma_wait3A_471 = arith.constant 0 : i32
      %dma_wait3A_472 = arith.constant 0 : i32
      %dma_wait3A_473 = tpu.memref_slice %arg19[%dma_wait3A_470, %dma_wait3A_471, %dma_wait3A_472] : memref<2x32x256xf32, #tpu.memory_space<vmem>> -> memref<1x32x256xf32, #tpu.memory_space<vmem>>
      %dma_wait3A_474 = tpu.memref_squeeze %dma_wait3A_473 : memref<1x32x256xf32, #tpu.memory_space<vmem>> -> memref<32x256xf32, #tpu.memory_space<vmem>>
      %dma_wait3A_475 = arith.constant 0 : i32
      %dma_wait3A_476 = tpu.memref_slice %arg13[%dma_wait3A_469, %dma_wait3A_475] : memref<2x32xi32, #tpu.memory_space<vmem>> -> memref<1x32xi32, #tpu.memory_space<vmem>>
      %dma_wait3A_477 = tpu.memref_squeeze %dma_wait3A_476 : memref<1x32xi32, #tpu.memory_space<vmem>> -> memref<32xi32, #tpu.memory_space<vmem>>
      %dma_wait3A_478 = arith.constant 0 : i32
      %dma_wait3A_479 = arith.constant 0 : i32
      %dma_wait3A_480 = tpu.memref_slice %arg2[%dma_wait3A_478, %dma_wait3A_479] : memref<16384x256xf32, #tpu.memory_space<hbm>> -> memref<16384x256xf32, #tpu.memory_space<hbm>>
      tpu.wait_indirect_dma semaphore(%arg27 : memref<!tpu.dma_semaphore, #tpu.memory_space<semaphore_mem>>) src(%dma_wait3A_480 : memref<16384x256xf32, #tpu.memory_space<hbm>>) dst(%dma_wait3A_474 : memref<32x256xf32, #tpu.memory_space<vmem>>)
      %dma_wait3A_481 = arith.constant 1 : i32
      %dma_wait3A_482 = arith.constant 1 : i32
      %dma_wait3A_483 = arith.constant 0 : i32
      %dma_wait3A_484 = arith.constant 0 : i32
      %dma_wait3A_485 = tpu.memref_slice %arg21[%dma_wait3A_482, %dma_wait3A_483, %dma_wait3A_484] : memref<2x32x256xf32, #tpu.memory_space<vmem>> -> memref<1x32x256xf32, #tpu.memory_space<vmem>>
      %dma_wait3A_486 = tpu.memref_squeeze %dma_wait3A_485 : memref<1x32x256xf32, #tpu.memory_space<vmem>> -> memref<32x256xf32, #tpu.memory_space<vmem>>
      %dma_wait3A_487 = arith.constant 0 : i32
      %dma_wait3A_488 = tpu.memref_slice %arg13[%dma_wait3A_481, %dma_wait3A_487] : memref<2x32xi32, #tpu.memory_space<vmem>> -> memref<1x32xi32, #tpu.memory_space<vmem>>
      %dma_wait3A_489 = tpu.memref_squeeze %dma_wait3A_488 : memref<1x32xi32, #tpu.memory_space<vmem>> -> memref<32xi32, #tpu.memory_space<vmem>>
      %dma_wait3A_490 = arith.constant 0 : i32
      %dma_wait3A_491 = arith.constant 0 : i32
      %dma_wait3A_492 = tpu.memref_slice %arg3[%dma_wait3A_490, %dma_wait3A_491] : memref<16384x256xf32, #tpu.memory_space<hbm>> -> memref<16384x256xf32, #tpu.memory_space<hbm>>
      tpu.wait_indirect_dma semaphore(%arg27 : memref<!tpu.dma_semaphore, #tpu.memory_space<semaphore_mem>>) src(%dma_wait3A_492 : memref<16384x256xf32, #tpu.memory_space<hbm>>) dst(%dma_wait3A_486 : memref<32x256xf32, #tpu.memory_space<vmem>>)
      %dma_wait3A_493 = arith.constant 1 : i32
      %dma_wait3A_494 = arith.constant 1 : i32
      %dma_wait3A_495 = arith.constant 0 : i32
      %dma_wait3A_496 = arith.constant 0 : i32
      %dma_wait3A_497 = tpu.memref_slice %arg22[%dma_wait3A_494, %dma_wait3A_495, %dma_wait3A_496] : memref<2x32x256xf32, #tpu.memory_space<vmem>> -> memref<1x32x256xf32, #tpu.memory_space<vmem>>
      %dma_wait3A_498 = tpu.memref_squeeze %dma_wait3A_497 : memref<1x32x256xf32, #tpu.memory_space<vmem>> -> memref<32x256xf32, #tpu.memory_space<vmem>>
      %dma_wait3A_499 = arith.constant 0 : i32
      %dma_wait3A_500 = tpu.memref_slice %arg14[%dma_wait3A_493, %dma_wait3A_499] : memref<2x32xi32, #tpu.memory_space<vmem>> -> memref<1x32xi32, #tpu.memory_space<vmem>>
      %dma_wait3A_501 = tpu.memref_squeeze %dma_wait3A_500 : memref<1x32xi32, #tpu.memory_space<vmem>> -> memref<32xi32, #tpu.memory_space<vmem>>
      %dma_wait3A_502 = arith.constant 0 : i32
      %dma_wait3A_503 = arith.constant 0 : i32
      %dma_wait3A_504 = tpu.memref_slice %arg3[%dma_wait3A_502, %dma_wait3A_503] : memref<16384x256xf32, #tpu.memory_space<hbm>> -> memref<16384x256xf32, #tpu.memory_space<hbm>>
      tpu.wait_indirect_dma semaphore(%arg27 : memref<!tpu.dma_semaphore, #tpu.memory_space<semaphore_mem>>) src(%dma_wait3A_504 : memref<16384x256xf32, #tpu.memory_space<hbm>>) dst(%dma_wait3A_498 : memref<32x256xf32, #tpu.memory_space<vmem>>)
      %ge3A_505 = arith.constant 2 : i32
      %ge3A_506 = arith.cmpi sge, %add3A_449, %ge3A_505 : i32
      %convert_element_type3A_507 = arith.extui %ge3A_506 : i1 to i32
      %cond3A_508 = arith.constant 0 : i32
      %cond3A_509 = arith.cmpi ne, %convert_element_type3A_507, %cond3A_508 : i32
      scf.if %cond3A_509 {
        %sub3A_535 = arith.constant 2 : i32
        %sub3A_536 = arith.subi %add3A_449, %sub3A_535 : i32
        %mul3A_537 = arith.constant 32 : i32
        %mul3A_538 = arith.muli %sub3A_536, %mul3A_537 : i32
        %add3A_539 = arith.addi %add3A_35, %mul3A_538 : i32
        %dma_wait3A_540 = arith.constant 1 : i32
        %dma_wait3A_541 = arith.constant 0 : i32
        %dma_wait3A_542 = arith.constant 0 : i32
        %dma_wait3A_543 = tpu.memref_slice %arg25[%dma_wait3A_540, %dma_wait3A_541, %dma_wait3A_542] : memref<2x32x828xf32, #tpu.memory_space<vmem>> -> memref<1x32x828xf32, #tpu.memory_space<vmem>>
        %dma_wait3A_544 = tpu.memref_squeeze %dma_wait3A_543 : memref<1x32x828xf32, #tpu.memory_space<vmem>> -> memref<32x828xf32, #tpu.memory_space<vmem>>
        %dma_wait3A_545 = arith.constant 0 : i32
        %dma_wait3A_546 = tpu.memref_slice %arg9[%add3A_539, %dma_wait3A_545] : memref<16384x828xf32, #tpu.memory_space<hbm>> -> memref<32x828xf32, #tpu.memory_space<hbm>>
        %dma_wait3A_547 = arith.constant 0 : i32
        %dma_wait3A_548 = tpu.memref_slice %arg9[%add3A_539, %dma_wait3A_547] : memref<16384x828xf32, #tpu.memory_space<hbm>> -> memref<32x828xf32, #tpu.memory_space<hbm>>
        %dma_wait3A_549 = arith.constant 0 : i32
        %dma_wait3A_550 = arith.constant 0 : i32
        %dma_wait3A_551 = tpu.memref_slice %arg25[%dma_wait3A_540, %dma_wait3A_549, %dma_wait3A_550] : memref<2x32x828xf32, #tpu.memory_space<vmem>> -> memref<1x32x828xf32, #tpu.memory_space<vmem>>
        %dma_wait3A_552 = tpu.memref_squeeze %dma_wait3A_551 : memref<1x32x828xf32, #tpu.memory_space<vmem>> -> memref<32x828xf32, #tpu.memory_space<vmem>>
        tpu.wait_dma2 semaphore(%arg29 : memref<!tpu.dma_semaphore, #tpu.memory_space<semaphore_mem>>) src(%dma_wait3A_552 : memref<32x828xf32, #tpu.memory_space<vmem>>) dst(%dma_wait3A_548 : memref<32x828xf32, #tpu.memory_space<hbm>>)
      } else {
      }
      %iota3A_510 = tpu.iota {dimensions = array<i32: 0>} : vector<16xi32>
      %scan3A_511 = arith.constant 0 : i32
      %scan3A_512 = arith.constant 0 : i32
      %scan3A_513 = arith.constant 32 : i32
      %scan3A_514 = arith.addi %scan3A_512, %scan3A_513 : i32
      %scan3A_515 = arith.constant 1 : i32
      %scan3A_516 = scf.for %scan3A_535 = %scan3A_512 to %scan3A_514 step %scan3A_515 iter_args(%scan3A_536 = %scan3A_511) -> (i32)  : i32 {
        %broadcast_in_dim3A_537 = arith.constant 0 : i32
        %broadcast_in_dim3A_538 = vector.broadcast %broadcast_in_dim3A_537 : i32 to vector<16xi32>
        %add3A_539 = vector.broadcast %scan3A_535 : i32 to vector<16xi32>
        %add3A_540 = arith.addi %broadcast_in_dim3A_538, %add3A_539 : vector<16xi32>
        %gather3A_541 = arith.constant 1 : i32
        %gather3A_542 = arith.constant 0 : i32
        %gather3A_543 = tpu.memref_slice %arg18[%gather3A_541, %gather3A_542] : memref<2x32xf32, #tpu.memory_space<vmem>> -> memref<1x32xf32, #tpu.memory_space<vmem>>
        %gather3A_544 = tpu.memref_squeeze %gather3A_543 : memref<1x32xf32, #tpu.memory_space<vmem>> -> memref<32xf32, #tpu.memory_space<vmem>>
        %gather3A_545 = tpu.vector_load_idx %gather3A_544[%add3A_540] : memref<32xf32, #tpu.memory_space<vmem>>[vector<16xi32>], vector<16xf32>,
        %get3A_546 = arith.constant 1 : i32
        %get3A_547 = arith.index_cast %get3A_546 : i32 to index
        %get3A_548 = arith.index_cast %scan3A_535 : i32 to index
        %get3A_549 = arith.constant 0 : index
        %get3A_550 = tpu.vector_load %arg22[%get3A_547, %get3A_548, %get3A_549] {strides = array<i32>} : memref<2x32x256xf32, #tpu.memory_space<vmem>>, vector<16xf32>,
        %get3A_551 = arith.constant 1 : i32
        %get3A_552 = arith.index_cast %get3A_551 : i32 to index
        %get3A_553 = arith.index_cast %scan3A_535 : i32 to index
        %get3A_554 = arith.constant 0 : index
        %get3A_555 = tpu.vector_load %arg20[%get3A_552, %get3A_553, %get3A_554] {strides = array<i32>} : memref<2x32x256xf32, #tpu.memory_space<vmem>>, vector<16xf32>,
        %get3A_556 = arith.constant 1 : i32
        %get3A_557 = arith.index_cast %get3A_556 : i32 to index
        %get3A_558 = arith.index_cast %scan3A_535 : i32 to index
        %get3A_559 = arith.constant 0 : index
        %get3A_560 = tpu.vector_load %arg19[%get3A_557, %get3A_558, %get3A_559] {strides = array<i32>} : memref<2x32x256xf32, #tpu.memory_space<vmem>>, vector<16xf32>,
        %sub3A_561 = arith.subf %get3A_555, %get3A_560 : vector<16xf32>
        %add3A_562 = arith.addf %sub3A_561, %get3A_550 : vector<16xf32>
        %mul3A_563 = arith.mulf %add3A_562, %gather3A_545 : vector<16xf32>
        %swap3A_564 = arith.constant 1 : i32
        %swap3A_565 = arith.index_cast %swap3A_564 : i32 to index
        %swap3A_566 = arith.index_cast %scan3A_535 : i32 to index
        %swap3A_567 = arith.constant 0 : index
        %swap3A_568 = tpu.vector_load %arg25[%swap3A_565, %swap3A_566, %swap3A_567] {strides = array<i32>} : memref<2x32x828xf32, #tpu.memory_space<vmem>>, vector<16xf32>,
        tpu.vector_store %arg25[%swap3A_565, %swap3A_566, %swap3A_567], %mul3A_563 {strides = array<i32>} : memref<2x32x828xf32, #tpu.memory_space<vmem>>, vector<16xf32>,
        %get3A_569 = arith.constant 1 : i32
        %get3A_570 = arith.index_cast %get3A_569 : i32 to index
        %get3A_571 = arith.index_cast %scan3A_535 : i32 to index
        %get3A_572 = arith.constant 0 : index
        %get3A_573 = tpu.vector_load %arg21[%get3A_570, %get3A_571, %get3A_572] {strides = array<i32>} : memref<2x32x256xf32, #tpu.memory_space<vmem>>, vector<16xf32>,
        %swap3A_574 = arith.constant 1 : i32
        %swap3A_575 = arith.index_cast %swap3A_574 : i32 to index
        %swap3A_576 = arith.index_cast %scan3A_535 : i32 to index
        %swap3A_577 = arith.constant 256 : index
        %swap3A_578 = tpu.vector_load %arg25[%swap3A_575, %swap3A_576, %swap3A_577] {strides = array<i32>} : memref<2x32x828xf32, #tpu.memory_space<vmem>>, vector<16xf32>,
        tpu.vector_store %arg25[%swap3A_575, %swap3A_576, %swap3A_577], %get3A_573 {strides = array<i32>} : memref<2x32x828xf32, #tpu.memory_space<vmem>>, vector<16xf32>,
        %swap3A_579 = arith.constant 1 : i32
        %swap3A_580 = arith.index_cast %swap3A_579 : i32 to index
        %swap3A_581 = arith.index_cast %scan3A_535 : i32 to index
        %swap3A_582 = arith.constant 532 : index
        %swap3A_583 = tpu.vector_load %arg25[%swap3A_580, %swap3A_581, %swap3A_582] {strides = array<i32>} : memref<2x32x828xf32, #tpu.memory_space<vmem>>, vector<16xf32>,
        tpu.vector_store %arg25[%swap3A_580, %swap3A_581, %swap3A_582], %get3A_550 {strides = array<i32>} : memref<2x32x828xf32, #tpu.memory_space<vmem>>, vector<16xf32>,
        %get3A_584 = arith.constant 1 : i32
        %get3A_585 = arith.index_cast %get3A_584 : i32 to index
        %get3A_586 = arith.index_cast %scan3A_535 : i32 to index
        %get3A_587 = arith.constant 16 : index
        %get3A_588 = tpu.vector_load %arg22[%get3A_585, %get3A_586, %get3A_587] {strides = array<i32>} : memref<2x32x256xf32, #tpu.memory_space<vmem>>, vector<16xf32>,
        %get3A_589 = arith.constant 1 : i32
        %get3A_590 = arith.index_cast %get3A_589 : i32 to index
        %get3A_591 = arith.index_cast %scan3A_535 : i32 to index
        %get3A_592 = arith.constant 16 : index
        %get3A_593 = tpu.vector_load %arg20[%get3A_590, %get3A_591, %get3A_592] {strides = array<i32>} : memref<2x32x256xf32, #tpu.memory_space<vmem>>, vector<16xf32>,
        %get3A_594 = arith.constant 1 : i32
        %get3A_595 = arith.index_cast %get3A_594 : i32 to index
        %get3A_596 = arith.index_cast %scan3A_535 : i32 to index
        %get3A_597 = arith.constant 16 : index
        %get3A_598 = tpu.vector_load %arg19[%get3A_595, %get3A_596, %get3A_597] {strides = array<i32>} : memref<2x32x256xf32, #tpu.memory_space<vmem>>, vector<16xf32>,
        %sub3A_599 = arith.subf %get3A_593, %get3A_598 : vector<16xf32>
        %add3A_600 = arith.addf %sub3A_599, %get3A_588 : vector<16xf32>
        %mul3A_601 = arith.mulf %add3A_600, %gather3A_545 : vector<16xf32>
        %swap3A_602 = arith.constant 1 : i32
        %swap3A_603 = arith.index_cast %swap3A_602 : i32 to index
        %swap3A_604 = arith.index_cast %scan3A_535 : i32 to index
        %swap3A_605 = arith.constant 16 : index
        %swap3A_606 = tpu.vector_load %arg25[%swap3A_603, %swap3A_604, %swap3A_605] {strides = array<i32>} : memref<2x32x828xf32, #tpu.memory_space<vmem>>, vector<16xf32>,
        tpu.vector_store %arg25[%swap3A_603, %swap3A_604, %swap3A_605], %mul3A_601 {strides = array<i32>} : memref<2x32x828xf32, #tpu.memory_space<vmem>>, vector<16xf32>,
        %get3A_607 = arith.constant 1 : i32
        %get3A_608 = arith.index_cast %get3A_607 : i32 to index
        %get3A_609 = arith.index_cast %scan3A_535 : i32 to index
        %get3A_610 = arith.constant 16 : index
        %get3A_611 = tpu.vector_load %arg21[%get3A_608, %get3A_609, %get3A_610] {strides = array<i32>} : memref<2x32x256xf32, #tpu.memory_space<vmem>>, vector<16xf32>,
        %swap3A_612 = arith.constant 1 : i32
        %swap3A_613 = arith.index_cast %swap3A_612 : i32 to index
        %swap3A_614 = arith.index_cast %scan3A_535 : i32 to index
        %swap3A_615 = arith.constant 272 : index
        %swap3A_616 = tpu.vector_load %arg25[%swap3A_613, %swap3A_614, %swap3A_615] {strides = array<i32>} : memref<2x32x828xf32, #tpu.memory_space<vmem>>, vector<16xf32>,
        tpu.vector_store %arg25[%swap3A_613, %swap3A_614, %swap3A_615], %get3A_611 {strides = array<i32>} : memref<2x32x828xf32, #tpu.memory_space<vmem>>, vector<16xf32>,
        %swap3A_617 = arith.constant 1 : i32
        %swap3A_618 = arith.index_cast %swap3A_617 : i32 to index
        %swap3A_619 = arith.index_cast %scan3A_535 : i32 to index
        %swap3A_620 = arith.constant 548 : index
        %swap3A_621 = tpu.vector_load %arg25[%swap3A_618, %swap3A_619, %swap3A_620] {strides = array<i32>} : memref<2x32x828xf32, #tpu.memory_space<vmem>>, vector<16xf32>,
        tpu.vector_store %arg25[%swap3A_618, %swap3A_619, %swap3A_620], %get3A_588 {strides = array<i32>} : memref<2x32x828xf32, #tpu.memory_space<vmem>>, vector<16xf32>,
        %get3A_622 = arith.constant 1 : i32
        %get3A_623 = arith.index_cast %get3A_622 : i32 to index
        %get3A_624 = arith.index_cast %scan3A_535 : i32 to index
        %get3A_625 = arith.constant 32 : index
        %get3A_626 = tpu.vector_load %arg22[%get3A_623, %get3A_624, %get3A_625] {strides = array<i32>} : memref<2x32x256xf32, #tpu.memory_space<vmem>>, vector<16xf32>,
        %get3A_627 = arith.constant 1 : i32
        %get3A_628 = arith.index_cast %get3A_627 : i32 to index
        %get3A_629 = arith.index_cast %scan3A_535 : i32 to index
        %get3A_630 = arith.constant 32 : index
        %get3A_631 = tpu.vector_load %arg20[%get3A_628, %get3A_629, %get3A_630] {strides = array<i32>} : memref<2x32x256xf32, #tpu.memory_space<vmem>>, vector<16xf32>,
        %get3A_632 = arith.constant 1 : i32
        %get3A_633 = arith.index_cast %get3A_632 : i32 to index
        %get3A_634 = arith.index_cast %scan3A_535 : i32 to index
        %get3A_635 = arith.constant 32 : index
        %get3A_636 = tpu.vector_load %arg19[%get3A_633, %get3A_634, %get3A_635] {strides = array<i32>} : memref<2x32x256xf32, #tpu.memory_space<vmem>>, vector<16xf32>,
        %sub3A_637 = arith.subf %get3A_631, %get3A_636 : vector<16xf32>
        %add3A_638 = arith.addf %sub3A_637, %get3A_626 : vector<16xf32>
        %mul3A_639 = arith.mulf %add3A_638, %gather3A_545 : vector<16xf32>
        %swap3A_640 = arith.constant 1 : i32
        %swap3A_641 = arith.index_cast %swap3A_640 : i32 to index
        %swap3A_642 = arith.index_cast %scan3A_535 : i32 to index
        %swap3A_643 = arith.constant 32 : index
        %swap3A_644 = tpu.vector_load %arg25[%swap3A_641, %swap3A_642, %swap3A_643] {strides = array<i32>} : memref<2x32x828xf32, #tpu.memory_space<vmem>>, vector<16xf32>,
        tpu.vector_store %arg25[%swap3A_641, %swap3A_642, %swap3A_643], %mul3A_639 {strides = array<i32>} : memref<2x32x828xf32, #tpu.memory_space<vmem>>, vector<16xf32>,
        %get3A_645 = arith.constant 1 : i32
        %get3A_646 = arith.index_cast %get3A_645 : i32 to index
        %get3A_647 = arith.index_cast %scan3A_535 : i32 to index
        %get3A_648 = arith.constant 32 : index
        %get3A_649 = tpu.vector_load %arg21[%get3A_646, %get3A_647, %get3A_648] {strides = array<i32>} : memref<2x32x256xf32, #tpu.memory_space<vmem>>, vector<16xf32>,
        %swap3A_650 = arith.constant 1 : i32
        %swap3A_651 = arith.index_cast %swap3A_650 : i32 to index
        %swap3A_652 = arith.index_cast %scan3A_535 : i32 to index
        %swap3A_653 = arith.constant 288 : index
        %swap3A_654 = tpu.vector_load %arg25[%swap3A_651, %swap3A_652, %swap3A_653] {strides = array<i32>} : memref<2x32x828xf32, #tpu.memory_space<vmem>>, vector<16xf32>,
        tpu.vector_store %arg25[%swap3A_651, %swap3A_652, %swap3A_653], %get3A_649 {strides = array<i32>} : memref<2x32x828xf32, #tpu.memory_space<vmem>>, vector<16xf32>,
        %swap3A_655 = arith.constant 1 : i32
        %swap3A_656 = arith.index_cast %swap3A_655 : i32 to index
        %swap3A_657 = arith.index_cast %scan3A_535 : i32 to index
        %swap3A_658 = arith.constant 564 : index
        %swap3A_659 = tpu.vector_load %arg25[%swap3A_656, %swap3A_657, %swap3A_658] {strides = array<i32>} : memref<2x32x828xf32, #tpu.memory_space<vmem>>, vector<16xf32>,
        tpu.vector_store %arg25[%swap3A_656, %swap3A_657, %swap3A_658], %get3A_626 {strides = array<i32>} : memref<2x32x828xf32, #tpu.memory_space<vmem>>, vector<16xf32>,
        %get3A_660 = arith.constant 1 : i32
        %get3A_661 = arith.index_cast %get3A_660 : i32 to index
        %get3A_662 = arith.index_cast %scan3A_535 : i32 to index
        %get3A_663 = arith.constant 48 : index
        %get3A_664 = tpu.vector_load %arg22[%get3A_661, %get3A_662, %get3A_663] {strides = array<i32>} : memref<2x32x256xf32, #tpu.memory_space<vmem>>, vector<16xf32>,
        %get3A_665 = arith.constant 1 : i32
        %get3A_666 = arith.index_cast %get3A_665 : i32 to index
        %get3A_667 = arith.index_cast %scan3A_535 : i32 to index
        %get3A_668 = arith.constant 48 : index
        %get3A_669 = tpu.vector_load %arg20[%get3A_666, %get3A_667, %get3A_668] {strides = array<i32>} : memref<2x32x256xf32, #tpu.memory_space<vmem>>, vector<16xf32>,
        %get3A_670 = arith.constant 1 : i32
        %get3A_671 = arith.index_cast %get3A_670 : i32 to index
        %get3A_672 = arith.index_cast %scan3A_535 : i32 to index
        %get3A_673 = arith.constant 48 : index
        %get3A_674 = tpu.vector_load %arg19[%get3A_671, %get3A_672, %get3A_673] {strides = array<i32>} : memref<2x32x256xf32, #tpu.memory_space<vmem>>, vector<16xf32>,
        %sub3A_675 = arith.subf %get3A_669, %get3A_674 : vector<16xf32>
        %add3A_676 = arith.addf %sub3A_675, %get3A_664 : vector<16xf32>
        %mul3A_677 = arith.mulf %add3A_676, %gather3A_545 : vector<16xf32>
        %swap3A_678 = arith.constant 1 : i32
        %swap3A_679 = arith.index_cast %swap3A_678 : i32 to index
        %swap3A_680 = arith.index_cast %scan3A_535 : i32 to index
        %swap3A_681 = arith.constant 48 : index
        %swap3A_682 = tpu.vector_load %arg25[%swap3A_679, %swap3A_680, %swap3A_681] {strides = array<i32>} : memref<2x32x828xf32, #tpu.memory_space<vmem>>, vector<16xf32>,
        tpu.vector_store %arg25[%swap3A_679, %swap3A_680, %swap3A_681], %mul3A_677 {strides = array<i32>} : memref<2x32x828xf32, #tpu.memory_space<vmem>>, vector<16xf32>,
        %get3A_683 = arith.constant 1 : i32
        %get3A_684 = arith.index_cast %get3A_683 : i32 to index
        %get3A_685 = arith.index_cast %scan3A_535 : i32 to index
        %get3A_686 = arith.constant 48 : index
        %get3A_687 = tpu.vector_load %arg21[%get3A_684, %get3A_685, %get3A_686] {strides = array<i32>} : memref<2x32x256xf32, #tpu.memory_space<vmem>>, vector<16xf32>,
        %swap3A_688 = arith.constant 1 : i32
        %swap3A_689 = arith.index_cast %swap3A_688 : i32 to index
        %swap3A_690 = arith.index_cast %scan3A_535 : i32 to index
        %swap3A_691 = arith.constant 304 : index
        %swap3A_692 = tpu.vector_load %arg25[%swap3A_689, %swap3A_690, %swap3A_691] {strides = array<i32>} : memref<2x32x828xf32, #tpu.memory_space<vmem>>, vector<16xf32>,
        tpu.vector_store %arg25[%swap3A_689, %swap3A_690, %swap3A_691], %get3A_687 {strides = array<i32>} : memref<2x32x828xf32, #tpu.memory_space<vmem>>, vector<16xf32>,
        %swap3A_693 = arith.constant 1 : i32
        %swap3A_694 = arith.index_cast %swap3A_693 : i32 to index
        %swap3A_695 = arith.index_cast %scan3A_535 : i32 to index
        %swap3A_696 = arith.constant 580 : index
        %swap3A_697 = tpu.vector_load %arg25[%swap3A_694, %swap3A_695, %swap3A_696] {strides = array<i32>} : memref<2x32x828xf32, #tpu.memory_space<vmem>>, vector<16xf32>,
        tpu.vector_store %arg25[%swap3A_694, %swap3A_695, %swap3A_696], %get3A_664 {strides = array<i32>} : memref<2x32x828xf32, #tpu.memory_space<vmem>>, vector<16xf32>,
        %get3A_698 = arith.constant 1 : i32
        %get3A_699 = arith.index_cast %get3A_698 : i32 to index
        %get3A_700 = arith.index_cast %scan3A_535 : i32 to index
        %get3A_701 = arith.constant 64 : index
        %get3A_702 = tpu.vector_load %arg22[%get3A_699, %get3A_700, %get3A_701] {strides = array<i32>} : memref<2x32x256xf32, #tpu.memory_space<vmem>>, vector<16xf32>,
        %get3A_703 = arith.constant 1 : i32
        %get3A_704 = arith.index_cast %get3A_703 : i32 to index
        %get3A_705 = arith.index_cast %scan3A_535 : i32 to index
        %get3A_706 = arith.constant 64 : index
        %get3A_707 = tpu.vector_load %arg20[%get3A_704, %get3A_705, %get3A_706] {strides = array<i32>} : memref<2x32x256xf32, #tpu.memory_space<vmem>>, vector<16xf32>,
        %get3A_708 = arith.constant 1 : i32
        %get3A_709 = arith.index_cast %get3A_708 : i32 to index
        %get3A_710 = arith.index_cast %scan3A_535 : i32 to index
        %get3A_711 = arith.constant 64 : index
        %get3A_712 = tpu.vector_load %arg19[%get3A_709, %get3A_710, %get3A_711] {strides = array<i32>} : memref<2x32x256xf32, #tpu.memory_space<vmem>>, vector<16xf32>,
        %sub3A_713 = arith.subf %get3A_707, %get3A_712 : vector<16xf32>
        %add3A_714 = arith.addf %sub3A_713, %get3A_702 : vector<16xf32>
        %mul3A_715 = arith.mulf %add3A_714, %gather3A_545 : vector<16xf32>
        %swap3A_716 = arith.constant 1 : i32
        %swap3A_717 = arith.index_cast %swap3A_716 : i32 to index
        %swap3A_718 = arith.index_cast %scan3A_535 : i32 to index
        %swap3A_719 = arith.constant 64 : index
        %swap3A_720 = tpu.vector_load %arg25[%swap3A_717, %swap3A_718, %swap3A_719] {strides = array<i32>} : memref<2x32x828xf32, #tpu.memory_space<vmem>>, vector<16xf32>,
        tpu.vector_store %arg25[%swap3A_717, %swap3A_718, %swap3A_719], %mul3A_715 {strides = array<i32>} : memref<2x32x828xf32, #tpu.memory_space<vmem>>, vector<16xf32>,
        %get3A_721 = arith.constant 1 : i32
        %get3A_722 = arith.index_cast %get3A_721 : i32 to index
        %get3A_723 = arith.index_cast %scan3A_535 : i32 to index
        %get3A_724 = arith.constant 64 : index
        %get3A_725 = tpu.vector_load %arg21[%get3A_722, %get3A_723, %get3A_724] {strides = array<i32>} : memref<2x32x256xf32, #tpu.memory_space<vmem>>, vector<16xf32>,
        %swap3A_726 = arith.constant 1 : i32
        %swap3A_727 = arith.index_cast %swap3A_726 : i32 to index
        %swap3A_728 = arith.index_cast %scan3A_535 : i32 to index
        %swap3A_729 = arith.constant 320 : index
        %swap3A_730 = tpu.vector_load %arg25[%swap3A_727, %swap3A_728, %swap3A_729] {strides = array<i32>} : memref<2x32x828xf32, #tpu.memory_space<vmem>>, vector<16xf32>,
        tpu.vector_store %arg25[%swap3A_727, %swap3A_728, %swap3A_729], %get3A_725 {strides = array<i32>} : memref<2x32x828xf32, #tpu.memory_space<vmem>>, vector<16xf32>,
        %swap3A_731 = arith.constant 1 : i32
        %swap3A_732 = arith.index_cast %swap3A_731 : i32 to index
        %swap3A_733 = arith.index_cast %scan3A_535 : i32 to index
        %swap3A_734 = arith.constant 596 : index
        %swap3A_735 = tpu.vector_load %arg25[%swap3A_732, %swap3A_733, %swap3A_734] {strides = array<i32>} : memref<2x32x828xf32, #tpu.memory_space<vmem>>, vector<16xf32>,
        tpu.vector_store %arg25[%swap3A_732, %swap3A_733, %swap3A_734], %get3A_702 {strides = array<i32>} : memref<2x32x828xf32, #tpu.memory_space<vmem>>, vector<16xf32>,
        %get3A_736 = arith.constant 1 : i32
        %get3A_737 = arith.index_cast %get3A_736 : i32 to index
        %get3A_738 = arith.index_cast %scan3A_535 : i32 to index
        %get3A_739 = arith.constant 80 : index
        %get3A_740 = tpu.vector_load %arg22[%get3A_737, %get3A_738, %get3A_739] {strides = array<i32>} : memref<2x32x256xf32, #tpu.memory_space<vmem>>, vector<16xf32>,
        %get3A_741 = arith.constant 1 : i32
        %get3A_742 = arith.index_cast %get3A_741 : i32 to index
        %get3A_743 = arith.index_cast %scan3A_535 : i32 to index
        %get3A_744 = arith.constant 80 : index
        %get3A_745 = tpu.vector_load %arg20[%get3A_742, %get3A_743, %get3A_744] {strides = array<i32>} : memref<2x32x256xf32, #tpu.memory_space<vmem>>, vector<16xf32>,
        %get3A_746 = arith.constant 1 : i32
        %get3A_747 = arith.index_cast %get3A_746 : i32 to index
        %get3A_748 = arith.index_cast %scan3A_535 : i32 to index
        %get3A_749 = arith.constant 80 : index
        %get3A_750 = tpu.vector_load %arg19[%get3A_747, %get3A_748, %get3A_749] {strides = array<i32>} : memref<2x32x256xf32, #tpu.memory_space<vmem>>, vector<16xf32>,
        %sub3A_751 = arith.subf %get3A_745, %get3A_750 : vector<16xf32>
        %add3A_752 = arith.addf %sub3A_751, %get3A_740 : vector<16xf32>
        %mul3A_753 = arith.mulf %add3A_752, %gather3A_545 : vector<16xf32>
        %swap3A_754 = arith.constant 1 : i32
        %swap3A_755 = arith.index_cast %swap3A_754 : i32 to index
        %swap3A_756 = arith.index_cast %scan3A_535 : i32 to index
        %swap3A_757 = arith.constant 80 : index
        %swap3A_758 = tpu.vector_load %arg25[%swap3A_755, %swap3A_756, %swap3A_757] {strides = array<i32>} : memref<2x32x828xf32, #tpu.memory_space<vmem>>, vector<16xf32>,
        tpu.vector_store %arg25[%swap3A_755, %swap3A_756, %swap3A_757], %mul3A_753 {strides = array<i32>} : memref<2x32x828xf32, #tpu.memory_space<vmem>>, vector<16xf32>,
        %get3A_759 = arith.constant 1 : i32
        %get3A_760 = arith.index_cast %get3A_759 : i32 to index
        %get3A_761 = arith.index_cast %scan3A_535 : i32 to index
        %get3A_762 = arith.constant 80 : index
        %get3A_763 = tpu.vector_load %arg21[%get3A_760, %get3A_761, %get3A_762] {strides = array<i32>} : memref<2x32x256xf32, #tpu.memory_space<vmem>>, vector<16xf32>,
        %swap3A_764 = arith.constant 1 : i32
        %swap3A_765 = arith.index_cast %swap3A_764 : i32 to index
        %swap3A_766 = arith.index_cast %scan3A_535 : i32 to index
        %swap3A_767 = arith.constant 336 : index
        %swap3A_768 = tpu.vector_load %arg25[%swap3A_765, %swap3A_766, %swap3A_767] {strides = array<i32>} : memref<2x32x828xf32, #tpu.memory_space<vmem>>, vector<16xf32>,
        tpu.vector_store %arg25[%swap3A_765, %swap3A_766, %swap3A_767], %get3A_763 {strides = array<i32>} : memref<2x32x828xf32, #tpu.memory_space<vmem>>, vector<16xf32>,
        %swap3A_769 = arith.constant 1 : i32
        %swap3A_770 = arith.index_cast %swap3A_769 : i32 to index
        %swap3A_771 = arith.index_cast %scan3A_535 : i32 to index
        %swap3A_772 = arith.constant 612 : index
        %swap3A_773 = tpu.vector_load %arg25[%swap3A_770, %swap3A_771, %swap3A_772] {strides = array<i32>} : memref<2x32x828xf32, #tpu.memory_space<vmem>>, vector<16xf32>,
        tpu.vector_store %arg25[%swap3A_770, %swap3A_771, %swap3A_772], %get3A_740 {strides = array<i32>} : memref<2x32x828xf32, #tpu.memory_space<vmem>>, vector<16xf32>,
        %get3A_774 = arith.constant 1 : i32
        %get3A_775 = arith.index_cast %get3A_774 : i32 to index
        %get3A_776 = arith.index_cast %scan3A_535 : i32 to index
        %get3A_777 = arith.constant 96 : index
        %get3A_778 = tpu.vector_load %arg22[%get3A_775, %get3A_776, %get3A_777] {strides = array<i32>} : memref<2x32x256xf32, #tpu.memory_space<vmem>>, vector<16xf32>,
        %get3A_779 = arith.constant 1 : i32
        %get3A_780 = arith.index_cast %get3A_779 : i32 to index
        %get3A_781 = arith.index_cast %scan3A_535 : i32 to index
        %get3A_782 = arith.constant 96 : index
        %get3A_783 = tpu.vector_load %arg20[%get3A_780, %get3A_781, %get3A_782] {strides = array<i32>} : memref<2x32x256xf32, #tpu.memory_space<vmem>>, vector<16xf32>,
        %get3A_784 = arith.constant 1 : i32
        %get3A_785 = arith.index_cast %get3A_784 : i32 to index
        %get3A_786 = arith.index_cast %scan3A_535 : i32 to index
        %get3A_787 = arith.constant 96 : index
        %get3A_788 = tpu.vector_load %arg19[%get3A_785, %get3A_786, %get3A_787] {strides = array<i32>} : memref<2x32x256xf32, #tpu.memory_space<vmem>>, vector<16xf32>,
        %sub3A_789 = arith.subf %get3A_783, %get3A_788 : vector<16xf32>
        %add3A_790 = arith.addf %sub3A_789, %get3A_778 : vector<16xf32>
        %mul3A_791 = arith.mulf %add3A_790, %gather3A_545 : vector<16xf32>
        %swap3A_792 = arith.constant 1 : i32
        %swap3A_793 = arith.index_cast %swap3A_792 : i32 to index
        %swap3A_794 = arith.index_cast %scan3A_535 : i32 to index
        %swap3A_795 = arith.constant 96 : index
        %swap3A_796 = tpu.vector_load %arg25[%swap3A_793, %swap3A_794, %swap3A_795] {strides = array<i32>} : memref<2x32x828xf32, #tpu.memory_space<vmem>>, vector<16xf32>,
        tpu.vector_store %arg25[%swap3A_793, %swap3A_794, %swap3A_795], %mul3A_791 {strides = array<i32>} : memref<2x32x828xf32, #tpu.memory_space<vmem>>, vector<16xf32>,
        %get3A_797 = arith.constant 1 : i32
        %get3A_798 = arith.index_cast %get3A_797 : i32 to index
        %get3A_799 = arith.index_cast %scan3A_535 : i32 to index
        %get3A_800 = arith.constant 96 : index
        %get3A_801 = tpu.vector_load %arg21[%get3A_798, %get3A_799, %get3A_800] {strides = array<i32>} : memref<2x32x256xf32, #tpu.memory_space<vmem>>, vector<16xf32>,
        %swap3A_802 = arith.constant 1 : i32
        %swap3A_803 = arith.index_cast %swap3A_802 : i32 to index
        %swap3A_804 = arith.index_cast %scan3A_535 : i32 to index
        %swap3A_805 = arith.constant 352 : index
        %swap3A_806 = tpu.vector_load %arg25[%swap3A_803, %swap3A_804, %swap3A_805] {strides = array<i32>} : memref<2x32x828xf32, #tpu.memory_space<vmem>>, vector<16xf32>,
        tpu.vector_store %arg25[%swap3A_803, %swap3A_804, %swap3A_805], %get3A_801 {strides = array<i32>} : memref<2x32x828xf32, #tpu.memory_space<vmem>>, vector<16xf32>,
        %swap3A_807 = arith.constant 1 : i32
        %swap3A_808 = arith.index_cast %swap3A_807 : i32 to index
        %swap3A_809 = arith.index_cast %scan3A_535 : i32 to index
        %swap3A_810 = arith.constant 628 : index
        %swap3A_811 = tpu.vector_load %arg25[%swap3A_808, %swap3A_809, %swap3A_810] {strides = array<i32>} : memref<2x32x828xf32, #tpu.memory_space<vmem>>, vector<16xf32>,
        tpu.vector_store %arg25[%swap3A_808, %swap3A_809, %swap3A_810], %get3A_778 {strides = array<i32>} : memref<2x32x828xf32, #tpu.memory_space<vmem>>, vector<16xf32>,
        %get3A_812 = arith.constant 1 : i32
        %get3A_813 = arith.index_cast %get3A_812 : i32 to index
        %get3A_814 = arith.index_cast %scan3A_535 : i32 to index
        %get3A_815 = arith.constant 112 : index
        %get3A_816 = tpu.vector_load %arg22[%get3A_813, %get3A_814, %get3A_815] {strides = array<i32>} : memref<2x32x256xf32, #tpu.memory_space<vmem>>, vector<16xf32>,
        %get3A_817 = arith.constant 1 : i32
        %get3A_818 = arith.index_cast %get3A_817 : i32 to index
        %get3A_819 = arith.index_cast %scan3A_535 : i32 to index
        %get3A_820 = arith.constant 112 : index
        %get3A_821 = tpu.vector_load %arg20[%get3A_818, %get3A_819, %get3A_820] {strides = array<i32>} : memref<2x32x256xf32, #tpu.memory_space<vmem>>, vector<16xf32>,
        %get3A_822 = arith.constant 1 : i32
        %get3A_823 = arith.index_cast %get3A_822 : i32 to index
        %get3A_824 = arith.index_cast %scan3A_535 : i32 to index
        %get3A_825 = arith.constant 112 : index
        %get3A_826 = tpu.vector_load %arg19[%get3A_823, %get3A_824, %get3A_825] {strides = array<i32>} : memref<2x32x256xf32, #tpu.memory_space<vmem>>, vector<16xf32>,
        %sub3A_827 = arith.subf %get3A_821, %get3A_826 : vector<16xf32>
        %add3A_828 = arith.addf %sub3A_827, %get3A_816 : vector<16xf32>
        %mul3A_829 = arith.mulf %add3A_828, %gather3A_545 : vector<16xf32>
        %swap3A_830 = arith.constant 1 : i32
        %swap3A_831 = arith.index_cast %swap3A_830 : i32 to index
        %swap3A_832 = arith.index_cast %scan3A_535 : i32 to index
        %swap3A_833 = arith.constant 112 : index
        %swap3A_834 = tpu.vector_load %arg25[%swap3A_831, %swap3A_832, %swap3A_833] {strides = array<i32>} : memref<2x32x828xf32, #tpu.memory_space<vmem>>, vector<16xf32>,
        tpu.vector_store %arg25[%swap3A_831, %swap3A_832, %swap3A_833], %mul3A_829 {strides = array<i32>} : memref<2x32x828xf32, #tpu.memory_space<vmem>>, vector<16xf32>,
        %get3A_835 = arith.constant 1 : i32
        %get3A_836 = arith.index_cast %get3A_835 : i32 to index
        %get3A_837 = arith.index_cast %scan3A_535 : i32 to index
        %get3A_838 = arith.constant 112 : index
        %get3A_839 = tpu.vector_load %arg21[%get3A_836, %get3A_837, %get3A_838] {strides = array<i32>} : memref<2x32x256xf32, #tpu.memory_space<vmem>>, vector<16xf32>,
        %swap3A_840 = arith.constant 1 : i32
        %swap3A_841 = arith.index_cast %swap3A_840 : i32 to index
        %swap3A_842 = arith.index_cast %scan3A_535 : i32 to index
        %swap3A_843 = arith.constant 368 : index
        %swap3A_844 = tpu.vector_load %arg25[%swap3A_841, %swap3A_842, %swap3A_843] {strides = array<i32>} : memref<2x32x828xf32, #tpu.memory_space<vmem>>, vector<16xf32>,
        tpu.vector_store %arg25[%swap3A_841, %swap3A_842, %swap3A_843], %get3A_839 {strides = array<i32>} : memref<2x32x828xf32, #tpu.memory_space<vmem>>, vector<16xf32>,
        %swap3A_845 = arith.constant 1 : i32
        %swap3A_846 = arith.index_cast %swap3A_845 : i32 to index
        %swap3A_847 = arith.index_cast %scan3A_535 : i32 to index
        %swap3A_848 = arith.constant 644 : index
        %swap3A_849 = tpu.vector_load %arg25[%swap3A_846, %swap3A_847, %swap3A_848] {strides = array<i32>} : memref<2x32x828xf32, #tpu.memory_space<vmem>>, vector<16xf32>,
        tpu.vector_store %arg25[%swap3A_846, %swap3A_847, %swap3A_848], %get3A_816 {strides = array<i32>} : memref<2x32x828xf32, #tpu.memory_space<vmem>>, vector<16xf32>,
        %get3A_850 = arith.constant 1 : i32
        %get3A_851 = arith.index_cast %get3A_850 : i32 to index
        %get3A_852 = arith.index_cast %scan3A_535 : i32 to index
        %get3A_853 = arith.constant 128 : index
        %get3A_854 = tpu.vector_load %arg22[%get3A_851, %get3A_852, %get3A_853] {strides = array<i32>} : memref<2x32x256xf32, #tpu.memory_space<vmem>>, vector<16xf32>,
        %get3A_855 = arith.constant 1 : i32
        %get3A_856 = arith.index_cast %get3A_855 : i32 to index
        %get3A_857 = arith.index_cast %scan3A_535 : i32 to index
        %get3A_858 = arith.constant 128 : index
        %get3A_859 = tpu.vector_load %arg20[%get3A_856, %get3A_857, %get3A_858] {strides = array<i32>} : memref<2x32x256xf32, #tpu.memory_space<vmem>>, vector<16xf32>,
        %get3A_860 = arith.constant 1 : i32
        %get3A_861 = arith.index_cast %get3A_860 : i32 to index
        %get3A_862 = arith.index_cast %scan3A_535 : i32 to index
        %get3A_863 = arith.constant 128 : index
        %get3A_864 = tpu.vector_load %arg19[%get3A_861, %get3A_862, %get3A_863] {strides = array<i32>} : memref<2x32x256xf32, #tpu.memory_space<vmem>>, vector<16xf32>,
        %sub3A_865 = arith.subf %get3A_859, %get3A_864 : vector<16xf32>
        %add3A_866 = arith.addf %sub3A_865, %get3A_854 : vector<16xf32>
        %mul3A_867 = arith.mulf %add3A_866, %gather3A_545 : vector<16xf32>
        %swap3A_868 = arith.constant 1 : i32
        %swap3A_869 = arith.index_cast %swap3A_868 : i32 to index
        %swap3A_870 = arith.index_cast %scan3A_535 : i32 to index
        %swap3A_871 = arith.constant 128 : index
        %swap3A_872 = tpu.vector_load %arg25[%swap3A_869, %swap3A_870, %swap3A_871] {strides = array<i32>} : memref<2x32x828xf32, #tpu.memory_space<vmem>>, vector<16xf32>,
        tpu.vector_store %arg25[%swap3A_869, %swap3A_870, %swap3A_871], %mul3A_867 {strides = array<i32>} : memref<2x32x828xf32, #tpu.memory_space<vmem>>, vector<16xf32>,
        %get3A_873 = arith.constant 1 : i32
        %get3A_874 = arith.index_cast %get3A_873 : i32 to index
        %get3A_875 = arith.index_cast %scan3A_535 : i32 to index
        %get3A_876 = arith.constant 128 : index
        %get3A_877 = tpu.vector_load %arg21[%get3A_874, %get3A_875, %get3A_876] {strides = array<i32>} : memref<2x32x256xf32, #tpu.memory_space<vmem>>, vector<16xf32>,
        %swap3A_878 = arith.constant 1 : i32
        %swap3A_879 = arith.index_cast %swap3A_878 : i32 to index
        %swap3A_880 = arith.index_cast %scan3A_535 : i32 to index
        %swap3A_881 = arith.constant 384 : index
        %swap3A_882 = tpu.vector_load %arg25[%swap3A_879, %swap3A_880, %swap3A_881] {strides = array<i32>} : memref<2x32x828xf32, #tpu.memory_space<vmem>>, vector<16xf32>,
        tpu.vector_store %arg25[%swap3A_879, %swap3A_880, %swap3A_881], %get3A_877 {strides = array<i32>} : memref<2x32x828xf32, #tpu.memory_space<vmem>>, vector<16xf32>,
        %swap3A_883 = arith.constant 1 : i32
        %swap3A_884 = arith.index_cast %swap3A_883 : i32 to index
        %swap3A_885 = arith.index_cast %scan3A_535 : i32 to index
        %swap3A_886 = arith.constant 660 : index
        %swap3A_887 = tpu.vector_load %arg25[%swap3A_884, %swap3A_885, %swap3A_886] {strides = array<i32>} : memref<2x32x828xf32, #tpu.memory_space<vmem>>, vector<16xf32>,
        tpu.vector_store %arg25[%swap3A_884, %swap3A_885, %swap3A_886], %get3A_854 {strides = array<i32>} : memref<2x32x828xf32, #tpu.memory_space<vmem>>, vector<16xf32>,
        %get3A_888 = arith.constant 1 : i32
        %get3A_889 = arith.index_cast %get3A_888 : i32 to index
        %get3A_890 = arith.index_cast %scan3A_535 : i32 to index
        %get3A_891 = arith.constant 144 : index
        %get3A_892 = tpu.vector_load %arg22[%get3A_889, %get3A_890, %get3A_891] {strides = array<i32>} : memref<2x32x256xf32, #tpu.memory_space<vmem>>, vector<16xf32>,
        %get3A_893 = arith.constant 1 : i32
        %get3A_894 = arith.index_cast %get3A_893 : i32 to index
        %get3A_895 = arith.index_cast %scan3A_535 : i32 to index
        %get3A_896 = arith.constant 144 : index
        %get3A_897 = tpu.vector_load %arg20[%get3A_894, %get3A_895, %get3A_896] {strides = array<i32>} : memref<2x32x256xf32, #tpu.memory_space<vmem>>, vector<16xf32>,
        %get3A_898 = arith.constant 1 : i32
        %get3A_899 = arith.index_cast %get3A_898 : i32 to index
        %get3A_900 = arith.index_cast %scan3A_535 : i32 to index
        %get3A_901 = arith.constant 144 : index
        %get3A_902 = tpu.vector_load %arg19[%get3A_899, %get3A_900, %get3A_901] {strides = array<i32>} : memref<2x32x256xf32, #tpu.memory_space<vmem>>, vector<16xf32>,
        %sub3A_903 = arith.subf %get3A_897, %get3A_902 : vector<16xf32>
        %add3A_904 = arith.addf %sub3A_903, %get3A_892 : vector<16xf32>
        %mul3A_905 = arith.mulf %add3A_904, %gather3A_545 : vector<16xf32>
        %swap3A_906 = arith.constant 1 : i32
        %swap3A_907 = arith.index_cast %swap3A_906 : i32 to index
        %swap3A_908 = arith.index_cast %scan3A_535 : i32 to index
        %swap3A_909 = arith.constant 144 : index
        %swap3A_910 = tpu.vector_load %arg25[%swap3A_907, %swap3A_908, %swap3A_909] {strides = array<i32>} : memref<2x32x828xf32, #tpu.memory_space<vmem>>, vector<16xf32>,
        tpu.vector_store %arg25[%swap3A_907, %swap3A_908, %swap3A_909], %mul3A_905 {strides = array<i32>} : memref<2x32x828xf32, #tpu.memory_space<vmem>>, vector<16xf32>,
        %get3A_911 = arith.constant 1 : i32
        %get3A_912 = arith.index_cast %get3A_911 : i32 to index
        %get3A_913 = arith.index_cast %scan3A_535 : i32 to index
        %get3A_914 = arith.constant 144 : index
        %get3A_915 = tpu.vector_load %arg21[%get3A_912, %get3A_913, %get3A_914] {strides = array<i32>} : memref<2x32x256xf32, #tpu.memory_space<vmem>>, vector<16xf32>,
        %swap3A_916 = arith.constant 1 : i32
        %swap3A_917 = arith.index_cast %swap3A_916 : i32 to index
        %swap3A_918 = arith.index_cast %scan3A_535 : i32 to index
        %swap3A_919 = arith.constant 400 : index
        %swap3A_920 = tpu.vector_load %arg25[%swap3A_917, %swap3A_918, %swap3A_919] {strides = array<i32>} : memref<2x32x828xf32, #tpu.memory_space<vmem>>, vector<16xf32>,
        tpu.vector_store %arg25[%swap3A_917, %swap3A_918, %swap3A_919], %get3A_915 {strides = array<i32>} : memref<2x32x828xf32, #tpu.memory_space<vmem>>, vector<16xf32>,
        %swap3A_921 = arith.constant 1 : i32
        %swap3A_922 = arith.index_cast %swap3A_921 : i32 to index
        %swap3A_923 = arith.index_cast %scan3A_535 : i32 to index
        %swap3A_924 = arith.constant 676 : index
        %swap3A_925 = tpu.vector_load %arg25[%swap3A_922, %swap3A_923, %swap3A_924] {strides = array<i32>} : memref<2x32x828xf32, #tpu.memory_space<vmem>>, vector<16xf32>,
        tpu.vector_store %arg25[%swap3A_922, %swap3A_923, %swap3A_924], %get3A_892 {strides = array<i32>} : memref<2x32x828xf32, #tpu.memory_space<vmem>>, vector<16xf32>,
        %get3A_926 = arith.constant 1 : i32
        %get3A_927 = arith.index_cast %get3A_926 : i32 to index
        %get3A_928 = arith.index_cast %scan3A_535 : i32 to index
        %get3A_929 = arith.constant 160 : index
        %get3A_930 = tpu.vector_load %arg22[%get3A_927, %get3A_928, %get3A_929] {strides = array<i32>} : memref<2x32x256xf32, #tpu.memory_space<vmem>>, vector<16xf32>,
        %get3A_931 = arith.constant 1 : i32
        %get3A_932 = arith.index_cast %get3A_931 : i32 to index
        %get3A_933 = arith.index_cast %scan3A_535 : i32 to index
        %get3A_934 = arith.constant 160 : index
        %get3A_935 = tpu.vector_load %arg20[%get3A_932, %get3A_933, %get3A_934] {strides = array<i32>} : memref<2x32x256xf32, #tpu.memory_space<vmem>>, vector<16xf32>,
        %get3A_936 = arith.constant 1 : i32
        %get3A_937 = arith.index_cast %get3A_936 : i32 to index
        %get3A_938 = arith.index_cast %scan3A_535 : i32 to index
        %get3A_939 = arith.constant 160 : index
        %get3A_940 = tpu.vector_load %arg19[%get3A_937, %get3A_938, %get3A_939] {strides = array<i32>} : memref<2x32x256xf32, #tpu.memory_space<vmem>>, vector<16xf32>,
        %sub3A_941 = arith.subf %get3A_935, %get3A_940 : vector<16xf32>
        %add3A_942 = arith.addf %sub3A_941, %get3A_930 : vector<16xf32>
        %mul3A_943 = arith.mulf %add3A_942, %gather3A_545 : vector<16xf32>
        %swap3A_944 = arith.constant 1 : i32
        %swap3A_945 = arith.index_cast %swap3A_944 : i32 to index
        %swap3A_946 = arith.index_cast %scan3A_535 : i32 to index
        %swap3A_947 = arith.constant 160 : index
        %swap3A_948 = tpu.vector_load %arg25[%swap3A_945, %swap3A_946, %swap3A_947] {strides = array<i32>} : memref<2x32x828xf32, #tpu.memory_space<vmem>>, vector<16xf32>,
        tpu.vector_store %arg25[%swap3A_945, %swap3A_946, %swap3A_947], %mul3A_943 {strides = array<i32>} : memref<2x32x828xf32, #tpu.memory_space<vmem>>, vector<16xf32>,
        %get3A_949 = arith.constant 1 : i32
        %get3A_950 = arith.index_cast %get3A_949 : i32 to index
        %get3A_951 = arith.index_cast %scan3A_535 : i32 to index
        %get3A_952 = arith.constant 160 : index
        %get3A_953 = tpu.vector_load %arg21[%get3A_950, %get3A_951, %get3A_952] {strides = array<i32>} : memref<2x32x256xf32, #tpu.memory_space<vmem>>, vector<16xf32>,
        %swap3A_954 = arith.constant 1 : i32
        %swap3A_955 = arith.index_cast %swap3A_954 : i32 to index
        %swap3A_956 = arith.index_cast %scan3A_535 : i32 to index
        %swap3A_957 = arith.constant 416 : index
        %swap3A_958 = tpu.vector_load %arg25[%swap3A_955, %swap3A_956, %swap3A_957] {strides = array<i32>} : memref<2x32x828xf32, #tpu.memory_space<vmem>>, vector<16xf32>,
        tpu.vector_store %arg25[%swap3A_955, %swap3A_956, %swap3A_957], %get3A_953 {strides = array<i32>} : memref<2x32x828xf32, #tpu.memory_space<vmem>>, vector<16xf32>,
        %swap3A_959 = arith.constant 1 : i32
        %swap3A_960 = arith.index_cast %swap3A_959 : i32 to index
        %swap3A_961 = arith.index_cast %scan3A_535 : i32 to index
        %swap3A_962 = arith.constant 692 : index
        %swap3A_963 = tpu.vector_load %arg25[%swap3A_960, %swap3A_961, %swap3A_962] {strides = array<i32>} : memref<2x32x828xf32, #tpu.memory_space<vmem>>, vector<16xf32>,
        tpu.vector_store %arg25[%swap3A_960, %swap3A_961, %swap3A_962], %get3A_930 {strides = array<i32>} : memref<2x32x828xf32, #tpu.memory_space<vmem>>, vector<16xf32>,
        %get3A_964 = arith.constant 1 : i32
        %get3A_965 = arith.index_cast %get3A_964 : i32 to index
        %get3A_966 = arith.index_cast %scan3A_535 : i32 to index
        %get3A_967 = arith.constant 176 : index
        %get3A_968 = tpu.vector_load %arg22[%get3A_965, %get3A_966, %get3A_967] {strides = array<i32>} : memref<2x32x256xf32, #tpu.memory_space<vmem>>, vector<16xf32>,
        %get3A_969 = arith.constant 1 : i32
        %get3A_970 = arith.index_cast %get3A_969 : i32 to index
        %get3A_971 = arith.index_cast %scan3A_535 : i32 to index
        %get3A_972 = arith.constant 176 : index
        %get3A_973 = tpu.vector_load %arg20[%get3A_970, %get3A_971, %get3A_972] {strides = array<i32>} : memref<2x32x256xf32, #tpu.memory_space<vmem>>, vector<16xf32>,
        %get3A_974 = arith.constant 1 : i32
        %get3A_975 = arith.index_cast %get3A_974 : i32 to index
        %get3A_976 = arith.index_cast %scan3A_535 : i32 to index
        %get3A_977 = arith.constant 176 : index
        %get3A_978 = tpu.vector_load %arg19[%get3A_975, %get3A_976, %get3A_977] {strides = array<i32>} : memref<2x32x256xf32, #tpu.memory_space<vmem>>, vector<16xf32>,
        %sub3A_979 = arith.subf %get3A_973, %get3A_978 : vector<16xf32>
        %add3A_980 = arith.addf %sub3A_979, %get3A_968 : vector<16xf32>
        %mul3A_981 = arith.mulf %add3A_980, %gather3A_545 : vector<16xf32>
        %swap3A_982 = arith.constant 1 : i32
        %swap3A_983 = arith.index_cast %swap3A_982 : i32 to index
        %swap3A_984 = arith.index_cast %scan3A_535 : i32 to index
        %swap3A_985 = arith.constant 176 : index
        %swap3A_986 = tpu.vector_load %arg25[%swap3A_983, %swap3A_984, %swap3A_985] {strides = array<i32>} : memref<2x32x828xf32, #tpu.memory_space<vmem>>, vector<16xf32>,
        tpu.vector_store %arg25[%swap3A_983, %swap3A_984, %swap3A_985], %mul3A_981 {strides = array<i32>} : memref<2x32x828xf32, #tpu.memory_space<vmem>>, vector<16xf32>,
        %get3A_987 = arith.constant 1 : i32
        %get3A_988 = arith.index_cast %get3A_987 : i32 to index
        %get3A_989 = arith.index_cast %scan3A_535 : i32 to index
        %get3A_990 = arith.constant 176 : index
        %get3A_991 = tpu.vector_load %arg21[%get3A_988, %get3A_989, %get3A_990] {strides = array<i32>} : memref<2x32x256xf32, #tpu.memory_space<vmem>>, vector<16xf32>,
        %swap3A_992 = arith.constant 1 : i32
        %swap3A_993 = arith.index_cast %swap3A_992 : i32 to index
        %swap3A_994 = arith.index_cast %scan3A_535 : i32 to index
        %swap3A_995 = arith.constant 432 : index
        %swap3A_996 = tpu.vector_load %arg25[%swap3A_993, %swap3A_994, %swap3A_995] {strides = array<i32>} : memref<2x32x828xf32, #tpu.memory_space<vmem>>, vector<16xf32>,
        tpu.vector_store %arg25[%swap3A_993, %swap3A_994, %swap3A_995], %get3A_991 {strides = array<i32>} : memref<2x32x828xf32, #tpu.memory_space<vmem>>, vector<16xf32>,
        %swap3A_997 = arith.constant 1 : i32
        %swap3A_998 = arith.index_cast %swap3A_997 : i32 to index
        %swap3A_999 = arith.index_cast %scan3A_535 : i32 to index
        %swap3A_1000 = arith.constant 708 : index
        %swap3A_1001 = tpu.vector_load %arg25[%swap3A_998, %swap3A_999, %swap3A_1000] {strides = array<i32>} : memref<2x32x828xf32, #tpu.memory_space<vmem>>, vector<16xf32>,
        tpu.vector_store %arg25[%swap3A_998, %swap3A_999, %swap3A_1000], %get3A_968 {strides = array<i32>} : memref<2x32x828xf32, #tpu.memory_space<vmem>>, vector<16xf32>,
        %get3A_1002 = arith.constant 1 : i32
        %get3A_1003 = arith.index_cast %get3A_1002 : i32 to index
        %get3A_1004 = arith.index_cast %scan3A_535 : i32 to index
        %get3A_1005 = arith.constant 192 : index
        %get3A_1006 = tpu.vector_load %arg22[%get3A_1003, %get3A_1004, %get3A_1005] {strides = array<i32>} : memref<2x32x256xf32, #tpu.memory_space<vmem>>, vector<16xf32>,
        %get3A_1007 = arith.constant 1 : i32
        %get3A_1008 = arith.index_cast %get3A_1007 : i32 to index
        %get3A_1009 = arith.index_cast %scan3A_535 : i32 to index
        %get3A_1010 = arith.constant 192 : index
        %get3A_1011 = tpu.vector_load %arg20[%get3A_1008, %get3A_1009, %get3A_1010] {strides = array<i32>} : memref<2x32x256xf32, #tpu.memory_space<vmem>>, vector<16xf32>,
        %get3A_1012 = arith.constant 1 : i32
        %get3A_1013 = arith.index_cast %get3A_1012 : i32 to index
        %get3A_1014 = arith.index_cast %scan3A_535 : i32 to index
        %get3A_1015 = arith.constant 192 : index
        %get3A_1016 = tpu.vector_load %arg19[%get3A_1013, %get3A_1014, %get3A_1015] {strides = array<i32>} : memref<2x32x256xf32, #tpu.memory_space<vmem>>, vector<16xf32>,
        %sub3A_1017 = arith.subf %get3A_1011, %get3A_1016 : vector<16xf32>
        %add3A_1018 = arith.addf %sub3A_1017, %get3A_1006 : vector<16xf32>
        %mul3A_1019 = arith.mulf %add3A_1018, %gather3A_545 : vector<16xf32>
        %swap3A_1020 = arith.constant 1 : i32
        %swap3A_1021 = arith.index_cast %swap3A_1020 : i32 to index
        %swap3A_1022 = arith.index_cast %scan3A_535 : i32 to index
        %swap3A_1023 = arith.constant 192 : index
        %swap3A_1024 = tpu.vector_load %arg25[%swap3A_1021, %swap3A_1022, %swap3A_1023] {strides = array<i32>} : memref<2x32x828xf32, #tpu.memory_space<vmem>>, vector<16xf32>,
        tpu.vector_store %arg25[%swap3A_1021, %swap3A_1022, %swap3A_1023], %mul3A_1019 {strides = array<i32>} : memref<2x32x828xf32, #tpu.memory_space<vmem>>, vector<16xf32>,
        %get3A_1025 = arith.constant 1 : i32
        %get3A_1026 = arith.index_cast %get3A_1025 : i32 to index
        %get3A_1027 = arith.index_cast %scan3A_535 : i32 to index
        %get3A_1028 = arith.constant 192 : index
        %get3A_1029 = tpu.vector_load %arg21[%get3A_1026, %get3A_1027, %get3A_1028] {strides = array<i32>} : memref<2x32x256xf32, #tpu.memory_space<vmem>>, vector<16xf32>,
        %swap3A_1030 = arith.constant 1 : i32
        %swap3A_1031 = arith.index_cast %swap3A_1030 : i32 to index
        %swap3A_1032 = arith.index_cast %scan3A_535 : i32 to index
        %swap3A_1033 = arith.constant 448 : index
        %swap3A_1034 = tpu.vector_load %arg25[%swap3A_1031, %swap3A_1032, %swap3A_1033] {strides = array<i32>} : memref<2x32x828xf32, #tpu.memory_space<vmem>>, vector<16xf32>,
        tpu.vector_store %arg25[%swap3A_1031, %swap3A_1032, %swap3A_1033], %get3A_1029 {strides = array<i32>} : memref<2x32x828xf32, #tpu.memory_space<vmem>>, vector<16xf32>,
        %swap3A_1035 = arith.constant 1 : i32
        %swap3A_1036 = arith.index_cast %swap3A_1035 : i32 to index
        %swap3A_1037 = arith.index_cast %scan3A_535 : i32 to index
        %swap3A_1038 = arith.constant 724 : index
        %swap3A_1039 = tpu.vector_load %arg25[%swap3A_1036, %swap3A_1037, %swap3A_1038] {strides = array<i32>} : memref<2x32x828xf32, #tpu.memory_space<vmem>>, vector<16xf32>,
        tpu.vector_store %arg25[%swap3A_1036, %swap3A_1037, %swap3A_1038], %get3A_1006 {strides = array<i32>} : memref<2x32x828xf32, #tpu.memory_space<vmem>>, vector<16xf32>,
        %get3A_1040 = arith.constant 1 : i32
        %get3A_1041 = arith.index_cast %get3A_1040 : i32 to index
        %get3A_1042 = arith.index_cast %scan3A_535 : i32 to index
        %get3A_1043 = arith.constant 208 : index
        %get3A_1044 = tpu.vector_load %arg22[%get3A_1041, %get3A_1042, %get3A_1043] {strides = array<i32>} : memref<2x32x256xf32, #tpu.memory_space<vmem>>, vector<16xf32>,
        %get3A_1045 = arith.constant 1 : i32
        %get3A_1046 = arith.index_cast %get3A_1045 : i32 to index
        %get3A_1047 = arith.index_cast %scan3A_535 : i32 to index
        %get3A_1048 = arith.constant 208 : index
        %get3A_1049 = tpu.vector_load %arg20[%get3A_1046, %get3A_1047, %get3A_1048] {strides = array<i32>} : memref<2x32x256xf32, #tpu.memory_space<vmem>>, vector<16xf32>,
        %get3A_1050 = arith.constant 1 : i32
        %get3A_1051 = arith.index_cast %get3A_1050 : i32 to index
        %get3A_1052 = arith.index_cast %scan3A_535 : i32 to index
        %get3A_1053 = arith.constant 208 : index
        %get3A_1054 = tpu.vector_load %arg19[%get3A_1051, %get3A_1052, %get3A_1053] {strides = array<i32>} : memref<2x32x256xf32, #tpu.memory_space<vmem>>, vector<16xf32>,
        %sub3A_1055 = arith.subf %get3A_1049, %get3A_1054 : vector<16xf32>
        %add3A_1056 = arith.addf %sub3A_1055, %get3A_1044 : vector<16xf32>
        %mul3A_1057 = arith.mulf %add3A_1056, %gather3A_545 : vector<16xf32>
        %swap3A_1058 = arith.constant 1 : i32
        %swap3A_1059 = arith.index_cast %swap3A_1058 : i32 to index
        %swap3A_1060 = arith.index_cast %scan3A_535 : i32 to index
        %swap3A_1061 = arith.constant 208 : index
        %swap3A_1062 = tpu.vector_load %arg25[%swap3A_1059, %swap3A_1060, %swap3A_1061] {strides = array<i32>} : memref<2x32x828xf32, #tpu.memory_space<vmem>>, vector<16xf32>,
        tpu.vector_store %arg25[%swap3A_1059, %swap3A_1060, %swap3A_1061], %mul3A_1057 {strides = array<i32>} : memref<2x32x828xf32, #tpu.memory_space<vmem>>, vector<16xf32>,
        %get3A_1063 = arith.constant 1 : i32
        %get3A_1064 = arith.index_cast %get3A_1063 : i32 to index
        %get3A_1065 = arith.index_cast %scan3A_535 : i32 to index
        %get3A_1066 = arith.constant 208 : index
        %get3A_1067 = tpu.vector_load %arg21[%get3A_1064, %get3A_1065, %get3A_1066] {strides = array<i32>} : memref<2x32x256xf32, #tpu.memory_space<vmem>>, vector<16xf32>,
        %swap3A_1068 = arith.constant 1 : i32
        %swap3A_1069 = arith.index_cast %swap3A_1068 : i32 to index
        %swap3A_1070 = arith.index_cast %scan3A_535 : i32 to index
        %swap3A_1071 = arith.constant 464 : index
        %swap3A_1072 = tpu.vector_load %arg25[%swap3A_1069, %swap3A_1070, %swap3A_1071] {strides = array<i32>} : memref<2x32x828xf32, #tpu.memory_space<vmem>>, vector<16xf32>,
        tpu.vector_store %arg25[%swap3A_1069, %swap3A_1070, %swap3A_1071], %get3A_1067 {strides = array<i32>} : memref<2x32x828xf32, #tpu.memory_space<vmem>>, vector<16xf32>,
        %swap3A_1073 = arith.constant 1 : i32
        %swap3A_1074 = arith.index_cast %swap3A_1073 : i32 to index
        %swap3A_1075 = arith.index_cast %scan3A_535 : i32 to index
        %swap3A_1076 = arith.constant 740 : index
        %swap3A_1077 = tpu.vector_load %arg25[%swap3A_1074, %swap3A_1075, %swap3A_1076] {strides = array<i32>} : memref<2x32x828xf32, #tpu.memory_space<vmem>>, vector<16xf32>,
        tpu.vector_store %arg25[%swap3A_1074, %swap3A_1075, %swap3A_1076], %get3A_1044 {strides = array<i32>} : memref<2x32x828xf32, #tpu.memory_space<vmem>>, vector<16xf32>,
        %get3A_1078 = arith.constant 1 : i32
        %get3A_1079 = arith.index_cast %get3A_1078 : i32 to index
        %get3A_1080 = arith.index_cast %scan3A_535 : i32 to index
        %get3A_1081 = arith.constant 224 : index
        %get3A_1082 = tpu.vector_load %arg22[%get3A_1079, %get3A_1080, %get3A_1081] {strides = array<i32>} : memref<2x32x256xf32, #tpu.memory_space<vmem>>, vector<16xf32>,
        %get3A_1083 = arith.constant 1 : i32
        %get3A_1084 = arith.index_cast %get3A_1083 : i32 to index
        %get3A_1085 = arith.index_cast %scan3A_535 : i32 to index
        %get3A_1086 = arith.constant 224 : index
        %get3A_1087 = tpu.vector_load %arg20[%get3A_1084, %get3A_1085, %get3A_1086] {strides = array<i32>} : memref<2x32x256xf32, #tpu.memory_space<vmem>>, vector<16xf32>,
        %get3A_1088 = arith.constant 1 : i32
        %get3A_1089 = arith.index_cast %get3A_1088 : i32 to index
        %get3A_1090 = arith.index_cast %scan3A_535 : i32 to index
        %get3A_1091 = arith.constant 224 : index
        %get3A_1092 = tpu.vector_load %arg19[%get3A_1089, %get3A_1090, %get3A_1091] {strides = array<i32>} : memref<2x32x256xf32, #tpu.memory_space<vmem>>, vector<16xf32>,
        %sub3A_1093 = arith.subf %get3A_1087, %get3A_1092 : vector<16xf32>
        %add3A_1094 = arith.addf %sub3A_1093, %get3A_1082 : vector<16xf32>
        %mul3A_1095 = arith.mulf %add3A_1094, %gather3A_545 : vector<16xf32>
        %swap3A_1096 = arith.constant 1 : i32
        %swap3A_1097 = arith.index_cast %swap3A_1096 : i32 to index
        %swap3A_1098 = arith.index_cast %scan3A_535 : i32 to index
        %swap3A_1099 = arith.constant 224 : index
        %swap3A_1100 = tpu.vector_load %arg25[%swap3A_1097, %swap3A_1098, %swap3A_1099] {strides = array<i32>} : memref<2x32x828xf32, #tpu.memory_space<vmem>>, vector<16xf32>,
        tpu.vector_store %arg25[%swap3A_1097, %swap3A_1098, %swap3A_1099], %mul3A_1095 {strides = array<i32>} : memref<2x32x828xf32, #tpu.memory_space<vmem>>, vector<16xf32>,
        %get3A_1101 = arith.constant 1 : i32
        %get3A_1102 = arith.index_cast %get3A_1101 : i32 to index
        %get3A_1103 = arith.index_cast %scan3A_535 : i32 to index
        %get3A_1104 = arith.constant 224 : index
        %get3A_1105 = tpu.vector_load %arg21[%get3A_1102, %get3A_1103, %get3A_1104] {strides = array<i32>} : memref<2x32x256xf32, #tpu.memory_space<vmem>>, vector<16xf32>,
        %swap3A_1106 = arith.constant 1 : i32
        %swap3A_1107 = arith.index_cast %swap3A_1106 : i32 to index
        %swap3A_1108 = arith.index_cast %scan3A_535 : i32 to index
        %swap3A_1109 = arith.constant 480 : index
        %swap3A_1110 = tpu.vector_load %arg25[%swap3A_1107, %swap3A_1108, %swap3A_1109] {strides = array<i32>} : memref<2x32x828xf32, #tpu.memory_space<vmem>>, vector<16xf32>,
        tpu.vector_store %arg25[%swap3A_1107, %swap3A_1108, %swap3A_1109], %get3A_1105 {strides = array<i32>} : memref<2x32x828xf32, #tpu.memory_space<vmem>>, vector<16xf32>,
        %swap3A_1111 = arith.constant 1 : i32
        %swap3A_1112 = arith.index_cast %swap3A_1111 : i32 to index
        %swap3A_1113 = arith.index_cast %scan3A_535 : i32 to index
        %swap3A_1114 = arith.constant 756 : index
        %swap3A_1115 = tpu.vector_load %arg25[%swap3A_1112, %swap3A_1113, %swap3A_1114] {strides = array<i32>} : memref<2x32x828xf32, #tpu.memory_space<vmem>>, vector<16xf32>,
        tpu.vector_store %arg25[%swap3A_1112, %swap3A_1113, %swap3A_1114], %get3A_1082 {strides = array<i32>} : memref<2x32x828xf32, #tpu.memory_space<vmem>>, vector<16xf32>,
        %get3A_1116 = arith.constant 1 : i32
        %get3A_1117 = arith.index_cast %get3A_1116 : i32 to index
        %get3A_1118 = arith.index_cast %scan3A_535 : i32 to index
        %get3A_1119 = arith.constant 240 : index
        %get3A_1120 = tpu.vector_load %arg22[%get3A_1117, %get3A_1118, %get3A_1119] {strides = array<i32>} : memref<2x32x256xf32, #tpu.memory_space<vmem>>, vector<16xf32>,
        %get3A_1121 = arith.constant 1 : i32
        %get3A_1122 = arith.index_cast %get3A_1121 : i32 to index
        %get3A_1123 = arith.index_cast %scan3A_535 : i32 to index
        %get3A_1124 = arith.constant 240 : index
        %get3A_1125 = tpu.vector_load %arg20[%get3A_1122, %get3A_1123, %get3A_1124] {strides = array<i32>} : memref<2x32x256xf32, #tpu.memory_space<vmem>>, vector<16xf32>,
        %get3A_1126 = arith.constant 1 : i32
        %get3A_1127 = arith.index_cast %get3A_1126 : i32 to index
        %get3A_1128 = arith.index_cast %scan3A_535 : i32 to index
        %get3A_1129 = arith.constant 240 : index
        %get3A_1130 = tpu.vector_load %arg19[%get3A_1127, %get3A_1128, %get3A_1129] {strides = array<i32>} : memref<2x32x256xf32, #tpu.memory_space<vmem>>, vector<16xf32>,
        %sub3A_1131 = arith.subf %get3A_1125, %get3A_1130 : vector<16xf32>
        %add3A_1132 = arith.addf %sub3A_1131, %get3A_1120 : vector<16xf32>
        %mul3A_1133 = arith.mulf %add3A_1132, %gather3A_545 : vector<16xf32>
        %swap3A_1134 = arith.constant 1 : i32
        %swap3A_1135 = arith.index_cast %swap3A_1134 : i32 to index
        %swap3A_1136 = arith.index_cast %scan3A_535 : i32 to index
        %swap3A_1137 = arith.constant 240 : index
        %swap3A_1138 = tpu.vector_load %arg25[%swap3A_1135, %swap3A_1136, %swap3A_1137] {strides = array<i32>} : memref<2x32x828xf32, #tpu.memory_space<vmem>>, vector<16xf32>,
        tpu.vector_store %arg25[%swap3A_1135, %swap3A_1136, %swap3A_1137], %mul3A_1133 {strides = array<i32>} : memref<2x32x828xf32, #tpu.memory_space<vmem>>, vector<16xf32>,
        %get3A_1139 = arith.constant 1 : i32
        %get3A_1140 = arith.index_cast %get3A_1139 : i32 to index
        %get3A_1141 = arith.index_cast %scan3A_535 : i32 to index
        %get3A_1142 = arith.constant 240 : index
        %get3A_1143 = tpu.vector_load %arg21[%get3A_1140, %get3A_1141, %get3A_1142] {strides = array<i32>} : memref<2x32x256xf32, #tpu.memory_space<vmem>>, vector<16xf32>,
        %swap3A_1144 = arith.constant 1 : i32
        %swap3A_1145 = arith.index_cast %swap3A_1144 : i32 to index
        %swap3A_1146 = arith.index_cast %scan3A_535 : i32 to index
        %swap3A_1147 = arith.constant 496 : index
        %swap3A_1148 = tpu.vector_load %arg25[%swap3A_1145, %swap3A_1146, %swap3A_1147] {strides = array<i32>} : memref<2x32x828xf32, #tpu.memory_space<vmem>>, vector<16xf32>,
        tpu.vector_store %arg25[%swap3A_1145, %swap3A_1146, %swap3A_1147], %get3A_1143 {strides = array<i32>} : memref<2x32x828xf32, #tpu.memory_space<vmem>>, vector<16xf32>,
        %swap3A_1149 = arith.constant 1 : i32
        %swap3A_1150 = arith.index_cast %swap3A_1149 : i32 to index
        %swap3A_1151 = arith.index_cast %scan3A_535 : i32 to index
        %swap3A_1152 = arith.constant 772 : index
        %swap3A_1153 = tpu.vector_load %arg25[%swap3A_1150, %swap3A_1151, %swap3A_1152] {strides = array<i32>} : memref<2x32x828xf32, #tpu.memory_space<vmem>>, vector<16xf32>,
        tpu.vector_store %arg25[%swap3A_1150, %swap3A_1151, %swap3A_1152], %get3A_1120 {strides = array<i32>} : memref<2x32x828xf32, #tpu.memory_space<vmem>>, vector<16xf32>,
        %broadcast_in_dim3A_1154 = arith.constant 0 : i32
        %broadcast_in_dim3A_1155 = vector.broadcast %broadcast_in_dim3A_1154 : i32 to vector<16xi32>
        %add3A_1156 = vector.broadcast %scan3A_535 : i32 to vector<16xi32>
        %add3A_1157 = arith.addi %broadcast_in_dim3A_1155, %add3A_1156 : vector<16xi32>
        %gather3A_1158 = arith.constant 1 : i32
        %gather3A_1159 = arith.constant 0 : i32
        %gather3A_1160 = tpu.memref_slice %arg15[%gather3A_1158, %gather3A_1159] : memref<2x32xi32, #tpu.memory_space<vmem>> -> memref<1x32xi32, #tpu.memory_space<vmem>>
        %gather3A_1161 = tpu.memref_squeeze %gather3A_1160 : memref<1x32xi32, #tpu.memory_space<vmem>> -> memref<32xi32, #tpu.memory_space<vmem>>
        %gather3A_1162 = tpu.vector_load_idx %gather3A_1161[%add3A_1157] : memref<32xi32, #tpu.memory_space<vmem>>[vector<16xi32>], vector<16xi32>,
        %gather3A_1163 = tpu.vector_load_idx %arg23[%gather3A_1162, %iota3A_510] : memref<31x20xf32, #tpu.memory_space<vmem>>[vector<16xi32>, vector<16xi32>], vector<16xf32>,
        %add3A_1164 = arith.constant 4 : i32
        %add3A_1165 = vector.broadcast %add3A_1164 : i32 to vector<16xi32>
        %add3A_1166 = arith.addi %iota3A_510, %add3A_1165 : vector<16xi32>
        %gather3A_1167 = tpu.vector_load_idx %arg23[%gather3A_1162, %add3A_1166] : memref<31x20xf32, #tpu.memory_space<vmem>>[vector<16xi32>, vector<16xi32>], vector<16xf32>,
        %swap3A_1168 = arith.constant 1 : i32
        %swap3A_1169 = arith.index_cast %swap3A_1168 : i32 to index
        %swap3A_1170 = arith.index_cast %scan3A_535 : i32 to index
        %swap3A_1171 = arith.constant 512 : index
        %swap3A_1172 = tpu.vector_load %arg25[%swap3A_1169, %swap3A_1170, %swap3A_1171] {strides = array<i32>} : memref<2x32x828xf32, #tpu.memory_space<vmem>>, vector<16xf32>,
        tpu.vector_store %arg25[%swap3A_1169, %swap3A_1170, %swap3A_1171], %gather3A_1163 {strides = array<i32>} : memref<2x32x828xf32, #tpu.memory_space<vmem>>, vector<16xf32>,
        %swap3A_1173 = arith.constant 1 : i32
        %swap3A_1174 = arith.index_cast %swap3A_1173 : i32 to index
        %swap3A_1175 = arith.index_cast %scan3A_535 : i32 to index
        %swap3A_1176 = arith.constant 516 : index
        %swap3A_1177 = tpu.vector_load %arg25[%swap3A_1174, %swap3A_1175, %swap3A_1176] {strides = array<i32>} : memref<2x32x828xf32, #tpu.memory_space<vmem>>, vector<16xf32>,
        tpu.vector_store %arg25[%swap3A_1174, %swap3A_1175, %swap3A_1176], %gather3A_1167 {strides = array<i32>} : memref<2x32x828xf32, #tpu.memory_space<vmem>>, vector<16xf32>,
        %broadcast_in_dim3A_1178 = arith.constant 0 : i32
        %broadcast_in_dim3A_1179 = vector.broadcast %broadcast_in_dim3A_1178 : i32 to vector<16xi32>
        %add3A_1180 = vector.broadcast %scan3A_535 : i32 to vector<16xi32>
        %add3A_1181 = arith.addi %broadcast_in_dim3A_1179, %add3A_1180 : vector<16xi32>
        %gather3A_1182 = arith.constant 1 : i32
        %gather3A_1183 = arith.constant 0 : i32
        %gather3A_1184 = tpu.memref_slice %arg16[%gather3A_1182, %gather3A_1183] : memref<2x32xi32, #tpu.memory_space<vmem>> -> memref<1x32xi32, #tpu.memory_space<vmem>>
        %gather3A_1185 = tpu.memref_squeeze %gather3A_1184 : memref<1x32xi32, #tpu.memory_space<vmem>> -> memref<32xi32, #tpu.memory_space<vmem>>
        %gather3A_1186 = tpu.vector_load_idx %gather3A_1185[%add3A_1181] : memref<32xi32, #tpu.memory_space<vmem>>[vector<16xi32>], vector<16xi32>,
        %gather3A_1187 = tpu.vector_load_idx %arg23[%gather3A_1186, %iota3A_510] : memref<31x20xf32, #tpu.memory_space<vmem>>[vector<16xi32>, vector<16xi32>], vector<16xf32>,
        %add3A_1188 = arith.constant 4 : i32
        %add3A_1189 = vector.broadcast %add3A_1188 : i32 to vector<16xi32>
        %add3A_1190 = arith.addi %iota3A_510, %add3A_1189 : vector<16xi32>
        %gather3A_1191 = tpu.vector_load_idx %arg23[%gather3A_1186, %add3A_1190] : memref<31x20xf32, #tpu.memory_space<vmem>>[vector<16xi32>, vector<16xi32>], vector<16xf32>,
        %swap3A_1192 = arith.constant 1 : i32
        %swap3A_1193 = arith.index_cast %swap3A_1192 : i32 to index
        %swap3A_1194 = arith.index_cast %scan3A_535 : i32 to index
        %swap3A_1195 = arith.constant 788 : index
        %swap3A_1196 = tpu.vector_load %arg25[%swap3A_1193, %swap3A_1194, %swap3A_1195] {strides = array<i32>} : memref<2x32x828xf32, #tpu.memory_space<vmem>>, vector<16xf32>,
        tpu.vector_store %arg25[%swap3A_1193, %swap3A_1194, %swap3A_1195], %gather3A_1187 {strides = array<i32>} : memref<2x32x828xf32, #tpu.memory_space<vmem>>, vector<16xf32>,
        %swap3A_1197 = arith.constant 1 : i32
        %swap3A_1198 = arith.index_cast %swap3A_1197 : i32 to index
        %swap3A_1199 = arith.index_cast %scan3A_535 : i32 to index
        %swap3A_1200 = arith.constant 792 : index
        %swap3A_1201 = tpu.vector_load %arg25[%swap3A_1198, %swap3A_1199, %swap3A_1200] {strides = array<i32>} : memref<2x32x828xf32, #tpu.memory_space<vmem>>, vector<16xf32>,
        tpu.vector_store %arg25[%swap3A_1198, %swap3A_1199, %swap3A_1200], %gather3A_1191 {strides = array<i32>} : memref<2x32x828xf32, #tpu.memory_space<vmem>>, vector<16xf32>,
        %broadcast_in_dim3A_1202 = arith.constant 0 : i32
        %broadcast_in_dim3A_1203 = vector.broadcast %broadcast_in_dim3A_1202 : i32 to vector<16xi32>
        %add3A_1204 = vector.broadcast %scan3A_535 : i32 to vector<16xi32>
        %add3A_1205 = arith.addi %broadcast_in_dim3A_1203, %add3A_1204 : vector<16xi32>
        %gather3A_1206 = arith.constant 1 : i32
        %gather3A_1207 = arith.constant 0 : i32
        %gather3A_1208 = tpu.memref_slice %arg17[%gather3A_1206, %gather3A_1207] : memref<2x32xi32, #tpu.memory_space<vmem>> -> memref<1x32xi32, #tpu.memory_space<vmem>>
        %gather3A_1209 = tpu.memref_squeeze %gather3A_1208 : memref<1x32xi32, #tpu.memory_space<vmem>> -> memref<32xi32, #tpu.memory_space<vmem>>
        %gather3A_1210 = tpu.vector_load_idx %gather3A_1209[%add3A_1205] : memref<32xi32, #tpu.memory_space<vmem>>[vector<16xi32>], vector<16xi32>,
        %gather3A_1211 = tpu.vector_load_idx %arg24[%gather3A_1210, %iota3A_510] : memref<16x20xf32, #tpu.memory_space<vmem>>[vector<16xi32>, vector<16xi32>], vector<16xf32>,
        %add3A_1212 = arith.constant 4 : i32
        %add3A_1213 = vector.broadcast %add3A_1212 : i32 to vector<16xi32>
        %add3A_1214 = arith.addi %iota3A_510, %add3A_1213 : vector<16xi32>
        %gather3A_1215 = tpu.vector_load_idx %arg24[%gather3A_1210, %add3A_1214] : memref<16x20xf32, #tpu.memory_space<vmem>>[vector<16xi32>, vector<16xi32>], vector<16xf32>,
        %swap3A_1216 = arith.constant 1 : i32
        %swap3A_1217 = arith.index_cast %swap3A_1216 : i32 to index
        %swap3A_1218 = arith.index_cast %scan3A_535 : i32 to index
        %swap3A_1219 = arith.constant 808 : index
        %swap3A_1220 = tpu.vector_load %arg25[%swap3A_1217, %swap3A_1218, %swap3A_1219] {strides = array<i32>} : memref<2x32x828xf32, #tpu.memory_space<vmem>>, vector<16xf32>,
        tpu.vector_store %arg25[%swap3A_1217, %swap3A_1218, %swap3A_1219], %gather3A_1211 {strides = array<i32>} : memref<2x32x828xf32, #tpu.memory_space<vmem>>, vector<16xf32>,
        %swap3A_1221 = arith.constant 1 : i32
        %swap3A_1222 = arith.index_cast %swap3A_1221 : i32 to index
        %swap3A_1223 = arith.index_cast %scan3A_535 : i32 to index
        %swap3A_1224 = arith.constant 812 : index
        %swap3A_1225 = tpu.vector_load %arg25[%swap3A_1222, %swap3A_1223, %swap3A_1224] {strides = array<i32>} : memref<2x32x828xf32, #tpu.memory_space<vmem>>, vector<16xf32>,
        tpu.vector_store %arg25[%swap3A_1222, %swap3A_1223, %swap3A_1224], %gather3A_1215 {strides = array<i32>} : memref<2x32x828xf32, #tpu.memory_space<vmem>>, vector<16xf32>,
        %scan3A_1226 = arith.constant 0 : i32
        scf.yield %scan3A_1226 : i32
      }
      %scan3A_517 = arith.constant 32 : i32
      %mul3A_518 = arith.constant 32 : i32
      %mul3A_519 = arith.muli %add3A_449, %mul3A_518 : i32
      %add3A_520 = arith.addi %add3A_35, %mul3A_519 : i32
      %dma_start3A_521 = arith.constant 1 : i32
      %dma_start3A_522 = arith.constant 0 : i32
      %dma_start3A_523 = arith.constant 0 : i32
      %dma_start3A_524 = tpu.memref_slice %arg25[%dma_start3A_521, %dma_start3A_522, %dma_start3A_523] : memref<2x32x828xf32, #tpu.memory_space<vmem>> -> memref<1x32x828xf32, #tpu.memory_space<vmem>>
      %dma_start3A_525 = tpu.memref_squeeze %dma_start3A_524 : memref<1x32x828xf32, #tpu.memory_space<vmem>> -> memref<32x828xf32, #tpu.memory_space<vmem>>
      %dma_start3A_526 = arith.constant 0 : i32
      %dma_start3A_527 = tpu.memref_slice %arg9[%add3A_520, %dma_start3A_526] : memref<16384x828xf32, #tpu.memory_space<hbm>> -> memref<32x828xf32, #tpu.memory_space<hbm>>
      %dma_start3A_528 = arith.constant 0 : i32
      %dma_start3A_529 = tpu.memref_slice %arg9[%add3A_520, %dma_start3A_528] : memref<16384x828xf32, #tpu.memory_space<hbm>> -> memref<32x828xf32, #tpu.memory_space<hbm>>
      %dma_start3A_530 = arith.constant 0 : i32
      %dma_start3A_531 = arith.constant 0 : i32
      %dma_start3A_532 = tpu.memref_slice %arg25[%dma_start3A_521, %dma_start3A_530, %dma_start3A_531] : memref<2x32x828xf32, #tpu.memory_space<vmem>> -> memref<1x32x828xf32, #tpu.memory_space<vmem>>
      %dma_start3A_533 = tpu.memref_squeeze %dma_start3A_532 : memref<1x32x828xf32, #tpu.memory_space<vmem>> -> memref<32x828xf32, #tpu.memory_space<vmem>>
      tpu.enqueue_dma source(%dma_start3A_533 : memref<32x828xf32, #tpu.memory_space<vmem>>) target(%dma_start3A_529 : memref<32x828xf32, #tpu.memory_space<hbm>>) target_semaphore(%arg29 : memref<!tpu.dma_semaphore, #tpu.memory_space<semaphore_mem>>)
      %scan3A_534 = arith.constant 0 : i32
      scf.yield %scan3A_534 : i32
    }
    %scan3A_328 = arith.constant 8 : i32
    %add3A_329 = arith.constant 448 : i32
    %add3A_330 = arith.addi %add3A_35, %add3A_329 : i32
    %dma_wait3A = arith.constant 0 : i32
    %dma_wait3A_331 = arith.constant 0 : i32
    %dma_wait3A_332 = arith.constant 0 : i32
    %dma_wait3A_333 = tpu.memref_slice %arg25[%dma_wait3A, %dma_wait3A_331, %dma_wait3A_332] : memref<2x32x828xf32, #tpu.memory_space<vmem>> -> memref<1x32x828xf32, #tpu.memory_space<vmem>>
    %dma_wait3A_334 = tpu.memref_squeeze %dma_wait3A_333 : memref<1x32x828xf32, #tpu.memory_space<vmem>> -> memref<32x828xf32, #tpu.memory_space<vmem>>
    %dma_wait3A_335 = arith.constant 0 : i32
    %dma_wait3A_336 = tpu.memref_slice %arg9[%add3A_330, %dma_wait3A_335] : memref<16384x828xf32, #tpu.memory_space<hbm>> -> memref<32x828xf32, #tpu.memory_space<hbm>>
    %dma_wait3A_337 = arith.constant 0 : i32
    %dma_wait3A_338 = tpu.memref_slice %arg9[%add3A_330, %dma_wait3A_337] : memref<16384x828xf32, #tpu.memory_space<hbm>> -> memref<32x828xf32, #tpu.memory_space<hbm>>
    %dma_wait3A_339 = arith.constant 0 : i32
    %dma_wait3A_340 = arith.constant 0 : i32
    %dma_wait3A_341 = tpu.memref_slice %arg25[%dma_wait3A, %dma_wait3A_339, %dma_wait3A_340] : memref<2x32x828xf32, #tpu.memory_space<vmem>> -> memref<1x32x828xf32, #tpu.memory_space<vmem>>
    %dma_wait3A_342 = tpu.memref_squeeze %dma_wait3A_341 : memref<1x32x828xf32, #tpu.memory_space<vmem>> -> memref<32x828xf32, #tpu.memory_space<vmem>>
    tpu.wait_dma2 semaphore(%arg28 : memref<!tpu.dma_semaphore, #tpu.memory_space<semaphore_mem>>) src(%dma_wait3A_342 : memref<32x828xf32, #tpu.memory_space<vmem>>) dst(%dma_wait3A_338 : memref<32x828xf32, #tpu.memory_space<hbm>>)
    %add3A_343 = arith.constant 480 : i32
    %add3A_344 = arith.addi %add3A_35, %add3A_343 : i32
    %dma_wait3A_345 = arith.constant 1 : i32
    %dma_wait3A_346 = arith.constant 0 : i32
    %dma_wait3A_347 = arith.constant 0 : i32
    %dma_wait3A_348 = tpu.memref_slice %arg25[%dma_wait3A_345, %dma_wait3A_346, %dma_wait3A_347] : memref<2x32x828xf32, #tpu.memory_space<vmem>> -> memref<1x32x828xf32, #tpu.memory_space<vmem>>
    %dma_wait3A_349 = tpu.memref_squeeze %dma_wait3A_348 : memref<1x32x828xf32, #tpu.memory_space<vmem>> -> memref<32x828xf32, #tpu.memory_space<vmem>>
    %dma_wait3A_350 = arith.constant 0 : i32
    %dma_wait3A_351 = tpu.memref_slice %arg9[%add3A_344, %dma_wait3A_350] : memref<16384x828xf32, #tpu.memory_space<hbm>> -> memref<32x828xf32, #tpu.memory_space<hbm>>
    %dma_wait3A_352 = arith.constant 0 : i32
    %dma_wait3A_353 = tpu.memref_slice %arg9[%add3A_344, %dma_wait3A_352] : memref<16384x828xf32, #tpu.memory_space<hbm>> -> memref<32x828xf32, #tpu.memory_space<hbm>>
    %dma_wait3A_354 = arith.constant 0 : i32
    %dma_wait3A_355 = arith.constant 0 : i32
    %dma_wait3A_356 = tpu.memref_slice %arg25[%dma_wait3A_345, %dma_wait3A_354, %dma_wait3A_355] : memref<2x32x828xf32, #tpu.memory_space<vmem>> -> memref<1x32x828xf32, #tpu.memory_space<vmem>>
    %dma_wait3A_357 = tpu.memref_squeeze %dma_wait3A_356 : memref<1x32x828xf32, #tpu.memory_space<vmem>> -> memref<32x828xf32, #tpu.memory_space<vmem>>
    tpu.wait_dma2 semaphore(%arg29 : memref<!tpu.dma_semaphore, #tpu.memory_space<semaphore_mem>>) src(%dma_wait3A_357 : memref<32x828xf32, #tpu.memory_space<vmem>>) dst(%dma_wait3A_353 : memref<32x828xf32, #tpu.memory_space<hbm>>)
    return
  }
}

module attributes {stable_mosaic.version = 14 : i64} {
  func.func @_cs_body(%arg0: i32, %arg1: i32, %arg2: memref<1x256x256xf32, #tpu.memory_space<vmem>>, %arg3: memref<1x256x256xf32, #tpu.memory_space<vmem>>, %arg4: memref<1x256xf32, #tpu.memory_space<vmem>>) attributes {dimension_semantics = [#tpu.dimension_semantics<arbitrary>, #tpu.dimension_semantics<arbitrary>], iteration_bounds = array<i64: 8, 8>, scalar_prefetch = 0 : i64, scratch_operands = 1 : i64, tpu.core_type = #tpu.core_type<tc>, window_params = [{transform_indices = @transform_0, window_bounds = array<i64: 1, 256, 256>}, {transform_indices = @transform_1, window_bounds = array<i64: 1, 256, 256>}]} {
    %eq3A = arith.constant 0 : i32
    %eq3A_0 = arith.cmpi eq, %arg1, %eq3A : i32
    %convert_element_type3A = arith.extui %eq3A_0 : i1 to i32
    %cond3A = arith.constant 0 : i32
    %cond3A_1 = arith.cmpi ne, %convert_element_type3A, %cond3A : i32
    scf.if %cond3A_1 {
      %broadcast_in_dim3A = arith.constant 0.000000e+00 : f32
      %broadcast_in_dim3A_24 = vector.broadcast %broadcast_in_dim3A : f32 to vector<1x256xf32>
      %swap3A_25 = arith.constant 0 : index
      %swap3A_26 = arith.constant 0 : index
      %swap3A_27 = vector.load %arg4[%swap3A_25, %swap3A_26] : memref<1x256xf32, #tpu.memory_space<vmem>>, vector<1x256xf32>
      tpu.vector_store %arg4[%swap3A_25, %swap3A_26], %broadcast_in_dim3A_24 {strides = array<i32>} : memref<1x256xf32, #tpu.memory_space<vmem>>, vector<1x256xf32>,
    } else {
    }
    %get3A = arith.constant 0 : index
    %get3A_2 = arith.constant 0 : index
    %get3A_3 = arith.constant 0 : index
    %get3A_4 = vector.load %arg2[%get3A, %get3A_2, %get3A_3] : memref<1x256x256xf32, #tpu.memory_space<vmem>>, vector<1x256x256xf32>
    %get3A_5 = vector.shape_cast %get3A_4 : vector<1x256x256xf32> to vector<256x256xf32>
    %iota3A = tpu.iota {dimensions = array<i32: 0>} : vector<256x256xi32>
    %iota3A_6 = tpu.iota {dimensions = array<i32: 1>} : vector<256x256xi32>
    %gt3A = arith.cmpi sgt, %iota3A, %iota3A_6 : vector<256x256xi32>
    %convert_element_type3A_7 = arith.extui %gt3A : vector<256x256xi1> to vector<256x256xi32>
    %convert_element_type3A_8 = arith.sitofp %convert_element_type3A_7 : vector<256x256xi32> to vector<256x256xf32>
    %dot_general3A = arith.constant dense<0.000000e+00> : vector<256x256xf32>
    %dot_general3A_9 = tpu.matmul %convert_element_type3A_8, %get3A_5, %dot_general3A {dimension_numbers = #tpu.dot_dimension_numbers<[1], [0], [0], [1], [0, 0, 1, 1], [], []>, precision = #tpu.contract_precision<fp32>, transpose_lhs_hint = false} : vector<256x256xf32>, vector<256x256xf32>, vector<256x256xf32> -> vector<256x256xf32>
    %get3A_10 = arith.constant 0 : index
    %get3A_11 = arith.constant 0 : index
    %get3A_12 = vector.load %arg4[%get3A_10, %get3A_11] : memref<1x256xf32, #tpu.memory_space<vmem>>, vector<1x256xf32>
    %add3A = vector.broadcast %get3A_12 : vector<1x256xf32> to vector<256x256xf32>
    %add3A_13 = arith.addf %dot_general3A_9, %add3A : vector<256x256xf32>
    %swap3A = arith.constant 0 : index
    %swap3A_14 = arith.constant 0 : index
    %swap3A_15 = arith.constant 0 : index
    %swap3A_16 = vector.load %arg3[%swap3A, %swap3A_14, %swap3A_15] : memref<1x256x256xf32, #tpu.memory_space<vmem>>, vector<1x256x256xf32>
    %swap3A_17 = vector.shape_cast %swap3A_16 : vector<1x256x256xf32> to vector<256x256xf32>
    %swap3A_18 = vector.shape_cast %add3A_13 : vector<256x256xf32> to vector<1x256x256xf32>
    tpu.vector_store %arg3[%swap3A, %swap3A_14, %swap3A_15], %swap3A_18 {strides = array<i32>} : memref<1x256x256xf32, #tpu.memory_space<vmem>>, vector<1x256x256xf32>,
    %slice3A = vector.extract_strided_slice %add3A_13 {offsets = [255, 0], sizes = [1, 256], strides = [1, 1]} : vector<256x256xf32> to vector<1x256xf32>
    %slice3A_19 = vector.extract_strided_slice %get3A_5 {offsets = [255, 0], sizes = [1, 256], strides = [1, 1]} : vector<256x256xf32> to vector<1x256xf32>
    %add3A_20 = arith.addf %slice3A, %slice3A_19 : vector<1x256xf32>
    %swap3A_21 = arith.constant 0 : index
    %swap3A_22 = arith.constant 0 : index
    %swap3A_23 = vector.load %arg4[%swap3A_21, %swap3A_22] : memref<1x256xf32, #tpu.memory_space<vmem>>, vector<1x256xf32>
    tpu.vector_store %arg4[%swap3A_21, %swap3A_22], %add3A_20 {strides = array<i32>} : memref<1x256xf32, #tpu.memory_space<vmem>>, vector<1x256xf32>,
    return
  }
  func.func @transform_0(%arg0: i32, %arg1: i32) -> (i32, i32, i32) {
    %c0_i32 = arith.constant 0 : i32
    %c0_i32_0 = arith.constant 0 : i32
    return %arg0, %arg1, %c0_i32 : i32, i32, i32
  }
  func.func @transform_1(%arg0: i32, %arg1: i32) -> (i32, i32, i32) {
    %c0_i32 = arith.constant 0 : i32
    %c0_i32_0 = arith.constant 0 : i32
    return %arg0, %arg1, %c0_i32 : i32, i32, i32
  }
}

</mosaic_0001>

<sc_bundles>
// kernel: kernel.4.cloned.1.call-start
scs
__scs_entry_jumppad:
0x0: {  	(pc) =	sbr.rel $0x88, $3  }
0x1: {  	(tag) =	ssettag $0x0;
	lr =	simm.s32 $0x1  }
0x2: {  	[smem:$0x3F9C] =	sst lr;
	_ =	strace $0xD0000000  }
0x3: {  	_ = 	snop  }
0x4: {  	_ = 	snop  }
0x5: {  	_ = 	snop  }
0x6: {  	_ = 	snop  }
0x7: {  	_ = 	snop  }
__scs_overlays_trampoline_lowered:
0x8: {  	[smem:$0x3FAB] =	sst s0  }
0x9: {  	[smem:$0x3FAC] =	sst s1  }
0xa: {  	[smem:$0x3FAD] =	sst s2  }
0xb: {  	[smem:$0x3FAE] =	sst s3  }
0xc: {  	[smem:$0x3FAF] =	sst s4  }
0xd: {  	[smem:$0x3FB0] =	sst s5  }
0xe: {  	[smem:$0x3FB1] =	sst s6  }
0xf: {  	[smem:$0x3FB2] =	sst s7  }
0x10: {  	[smem:$0x3FB3] =	sst s8  }
0x11: {  	[smem:$0x3FB4] =	sst s9;
	s0 =	simm.s32 @!p0 $0x0  }
0x12: {  	s1 =	sld [smem:$0x3F9A];
	s0 =	simm.s32 @p0 $0x1  }
0x13: {  	[smem:$0x3FB5] =	sst s0;
	s0 =	simm.s32 @!p1 $0x0  }
0x14: {  	s2 =	sld [smem:$0x3F99];
	s0 =	simm.s32 @p1 $0x1  }
0x15: {  	[smem:$0x3FB6] =	sst s0;
	s0 =	simm.s32 @!p2 $0x0  }
0x16: {  	s3 =	sld [smem:$0x3FDB];
	s0 =	simm.s32 @p2 $0x1  }
0x17: {  	s4 =	simm.s32 $0x1BF5;
	[smem:$0x3FB8] =	sst s0  }
0x18: {  	s0 =	sld [smem:$0x3F9B];
	_ =	swait.ge [sflag:s4], $0x0  }
0x19: {  	s7 =	sld [smem:$0x3F9C]  }
0x1a: {  	s8 =	sadd.s32 $0xFFFFE003, lr  }
0x1b: {  	s9 =	sadd.s32 $0xFFFFFEF7, lr;
	s5 =	simm.s32 $0xFFFFFFFF;
	p2 =	slt.u32 s8, $0xFFFFF086  }
0x1c: {  	p1 =	slt.u32 s9, $0xF7A;
	s5 =	simm.s32 @!p2 $0x0  }
0x1d: {  	s5 =	simm.s32 @p1 $0x1;
	p0 =	seq.s32 s7, s2  }
0x1e: {  	s7 =	smul.u32 @!p0 $0xF7A, s2;
	p2 =	seq.s32 @!p0 s5, $0x0  }
0x1f: {  	s9 =	smul.u32 $0xF7A, s1;
	s8 =	simm.s32 @!p0 $0x1BF5;
	p2 =	por !p2, p0  }
0x20: {  	[sflag:s8] =	ssyncset.s32 @!p0 $0xFFFFF086;
	s6 =	sadd.s32 @!p0 s3, s7;
	s7 =	simm.s32 @!p0 $0x108  }
0x21: {  	s3 =	sadd.s32 s3, s9;
	s6 =	sadd.s32 @!p0 $0x88, s6;
	s7 =	simm.s32 @p2 $0x1082  }
0x22: {  	[simem:s7], [sflag:s8] =	dma.local @!p0 [hbm:s6], $0xF7A  }
0x23: {  	s9 =	sor.u32 $0xD0000000, s2;
	s6 =	simm.s32 $0x108;
	_ =	swait.ge @!p0 [sflag:s8], $0x0  }
0x24: {  	s3 =	sadd.s32 $0x88, s3;
	s6 =	simm.s32 @!p1 $0x1082;
	[sflag:s4] =	ssyncset.s32 $0xFFFFF086  }
0x25: {  	[simem:s6], [sflag:s4] =	dma.local [hbm:s3], $0xF7A  }
0x26: {  	[smem:$0x3F9C] =	sst s1;
	(tag) =	ssettag s2;
	_ =	strace s9  }
0x27: {  	s1 =	sld [smem:$0x3FAC]  }
0x28: {  	s2 =	sld [smem:$0x3FAD]  }
0x29: {  	s4 =	sld [smem:$0x3FAF]  }
0x2a: {  	p0 =	seq.s32 s5, $0x0;
	s5 =	sld [smem:$0x3FB0]  }
0x2b: {  	s6 =	sld [smem:$0x3FB1]  }
0x2c: {  	s7 =	sld [smem:$0x3FB2]  }
0x2d: {  	s3 =	simm.s32 $0x108;
	s8 =	sld [smem:$0x3FB3]  }
0x2e: {  	s3 =	simm.s32 @!p0 $0x1082;
	s9 =	sld [smem:$0x3FB4]  }
0x2f: {  	lr =	sadd.s32 s0, s3;
	s0 =	sld [smem:$0x3FAB]  }
0x30: {  	s3 =	sld [smem:$0x3FAE]  }
0x31: {  	[smem:$0x3FB7] =	sst s10  }
0x32: {  	s10 =	sld [smem:$0x3FB5];
	_ =	sdelay $0x3  }
0x33: {  	p0 =	seq.s32 s10, $0x1;
	s10 =	sld [smem:$0x3FB7];
	_ =	sdelay $0x3  }
0x34: {  	[smem:$0x3FB7] =	sst s10  }
0x35: {  	s10 =	sld [smem:$0x3FB6];
	_ =	sdelay $0x3  }
0x36: {  	p1 =	seq.s32 s10, $0x1;
	s10 =	sld [smem:$0x3FB7];
	_ =	sdelay $0x3  }
0x37: {  	[smem:$0x3FB7] =	sst s10  }
0x38: {  	s10 =	sld [smem:$0x3FB8]  }
0x39: {  	_ = 	snop;
	(pc) =	sbr.ind lr, $3  }
0x3a: {  	_ = 	snop  }
0x3b: {  	_ = 	snop  }
0x3c: {  	p2 =	seq.s32 s10, $0x1;
	s10 =	sld [smem:$0x3FB7]  }
0x3d: {  	_ =	shalt  }
0x3e: {  	_ =	shalt  }
0x3f: {  	_ =	shalt  }
0x40: {  	_ =	shalt  }
0x41: {  	_ =	shalt  }
0x42: {  	_ =	shalt  }
0x43: {  	_ =	shalt  }
0x44: {  	_ =	shalt  }
0x45: {  	_ =	shalt  }
0x46: {  	_ =	shalt  }
0x47: {  	_ =	shalt  }
0x48: {  	_ =	shalt  }
0x49: {  	_ =	shalt  }
0x4a: {  	_ =	shalt  }
0x4b: {  	_ =	shalt  }
0x4c: {  	_ =	shalt  }
0x4d: {  	_ =	shalt  }
0x4e: {  	_ =	shalt  }
0x4f: {  	_ =	shalt  }
0x50: {  	_ =	shalt  }
0x51: {  	_ =	shalt  }
0x52: {  	_ =	shalt  }
0x53: {  	_ =	shalt  }
0x54: {  	_ =	shalt  }
0x55: {  	_ =	shalt  }
0x56: {  	_ =	shalt  }
0x57: {  	_ =	shalt  }
0x58: {  	_ =	shalt  }
0x59: {  	_ =	shalt  }
0x5a: {  	_ =	shalt  }
0x5b: {  	_ =	shalt  }
0x5c: {  	_ =	shalt  }
0x5d: {  	_ =	shalt  }
0x5e: {  	_ =	shalt  }
0x5f: {  	_ =	shalt  }
0x60: {  	_ =	shalt  }
0x61: {  	_ =	shalt  }
0x62: {  	_ =	shalt  }
0x63: {  	_ =	shalt  }
0x64: {  	_ =	shalt  }
0x65: {  	_ =	shalt  }
0x66: {  	_ =	shalt  }
0x67: {  	_ =	shalt  }
0x68: {  	_ =	shalt  }
0x69: {  	_ =	shalt  }
0x6a: {  	_ =	shalt  }
0x6b: {  	_ =	shalt  }
0x6c: {  	_ =	shalt  }
0x6d: {  	_ =	shalt  }
0x6e: {  	_ =	shalt  }
0x6f: {  	_ =	shalt  }
0x70: {  	_ =	shalt  }
0x71: {  	_ =	shalt  }
0x72: {  	_ =	shalt  }
0x73: {  	_ =	shalt  }
0x74: {  	_ =	shalt  }
0x75: {  	_ =	shalt  }
0x76: {  	_ =	shalt  }
0x77: {  	_ =	shalt  }
0x78: {  	_ =	shalt  }
0x79: {  	_ =	shalt  }
0x7a: {  	_ =	shalt  }
0x7b: {  	_ =	shalt  }
0x7c: {  	_ =	shalt  }
0x7d: {  	_ =	shalt  }
0x7e: {  	_ =	shalt  }
0x7f: {  	_ =	shalt  }
0x80: {  	_ =	shalt  }
0x81: {  	_ =	shalt  }
0x82: {  	_ =	shalt  }
0x83: {  	_ =	shalt  }
0x84: {  	_ =	shalt  }
0x85: {  	_ =	shalt  }
0x86: {  	_ =	shalt  }
0x87: {  	_ =	shalt  }
.Lfunc_end0:
.L_simem_size_0:
called_computation.1_lowered:
.L_overlay_start_0:
0x88: {  	s2 =	sld [smem:$0x3FD9]  }
0x89: {  	s3 =	sld [smem:$0x3FFE];
	_ =	sdelay $0x1  }
0x8a: {  	s1 =	srdreg.scid  }
0x8b: {  	s0 =	sand.u32 $0x1, s1  }
0x8c: {  	s17 =	sshll.u32 s0, $0xA;
	s2 =	sadd.s32 s3, s2  }
0x8d: {  	s2 =	sadd.s32 s2, s17  }
0x8e: {  	[smem:$0x3FC3] =	sst s2  }
0x8f: {  	_ = 	snop  }
0x90: {  	s2 =	sld [smem:$0x3FC7]  }
0x91: {  	s18 =	sld [smem:$0x3FD0];
	(tm) =	ssettm $0x1  }
0x92: {  	s4 =	sld [smem:$0x3FFB];
	_ =	sdelay $0x3  }
0x93: {  	_ =	strace s4  }
0x94: {  	s4 =	sld [smem:$0x3FFC];
	_ =	sdelay $0x3  }
0x95: {  	_ =	strace s4  }
0x96: {  	s4 =	sld [smem:$0x3FFD];
	_ =	sdelay $0x3  }
0x97: {  	_ =	strace s4  }
0x98: {  	_ =	strace $0x8FFFFFFF  }
0x99: {  	s19 =	sld [smem:$0x3FDB];
	_ =	sdelay $0x1  }
0x9a: {  	s5 =	simm.s32 $_scs_section_size  }
0x9b: {  	s6 =	simm.s32 $_size__tile_overlayer_lowered;
	s7 =	simm.s32 $_tile_overlayer_lowered  }
0x9c: {  	s22 =	simm.s32 $0x1BFF;
	s21 =	sshll.u32 s7, $0x1;
	s4 =	sadd.s32 s5, s19  }
0x9d: {  	s8 =	simm.s32 $0x0;
	s20 =	sshll.u32 s6, $0x1;
	s6 =	sadd.s32 s21, s4  }
0x9e: {  	[timem:s8], [sflag:s22] =	dma.local [hbm:s6], s20  }
0x9f: {  	_ =	swait.ge [sflag:s22], s20  }
0xa0: {  	s5 =	ssub.s32 $0x0, s20;
	[sflag:s22] =	ssyncset.done $0x0  }
0xa1: {  	[sflag:s22] =	ssyncadd.s32 s5;
	_ =	sdelay $0x1  }
0xa2: {  	s23 =	simm.s32 $0x1B8B  }
0xa3: {  	_ =	swait.ge [sflag:s23], $0x1  }
0xa4: {  	[sflag:s23] =	ssyncset.done $0x0  }
0xa5: {  	s25 =	simm.s32 $0x1B8E;
	s24 =	sld [smem:$0x3FFE];
	[sflag:s23] =	ssyncadd.s32 $0xFFFFFFFF  }
0xa6: {  	s26 =	simm.s32 $execute0_lowered;
	[smem:$0x3FD2] =	sst s25  }
0xa7: {  	s6 =	sshll.u32 s26, $0x1;
	_ =	strace $0x80000046;
	[dreg:$0x1] =	wrdreg $0xFFFFFFFF  }
0xa8: {  	s28 =	simm.s32 $_size_execute0_lowered;
	s4 =	sadd.s32 s4, s6;
	[dreg:$0x0] =	wrdreg $0x0  }
0xa9: {  	s6 =	sshll.u32 s28, $0x1;
	[dreg:$0x2] =	wrdreg s4  }
0xaa: {  	[dreg:$0x3] =	wrdreg s6  }
0xab: {  	[dreg:$0x4] =	wrdreg $0xC0  }
0xac: {  	_ =	task [dreg:s8], $0x5FFFF  }
0xad: {  	[dreg:$0x1] =	wrdreg $0xFFFFFFFF  }
0xae: {  	[dreg:$0x0] =	wrdreg $0x60  }
0xaf: {  	[dreg:$0x2] =	wrdreg s18  }
0xb0: {  	[dreg:$0x3] =	wrdreg s24  }
0xb1: {  	[dreg:$0x4] =	wrdreg s2  }
0xb2: {  	[dreg:$0x5] =	wrdreg $0x9  }
0xb3: {  	_ =	task.clear_ibuf [dreg:s8], $0x6FFFF;
	_ =	strace $0x90000046  }
0xb4: {  	s29 =	simm.s32 $0x9;
	_ =	strace $0x80000048  }
0xb5: {  	_ =	swait.ge [sflag:s29], $0x1  }
0xb6: {  	[sflag:s29] =	ssyncadd.s32 $0xFFFFFFFF  }
0xb7: {  	_ =	strace $0x90000048  }
0xb8: {  	_ =	sfence  }
0xb9: {  	s30 =	sld [smem:$0x0];
	_ =	sdelay $0x2  }
0xba: {  	s31 =	sshll.u32 s1, $0xD;
	s1 =	sshrl.u32 s1, $0x2  }
0xbb: {  	s3 =	sand.u32 $0x4000, s31;
	s1 =	sadd.s32 s1, s30  }
0xbc: {  	s0 =	sor.u32 s3, s0;
	s1 =	sshll.u32 s1, $0x11  }
0xbd: {  	s0 =	sor.u32 s1, s0  }
0xbe: {  	s0 =	sadd.s32 $0x8F2B, s0  }
0xbf: {  	[sflag:s0] =	ssyncadd.remote.s32 $0x1  }
0xc0: {  	_ =	sfence.sel $0xFFFF  }
0xc1: {  	[dreg:$0x0] =	wrdreg $0xFFFFFFFF;
	(pc) =	sbr.abs _section_cstart, $3  }
0xc2: {  	[dreg:$0x1] =	wrdreg $0xFFFFFFFF  }
0xc3: {  	_ =	task.clear_ibuf [dreg:s8], $0x2FFFF;
	_ =	strace $0x9FFFFFFF  }
0xc4: {  	(tm) =	ssettm $0x7FFFFFFF  }
0xc5: {  	_ =	shalt  }
tec
execute0_lowered:
.L_overlay_start_1:
0x0: {  	(tag) =	ssettag $0x1  }
0x1: {  	s2 =	rddreg [dreg:$0x0]  }
0x2: {  	s0 =	rddreg [dreg:$0x1]  }
0x3: {  	s7 =	stileid.u32;
	s1 =	srdreg.scid;
	s4 =	simm.s32 $0x0  }
0x4: {  	s13 =	simm.s32 $0x400;
	s16 =	simm.s32 $0x10D80;
	s17 =	simm.s32 $0x11068  }
0x5: {  	s18 =	simm.s32 $0x20;
	s21 =	simm.s32 $0xC00;
	s25 =	simm.s32 $0xC60  }
0x6: {  	s28 =	simm.s32 $0xC20;
	s15 =	simm.s32 $0xCC0;
	s10 =	simm.s32 $0x2  }
0x7: {  	s11 =	simm.s32 $0xD60;
	s12 =	simm.s32 $0xCA0;
	s14 =	simm.s32 $0xCE0  }
0x8: {  	s20 =	simm.s32 $0xD20;
	s22 =	simm.s32 $0x0;
	s3 =	sshll.u32 s7, $0x1  }
0x9: {  	s1 =	sand.u32 $0x1, s1;
	[smem:$0x7FF] =	sst s4;
	s5 =	sadd.s32 $0x1200, s0  }
0xa: {  	s8 =	sadd.s32 $0xC00, s0;
	s26 =	sadd.s32 $0xA00, s0;
	s7 =	sshll.u32 s7, $0xA  }
0xb: {  	s3 =	sand.u32 $0x2, s3;
	_ =	strace $0x80000047;
	[dreg:$0x4] =	wrdreg s8  }
0xc: {  	[dreg:$0x5] =	wrdreg s26;
	s7 =	sand.u32 $0x3800, s7;
	s3 =	sor.u32 s1, s3  }
0xd: {  	s8 =	sadd.s32 $0x81200, s0;
	s1 =	ssub.s32 $0x2, s1;
	s6 =	sshll.u32 s3, $0x6  }
0xe: {  	s9 =	sshrl.u32 s1, $0x1;
	s3 =	sshll.u32 s3, $0x9;
	s6 =	sadd.s32 s6, s0  }
0xf: {  	s29 =	ssub.s32 s1, s9;
	s9 =	sor.u32 s7, s3;
	s30 =	sadd.s32 $0x1000, s6  }
0x10: {  	s1 =	simm.s32 $0xD40;
	s31 =	sadd.s32 $0xE00, s6;
	[dreg:$0x6] =	wrdreg s30  }
0x11: {  	v0 =	vlaneseq.u32;
	s3 =	simm.s32 $0xC80;
	s0 =	smax.u32 s29, $0x1;
	[dreg:$0x7] =	wrdreg s31  }
0x12: {  	v2 =	vimm.s32 $0x0;
	v3 =	vadd.s32 $0x4, v0;
	v1 =	vmov s7;
	s6 =	simm.s32 $0xD00;
	[dreg:$0x8] =	wrdreg s0;
	s0 =	simm.s32 $0x1  }
.LBB2_1:
0x13: {  	[dreg:$0x9] =	wrdreg s22  }
0x14: {  	s7 =	rddreg [dreg:$0x2];
	s19 =	simm.s32 $0x5  }
0x15: {  	[tilespmem:s13], [sflag:$0x5] =	stream.linear.gather [hbm4b:s7+s4], $0x800, $0x38;
	[tilespmem:$0x1E1E8] =	vst v63  }
0x16: {  	_ =	swait.ge [sflag:s19], $0x800  }
0x17: {  	[sflag:s19] =	ssyncset.done $0x0  }
0x18: {  	s29 =	rddreg [dreg:$0x6];
	[sflag:s19] =	ssyncadd.s32 $0xFFFFF800  }
0x19: {  	[tilespmem:s4], [sflag:$0x5] =	stream.linear.gather [hbm4b:s29+s4], $0x200, $0x38;
	[tilespmem:$0x1E1E8] =	vst v63  }
0x1a: {  	_ =	swait.ge [sflag:s19], $0x200  }
0x1b: {  	[sflag:s19] =	ssyncset.done $0x0  }
0x1c: {  	s31 =	simm.s32 $0x200;
	s30 =	rddreg [dreg:$0x7];
	[sflag:s19] =	ssyncadd.s32 $0xFFFFFE00  }
0x1d: {  	[tilespmem:s31], [sflag:$0x5] =	stream.linear.gather [hbm4b:s30+s4], $0x200, $0x38;
	[tilespmem:$0x1E1E8] =	vst v63  }
0x1e: {  	_ =	swait.ge [sflag:s19], $0x200  }
0x1f: {  	[sflag:s19] =	ssyncset.done $0x0  }
0x20: {  	s22 =	rddreg [dreg:$0x4];
	[sflag:s19] =	ssyncadd.s32 $0xFFFFFE00  }
0x21: {  	[tilespmem:s16], [sflag:$0x5] =	stream.linear.gather [hbm4b:s22+s4], $0x2E8, $0x38;
	[tilespmem:$0x1E1E8] =	vst v63  }
0x22: {  	_ =	swait.ge [sflag:s19], $0x2E8  }
0x23: {  	[sflag:s19] =	ssyncset.done $0x0  }
0x24: {  	s23 =	rddreg [dreg:$0x5];
	[sflag:s19] =	ssyncadd.s32 $0xFFFFFD18  }
0x25: {  	[tilespmem:s17], [sflag:$0x5] =	stream.linear.gather [hbm4b:s23+s4], $0x180, $0x38;
	[tilespmem:$0x1E1E8] =	vst v63  }
0x26: {  	_ =	swait.ge [sflag:s19], $0x180  }
0x27: {  	[sflag:s19] =	ssyncset.done $0x0  }
0x28: {  	[sflag:s19] =	ssyncadd.s32 $0xFFFFFE80  }
0x29: {  	v4 =	vld [tilespmem:$0x0]  }
0x2a: {  	v5 =	vld [tilespmem:$0x200];
	_ =	sdelay $0x4  }
0x2b: {  	v6 =	vsub.s32 v5, v4  }
0x2c: {  	v7 =	vadd.s32 $0x1, v6  }
0x2d: {  	v8 =	vcvt.s32.f32 v7  }
0x2e: {  	v44 =	vld [tilespmem:$0x10]  }
0x2f: {  	v9 =	vld [tilespmem:$0x210];
	(erf) = vrcp.f32 v8;
	_ =	sdelay $0x4  }
0x30: {  	v10 =	vadd.s32 v1, v4;
	v50 =	vsub.s32 v9, v44  }
0x31: {  	v48 =	vadd.s32 v1, v5;
	vm0 =	vlt.u32 v6, $0x7FFFFFFF;
	v52 =	vadd.s32 $0x1, v50  }
0x32: {  	v45 =	vsel vm0, $0x1, v2;
	vm11 =	vgt.s32 v7, $0x1;
	vm12 =	vgt.s32 v7, $0x2  }
0x33: {  	[tilespmem:$0xC00] =	vst v10;
	vm13 =	vgt.s32 v7, $0x3;
	vm14 =	vgt.s32 v7, $0x4;
	v11 =	vsel vm11, $0x1, v2  }
0x34: {  	[tilespmem:$0xC40] =	vst v48;
	vm15 =	vgt.s32 v7, $0x6;
	v46 =	vsel vm12, $0x1, v2;
	v8 =	vadd.s32 v45, v11;
	v12 =	vpop (erf)  }
0x35: {  	vm4 =	vgt.s32 v7, $0x7;
	v47 =	vsel vm13, $0x1, v2;
	v8 =	vadd.s32 v46, v8;
	[tilespmem:$0xD40] =	vst v12  }
0x36: {  	v13 =	vcvt.s32.f32 v52;
	v49 =	vsel vm14, $0x1, v2;
	v8 =	vadd.s32 v47, v8;
	v4 =	vld.idx.msk [tilespmem:v4+s13+$0x0], $0xffff  }
0x37: {  	vm5 =	vgt.s32 v7, $0x8;
	v51 =	vsel vm15, $0x1, v2;
	v8 =	vadd.s32 v49, v8  }
0x38: {  	vm6 =	vgt.s32 v7, $0x9;
	v53 =	vsel vm4, $0x1, v2;
	v8 =	vadd.s32 v51, v8  }
0x39: {  	vm7 =	vgt.s32 v7, $0xE;
	v54 =	vsel vm5, $0x1, v2;
	v8 =	vadd.s32 v53, v8  }
0x3a: {  	vm8 =	vgt.s32 v7, $0xF;
	v55 =	vsel vm6, $0x1, v2;
	v8 =	vadd.s32 v54, v8  }
0x3b: {  	v56 =	vsel vm7, $0x1, v2;
	(erf) = vrcp.f32 v13;
	[tilespmem:$0xC80] =	vst v4;
	v4 =	vadd.s32 v55, v8  }
0x3c: {  	vm9 =	vgt.s32 v7, $0x1E;
	v57 =	vsel vm8, $0x1, v2;
	v4 =	vadd.s32 v56, v4  }
0x3d: {  	vm10 =	vgt.s32 v7, $0x1F;
	v58 =	vsel vm9, $0x1, v2;
	v5 =	vld.idx.msk [tilespmem:v5+s13+$0x0], $0xffff;
	v4 =	vadd.s32 v57, v4  }
0x3e: {  	v59 =	vsel vm10, $0x1, v2;
	vm11 =	vgt.s32 v7, $0x3E;
	v4 =	vadd.s32 v58, v4  }
0x3f: {  	vm12 =	vgt.s32 v7, $0x3F;
	v60 =	vsel vm11, $0x1, v2;
	v4 =	vadd.s32 v59, v4  }
0x40: {  	v7 =	vsel vm12, $0x1, v2;
	v4 =	vadd.s32 v60, v4  }
0x41: {  	v4 =	vadd.s32 v7, v4  }
0x42: {  	vm13 =	vlt.u32 v50, $0x7FFFFFFF;
	[tilespmem:$0xCC0] =	vst v5  }
0x43: {  	vm14 =	vgt.s32 v52, $0x1;
	vm15 =	vgt.s32 v52, $0x2;
	v5 =	vadd.s32 v1, v44;
	[tilespmem:$0xD00] =	vst v4  }
0x44: {  	vm4 =	vgt.s32 v52, $0x3;
	v61 =	vsel vm13, $0x1, v2;
	v62 =	vsel vm14, $0x1, v2;
	[tilespmem:$0xC10] =	vst v5;
	v4 =	vpop (erf)  }
0x45: {  	v63 =	vsel vm15, $0x1, v2;
	v5 =	vadd.s32 v61, v62;
	[tilespmem:$0xD50] =	vst v4;
	v4 =	vadd.s32 v1, v9  }
0x46: {  	vm5 =	vgt.s32 v52, $0x4;
	[tilespmem:$0xC50] =	vst v4;
	v4 =	vadd.s32 v63, v5;
	v5 =	vsel vm4, $0x1, v2  }
0x47: {  	vm6 =	vgt.s32 v52, $0x6;
	v6 =	vld.idx.msk [tilespmem:v44+s13+$0x0], $0xffff;
	v4 =	vadd.s32 v5, v4;
	v5 =	vsel vm5, $0x1, v2  }
0x48: {  	vm7 =	vgt.s32 v52, $0x7;
	v4 =	vadd.s32 v5, v4;
	v5 =	vsel vm6, $0x1, v2  }
0x49: {  	vm8 =	vgt.s32 v52, $0x8;
	v4 =	vadd.s32 v5, v4;
	v5 =	vsel vm7, $0x1, v2  }
0x4a: {  	vm9 =	vgt.s32 v52, $0x9;
	v4 =	vadd.s32 v5, v4;
	v5 =	vsel vm8, $0x1, v2  }
0x4b: {  	vm10 =	vgt.s32 v52, $0xE;
	v4 =	vadd.s32 v5, v4;
	v5 =	vsel vm9, $0x1, v2  }
0x4c: {  	vm11 =	vgt.s32 v52, $0xF;
	[tilespmem:$0xC90] =	vst v6;
	v4 =	vadd.s32 v5, v4;
	v5 =	vsel vm10, $0x1, v2  }
0x4d: {  	vm12 =	vgt.s32 v52, $0x1E;
	v6 =	vld.idx.msk [tilespmem:v9+s13+$0x0], $0xffff;
	v4 =	vadd.s32 v5, v4;
	v5 =	vsel vm11, $0x1, v2  }
0x4e: {  	vm13 =	vgt.s32 v52, $0x1F;
	v4 =	vadd.s32 v5, v4;
	v5 =	vsel vm12, $0x1, v2  }
0x4f: {  	vm14 =	vgt.s32 v52, $0x3E;
	v4 =	vadd.s32 v5, v4;
	v5 =	vsel vm13, $0x1, v2  }
0x50: {  	vm15 =	vgt.s32 v52, $0x3F;
	v4 =	vadd.s32 v5, v4;
	v5 =	vsel vm14, $0x1, v2  }
0x51: {  	v4 =	vadd.s32 v5, v4;
	v5 =	vsel vm15, $0x1, v2  }
0x52: {  	[tilespmem:$0xCD0] =	vst v6;
	v4 =	vadd.s32 v5, v4  }
0x53: {  	s24 =	simm.s32 $0xC40;
	s26 =	simm.s32 $0x4D80;
	[tilespmem:$0xD10] =	vst v4  }
0x54: {  	[tilespmem:s26], [sflag:$0x1] =	stream.indirect.gather [hbm4b:s2+s18], $0x100, s24, s18, $0xb8;
	[tilespmem:$0x1E1E8] =	vst v63  }
0x55: {  	s29 =	simm.s32 $0xD80  }
0x56: {  	[tilespmem:s29], [sflag:$0x1] =	stream.indirect.gather [hbm4b:s2+s18], $0x100, s21, s18, $0xb8;
	[tilespmem:$0x1E1E8] =	vst v63  }
0x57: {  	s30 =	simm.s32 $0x8D80  }
0x58: {  	[tilespmem:s30], [sflag:$0x1] =	stream.indirect.gather [hbm4b:s5+s18], $0x100, s21, s18, $0xb8;
	[tilespmem:$0x1E1E8] =	vst v63  }
0x59: {  	s31 =	simm.s32 $0xCD80;
	s23 =	simm.s32 $0x0  }
0x5a: {  	[tilespmem:s31], [sflag:$0x1] =	stream.indirect.gather [hbm4b:s5+s18], $0x100, s24, s18, $0xb8;
	[tilespmem:$0x1E1E8] =	vst v63  }
.LBB2_2:
0x5b: {  	s26 =	sshll.u32 s23, $0x6  }
0x5c: {  	v4 =	vld [tilespmem:s26+$0x20]  }
0x5d: {  	v5 =	vld [tilespmem:s26+$0x220];
	_ =	sdelay $0x4  }
0x5e: {  	v6 =	vsub.s32 v5, v4  }
0x5f: {  	v7 =	vadd.s32 $0x1, v6  }
0x60: {  	v8 =	vcvt.s32.f32 v7;
	_ =	sdelay $0x1  }
0x61: {  	(erf) = vrcp.f32 v8;
	_ =	sdelay $0x5  }
0x62: {  	v24 =	vadd.s32 v1, v4  }
0x63: {  	v25 =	vadd.s32 v1, v5;
	vm0 =	vlt.u32 v6, $0x7FFFFFFF;
	vm11 =	vgt.s32 v7, $0x1  }
0x64: {  	[tilespmem:$0xC20] =	vst v24;
	v9 =	vsel vm0, $0x1, v2;
	vm12 =	vgt.s32 v7, $0x2;
	v10 =	vsel vm11, $0x1, v2  }
0x65: {  	[tilespmem:$0xC60] =	vst v25;
	vm13 =	vgt.s32 v7, $0x3;
	v27 =	vsel vm12, $0x1, v2;
	v26 =	vadd.s32 v9, v10;
	v23 =	vpop (erf)  }
0x66: {  	vm14 =	vgt.s32 v7, $0x4;
	v29 =	vsel vm13, $0x1, v2;
	v28 =	vadd.s32 v27, v26;
	[tilespmem:$0xD60] =	vst v23  }
0x67: {  	vm15 =	vgt.s32 v7, $0x6;
	v30 =	vsel vm14, $0x1, v2;
	v6 =	vadd.s32 v29, v28;
	v4 =	vld.idx.msk [tilespmem:v4+s13+$0x0], $0xffff  }
0x68: {  	vm4 =	vgt.s32 v7, $0x7;
	v31 =	vsel vm15, $0x1, v2;
	v6 =	vadd.s32 v30, v6  }
0x69: {  	vm5 =	vgt.s32 v7, $0x8;
	v32 =	vsel vm4, $0x1, v2;
	v6 =	vadd.s32 v31, v6  }
0x6a: {  	vm6 =	vgt.s32 v7, $0x9;
	v33 =	vsel vm5, $0x1, v2;
	v6 =	vadd.s32 v32, v6  }
0x6b: {  	vm7 =	vgt.s32 v7, $0xE;
	v34 =	vsel vm6, $0x1, v2;
	v6 =	vadd.s32 v33, v6  }
0x6c: {  	vm8 =	vgt.s32 v7, $0xF;
	v35 =	vsel vm7, $0x1, v2;
	[tilespmem:$0xCA0] =	vst v4;
	v4 =	vadd.s32 v34, v6  }
0x6d: {  	vm9 =	vgt.s32 v7, $0x1E;
	v36 =	vsel vm8, $0x1, v2;
	v5 =	vld.idx.msk [tilespmem:v5+s13+$0x0], $0xffff;
	v4 =	vadd.s32 v35, v4  }
0x6e: {  	vm10 =	vgt.s32 v7, $0x1F;
	v37 =	vsel vm9, $0x1, v2;
	v4 =	vadd.s32 v36, v4  }
0x6f: {  	v38 =	vsel vm10, $0x1, v2;
	vm11 =	vgt.s32 v7, $0x3E;
	v4 =	vadd.s32 v37, v4  }
0x70: {  	vm12 =	vgt.s32 v7, $0x3F;
	v39 =	vsel vm11, $0x1, v2;
	v4 =	vadd.s32 v38, v4  }
0x71: {  	v40 =	vsel vm12, $0x1, v2;
	v4 =	vadd.s32 v39, v4  }
0x72: {  	[tilespmem:$0xCE0] =	vst v5;
	v4 =	vadd.s32 v40, v4  }
0x73: {  	[tilespmem:$0xD20] =	vst v4  }
0x74: {  	v4 =	vld [tilespmem:s26+$0x30]  }
0x75: {  	v5 =	vld [tilespmem:s26+$0x230];
	_ =	sdelay $0x4  }
0x76: {  	v41 =	vsub.s32 v5, v4  }
0x77: {  	v42 =	vadd.s32 $0x1, v41  }
0x78: {  	v43 =	vcvt.s32.f32 v42;
	_ =	sdelay $0x1  }
0x79: {  	(erf) = vrcp.f32 v43;
	_ =	sdelay $0x5  }
0x7a: {  	v45 =	vadd.s32 v1, v4  }
0x7b: {  	v47 =	vadd.s32 v1, v5;
	vm13 =	vlt.u32 v41, $0x7FFFFFFF;
	vm14 =	vgt.s32 v42, $0x1  }
0x7c: {  	[tilespmem:$0xC30] =	vst v45;
	v46 =	vsel vm13, $0x1, v2;
	vm15 =	vgt.s32 v42, $0x2;
	v48 =	vsel vm14, $0x1, v2  }
0x7d: {  	[tilespmem:$0xC70] =	vst v47;
	vm4 =	vgt.s32 v42, $0x3;
	v50 =	vsel vm15, $0x1, v2;
	v49 =	vadd.s32 v46, v48;
	v44 =	vpop (erf)  }
0x7e: {  	vm5 =	vgt.s32 v42, $0x4;
	v52 =	vsel vm4, $0x1, v2;
	v51 =	vadd.s32 v50, v49;
	[tilespmem:$0xD70] =	vst v44  }
0x7f: {  	vm6 =	vgt.s32 v42, $0x6;
	v53 =	vsel vm5, $0x1, v2;
	v6 =	vadd.s32 v52, v51;
	v4 =	vld.idx.msk [tilespmem:v4+s13+$0x0], $0xffff  }
0x80: {  	vm7 =	vgt.s32 v42, $0x7;
	v54 =	vsel vm6, $0x1, v2;
	v6 =	vadd.s32 v53, v6  }
0x81: {  	vm8 =	vgt.s32 v42, $0x8;
	v55 =	vsel vm7, $0x1, v2;
	v6 =	vadd.s32 v54, v6  }
0x82: {  	vm9 =	vgt.s32 v42, $0x9;
	v56 =	vsel vm8, $0x1, v2;
	v6 =	vadd.s32 v55, v6  }
0x83: {  	vm10 =	vgt.s32 v42, $0xE;
	v57 =	vsel vm9, $0x1, v2;
	v6 =	vadd.s32 v56, v6  }
0x84: {  	vm11 =	vgt.s32 v42, $0xF;
	v58 =	vsel vm10, $0x1, v2;
	[tilespmem:$0xCB0] =	vst v4;
	v4 =	vadd.s32 v57, v6  }
0x85: {  	vm12 =	vgt.s32 v42, $0x1E;
	v59 =	vsel vm11, $0x1, v2;
	v5 =	vld.idx.msk [tilespmem:v5+s13+$0x0], $0xffff;
	v4 =	vadd.s32 v58, v4  }
0x86: {  	vm13 =	vgt.s32 v42, $0x1F;
	v60 =	vsel vm12, $0x1, v2;
	v4 =	vadd.s32 v59, v4  }
0x87: {  	v61 =	vsel vm13, $0x1, v2;
	vm14 =	vgt.s32 v42, $0x3E;
	v4 =	vadd.s32 v60, v4  }
0x88: {  	vm15 =	vgt.s32 v42, $0x3F;
	v62 =	vsel vm14, $0x1, v2;
	v4 =	vadd.s32 v61, v4  }
0x89: {  	v63 =	vsel vm15, $0x1, v2;
	v4 =	vadd.s32 v62, v4  }
0x8a: {  	[tilespmem:$0xCF0] =	vst v5;
	v4 =	vadd.s32 v63, v4  }
0x8b: {  	s7 =	simm.s32 $0x6D80;
	[tilespmem:$0xD30] =	vst v4  }
0x8c: {  	[tilespmem:s7], [sflag:$0x2] =	stream.indirect.gather [hbm4b:s2+s18], $0x100, s25, s18, $0xb8;
	[tilespmem:$0x1E1E8] =	vst v63  }
0x8d: {  	s19 =	simm.s32 $0x2D80  }
0x8e: {  	[tilespmem:s19], [sflag:$0x2] =	stream.indirect.gather [hbm4b:s2+s18], $0x100, s28, s18, $0xb8;
	[tilespmem:$0x1E1E8] =	vst v63  }
0x8f: {  	s22 =	simm.s32 $0xAD80  }
0x90: {  	[tilespmem:s22], [sflag:$0x2] =	stream.indirect.gather [hbm4b:s5+s18], $0x100, s28, s18, $0xb8;
	[tilespmem:$0x1E1E8] =	vst v63  }
0x91: {  	s24 =	simm.s32 $0xED80  }
0x92: {  	[tilespmem:s24], [sflag:$0x2] =	stream.indirect.gather [hbm4b:s5+s18], $0x100, s25, s18, $0xb8;
	[tilespmem:$0x1E1E8] =	vst v63  }
0x93: {  	_ =	swait.ge [sflag:s0], $0x2000  }
0x94: {  	[sflag:s0] =	ssyncset.done $0x0  }
0x95: {  	[sflag:s0] =	ssyncadd.s32 $0xFFFFE000  }
0x96: {  	_ =	swait.ge [sflag:s0], $0x2000  }
0x97: {  	[sflag:s0] =	ssyncset.done $0x0  }
0x98: {  	[sflag:s0] =	ssyncadd.s32 $0xFFFFE000  }
0x99: {  	_ =	swait.ge [sflag:s0], $0x2000  }
0x9a: {  	[sflag:s0] =	ssyncset.done $0x0  }
0x9b: {  	[sflag:s0] =	ssyncadd.s32 $0xFFFFE000  }
0x9c: {  	_ =	swait.ge [sflag:s0], $0x2000  }
0x9d: {  	p0 =	seq.s32 s23, $0x0;
	[sflag:s0] =	ssyncset.done $0x0  }
0x9e: {  	s29 =	simm.s32 $0x0;
	s7 =	simm.s32 @!p0 $0x3;
	[sflag:s0] =	ssyncadd.s32 $0xFFFFE000  }
0x9f: {  	s30 =	simm.s32 $0x11388;
	s31 =	simm.s32 $0xE00;
	_ =	swait.ge @!p0 [sflag:s7], $0x6800  }
0xa0: {  	s19 =	simm.s32 $0xCE00;
	s22 =	simm.s32 $0x4E00;
	[sflag:s7] =	ssyncset.done @!p0 $0x0  }
0xa1: {  	s24 =	sor.u32 $0x20, s26;
	[sflag:s7] =	ssyncadd.s32 @!p0 $0xFFFF9800;
	s7 =	simm.s32 $0x8E00  }
.LBB2_3:
0xa2: {  	v4 =	vmov s29;
	v6 =	vld [tilespmem:s22+$0xFFFFFF80]  }
0xa3: {  	v7 =	vld [tilespmem:s31+$0xFFFFFF80];
	_ =	sdelay $0x1  }
0xa4: {  	v8 =	vld [tilespmem:s19+$0xFFFFFF80];
	_ =	sdelay $0x1  }
0xa5: {  	v5 =	vld.idx.msk [tilespmem:v4+s1+$0x0], $0xffff  }
0xa6: {  	v6 =	vsub.f32 v6, v7;
	_ =	sdelay $0x1  }
0xa7: {  	v6 =	vadd.f32 v6, v8;
	_ =	sdelay $0x1  }
0xa8: {  	v6 =	vmul.f32 v6, v5;
	_ =	sdelay $0x1  }
0xa9: {  	[tilespmem:s30+$0xFFFFFE60] =	vst v6  }
0xaa: {  	v6 =	vld [tilespmem:s7+$0xFFFFFF80];
	_ =	sdelay $0x3  }
0xab: {  	[tilespmem:s30+$0x74] =	vst v8  }
0xac: {  	[tilespmem:s30+$0xFFFFFF60] =	vst v6  }
0xad: {  	v6 =	vld [tilespmem:s22+$0xFFFFFF90]  }
0xae: {  	v47 =	vld [tilespmem:s31+$0xFFFFFF90];
	_ =	sdelay $0x1  }
0xaf: {  	v8 =	vld [tilespmem:s19+$0xFFFFFF90];
	_ =	sdelay $0x2  }
0xb0: {  	v6 =	vsub.f32 v6, v47;
	_ =	sdelay $0x1  }
0xb1: {  	v6 =	vadd.f32 v6, v8;
	_ =	sdelay $0x1  }
0xb2: {  	v6 =	vmul.f32 v6, v5;
	_ =	sdelay $0x1  }
0xb3: {  	[tilespmem:s30+$0xFFFFFE70] =	vst v6  }
0xb4: {  	v6 =	vld [tilespmem:s7+$0xFFFFFF90];
	_ =	sdelay $0x3  }
0xb5: {  	[tilespmem:s30+$0x84] =	vst v8  }
0xb6: {  	[tilespmem:s30+$0xFFFFFF70] =	vst v6  }
0xb7: {  	v6 =	vld [tilespmem:s22+$0xFFFFFFA0]  }
0xb8: {  	v48 =	vld [tilespmem:s31+$0xFFFFFFA0];
	_ =	sdelay $0x1  }
0xb9: {  	v8 =	vld [tilespmem:s19+$0xFFFFFFA0];
	_ =	sdelay $0x2  }
0xba: {  	v6 =	vsub.f32 v6, v48;
	_ =	sdelay $0x1  }
0xbb: {  	v6 =	vadd.f32 v6, v8;
	_ =	sdelay $0x1  }
0xbc: {  	v6 =	vmul.f32 v6, v5;
	_ =	sdelay $0x1  }
0xbd: {  	[tilespmem:s30+$0xFFFFFE80] =	vst v6  }
0xbe: {  	v6 =	vld [tilespmem:s7+$0xFFFFFFA0];
	_ =	sdelay $0x3  }
0xbf: {  	[tilespmem:s30+$0x94] =	vst v8  }
0xc0: {  	[tilespmem:s30+$0xFFFFFF80] =	vst v6  }
0xc1: {  	v6 =	vld [tilespmem:s22+$0xFFFFFFB0]  }
0xc2: {  	v49 =	vld [tilespmem:s31+$0xFFFFFFB0];
	_ =	sdelay $0x1  }
0xc3: {  	v8 =	vld [tilespmem:s19+$0xFFFFFFB0];
	_ =	sdelay $0x2  }
0xc4: {  	v6 =	vsub.f32 v6, v49;
	_ =	sdelay $0x1  }
0xc5: {  	v6 =	vadd.f32 v6, v8;
	_ =	sdelay $0x1  }
0xc6: {  	v6 =	vmul.f32 v6, v5;
	_ =	sdelay $0x1  }
0xc7: {  	[tilespmem:s30+$0xFFFFFE90] =	vst v6  }
0xc8: {  	v6 =	vld [tilespmem:s7+$0xFFFFFFB0];
	_ =	sdelay $0x3  }
0xc9: {  	[tilespmem:s30+$0xA4] =	vst v8  }
0xca: {  	[tilespmem:s30+$0xFFFFFF90] =	vst v6  }
0xcb: {  	v6 =	vld [tilespmem:s22+$0xFFFFFFC0]  }
0xcc: {  	v50 =	vld [tilespmem:s31+$0xFFFFFFC0];
	_ =	sdelay $0x1  }
0xcd: {  	v8 =	vld [tilespmem:s19+$0xFFFFFFC0];
	_ =	sdelay $0x2  }
0xce: {  	v6 =	vsub.f32 v6, v50;
	_ =	sdelay $0x1  }
0xcf: {  	v6 =	vadd.f32 v6, v8;
	_ =	sdelay $0x1  }
0xd0: {  	v6 =	vmul.f32 v6, v5;
	_ =	sdelay $0x1  }
0xd1: {  	[tilespmem:s30+$0xFFFFFEA0] =	vst v6  }
0xd2: {  	v6 =	vld [tilespmem:s7+$0xFFFFFFC0];
	_ =	sdelay $0x3  }
0xd3: {  	[tilespmem:s30+$0xB4] =	vst v8  }
0xd4: {  	[tilespmem:s30+$0xFFFFFFA0] =	vst v6  }
0xd5: {  	v6 =	vld [tilespmem:s22+$0xFFFFFFD0]  }
0xd6: {  	v51 =	vld [tilespmem:s31+$0xFFFFFFD0];
	_ =	sdelay $0x1  }
0xd7: {  	v8 =	vld [tilespmem:s19+$0xFFFFFFD0];
	_ =	sdelay $0x2  }
0xd8: {  	v6 =	vsub.f32 v6, v51;
	_ =	sdelay $0x1  }
0xd9: {  	v6 =	vadd.f32 v6, v8;
	_ =	sdelay $0x1  }
0xda: {  	v6 =	vmul.f32 v6, v5;
	_ =	sdelay $0x1  }
0xdb: {  	[tilespmem:s30+$0xFFFFFEB0] =	vst v6  }
0xdc: {  	v6 =	vld [tilespmem:s7+$0xFFFFFFD0];
	_ =	sdelay $0x3  }
0xdd: {  	[tilespmem:s30+$0xC4] =	vst v8  }
0xde: {  	[tilespmem:s30+$0xFFFFFFB0] =	vst v6  }
0xdf: {  	v6 =	vld [tilespmem:s22+$0xFFFFFFE0]  }
0xe0: {  	v52 =	vld [tilespmem:s31+$0xFFFFFFE0];
	_ =	sdelay $0x1  }
0xe1: {  	v8 =	vld [tilespmem:s19+$0xFFFFFFE0];
	_ =	sdelay $0x2  }
0xe2: {  	v6 =	vsub.f32 v6, v52;
	_ =	sdelay $0x1  }
0xe3: {  	v6 =	vadd.f32 v6, v8;
	_ =	sdelay $0x1  }
0xe4: {  	v6 =	vmul.f32 v6, v5;
	_ =	sdelay $0x1  }
0xe5: {  	[tilespmem:s30+$0xFFFFFEC0] =	vst v6  }
0xe6: {  	v6 =	vld [tilespmem:s7+$0xFFFFFFE0];
	_ =	sdelay $0x3  }
0xe7: {  	[tilespmem:s30+$0xD4] =	vst v8  }
0xe8: {  	[tilespmem:s30+$0xFFFFFFC0] =	vst v6  }
0xe9: {  	v6 =	vld [tilespmem:s22+$0xFFFFFFF0]  }
0xea: {  	v53 =	vld [tilespmem:s31+$0xFFFFFFF0];
	_ =	sdelay $0x1  }
0xeb: {  	v8 =	vld [tilespmem:s19+$0xFFFFFFF0];
	_ =	sdelay $0x2  }
0xec: {  	v6 =	vsub.f32 v6, v53;
	_ =	sdelay $0x1  }
0xed: {  	v6 =	vadd.f32 v6, v8;
	_ =	sdelay $0x1  }
0xee: {  	v6 =	vmul.f32 v6, v5;
	_ =	sdelay $0x1  }
0xef: {  	[tilespmem:s30+$0xFFFFFED0] =	vst v6  }
0xf0: {  	v6 =	vld [tilespmem:s7+$0xFFFFFFF0];
	_ =	sdelay $0x3  }
0xf1: {  	[tilespmem:s30+$0xE4] =	vst v8  }
0xf2: {  	[tilespmem:s30+$0xFFFFFFD0] =	vst v6  }
0xf3: {  	v6 =	vld [tilespmem:s22+$0x0]  }
0xf4: {  	v54 =	vld [tilespmem:s31+$0x0];
	_ =	sdelay $0x1  }
0xf5: {  	v8 =	vld [tilespmem:s19+$0x0];
	_ =	sdelay $0x2  }
0xf6: {  	v6 =	vsub.f32 v6, v54;
	_ =	sdelay $0x1  }
0xf7: {  	v6 =	vadd.f32 v6, v8;
	_ =	sdelay $0x1  }
0xf8: {  	v6 =	vmul.f32 v6, v5;
	_ =	sdelay $0x1  }
0xf9: {  	[tilespmem:s30+$0xFFFFFEE0] =	vst v6  }
0xfa: {  	v6 =	vld [tilespmem:s7+$0x0];
	_ =	sdelay $0x3  }
0xfb: {  	[tilespmem:s30+$0xF4] =	vst v8  }
0xfc: {  	[tilespmem:s30+$0xFFFFFFE0] =	vst v6  }
0xfd: {  	v6 =	vld [tilespmem:s22+$0x10]  }
0xfe: {  	v55 =	vld [tilespmem:s31+$0x10];
	_ =	sdelay $0x1  }
0xff: {  	v8 =	vld [tilespmem:s19+$0x10];
	_ =	sdelay $0x2  }
0x100: {  	v6 =	vsub.f32 v6, v55;
	_ =	sdelay $0x1  }
0x101: {  	v6 =	vadd.f32 v6, v8;
	_ =	sdelay $0x1  }
0x102: {  	v6 =	vmul.f32 v6, v5;
	_ =	sdelay $0x1  }
0x103: {  	[tilespmem:s30+$0xFFFFFEF0] =	vst v6  }
0x104: {  	v6 =	vld [tilespmem:s7+$0x10];
	_ =	sdelay $0x3  }
0x105: {  	[tilespmem:s30+$0x104] =	vst v8  }
0x106: {  	[tilespmem:s30+$0xFFFFFFF0] =	vst v6  }
0x107: {  	v6 =	vld [tilespmem:s22+$0x20]  }
0x108: {  	v56 =	vld [tilespmem:s31+$0x20];
	_ =	sdelay $0x1  }
0x109: {  	v8 =	vld [tilespmem:s19+$0x20];
	_ =	sdelay $0x2  }
0x10a: {  	v6 =	vsub.f32 v6, v56;
	_ =	sdelay $0x1  }
0x10b: {  	v6 =	vadd.f32 v6, v8;
	_ =	sdelay $0x1  }
0x10c: {  	v6 =	vmul.f32 v6, v5;
	_ =	sdelay $0x1  }
0x10d: {  	[tilespmem:s30+$0xFFFFFF00] =	vst v6  }
0x10e: {  	v6 =	vld [tilespmem:s7+$0x20];
	_ =	sdelay $0x3  }
0x10f: {  	[tilespmem:s30+$0x114] =	vst v8  }
0x110: {  	[tilespmem:s30+$0x0] =	vst v6  }
0x111: {  	v6 =	vld [tilespmem:s22+$0x30]  }
0x112: {  	v57 =	vld [tilespmem:s31+$0x30];
	_ =	sdelay $0x1  }
0x113: {  	v8 =	vld [tilespmem:s19+$0x30];
	_ =	sdelay $0x2  }
0x114: {  	v6 =	vsub.f32 v6, v57;
	_ =	sdelay $0x1  }
0x115: {  	v6 =	vadd.f32 v6, v8;
	_ =	sdelay $0x1  }
0x116: {  	v6 =	vmul.f32 v6, v5;
	_ =	sdelay $0x1  }
0x117: {  	[tilespmem:s30+$0xFFFFFF10] =	vst v6  }
0x118: {  	v6 =	vld [tilespmem:s7+$0x30];
	_ =	sdelay $0x3  }
0x119: {  	[tilespmem:s30+$0x124] =	vst v8  }
0x11a: {  	[tilespmem:s30+$0x10] =	vst v6  }
0x11b: {  	v6 =	vld [tilespmem:s22+$0x40]  }
0x11c: {  	v58 =	vld [tilespmem:s31+$0x40];
	_ =	sdelay $0x1  }
0x11d: {  	v8 =	vld [tilespmem:s19+$0x40];
	_ =	sdelay $0x2  }
0x11e: {  	v6 =	vsub.f32 v6, v58;
	_ =	sdelay $0x1  }
0x11f: {  	v6 =	vadd.f32 v6, v8;
	_ =	sdelay $0x1  }
0x120: {  	v6 =	vmul.f32 v6, v5;
	_ =	sdelay $0x1  }
0x121: {  	[tilespmem:s30+$0xFFFFFF20] =	vst v6  }
0x122: {  	v6 =	vld [tilespmem:s7+$0x40];
	_ =	sdelay $0x3  }
0x123: {  	[tilespmem:s30+$0x134] =	vst v8  }
0x124: {  	[tilespmem:s30+$0x20] =	vst v6  }
0x125: {  	v6 =	vld [tilespmem:s22+$0x50]  }
0x126: {  	v59 =	vld [tilespmem:s31+$0x50];
	_ =	sdelay $0x1  }
0x127: {  	v8 =	vld [tilespmem:s19+$0x50];
	_ =	sdelay $0x2  }
0x128: {  	v6 =	vsub.f32 v6, v59;
	_ =	sdelay $0x1  }
0x129: {  	v6 =	vadd.f32 v6, v8;
	_ =	sdelay $0x1  }
0x12a: {  	v6 =	vmul.f32 v6, v5;
	_ =	sdelay $0x1  }
0x12b: {  	[tilespmem:s30+$0xFFFFFF30] =	vst v6  }
0x12c: {  	v6 =	vld [tilespmem:s7+$0x50];
	_ =	sdelay $0x3  }
0x12d: {  	[tilespmem:s30+$0x144] =	vst v8  }
0x12e: {  	[tilespmem:s30+$0x30] =	vst v6  }
0x12f: {  	v6 =	vld [tilespmem:s22+$0x60]  }
0x130: {  	v60 =	vld [tilespmem:s31+$0x60];
	_ =	sdelay $0x1  }
0x131: {  	v8 =	vld [tilespmem:s19+$0x60];
	_ =	sdelay $0x2  }
0x132: {  	v6 =	vsub.f32 v6, v60;
	_ =	sdelay $0x1  }
0x133: {  	v6 =	vadd.f32 v6, v8;
	_ =	sdelay $0x1  }
0x134: {  	v6 =	vmul.f32 v6, v5;
	_ =	sdelay $0x1  }
0x135: {  	[tilespmem:s30+$0xFFFFFF40] =	vst v6  }
0x136: {  	v6 =	vld [tilespmem:s7+$0x60];
	_ =	sdelay $0x3  }
0x137: {  	[tilespmem:s30+$0x154] =	vst v8  }
0x138: {  	[tilespmem:s30+$0x40] =	vst v6  }
0x139: {  	v6 =	vld [tilespmem:s22+$0x70]  }
0x13a: {  	v61 =	vld [tilespmem:s31+$0x70];
	_ =	sdelay $0x1  }
0x13b: {  	v8 =	vld [tilespmem:s19+$0x70];
	_ =	sdelay $0x2  }
0x13c: {  	v6 =	vsub.f32 v6, v61;
	_ =	sdelay $0x1  }
0x13d: {  	v6 =	vadd.f32 v6, v8;
	_ =	sdelay $0x1  }
0x13e: {  	v5 =	vmul.f32 v6, v5;
	_ =	sdelay $0x1  }
0x13f: {  	[tilespmem:s30+$0xFFFFFF50] =	vst v5  }
0x140: {  	v5 =	vld [tilespmem:s7+$0x70];
	_ =	sdelay $0x3  }
0x141: {  	[tilespmem:s30+$0x164] =	vst v8  }
0x142: {  	[tilespmem:s30+$0x50] =	vst v5  }
0x143: {  	v5 =	vld.idx.msk [tilespmem:v4+s3+$0x0], $0xffff;
	_ =	sdelay $0x4  }
0x144: {  	v5 =	vmul.u32 $0x18, v5;
	_ =	sdelay $0x1  }
0x145: {  	v62 =	vadd.s32 v0, v5  }
0x146: {  	v5 =	vadd.s32 v3, v5;
	_ =	sdelay $0x3  }
0x147: {  	v6 =	vld.idx.msk [tilespmem:v62+s16+$0x0], $0xffff  }
0x148: {  	v5 =	vld.idx.msk [tilespmem:v5+s16+$0x0], $0xffff;
	_ =	sdelay $0x3  }
0x149: {  	[tilespmem:s30+$0x60] =	vst v6  }
0x14a: {  	[tilespmem:s30+$0x64] =	vst v5  }
0x14b: {  	v5 =	vld.idx.msk [tilespmem:v4+s15+$0x0], $0xffff;
	_ =	sdelay $0x4  }
0x14c: {  	v5 =	vmul.u32 $0x18, v5;
	_ =	sdelay $0x1  }
0x14d: {  	v63 =	vadd.s32 v0, v5  }
0x14e: {  	v5 =	vadd.s32 v3, v5;
	_ =	sdelay $0x3  }
0x14f: {  	v6 =	vld.idx.msk [tilespmem:v63+s16+$0x0], $0xffff  }
0x150: {  	v5 =	vld.idx.msk [tilespmem:v5+s16+$0x0], $0xffff;
	_ =	sdelay $0x3  }
0x151: {  	[tilespmem:s30+$0x174] =	vst v6  }
0x152: {  	[tilespmem:s30+$0x178] =	vst v5  }
0x153: {  	v4 =	vld.idx.msk [tilespmem:v4+s6+$0x0], $0xffff;
	_ =	sdelay $0x4  }
0x154: {  	v4 =	vmul.u32 $0x18, v4;
	_ =	sdelay $0x1  }
0x155: {  	v5 =	vadd.s32 v0, v4  }
0x156: {  	v4 =	vadd.s32 v3, v4;
	_ =	sdelay $0x3  }
0x157: {  	v5 =	vld.idx.msk [tilespmem:v5+s17+$0x0], $0xffff  }
0x158: {  	p1 =	sne.s32 s29, $0x1F;
	v4 =	vld.idx.msk [tilespmem:v4+s17+$0x0], $0xffff  }
.Ltmp0:
0x159: {  	_ = 	snop;
	(pc) =	sbr.rel @p1 .LBB2_3-.Ltmp0, $3  }
0x15a: {  	_ =	sdelay $0x1  }
0x15b: {  	s29 =	sadd.s32 $0x1, s29;
	s31 =	sadd.s32 $0x100, s31;
	s22 =	sadd.s32 $0x100, s22;
	[tilespmem:s30+$0x188] =	vst v5  }
0x15c: {  	s19 =	sadd.s32 $0x100, s19;
	s7 =	sadd.s32 $0x100, s7;
	[tilespmem:s30+$0x18C] =	vst v4;
	s30 =	sadd.s32 $0x340, s30  }
0x15d: {  	p1 =	seq.s32 s23, $0x7  }
.Ltmp1:
0x15e: {  	s7 =	sadd.s32 s9, s26;
	(pc) =	sbr.rel @p1 .LBB2_6-.Ltmp1, $3  }
0x15f: {  	s7 =	smul.u32 $0x68, s7;
	_ =	sdelay $0x1  }
0x160: {  	s19 =	simm.s32 $0x111E8;
	s7 =	sadd.s32 s8, s7  }
0x161: {  	[hbm4b:s7+s4] =	stream.linear.scatter [tilespmem:s19], [sflag:$0x3], $0x6800, $0x38;
	[tilespmem:$0x1E1E8] =	vst v63  }
0x162: {  	v4 =	vld [tilespmem:s26+$0x40]  }
0x163: {  	v5 =	vld [tilespmem:s26+$0x240];
	_ =	sdelay $0x4  }
0x164: {  	v6 =	vsub.s32 v5, v4  }
0x165: {  	v7 =	vadd.s32 $0x1, v6  }
0x166: {  	v8 =	vcvt.s32.f32 v7;
	_ =	sdelay $0x1  }
0x167: {  	(erf) = vrcp.f32 v8;
	_ =	sdelay $0x5  }
0x168: {  	v24 =	vadd.s32 v1, v4  }
0x169: {  	v25 =	vadd.s32 v1, v5;
	vm0 =	vlt.u32 v6, $0x7FFFFFFF;
	vm11 =	vgt.s32 v7, $0x1  }
0x16a: {  	[tilespmem:$0xC00] =	vst v24;
	v9 =	vsel vm0, $0x1, v2;
	vm12 =	vgt.s32 v7, $0x2;
	v10 =	vsel vm11, $0x1, v2  }
0x16b: {  	[tilespmem:$0xC40] =	vst v25;
	vm13 =	vgt.s32 v7, $0x3;
	v27 =	vsel vm12, $0x1, v2;
	v26 =	vadd.s32 v9, v10;
	v23 =	vpop (erf)  }
0x16c: {  	vm14 =	vgt.s32 v7, $0x4;
	v29 =	vsel vm13, $0x1, v2;
	v28 =	vadd.s32 v27, v26;
	[tilespmem:$0xD40] =	vst v23  }
0x16d: {  	vm15 =	vgt.s32 v7, $0x6;
	v30 =	vsel vm14, $0x1, v2;
	v6 =	vadd.s32 v29, v28;
	v4 =	vld.idx.msk [tilespmem:v4+s13+$0x0], $0xffff  }
0x16e: {  	vm4 =	vgt.s32 v7, $0x7;
	v31 =	vsel vm15, $0x1, v2;
	v6 =	vadd.s32 v30, v6  }
0x16f: {  	vm5 =	vgt.s32 v7, $0x8;
	v32 =	vsel vm4, $0x1, v2;
	v6 =	vadd.s32 v31, v6  }
0x170: {  	vm6 =	vgt.s32 v7, $0x9;
	v33 =	vsel vm5, $0x1, v2;
	v6 =	vadd.s32 v32, v6  }
0x171: {  	vm7 =	vgt.s32 v7, $0xE;
	v34 =	vsel vm6, $0x1, v2;
	v6 =	vadd.s32 v33, v6  }
0x172: {  	vm8 =	vgt.s32 v7, $0xF;
	v35 =	vsel vm7, $0x1, v2;
	[tilespmem:$0xC80] =	vst v4;
	v4 =	vadd.s32 v34, v6  }
0x173: {  	vm9 =	vgt.s32 v7, $0x1E;
	v36 =	vsel vm8, $0x1, v2;
	v5 =	vld.idx.msk [tilespmem:v5+s13+$0x0], $0xffff;
	v4 =	vadd.s32 v35, v4  }
0x174: {  	vm10 =	vgt.s32 v7, $0x1F;
	v37 =	vsel vm9, $0x1, v2;
	v4 =	vadd.s32 v36, v4  }
0x175: {  	v38 =	vsel vm10, $0x1, v2;
	vm11 =	vgt.s32 v7, $0x3E;
	v4 =	vadd.s32 v37, v4  }
0x176: {  	vm12 =	vgt.s32 v7, $0x3F;
	v39 =	vsel vm11, $0x1, v2;
	v4 =	vadd.s32 v38, v4  }
0x177: {  	v40 =	vsel vm12, $0x1, v2;
	v4 =	vadd.s32 v39, v4  }
0x178: {  	[tilespmem:$0xCC0] =	vst v5;
	v4 =	vadd.s32 v40, v4  }
0x179: {  	[tilespmem:$0xD00] =	vst v4  }
0x17a: {  	v4 =	vld [tilespmem:s26+$0x50]  }
0x17b: {  	v5 =	vld [tilespmem:s26+$0x250];
	_ =	sdelay $0x4  }
0x17c: {  	v41 =	vsub.s32 v5, v4  }
0x17d: {  	v42 =	vadd.s32 $0x1, v41  }
0x17e: {  	v43 =	vcvt.s32.f32 v42;
	_ =	sdelay $0x1  }
0x17f: {  	(erf) = vrcp.f32 v43;
	_ =	sdelay $0x5  }
0x180: {  	v45 =	vadd.s32 v1, v4  }
0x181: {  	v47 =	vadd.s32 v1, v5;
	vm13 =	vlt.u32 v41, $0x7FFFFFFF;
	vm14 =	vgt.s32 v42, $0x1  }
0x182: {  	[tilespmem:$0xC10] =	vst v45;
	v46 =	vsel vm13, $0x1, v2;
	vm15 =	vgt.s32 v42, $0x2;
	v48 =	vsel vm14, $0x1, v2  }
0x183: {  	[tilespmem:$0xC50] =	vst v47;
	vm4 =	vgt.s32 v42, $0x3;
	v50 =	vsel vm15, $0x1, v2;
	v49 =	vadd.s32 v46, v48;
	v44 =	vpop (erf)  }
0x184: {  	vm5 =	vgt.s32 v42, $0x4;
	v52 =	vsel vm4, $0x1, v2;
	v51 =	vadd.s32 v50, v49;
	[tilespmem:$0xD50] =	vst v44  }
0x185: {  	vm6 =	vgt.s32 v42, $0x6;
	v53 =	vsel vm5, $0x1, v2;
	v6 =	vadd.s32 v52, v51;
	v4 =	vld.idx.msk [tilespmem:v4+s13+$0x0], $0xffff  }
0x186: {  	vm7 =	vgt.s32 v42, $0x7;
	v54 =	vsel vm6, $0x1, v2;
	v6 =	vadd.s32 v53, v6  }
0x187: {  	vm8 =	vgt.s32 v42, $0x8;
	v55 =	vsel vm7, $0x1, v2;
	v6 =	vadd.s32 v54, v6  }
0x188: {  	vm9 =	vgt.s32 v42, $0x9;
	v56 =	vsel vm8, $0x1, v2;
	v6 =	vadd.s32 v55, v6  }
0x189: {  	vm10 =	vgt.s32 v42, $0xE;
	v57 =	vsel vm9, $0x1, v2;
	v6 =	vadd.s32 v56, v6  }
0x18a: {  	vm11 =	vgt.s32 v42, $0xF;
	v58 =	vsel vm10, $0x1, v2;
	[tilespmem:$0xC90] =	vst v4;
	v4 =	vadd.s32 v57, v6  }
0x18b: {  	vm12 =	vgt.s32 v42, $0x1E;
	v59 =	vsel vm11, $0x1, v2;
	v5 =	vld.idx.msk [tilespmem:v5+s13+$0x0], $0xffff;
	v4 =	vadd.s32 v58, v4  }
0x18c: {  	vm13 =	vgt.s32 v42, $0x1F;
	v60 =	vsel vm12, $0x1, v2;
	v4 =	vadd.s32 v59, v4  }
0x18d: {  	v61 =	vsel vm13, $0x1, v2;
	vm14 =	vgt.s32 v42, $0x3E;
	v4 =	vadd.s32 v60, v4  }
0x18e: {  	vm15 =	vgt.s32 v42, $0x3F;
	v62 =	vsel vm14, $0x1, v2;
	v4 =	vadd.s32 v61, v4  }
0x18f: {  	v63 =	vsel vm15, $0x1, v2;
	v4 =	vadd.s32 v62, v4  }
0x190: {  	[tilespmem:$0xCD0] =	vst v5;
	v4 =	vadd.s32 v63, v4  }
0x191: {  	s7 =	simm.s32 $0xC40;
	s19 =	simm.s32 $0x4D80;
	[tilespmem:$0xD10] =	vst v4  }
0x192: {  	[tilespmem:s19], [sflag:$0x1] =	stream.indirect.gather [hbm4b:s2+s18], $0x100, s7, s18, $0xb8;
	[tilespmem:$0x1E1E8] =	vst v63  }
0x193: {  	s29 =	simm.s32 $0xD80  }
0x194: {  	[tilespmem:s29], [sflag:$0x1] =	stream.indirect.gather [hbm4b:s2+s18], $0x100, s21, s18, $0xb8;
	[tilespmem:$0x1E1E8] =	vst v63  }
0x195: {  	s30 =	simm.s32 $0x8D80  }
0x196: {  	[tilespmem:s30], [sflag:$0x1] =	stream.indirect.gather [hbm4b:s5+s18], $0x100, s21, s18, $0xb8;
	[tilespmem:$0x1E1E8] =	vst v63  }
0x197: {  	s31 =	simm.s32 $0xCD80  }
0x198: {  	[tilespmem:s31], [sflag:$0x1] =	stream.indirect.gather [hbm4b:s5+s18], $0x100, s7, s18, $0xb8;
	[tilespmem:$0x1E1E8] =	vst v63  }
.LBB2_6:
0x199: {  	_ =	swait.ge [sflag:s10], $0x2000  }
0x19a: {  	[sflag:s10] =	ssyncset.done $0x0  }
0x19b: {  	[sflag:s10] =	ssyncadd.s32 $0xFFFFE000  }
0x19c: {  	_ =	swait.ge [sflag:s10], $0x2000  }
0x19d: {  	[sflag:s10] =	ssyncset.done $0x0  }
0x19e: {  	[sflag:s10] =	ssyncadd.s32 $0xFFFFE000  }
0x19f: {  	_ =	swait.ge [sflag:s10], $0x2000  }
0x1a0: {  	[sflag:s10] =	ssyncset.done $0x0  }
0x1a1: {  	[sflag:s10] =	ssyncadd.s32 $0xFFFFE000  }
0x1a2: {  	_ =	swait.ge [sflag:s10], $0x2000  }
0x1a3: {  	[sflag:s10] =	ssyncset.done $0x0  }
0x1a4: {  	s7 =	simm.s32 @!p0 $0x4;
	[sflag:s10] =	ssyncadd.s32 $0xFFFFE000  }
0x1a5: {  	s26 =	simm.s32 $0x0;
	s29 =	simm.s32 $0xAE70;
	_ =	swait.ge @!p0 [sflag:s7], $0x6800  }
0x1a6: {  	s30 =	simm.s32 $0x2E70;
	s31 =	simm.s32 $0x6E70;
	[sflag:s7] =	ssyncset.done @!p0 $0x0  }
0x1a7: {  	s22 =	simm.s32 $0x0;
	[sflag:s7] =	ssyncadd.s32 @!p0 $0xFFFF9800;
	s7 =	simm.s32 $0xEE70  }
.LBB2_7:
0x1a8: {  	v4 =	vmov s22;
	v6 =	vld [tilespmem:s31+$0xFFFFFF10]  }
0x1a9: {  	v7 =	vld [tilespmem:s30+$0xFFFFFF10];
	_ =	sdelay $0x1  }
0x1aa: {  	v8 =	vld [tilespmem:s7+$0xFFFFFF10];
	_ =	sdelay $0x1  }
0x1ab: {  	v5 =	vld.idx.msk [tilespmem:v4+s11+$0x0], $0xffff  }
0x1ac: {  	v6 =	vsub.f32 v6, v7;
	_ =	sdelay $0x1  }
0x1ad: {  	v6 =	vadd.f32 v6, v8;
	_ =	sdelay $0x1  }
0x1ae: {  	v6 =	vmul.f32 v6, v5  }
0x1af: {  	s19 =	sshra.s32 s26, $0x2  }
0x1b0: {  	[tilespmem:s19+$0x179E8] =	vst v6  }
0x1b1: {  	v6 =	vld [tilespmem:s29+$0xFFFFFF10];
	_ =	sdelay $0x3  }
0x1b2: {  	[tilespmem:s19+$0x17BFC] =	vst v8  }
0x1b3: {  	[tilespmem:s19+$0x17AE8] =	vst v6  }
0x1b4: {  	v6 =	vld [tilespmem:s31+$0xFFFFFF20]  }
0x1b5: {  	v47 =	vld [tilespmem:s30+$0xFFFFFF20];
	_ =	sdelay $0x1  }
0x1b6: {  	v8 =	vld [tilespmem:s7+$0xFFFFFF20];
	_ =	sdelay $0x2  }
0x1b7: {  	v6 =	vsub.f32 v6, v47;
	_ =	sdelay $0x1  }
0x1b8: {  	v6 =	vadd.f32 v6, v8;
	_ =	sdelay $0x1  }
0x1b9: {  	v6 =	vmul.f32 v6, v5;
	_ =	sdelay $0x1  }
0x1ba: {  	[tilespmem:s19+$0x179F8] =	vst v6  }
0x1bb: {  	v6 =	vld [tilespmem:s29+$0xFFFFFF20];
	_ =	sdelay $0x3  }
0x1bc: {  	[tilespmem:s19+$0x17C0C] =	vst v8  }
0x1bd: {  	[tilespmem:s19+$0x17AF8] =	vst v6  }
0x1be: {  	v6 =	vld [tilespmem:s31+$0xFFFFFF30]  }
0x1bf: {  	v48 =	vld [tilespmem:s30+$0xFFFFFF30];
	_ =	sdelay $0x1  }
0x1c0: {  	v8 =	vld [tilespmem:s7+$0xFFFFFF30];
	_ =	sdelay $0x2  }
0x1c1: {  	v6 =	vsub.f32 v6, v48;
	_ =	sdelay $0x1  }
0x1c2: {  	v6 =	vadd.f32 v6, v8;
	_ =	sdelay $0x1  }
0x1c3: {  	v6 =	vmul.f32 v6, v5;
	_ =	sdelay $0x1  }
0x1c4: {  	[tilespmem:s19+$0x17A08] =	vst v6  }
0x1c5: {  	v6 =	vld [tilespmem:s29+$0xFFFFFF30];
	_ =	sdelay $0x3  }
0x1c6: {  	[tilespmem:s19+$0x17C1C] =	vst v8  }
0x1c7: {  	[tilespmem:s19+$0x17B08] =	vst v6  }
0x1c8: {  	v6 =	vld [tilespmem:s31+$0xFFFFFF40]  }
0x1c9: {  	v49 =	vld [tilespmem:s30+$0xFFFFFF40];
	_ =	sdelay $0x1  }
0x1ca: {  	v8 =	vld [tilespmem:s7+$0xFFFFFF40];
	_ =	sdelay $0x2  }
0x1cb: {  	v6 =	vsub.f32 v6, v49;
	_ =	sdelay $0x1  }
0x1cc: {  	v6 =	vadd.f32 v6, v8;
	_ =	sdelay $0x1  }
0x1cd: {  	v6 =	vmul.f32 v6, v5;
	_ =	sdelay $0x1  }
0x1ce: {  	[tilespmem:s19+$0x17A18] =	vst v6  }
0x1cf: {  	v6 =	vld [tilespmem:s29+$0xFFFFFF40];
	_ =	sdelay $0x3  }
0x1d0: {  	[tilespmem:s19+$0x17C2C] =	vst v8  }
0x1d1: {  	[tilespmem:s19+$0x17B18] =	vst v6  }
0x1d2: {  	v6 =	vld [tilespmem:s31+$0xFFFFFF50]  }
0x1d3: {  	v50 =	vld [tilespmem:s30+$0xFFFFFF50];
	_ =	sdelay $0x1  }
0x1d4: {  	v8 =	vld [tilespmem:s7+$0xFFFFFF50];
	_ =	sdelay $0x2  }
0x1d5: {  	v6 =	vsub.f32 v6, v50;
	_ =	sdelay $0x1  }
0x1d6: {  	v6 =	vadd.f32 v6, v8;
	_ =	sdelay $0x1  }
0x1d7: {  	v6 =	vmul.f32 v6, v5;
	_ =	sdelay $0x1  }
0x1d8: {  	[tilespmem:s19+$0x17A28] =	vst v6  }
0x1d9: {  	v6 =	vld [tilespmem:s29+$0xFFFFFF50];
	_ =	sdelay $0x3  }
0x1da: {  	[tilespmem:s19+$0x17C3C] =	vst v8  }
0x1db: {  	[tilespmem:s19+$0x17B28] =	vst v6  }
0x1dc: {  	v6 =	vld [tilespmem:s31+$0xFFFFFF60]  }
0x1dd: {  	v51 =	vld [tilespmem:s30+$0xFFFFFF60];
	_ =	sdelay $0x1  }
0x1de: {  	v8 =	vld [tilespmem:s7+$0xFFFFFF60];
	_ =	sdelay $0x2  }
0x1df: {  	v6 =	vsub.f32 v6, v51;
	_ =	sdelay $0x1  }
0x1e0: {  	v6 =	vadd.f32 v6, v8;
	_ =	sdelay $0x1  }
0x1e1: {  	v6 =	vmul.f32 v6, v5;
	_ =	sdelay $0x1  }
0x1e2: {  	[tilespmem:s19+$0x17A38] =	vst v6  }
0x1e3: {  	v6 =	vld [tilespmem:s29+$0xFFFFFF60];
	_ =	sdelay $0x3  }
0x1e4: {  	[tilespmem:s19+$0x17C4C] =	vst v8  }
0x1e5: {  	[tilespmem:s19+$0x17B38] =	vst v6  }
0x1e6: {  	v6 =	vld [tilespmem:s31+$0xFFFFFF70]  }
0x1e7: {  	v52 =	vld [tilespmem:s30+$0xFFFFFF70];
	_ =	sdelay $0x1  }
0x1e8: {  	v8 =	vld [tilespmem:s7+$0xFFFFFF70];
	_ =	sdelay $0x2  }
0x1e9: {  	v6 =	vsub.f32 v6, v52;
	_ =	sdelay $0x1  }
0x1ea: {  	v6 =	vadd.f32 v6, v8;
	_ =	sdelay $0x1  }
0x1eb: {  	v6 =	vmul.f32 v6, v5;
	_ =	sdelay $0x1  }
0x1ec: {  	[tilespmem:s19+$0x17A48] =	vst v6  }
0x1ed: {  	v6 =	vld [tilespmem:s29+$0xFFFFFF70];
	_ =	sdelay $0x3  }
0x1ee: {  	[tilespmem:s19+$0x17C5C] =	vst v8  }
0x1ef: {  	[tilespmem:s19+$0x17B48] =	vst v6  }
0x1f0: {  	v6 =	vld [tilespmem:s31+$0xFFFFFF80]  }
0x1f1: {  	v53 =	vld [tilespmem:s30+$0xFFFFFF80];
	_ =	sdelay $0x1  }
0x1f2: {  	v8 =	vld [tilespmem:s7+$0xFFFFFF80];
	_ =	sdelay $0x2  }
0x1f3: {  	v6 =	vsub.f32 v6, v53;
	_ =	sdelay $0x1  }
0x1f4: {  	v6 =	vadd.f32 v6, v8;
	_ =	sdelay $0x1  }
0x1f5: {  	v6 =	vmul.f32 v6, v5;
	_ =	sdelay $0x1  }
0x1f6: {  	[tilespmem:s19+$0x17A58] =	vst v6  }
0x1f7: {  	v6 =	vld [tilespmem:s29+$0xFFFFFF80];
	_ =	sdelay $0x3  }
0x1f8: {  	[tilespmem:s19+$0x17C6C] =	vst v8  }
0x1f9: {  	[tilespmem:s19+$0x17B58] =	vst v6  }
0x1fa: {  	v6 =	vld [tilespmem:s31+$0xFFFFFF90]  }
0x1fb: {  	v54 =	vld [tilespmem:s30+$0xFFFFFF90];
	_ =	sdelay $0x1  }
0x1fc: {  	v8 =	vld [tilespmem:s7+$0xFFFFFF90];
	_ =	sdelay $0x2  }
0x1fd: {  	v6 =	vsub.f32 v6, v54;
	_ =	sdelay $0x1  }
0x1fe: {  	v6 =	vadd.f32 v6, v8;
	_ =	sdelay $0x1  }
0x1ff: {  	v6 =	vmul.f32 v6, v5;
	_ =	sdelay $0x1  }
0x200: {  	[tilespmem:s19+$0x17A68] =	vst v6  }
0x201: {  	v6 =	vld [tilespmem:s29+$0xFFFFFF90];
	_ =	sdelay $0x3  }
0x202: {  	[tilespmem:s19+$0x17C7C] =	vst v8  }
0x203: {  	[tilespmem:s19+$0x17B68] =	vst v6  }
0x204: {  	v6 =	vld [tilespmem:s31+$0xFFFFFFA0]  }
0x205: {  	v55 =	vld [tilespmem:s30+$0xFFFFFFA0];
	_ =	sdelay $0x1  }
0x206: {  	v8 =	vld [tilespmem:s7+$0xFFFFFFA0];
	_ =	sdelay $0x2  }
0x207: {  	v6 =	vsub.f32 v6, v55;
	_ =	sdelay $0x1  }
0x208: {  	v6 =	vadd.f32 v6, v8;
	_ =	sdelay $0x1  }
0x209: {  	v6 =	vmul.f32 v6, v5;
	_ =	sdelay $0x1  }
0x20a: {  	[tilespmem:s19+$0x17A78] =	vst v6  }
0x20b: {  	v6 =	vld [tilespmem:s29+$0xFFFFFFA0];
	_ =	sdelay $0x3  }
0x20c: {  	[tilespmem:s19+$0x17C8C] =	vst v8  }
0x20d: {  	[tilespmem:s19+$0x17B78] =	vst v6  }
0x20e: {  	v6 =	vld [tilespmem:s31+$0xFFFFFFB0]  }
0x20f: {  	v56 =	vld [tilespmem:s30+$0xFFFFFFB0];
	_ =	sdelay $0x1  }
0x210: {  	v8 =	vld [tilespmem:s7+$0xFFFFFFB0];
	_ =	sdelay $0x2  }
0x211: {  	v6 =	vsub.f32 v6, v56;
	_ =	sdelay $0x1  }
0x212: {  	v6 =	vadd.f32 v6, v8;
	_ =	sdelay $0x1  }
0x213: {  	v6 =	vmul.f32 v6, v5;
	_ =	sdelay $0x1  }
0x214: {  	[tilespmem:s19+$0x17A88] =	vst v6  }
0x215: {  	v6 =	vld [tilespmem:s29+$0xFFFFFFB0];
	_ =	sdelay $0x3  }
0x216: {  	[tilespmem:s19+$0x17C9C] =	vst v8  }
0x217: {  	[tilespmem:s19+$0x17B88] =	vst v6  }
0x218: {  	v6 =	vld [tilespmem:s31+$0xFFFFFFC0]  }
0x219: {  	v57 =	vld [tilespmem:s30+$0xFFFFFFC0];
	_ =	sdelay $0x1  }
0x21a: {  	v8 =	vld [tilespmem:s7+$0xFFFFFFC0];
	_ =	sdelay $0x2  }
0x21b: {  	v6 =	vsub.f32 v6, v57;
	_ =	sdelay $0x1  }
0x21c: {  	v6 =	vadd.f32 v6, v8;
	_ =	sdelay $0x1  }
0x21d: {  	v6 =	vmul.f32 v6, v5;
	_ =	sdelay $0x1  }
0x21e: {  	[tilespmem:s19+$0x17A98] =	vst v6  }
0x21f: {  	v6 =	vld [tilespmem:s29+$0xFFFFFFC0];
	_ =	sdelay $0x3  }
0x220: {  	[tilespmem:s19+$0x17CAC] =	vst v8  }
0x221: {  	[tilespmem:s19+$0x17B98] =	vst v6  }
0x222: {  	v6 =	vld [tilespmem:s31+$0xFFFFFFD0]  }
0x223: {  	v58 =	vld [tilespmem:s30+$0xFFFFFFD0];
	_ =	sdelay $0x1  }
0x224: {  	v8 =	vld [tilespmem:s7+$0xFFFFFFD0];
	_ =	sdelay $0x2  }
0x225: {  	v6 =	vsub.f32 v6, v58;
	_ =	sdelay $0x1  }
0x226: {  	v6 =	vadd.f32 v6, v8;
	_ =	sdelay $0x1  }
0x227: {  	v6 =	vmul.f32 v6, v5;
	_ =	sdelay $0x1  }
0x228: {  	[tilespmem:s19+$0x17AA8] =	vst v6  }
0x229: {  	v6 =	vld [tilespmem:s29+$0xFFFFFFD0];
	_ =	sdelay $0x3  }
0x22a: {  	[tilespmem:s19+$0x17CBC] =	vst v8  }
0x22b: {  	[tilespmem:s19+$0x17BA8] =	vst v6  }
0x22c: {  	v6 =	vld [tilespmem:s31+$0xFFFFFFE0]  }
0x22d: {  	v59 =	vld [tilespmem:s30+$0xFFFFFFE0];
	_ =	sdelay $0x1  }
0x22e: {  	v8 =	vld [tilespmem:s7+$0xFFFFFFE0];
	_ =	sdelay $0x2  }
0x22f: {  	v6 =	vsub.f32 v6, v59;
	_ =	sdelay $0x1  }
0x230: {  	v6 =	vadd.f32 v6, v8;
	_ =	sdelay $0x1  }
0x231: {  	v6 =	vmul.f32 v6, v5;
	_ =	sdelay $0x1  }
0x232: {  	[tilespmem:s19+$0x17AB8] =	vst v6  }
0x233: {  	v6 =	vld [tilespmem:s29+$0xFFFFFFE0];
	_ =	sdelay $0x3  }
0x234: {  	[tilespmem:s19+$0x17CCC] =	vst v8  }
0x235: {  	[tilespmem:s19+$0x17BB8] =	vst v6  }
0x236: {  	v6 =	vld [tilespmem:s31+$0xFFFFFFF0]  }
0x237: {  	v60 =	vld [tilespmem:s30+$0xFFFFFFF0];
	_ =	sdelay $0x1  }
0x238: {  	v8 =	vld [tilespmem:s7+$0xFFFFFFF0];
	_ =	sdelay $0x2  }
0x239: {  	v6 =	vsub.f32 v6, v60;
	_ =	sdelay $0x1  }
0x23a: {  	v6 =	vadd.f32 v6, v8;
	_ =	sdelay $0x1  }
0x23b: {  	v6 =	vmul.f32 v6, v5;
	_ =	sdelay $0x1  }
0x23c: {  	[tilespmem:s19+$0x17AC8] =	vst v6  }
0x23d: {  	v6 =	vld [tilespmem:s29+$0xFFFFFFF0];
	_ =	sdelay $0x3  }
0x23e: {  	[tilespmem:s19+$0x17CDC] =	vst v8  }
0x23f: {  	[tilespmem:s19+$0x17BC8] =	vst v6  }
0x240: {  	v6 =	vld [tilespmem:s31+$0x0]  }
0x241: {  	v61 =	vld [tilespmem:s30+$0x0];
	_ =	sdelay $0x1  }
0x242: {  	v8 =	vld [tilespmem:s7+$0x0];
	_ =	sdelay $0x2  }
0x243: {  	v6 =	vsub.f32 v6, v61;
	_ =	sdelay $0x1  }
0x244: {  	v6 =	vadd.f32 v6, v8;
	_ =	sdelay $0x1  }
0x245: {  	v5 =	vmul.f32 v6, v5;
	_ =	sdelay $0x1  }
0x246: {  	[tilespmem:s19+$0x17AD8] =	vst v5  }
0x247: {  	v5 =	vld [tilespmem:s29+$0x0];
	_ =	sdelay $0x3  }
0x248: {  	[tilespmem:s19+$0x17CEC] =	vst v8  }
0x249: {  	[tilespmem:s19+$0x17BD8] =	vst v5  }
0x24a: {  	v5 =	vld.idx.msk [tilespmem:v4+s12+$0x0], $0xffff;
	_ =	sdelay $0x4  }
0x24b: {  	v5 =	vmul.u32 $0x18, v5;
	_ =	sdelay $0x1  }
0x24c: {  	v62 =	vadd.s32 v0, v5  }
0x24d: {  	v5 =	vadd.s32 v3, v5;
	_ =	sdelay $0x3  }
0x24e: {  	v6 =	vld.idx.msk [tilespmem:v62+s16+$0x0], $0xffff  }
0x24f: {  	v5 =	vld.idx.msk [tilespmem:v5+s16+$0x0], $0xffff;
	_ =	sdelay $0x3  }
0x250: {  	[tilespmem:s19+$0x17BE8] =	vst v6  }
0x251: {  	[tilespmem:s19+$0x17BEC] =	vst v5  }
0x252: {  	v5 =	vld.idx.msk [tilespmem:v4+s14+$0x0], $0xffff;
	_ =	sdelay $0x4  }
0x253: {  	v5 =	vmul.u32 $0x18, v5;
	_ =	sdelay $0x1  }
0x254: {  	v63 =	vadd.s32 v0, v5  }
0x255: {  	v5 =	vadd.s32 v3, v5;
	_ =	sdelay $0x3  }
0x256: {  	v6 =	vld.idx.msk [tilespmem:v63+s16+$0x0], $0xffff  }
0x257: {  	v5 =	vld.idx.msk [tilespmem:v5+s16+$0x0], $0xffff;
	_ =	sdelay $0x3  }
0x258: {  	[tilespmem:s19+$0x17CFC] =	vst v6  }
0x259: {  	[tilespmem:s19+$0x17D00] =	vst v5  }
0x25a: {  	v4 =	vld.idx.msk [tilespmem:v4+s20+$0x0], $0xffff;
	_ =	sdelay $0x4  }
0x25b: {  	v4 =	vmul.u32 $0x18, v4;
	_ =	sdelay $0x1  }
0x25c: {  	v5 =	vadd.s32 v0, v4  }
0x25d: {  	v4 =	vadd.s32 v3, v4;
	_ =	sdelay $0x3  }
0x25e: {  	v5 =	vld.idx.msk [tilespmem:v5+s17+$0x0], $0xffff  }
0x25f: {  	p0 =	sne.s32 s26, $0x19300;
	v4 =	vld.idx.msk [tilespmem:v4+s17+$0x0], $0xffff  }
.Ltmp2:
0x260: {  	_ = 	snop;
	(pc) =	sbr.rel @p0 .LBB2_7-.Ltmp2, $3  }
0x261: {  	_ =	sdelay $0x1  }
0x262: {  	s22 =	sadd.s32 $0x1, s22;
	s26 =	sadd.s32 $0xD00, s26;
	s30 =	sadd.s32 $0x100, s30;
	[tilespmem:s19+$0x17D10] =	vst v5  }
0x263: {  	s31 =	sadd.s32 $0x100, s31;
	s7 =	sadd.s32 $0x100, s7;
	s29 =	sadd.s32 $0x100, s29;
	[tilespmem:s19+$0x17D14] =	vst v4  }
0x264: {  	s23 =	sadd.s32 $0x1, s23  }
0x265: {  	p0 =	sne.s32 s23, $0x8  }
.Ltmp3:
0x266: {  	s7 =	sadd.s32 s9, s24;
	(pc) =	sbr.rel @p0 .LBB2_2-.Ltmp3, $3  }
0x267: {  	s7 =	smul.u32 $0x68, s7;
	_ =	sdelay $0x1  }
0x268: {  	s19 =	simm.s32 $0x179E8;
	s7 =	sadd.s32 s8, s7  }
0x269: {  	[hbm4b:s7+s4] =	stream.linear.scatter [tilespmem:s19], [sflag:$0x4], $0x6800, $0x38;
	[tilespmem:$0x1E1E8] =	vst v63  }
0x26a: {  	s7 =	simm.s32 $0x3  }
0x26b: {  	_ =	swait.ge [sflag:s7], $0x6800  }
0x26c: {  	[sflag:s7] =	ssyncset.done $0x0  }
0x26d: {  	s19 =	simm.s32 $0x4;
	[sflag:s7] =	ssyncadd.s32 $0xFFFF9800  }
0x26e: {  	_ =	swait.ge [sflag:s19], $0x6800  }
0x26f: {  	s22 =	rddreg [dreg:$0x9]  }
0x270: {  	s31 =	rddreg [dreg:$0x8];
	s22 =	sadd.s32 $0x1, s22  }
0x271: {  	p0 =	sne.s32 s22, s31  }
.Ltmp4:
0x272: {  	_ = 	snop;
	(pc) =	sbr.rel @p0 .LBB2_1-.Ltmp4, $3  }
0x273: {  	_ =	sdelay $0x1  }
0x274: {  	[sflag:s19] =	ssyncset.done $0x0  }
0x275: {  	[sflag:s19] =	ssyncadd.s32 $0xFFFF9800  }
0x276: {  	_ =	sfence.sel $0x180000  }
0x277: {  	[bflag:$0x0] =	sbarrier.arrive $0xFFFF  }
0x278: {  	_ =	strace $0x90000047  }
0x279: {  	s0 =	stileid.u32;
	[bflag:$0x2] =	sbarrier.arrive $0xFFFF  }
0x27a: {  	p0 =	sne.s32 s0, $0x0;
	s0 =	rddreg [dreg:$0x3]  }
0x27b: {  	s0 =	sadd.s32 @!p0 $0x100000, s0  }
0x27c: {  	[sflag:s0] =	ssyncadd.tile.s32 @!p0 $0x1;
	_ =	shalt  }
.Lfunc_end2:
_tile_overlayer_lowered:
.L_overlay_start_2:
0x27d: {  	(tag) =	ssettag $0x2  }
0x27e: {  	s0 =	rddreg [dreg:$0x0];
	s2 =	stileid.u32  }
0x27f: {  	s1 =	rddreg [dreg:$0x1];
	p0 =	sne.s32 s2, $0x0  }
0x280: {  	s3 =	rddreg [dreg:$0x2];
	[bflag:$0x3] =	sbarrier.arrive $0xFFFF;
	s2 =	simm.s32 @!p0 $0x1C05  }
0x281: {  	[timem:s3], [sflag:s2] =	dma.local @!p0 [hbm:s0], s1  }
0x282: {  	s0 =	simm.s32 @!p0 $0x5  }
0x283: {  	_ =	swait.ge @!p0 [sflag:s0], s1  }
0x284: {  	s1 =	ssub.s32 @!p0 $0x0, s1;
	[sflag:s0] =	ssyncset.done @!p0 $0x0  }
0x285: {  	[sflag:s0] =	ssyncadd.s32 @!p0 s1  }
0x286: {  	[bflag:$0x3] =	sbarrier.arrive $0xFFFF  }
0x287: {  	_ =	shalt  }

// kernel: sparse-core-data-format-call.cloned.1.call-start
scs
called_computation_lowered:
.L_overlay_start_0:
0x0: {  	s2 =	sld [smem:$0x3FD9]  }
0x1: {  	s3 =	sld [smem:$0x3FFE];
	_ =	sdelay $0x1  }
0x2: {  	s1 =	srdreg.scid  }
0x3: {  	s0 =	sand.u32 $0x1, s1  }
0x4: {  	s18 =	sshll.u32 s0, $0xA;
	s2 =	sadd.s32 s3, s2  }
0x5: {  	s2 =	sadd.s32 s2, s18  }
0x6: {  	[smem:$0x3FC3] =	sst s2  }
0x7: {  	_ = 	snop  }
0x8: {  	s2 =	sld [smem:$0x3FD0];
	(tm) =	ssettm $0x1  }
0x9: {  	s19 =	sld [smem:$0x3FFB];
	_ =	sdelay $0x3  }
0xa: {  	_ =	strace s19  }
0xb: {  	s3 =	sld [smem:$0x3FFC];
	_ =	sdelay $0x3  }
0xc: {  	_ =	strace s3  }
0xd: {  	s3 =	sld [smem:$0x3FFD];
	_ =	sdelay $0x3  }
0xe: {  	_ =	strace s3  }
0xf: {  	_ =	strace $0x8FFFFFFF  }
0x10: {  	s20 =	sld [smem:$0x3FDB];
	_ =	sdelay $0x1  }
0x11: {  	s4 =	simm.s32 $_scs_section_size  }
0x12: {  	s5 =	simm.s32 $_size__tile_overlayer_lowered;
	s6 =	simm.s32 $_tile_overlayer_lowered  }
0x13: {  	s23 =	simm.s32 $0x1BFF;
	s22 =	sshll.u32 s6, $0x1;
	s3 =	sadd.s32 s4, s20  }
0x14: {  	s7 =	simm.s32 $0x0;
	s21 =	sshll.u32 s5, $0x1;
	s5 =	sadd.s32 s22, s3  }
0x15: {  	[timem:s7], [sflag:s23] =	dma.local [hbm:s5], s21  }
0x16: {  	_ =	swait.ge [sflag:s23], s21  }
0x17: {  	s4 =	ssub.s32 $0x0, s21;
	[sflag:s23] =	ssyncset.done $0x0  }
0x18: {  	[sflag:s23] =	ssyncadd.s32 s4;
	_ =	sdelay $0x1  }
0x19: {  	s24 =	simm.s32 $0x1B8B  }
0x1a: {  	_ =	swait.ge [sflag:s24], $0x1  }
0x1b: {  	[sflag:s24] =	ssyncset.done $0x0  }
0x1c: {  	s26 =	simm.s32 $0x1B8E;
	s25 =	sld [smem:$0x3FFE];
	[sflag:s24] =	ssyncadd.s32 $0xFFFFFFFF  }
0x1d: {  	s27 =	simm.s32 $execute0_lowered;
	[smem:$0x3FD2] =	sst s26  }
0x1e: {  	s5 =	sshll.u32 s27, $0x1;
	_ =	strace $0x80000049;
	[dreg:$0x1] =	wrdreg $0xFFFFFFFF  }
0x1f: {  	s28 =	simm.s32 $_size_execute0_lowered;
	s3 =	sadd.s32 s3, s5;
	[dreg:$0x0] =	wrdreg $0x0  }
0x20: {  	s5 =	sshll.u32 s28, $0x1;
	[dreg:$0x2] =	wrdreg s3  }
0x21: {  	[dreg:$0x3] =	wrdreg s5  }
0x22: {  	[dreg:$0x4] =	wrdreg $0xC0  }
0x23: {  	_ =	task [dreg:s7], $0x5FFFF  }
0x24: {  	[dreg:$0x1] =	wrdreg $0xFFFFFFFF  }
0x25: {  	[dreg:$0x0] =	wrdreg $0x60  }
0x26: {  	[dreg:$0x2] =	wrdreg s25  }
0x27: {  	[dreg:$0x3] =	wrdreg s2  }
0x28: {  	[dreg:$0x4] =	wrdreg $0x9  }
0x29: {  	_ =	task.clear_ibuf [dreg:s7], $0x5FFFF;
	_ =	strace $0x90000049  }
0x2a: {  	s29 =	simm.s32 $0x9;
	_ =	strace $0x8000004B  }
0x2b: {  	_ =	swait.ge [sflag:s29], $0x1  }
0x2c: {  	[sflag:s29] =	ssyncadd.s32 $0xFFFFFFFF  }
0x2d: {  	_ =	strace $0x9000004B  }
0x2e: {  	_ =	sfence  }
0x2f: {  	s30 =	sld [smem:$0x0];
	_ =	sdelay $0x2  }
0x30: {  	s31 =	sshll.u32 s1, $0xD;
	s1 =	sshrl.u32 s1, $0x2  }
0x31: {  	s3 =	sand.u32 $0x4000, s31;
	s1 =	sadd.s32 s1, s30  }
0x32: {  	s0 =	sor.u32 s3, s0;
	s1 =	sshll.u32 s1, $0x11  }
0x33: {  	s0 =	sor.u32 s1, s0  }
0x34: {  	s0 =	sadd.s32 $0x8F2B, s0  }
0x35: {  	[sflag:s0] =	ssyncadd.remote.s32 $0x1  }
0x36: {  	_ =	sfence.sel $0xFFFF  }
0x37: {  	[dreg:$0x0] =	wrdreg $0xFFFFFFFF;
	(pc) =	sbr.abs _section_cstart, $3  }
0x38: {  	[dreg:$0x1] =	wrdreg $0xFFFFFFFF  }
0x39: {  	_ =	task.clear_ibuf [dreg:s7], $0x2FFFF;
	_ =	strace $0x9FFFFFFF  }
0x3a: {  	(tm) =	ssettm $0x7FFFFFFF  }
0x3b: {  	_ =	shalt  }
tec
execute0_lowered:
.L_overlay_start_1:
0x0: {  	(tag) =	ssettag $0x1  }
0x1: {  	s0 =	stileid.u32;
	s5 =	rddreg [dreg:$0x0]  }
0x2: {  	s1 =	srdreg.scid;
	s3 =	rddreg [dreg:$0x1];
	s6 =	simm.s32 $0x1  }
0x3: {  	s8 =	simm.s32 $0x2;
	s2 =	sshll.u32 s0, $0x4;
	s1 =	sshll.u32 s1, $0x8  }
0x4: {  	s18 =	simm.s32 $0x0;
	s9 =	simm.s32 $0x4000;
	s1 =	sor.u32 s2, s1  }
0x5: {  	s17 =	simm.s32 $0x0;
	s19 =	simm.s32 $0x0;
	s2 =	sand.u32 $0x180, s1  }
0x6: {  	s10 =	simm.s32 $0x0;
	s11 =	simm.s32 $0x0;
	s4 =	ssub.s32 $0x800, s2  }
0x7: {  	s12 =	simm.s32 $0x0;
	s13 =	simm.s32 $0x0;
	s31 =	sand.u32 $0x180, s4  }
0x8: {  	s16 =	simm.s32 $0x0;
	s7 =	sand.u32 $0x7, s0;
	p0 =	sne.s32 s31, $0x0  }
.Ltmp0:
0x9: {  	s4 =	sshrl.u32 s4, $0x9;
	s6 =	simm.s32 @!p0 $0x0;
	(pc) =	sbr.rel .LBB1_1-.Ltmp0, $4  }
0xa: {  	s1 =	rddreg [dreg:$0x2];
	_ =	strace $0x8000004A;
	s6 =	sadd.s32 s6, s4  }
0xb: {  	s4 =	sadd.s32 $0x221200, s5;
	s5 =	simm.s32 $0x1;
	s6 =	smul.u32 $0x7, s6  }
0xc: {  	s15 =	smov.u32 s7;
	s14 =	smov.u32 s2;
	[sflag:s5] =	ssyncpa.u1 $0x0  }
0xd: {  	p0 =	por $0x0, $0x0;
	[sflag:s8] =	ssyncpa.u1 $0x0;
	s8 =	sadd.s32 $0x1, s6  }
.LBB1_4:
0xe: {  	s24 =	sshra.s32 s24, $0x2;
	p1 =	sgt.s32 s10, $0x2BC;
	s25 =	smov.u32 s10  }
0xf: {  	p2 =	sgt.s32 s12, $0x7;
	s26 =	smov.u32 s12;
	s29 =	sshra.s32 s12, $0x1F  }
0x10: {  	s27 =	smov.u32 s11;
	s28 =	sshra.s32 s11, $0x1F;
	s23 =	sadd.s32 s24, s23  }
0x11: {  	s25 =	simm.s32 @!p1 $0x2BC;
	s26 =	simm.s32 @!p2 $0x7;
	p1 =	sgt.s32 s11, $0x780  }
0x12: {  	v5 =	vld [tilespmem:s21+$0xFFFFFFD0];
	s24 =	sand.u32 s29, s12;
	s28 =	sand.u32 s28, s11;
	s27 =	simm.s32 @!p1 $0x780  }
0x13: {  	[tilespmem:s22+$0x2040 ss:$0x81] =	vst.msk $0xffff, v4;
	v58 =	vld [tilespmem:s21+$0xFFFFFFE0];
	s29 =	sshra.s32 s10, $0x1F;
	s24 =	ssub.s32 s26, s24;
	s26 =	ssub.s32 s27, s28  }
0x14: {  	[tilespmem:s22+$0x2850 ss:$0x81] =	vst.msk $0xffff, v3;
	v59 =	vld [tilespmem:s21+$0xFFFFFFF0];
	s27 =	sand.u32 s29, s10;
	s30 =	sadd.s32 $0xFFFFFFF9, s24;
	s24 =	ssub.s32 $0x8, s24  }
0x15: {  	[tilespmem:s22+$0x3060 ss:$0x81] =	vst.msk $0xffff, v2;
	v60 =	vld [tilespmem:s21+$0x0];
	s28 =	sand.u32 $0x78, s11;
	s29 =	sshll.u32 s12, $0x7;
	s31 =	sadd.s32 $0xFFFFF880, s26  }
0x16: {  	[tilespmem:s22+$0x0 ss:$0x81] =	vst.msk $0xffff, v1;
	v61 =	vld [tilespmem:s21+$0x10];
	s25 =	ssub.s32 s25, s27;
	p1 =	sgt.s32 s30, $0x0;
	s26 =	ssub.s32 $0x800, s26  }
0x17: {  	v62 =	vld [tilespmem:s21+$0x20];
	[tilespmem:s23+$0x3870 ss:$0x81] =	vst.msk $0xffff, v0;
	s30 =	sshll.u32 s11, $0x3;
	p2 =	sgt.s32 s31, $0x7F;
	s27 =	sadd.s32 $0xFFFFFD44, s25  }
0x18: {  	v63 =	vld [tilespmem:s21+$0xFFFFFFC0];
	s24 =	simm.s32 @p1 $0x0;
	[tilespmem:s23+$0x810 ss:$0x81] =	vst.msk $0xffff, v5;
	s25 =	ssub.s32 $0x33C, s25;
	s21 =	sand.u32 $0x400, s30  }
0x19: {  	[tilespmem:s23+$0x1020 ss:$0x81] =	vst.msk $0xffff, v58;
	s26 =	simm.s32 @p2 $0x0;
	p1 =	sgt.s32 s27, $0x7F;
	s27 =	sand.u32 $0x700, s11  }
0x1a: {  	[tilespmem:s23+$0x1830 ss:$0x81] =	vst.msk $0xffff, v59;
	s24 =	smul.u32 s24, s26;
	s26 =	sand.u32 $0x380, s29;
	s25 =	simm.s32 @p1 $0x0  }
0x1b: {  	[tilespmem:s23+$0x2040 ss:$0x81] =	vst.msk $0xffff, v60;
	s29 =	sand.u32 $0x7, s11;
	s22 =	sor.u32 s26, s28;
	s28 =	sshll.u32 s10, $0xB  }
0x1c: {  	[tilespmem:s23+$0x2850 ss:$0x81] =	vst.msk $0xffff, v61;
	s21 =	sor.u32 s21, s22;
	s31 =	smul.u32 s25, s24;
	s24 =	sadd.s32 s3, s27  }
0x1d: {  	[tilespmem:s23+$0x3060 ss:$0x81] =	vst.msk $0xffff, v62;
	s30 =	sshll.u32 s29, $0x12;
	s24 =	sadd.s32 s28, s24;
	s21 =	sshrl.u32 s21, $0x3  }
0x1e: {  	[tilespmem:s23+$0x0 ss:$0x81] =	vst.msk $0xffff, v63;
	s22 =	sand.u32 $0x3FFFFFFF, s31;
	s21 =	sadd.s32 s21, s24;
	s31 =	sor.u32 $0x80, s30  }
0x1f: {  	[hbm4b:s21+s31] =	stream.strided.scatter [tilespmem:s20], [sflag:$0x2], s22, s9, s31, $0x20;
	[tilespmem:$0x10100] =	vst v63  }
.LBB1_5:
0x20: {  	p1 =	slt.u32 s16, $0x2;
	s21 =	smov.u32 s19  }
0x21: {  	p2 =	sgt.s32 @!p1 s18, $0x2BC;
	s20 =	sshra.s32 @!p1 s18, $0x1F;
	p3 =	sgt.s32 @!p1 s19, $0x7  }
0x22: {  	s22 =	sshra.s32 @!p1 s19, $0x1F;
	p2 =	por !p2, p1;
	s20 =	sand.u32 @!p1 s20, s18  }
0x23: {  	p3 =	por !p3, p1;
	s19 =	sand.u32 @!p1 s22, s19;
	s22 =	sshra.s32 @!p1 s17, $0x1F  }
0x24: {  	s21 =	simm.s32 @p3 $0x7;
	p3 =	sgt.s32 @!p1 s17, $0x780;
	s18 =	simm.s32 @p2 $0x2BC  }
0x25: {  	s19 =	ssub.s32 @!p1 s21, s19;
	p3 =	por !p3, p1;
	s21 =	smov.u32 s17  }
0x26: {  	s17 =	sand.u32 @!p1 s22, s17;
	s18 =	ssub.s32 @!p1 s18, s20;
	s21 =	simm.s32 @p3 $0x780  }
0x27: {  	s20 =	sadd.s32 @!p1 $0xFFFFFFF9, s19;
	s19 =	ssub.s32 @!p1 $0x8, s19;
	s17 =	ssub.s32 @!p1 s21, s17  }
0x28: {  	s21 =	sadd.s32 @!p1 $0xFFFFFD44, s18;
	p2 =	sgt.s32 @!p1 s20, $0x0;
	s20 =	sadd.s32 @!p1 $0xFFFFF880, s17  }
0x29: {  	s18 =	ssub.s32 @!p1 $0x33C, s18;
	p2 =	por !p2, p1;
	p3 =	sgt.s32 @!p1 s20, $0x7F  }
0x2a: {  	s17 =	ssub.s32 @!p1 $0x800, s17;
	s19 =	simm.s32 @!p2 $0x0;
	p2 =	por !p3, p1  }
0x2b: {  	s20 =	sadd.s32 $0x80, s13;
	p3 =	sgt.s32 @!p1 s21, $0x7F;
	s17 =	simm.s32 @!p2 $0x0  }
0x2c: {  	s21 =	smov.u32 s14;
	p2 =	por !p3, p1;
	s17 =	smul.u32 @!p1 s19, s17  }
0x2d: {  	s18 =	simm.s32 @!p2 $0x0;
	p2 =	sgt.s32 s20, $0x33B;
	s19 =	sadd.s32 $0x200, s14  }
0x2e: {  	s22 =	smov.u32 s15;
	s21 =	smov.u32 @p2 s19  }
0x2f: {  	s17 =	smul.u32 @!p1 s18, s17;
	p3 =	sgt.s32 s21, $0x7FF;
	s18 =	sadd.s32 $0x8, s15  }
0x30: {  	p0 =	por !p0, !p0;
	s23 =	simm.s32 @!p1 $0x2;
	s22 =	smov.u32 @p3 s18  }
0x31: {  	s20 =	simm.s32 @p2 $0x0;
	s19 =	smov.u32 s12;
	p2 =	sgt.s32 s22, $0x7  }
0x32: {  	s12 =	smov.u32 s15;
	s22 =	smov.u32 @p2 s7;
	p2 =	sne.s32 s16, s8  }
.Ltmp1:
0x33: {  	s21 =	smov.u32 @p3 s2;
	s18 =	smov.u32 s10;
	(pc) =	sbr.rel @!p2 .LBB1_6-.Ltmp1, $4  }
0x34: {  	s10 =	smov.u32 s13;
	s13 =	smov.u32 s20;
	s17 =	sand.u32 @!p1 $0x3FFFFFFF, s17  }
0x35: {  	_ =	swait.ge @!p1 [sflag:s23], s17;
	s24 =	ssub.s32 @!p1 $0x0, s17;
	s17 =	smov.u32 s11  }
0x36: {  	s16 =	sadd.s32 $0x1, s16;
	s11 =	smov.u32 s14;
	[sflag:s23] =	ssyncset.done @!p1 $0x0  }
0x37: {  	s14 =	smov.u32 s21;
	s15 =	smov.u32 s22;
	[sflag:s23] =	ssyncadd.s32 @!p1 s24  }
.LBB1_1:
0x38: {  	p1 =	sge.u32 s16, s6  }
0x39: {  	s20 =	sshrl.u32 @!p1 s14, $0x3  }
0x3a: {  	s21 =	sshll.u32 @!p1 s13, $0x3;
	s20 =	smul.u32 @!p1 $0x1C00, s20  }
0x3b: {  	s22 =	sshll.u32 @!p1 s14, $0x7;
	s21 =	sand.u32 @!p1 $0xFFFFFC00, s21  }
0x3c: {  	s20 =	sadd.s32 @!p1 s20, s21;
	s21 =	sand.u32 @!p1 $0x380, s22  }
0x3d: {  	s20 =	sor.u32 @!p1 s21, s20  }
0x3e: {  	s21 =	sshrl.u32 @!p1 s20, $0x7  }
0x3f: {  	s21 =	smulhi.u32 @!p1 $0x24924925, s21  }
0x40: {  	s31 =	sadd.s32 $0xFFFFFFFF, s16  }
0x41: {  	s23 =	sand.u32 @!p1 $0x7F, s13;
	s22 =	sxor.u32 @!p1 $0xFFFFFFFF, s16;
	s24 =	smul.u32 @!p1 $0x380, s21  }
0x42: {  	s20 =	sor.u32 @!p1 s23, s20;
	s23 =	smul.u32 @!p1 $0x38000, s15;
	s21 =	sand.u32 @!p1 $0x7FF, s21  }
0x43: {  	s22 =	sshll.u32 @!p1 s22, $0xE;
	s21 =	smul.u32 @!p1 $0x70, s21;
	s20 =	ssub.s32 @!p1 s20, s24  }
0x44: {  	s22 =	sand.u32 @!p1 $0x4000, s22;
	s23 =	sadd.s32 @!p1 s4, s23;
	s24 =	sand.u32 @!p1 $0x7, s20  }
0x45: {  	s20 =	sshrl.u32 @!p1 s20, $0x3;
	s21 =	sadd.s32 @!p1 s21, s23;
	s23 =	sshll.u32 @!p1 s24, $0x12  }
0x46: {  	s20 =	sadd.s32 @!p1 s20, s21;
	s21 =	sor.u32 @!p1 $0x400, s23;
	s23 =	simm.s32 @!p1 $0x1C00  }
0x47: {  	[tilespmem:s22], [sflag:$0x1] =	stream.strided.gather @!p1 [hbm4b:s20+s21], $0x4000, s23, s21, $0x38;
	[tilespmem:$0x10100] =	vst v63  }
0x48: {  	p1 =	sge.u32 s31, s6  }
.Ltmp2:
0x49: {  	_ = 	snop;
	(pc) =	sbr.rel @p1 .LBB1_5-.Ltmp2, $1  }
0x4a: {  	_ =	sdelay $0x3  }
0x4b: {  	s20 =	simm.s32 $0x1  }
0x4c: {  	_ =	swait.ge [sflag:s5], $0x4000;
	s20 =	simm.s32 @!p0 $0x0  }
0x4d: {  	[sflag:s5] =	ssyncset.done $0x0;
	s21 =	sshll.u32 s20, $0xE  }
0x4e: {  	[sflag:s5] =	ssyncadd.s32 $0xFFFFC000;
	s21 =	sor.u32 $0x40, s21  }
0x4f: {  	s20 =	smul.u32 $0x10200, s20;
	v0 =	vld [tilespmem:s21+$0x30]  }
0x50: {  	v1 =	vld [tilespmem:s21+$0xFFFFFFD0]  }
0x51: {  	s20 =	sshrl.u32 s20, $0x2;
	v5 =	vld [tilespmem:s21+$0xFFFFFFE0]  }
0x52: {  	v6 =	vld [tilespmem:s21+$0xFFFFFFF0];
	s23 =	sor.u32 $0x8000, s20  }
0x53: {  	s31 =	sand.u32 $0x1, s16;
	v4 =	vld [tilespmem:s21+$0x0];
	s22 =	sadd.s32 $0x0, s23  }
0x54: {  	v3 =	vld [tilespmem:s21+$0x10];
	s20 =	smul.u32 $0x10200, s31;
	[tilespmem:s22+$0x3870 ss:$0x81] =	vst.msk $0xffff, v0  }
0x55: {  	v2 =	vld [tilespmem:s21+$0x20];
	[tilespmem:s22+$0x810 ss:$0x81] =	vst.msk $0xffff, v1  }
0x56: {  	s20 =	sshrl.u32 s20, $0x2;
	v1 =	vld [tilespmem:s21+$0xFFFFFFC0];
	[tilespmem:s22+$0x1020 ss:$0x81] =	vst.msk $0xffff, v5;
	s21 =	sadd.s32 $0x80, s21  }
0x57: {  	s24 =	simm.s32 $0x4;
	s25 =	simm.s32 $0x8;
	s20 =	sor.u32 $0x8000, s20;
	[tilespmem:s22+$0x1830 ss:$0x81] =	vst.msk $0xffff, v6;
	v0 =	vld [tilespmem:s21+$0x30]  }
.LBB1_3:
0x58: {  	p1 =	sne.s32 s25, $0x1FC;
	v5 =	vld [tilespmem:s21+$0xFFFFFFD0];
	[tilespmem:s22+$0x2040 ss:$0x81] =	vst.msk $0xffff, v4  }
0x59: {  	v6 =	vld [tilespmem:s21+$0xFFFFFFE0];
	[tilespmem:s22+$0x2850 ss:$0x81] =	vst.msk $0xffff, v3  }
0x5a: {  	s26 =	sshra.s32 s24, $0x2;
	s24 =	smov.u32 s25;
	v7 =	vld [tilespmem:s21+$0xFFFFFFF0];
	[tilespmem:s22+$0x3060 ss:$0x81] =	vst.msk $0xffff, v2  }
.Ltmp3:
0x5b: {  	v4 =	vld [tilespmem:s21+$0x0];
	[tilespmem:s22+$0x0 ss:$0x81] =	vst.msk $0xffff, v1;
	s22 =	sadd.s32 s26, s23;
	(pc) =	sbr.rel @p1 .LBB1_3-.Ltmp3, $4  }
0x5c: {  	v3 =	vld [tilespmem:s21+$0x10];
	[tilespmem:s22+$0x3870 ss:$0x81] =	vst.msk $0xffff, v0  }
0x5d: {  	[tilespmem:s22+$0x810 ss:$0x81] =	vst.msk $0xffff, v5;
	v2 =	vld [tilespmem:s21+$0x20]  }
0x5e: {  	v1 =	vld [tilespmem:s21+$0xFFFFFFC0];
	[tilespmem:s22+$0x1020 ss:$0x81] =	vst.msk $0xffff, v6;
	s21 =	sadd.s32 $0x80, s21  }
0x5f: {  	s25 =	sadd.s32 $0x4, s25;
	v0 =	vld [tilespmem:s21+$0x30];
	[tilespmem:s22+$0x1830 ss:$0x81] =	vst.msk $0xffff, v7  }
.Ltmp4:
0x60: {  	_ = 	snop;
	(pc) =	sbr.rel .LBB1_4-.Ltmp4, $1  }
0x61: {  	_ =	sdelay $0x3  }
.LBB1_6:
0x62: {  	_ =	sfence.sel $0x180000  }
0x63: {  	s2 =	simm.s32 $0x1;
	[bflag:$0x0] =	sbarrier.arrive $0xFFFF  }
0x64: {  	s31 =	simm.s32 $0x2;
	[sflag:s2] =	ssyncpa.u1 $0x1  }
0x65: {  	[sflag:s31] =	ssyncpa.u1 $0x1  }
0x66: {  	p0 =	sne.s32 s0, $0x0;
	_ =	strace $0x9000004A  }
0x67: {  	s0 =	sadd.s32 @!p0 $0x100000, s1;
	[bflag:$0x2] =	sbarrier.arrive $0xFFFF  }
0x68: {  	[sflag:s0] =	ssyncadd.tile.s32 @!p0 $0x1;
	_ =	shalt  }
.Lfunc_end1:
_tile_overlayer_lowered:
.L_overlay_start_2:
0x69: {  	(tag) =	ssettag $0x2  }
0x6a: {  	s0 =	rddreg [dreg:$0x0];
	s2 =	stileid.u32  }
0x6b: {  	s1 =	rddreg [dreg:$0x1];
	p0 =	sne.s32 s2, $0x0  }
0x6c: {  	s3 =	rddreg [dreg:$0x2];
	[bflag:$0x3] =	sbarrier.arrive $0xFFFF;
	s2 =	simm.s32 @!p0 $0x1C01  }
0x6d: {  	[timem:s3], [sflag:s2] =	dma.local @!p0 [hbm:s0], s1  }
0x6e: {  	s0 =	simm.s32 @!p0 $0x1  }
0x6f: {  	_ =	swait.ge @!p0 [sflag:s0], s1  }
0x70: {  	s1 =	ssub.s32 @!p0 $0x0, s1;
	[sflag:s0] =	ssyncset.done @!p0 $0x0  }
0x71: {  	[sflag:s0] =	ssyncadd.s32 @!p0 s1  }
0x72: {  	[bflag:$0x3] =	sbarrier.arrive $0xFFFF  }
0x73: {  	_ =	shalt  }

</sc_bundles>
